<compile_context>
chip_gen: v7x
topology: tpu7x:2x2x1
jax: 0.10.2.dev20260603
libtpu: 0.0.44.dev20260713+nightly
codegen_flags: <defaults>
</compile_context>

<pallas_src>
import jax
import jax.numpy as jnp
from jax import lax
from jax.experimental import pallas as pl
from jax.experimental.pallas import tpu as pltpu
from jax.experimental.pallas import tpu_sc as plsc

N = 10000
NPAD = 10240
E = 320000
D = 128
NSUB = 16
EPT = E // NSUB
NPT = NPAD // NSUB
F32 = jnp.float32
I32 = jnp.int32



def _prep_body(x1_ref, x2_ref, w_ref, h_ref, sd_ref):
    c = pl.program_id(0)

    @pl.when(c == 0)
    def _():
        m = jnp.dot(x1_ref[...], w_ref[0], preferred_element_type=F32)
        h_ref[...] = m[:, :D]
        sd_ref[...] = m[:, D:D + 2][None]

    @pl.when(c == 1)
    def _():
        m = jnp.dot(x2_ref[...], w_ref[0], preferred_element_type=F32)
        h_ref[...] = m[:, :D]
        sd_ref[...] = m[:, D:D + 2][None]


def _tc_prep(x1, x2, wstack):
    return pl.pallas_call(
        _prep_body,
        grid=(2, NPAD // 1024),
        in_specs=[
            pl.BlockSpec((1024, D), lambda c, r: (r, 0)),
            pl.BlockSpec((1024, D), lambda c, r: (r, 0)),
            pl.BlockSpec((1, D, 2 * D), lambda c, r: (c, 0, 0)),
        ],
        out_specs=[
            pl.BlockSpec((1024, D), lambda c, r: (c * 10 + r, 0)),
            pl.BlockSpec((1, 1024, 2), lambda c, r: (c, r, 0)),
        ],
        out_shape=[
            jax.ShapeDtypeStruct((2 * NPAD, D), F32),
            jax.ShapeDtypeStruct((2, NPAD, 2), F32),
        ],
    )(x1, x2, wstack)


def _escore_body(e1_ref, e2_ref, m_ref, o_ref):
    c = pl.program_id(0)

    @pl.when(c == 0)
    def _():
        o_ref[...] = jnp.dot(e1_ref[...], m_ref[0],
                             preferred_element_type=F32)[None]

    @pl.when(c == 1)
    def _():
        o_ref[...] = jnp.dot(e2_ref[...], m_ref[0],
                             preferred_element_type=F32)[None]


def _tc_escore(ea1, ea2, mstack):
    return pl.pallas_call(
        _escore_body,
        grid=(2, 25),
        in_specs=[
            pl.BlockSpec((200, 1024), lambda c, r: (r, 0)),
            pl.BlockSpec((200, 1024), lambda c, r: (r, 0)),
            pl.BlockSpec((1, 1024, 64), lambda c, r: (c, 0, 0)),
        ],
        out_specs=pl.BlockSpec((1, 200, 64), lambda c, r: (c, r, 0)),
        out_shape=jax.ShapeDtypeStruct((2, 5000, 64), F32),
    )(ea1, ea2, mstack)



def _flat_body(e1_ref, e2_ref, src_ref, dst_ref):
    src_ref[pl.ds(0, E)] = e1_ref[0]
    src_ref[pl.ds(E, E)] = e2_ref[0]
    dst_ref[pl.ds(0, E)] = e1_ref[1]
    dst_ref[pl.ds(E, E)] = e2_ref[1]


def _tc_flat(ei1, ei2):
    return pl.pallas_call(
        _flat_body,
        out_shape=[
            jax.ShapeDtypeStruct((2 * E,), I32),
            jax.ShapeDtypeStruct((2 * E,), I32),
        ],
    )(ei1, ei2)


NA = 10080
K1 = 400
K3 = 80


def _sc_body(src_hbm, dst_hbm, e_hbm, h_hbm, sd_hbm, bias_hbm,
             out_hbm,
             sd2, srcb, dstb1, eb1, dst2d, eb2d, exb2d, onesb,
             srcQ, dstQ, eQ, gidx, dstS, exbQ, rows,
             denb, cntb, ssb, exsb, bbuf,
             out_acc, den_sh, cnt_sh, ssum_sh,
             semL1, semS1, semLa, semLb, semGa, semGb, semSa, semSb):
    c = lax.axis_index("c")
    s = lax.axis_index("s")
    iota = lax.iota(I32, 16)
    ebase = c * E + s * EPT

    pltpu.sync_copy(bias_hbm.at[pl.ds(c * D, D)], bbuf)
    pltpu.sync_copy(sd_hbm.at[pl.ds(c * 2 * NPAD, 2 * NPAD)], sd2)

    def _ones(v, carry):
        onesb[pl.ds(v * 16, 16)] = jnp.ones((16,), F32)
        return carry
    lax.fori_loop(0, 5, _ones, 0)

    def _zb(i, carry):
        denb[pl.ds(i * 16, 16)] = jnp.zeros((16,), F32)
        return carry
    lax.fori_loop(0, 10, _zb, 0)

    def _zc(q, carry):
        base_q = s * NPT + q * 160

        @pl.when(base_q < NA)
        def _():
            pltpu.sync_copy(denb, den_sh.at[pl.ds(base_q, 160)])
            pltpu.sync_copy(denb, cnt_sh.at[pl.ds(base_q, 160)])
            pltpu.sync_copy(denb, ssum_sh.at[pl.ds(base_q, 160)])
        return carry
    lax.fori_loop(0, NPT // 160, _zc, 0)
    plsc.subcore_barrier()

    def _drain1(r, carry2):
        pltpu.make_async_copy(exb2d.at[r], den_sh.at[dst2d.at[r]],
                              semS1).wait()
        pltpu.make_async_copy(onesb, cnt_sh.at[dst2d.at[r]], semS1).wait()
        pltpu.make_async_copy(eb2d.at[r], ssum_sh.at[dst2d.at[r]],
                              semS1).wait()
        return carry2

    def _p1(ch, carry):
        off = ebase + ch * K1
        pltpu.async_copy(src_hbm.at[pl.ds(off, K1)], srcb, semL1)
        pltpu.async_copy(dst_hbm.at[pl.ds(off, K1)], dstb1, semL1)
        pltpu.async_copy(e_hbm.at[pl.ds(off, K1)], eb1, semL1)

        @pl.when(ch > 0)
        def _():
            lax.fori_loop(0, K1 // 80, _drain1, 0)

        pltpu.make_async_copy(src_hbm.at[pl.ds(off, K1)], srcb, semL1).wait()
        pltpu.make_async_copy(dst_hbm.at[pl.ds(off, K1)], dstb1, semL1).wait()
        pltpu.make_async_copy(e_hbm.at[pl.ds(off, K1)], eb1, semL1).wait()

        def _vec(v, carry2):
            srcv = srcb[pl.ds(v * 16, 16)]
            dstv = dstb1[pl.ds(v * 16, 16)]
            ev = eb1[pl.ds(v * 16, 16)]
            sv = plsc.load_gather(sd2, [srcv * 2])
            dv = plsc.load_gather(sd2, [dstv * 2 + 1])
            a = sv + dv + ev
            a = jnp.where(a > 0, a, 0.2 * a)
            ex = jnp.exp(a)
            exb2d[v // 5, pl.ds((v % 5) * 16, 16)] = ex
            eb2d[v // 5, pl.ds((v % 5) * 16, 16)] = ev
            dst2d[v // 5, pl.ds((v % 5) * 16, 16)] = dstv
            return carry2
        lax.fori_loop(0, K1 // 16, _vec, 0)

        def _scat(r, carry2):
            pltpu.async_copy(exb2d.at[r], den_sh.at[dst2d.at[r]], semS1,
                             add=True)
            pltpu.async_copy(onesb, cnt_sh.at[dst2d.at[r]], semS1, add=True)
            pltpu.async_copy(eb2d.at[r], ssum_sh.at[dst2d.at[r]], semS1,
                             add=True)
            return carry2
        lax.fori_loop(0, K1 // 80, _scat, 0)
        return carry
    lax.fori_loop(0, EPT // K1, _p1, 0)
    lax.fori_loop(0, K1 // 80, _drain1, 0)
    plsc.subcore_barrier()

    def _p2(q, carry):
        base = s * NPT + q * 160
        gbase = c * NPAD + base

        @pl.when(base < NA)
        def _():
            pltpu.sync_copy(den_sh.at[pl.ds(base, 160)], denb)
            pltpu.sync_copy(cnt_sh.at[pl.ds(base, 160)], cntb)
            pltpu.sync_copy(ssum_sh.at[pl.ds(base, 160)], ssb)

            def _vec(v, carry2):
                nv = jnp.full((16,), base + v * 16, I32) + iota
                sv = plsc.load_gather(sd2, [nv * 2])
                dv = plsc.load_gather(sd2, [nv * 2 + 1])
                cv = cntb[pl.ds(v * 16, 16)]
                a = sv + dv + ssb[pl.ds(v * 16, 16)] / jnp.maximum(cv, 1.0)
                a = jnp.where(a > 0, a, 0.2 * a)
                ex = jnp.exp(a)
                exsb[pl.ds(v * 16, 16)] = ex
                denb[pl.ds(v * 16, 16)] = denb[pl.ds(v * 16, 16)] + ex
                return carry2
            lax.fori_loop(0, 10, _vec, 0)
            pltpu.sync_copy(denb, den_sh.at[pl.ds(base, 160)])

            def _rr(rr, carry2):
                @pl.when(base + rr * 80 < N)
                def _():
                    def _mk(v, carry3):
                        gv = jnp.full((16,), gbase + rr * 80 + v * 16, I32)
                        gidx[0, pl.ds(v * 16, 16)] = gv + iota
                        return carry3
                    lax.fori_loop(0, 5, _mk, 0)
                    pltpu.sync_copy(h_hbm.at[gidx.at[0]], rows.at[0])

                    def _scale(g, carry3):
                        for u in range(4):
                            e2 = g * 4 + u
                            evec = plsc.load_gather(
                                exsb,
                                [jnp.full((16,), rr * 80 + e2, I32)])
                            for f in range(8):
                                rows[0, e2, pl.ds(f * 16, 16)] = (
                                    rows[0, e2, pl.ds(f * 16, 16)] * evec)
                        return carry3
                    lax.fori_loop(0, 20, _scale, 0)
                    pltpu.sync_copy(rows.at[0],
                                    out_acc.at[pl.ds(base + rr * 80, 80)])
                return carry2
            lax.fori_loop(0, 2, _rr, 0)
        return carry
    lax.fori_loop(0, NPT // 160, _p2, 0)
    plsc.subcore_barrier()

    NCH = EPT // K3

    def _loads(ch, p, sem):
        off = ebase + ch * K3
        pltpu.async_copy(src_hbm.at[pl.ds(off, K3)], srcQ.at[p], sem)
        pltpu.async_copy(dst_hbm.at[pl.ds(off, K3)], dstQ.at[p], sem)
        pltpu.async_copy(e_hbm.at[pl.ds(off, K3)], eQ.at[p], sem)

    def _wait_loads(ch, p, sem):
        off = ebase + ch * K3
        pltpu.make_async_copy(src_hbm.at[pl.ds(off, K3)], srcQ.at[p],
                              sem).wait()
        pltpu.make_async_copy(dst_hbm.at[pl.ds(off, K3)], dstQ.at[p],
                              sem).wait()
        pltpu.make_async_copy(e_hbm.at[pl.ds(off, K3)], eQ.at[p], sem).wait()

    def _compute(p):
        for v in range(5):
            srcv = srcQ[p, pl.ds(v * 16, 16)]
            dstv = dstQ[p, pl.ds(v * 16, 16)]
            ev = eQ[p, pl.ds(v * 16, 16)]
            sv = plsc.load_gather(sd2, [srcv * 2])
            dv = plsc.load_gather(sd2, [dstv * 2 + 1])
            a = sv + dv + ev
            a = jnp.where(a > 0, a, 0.2 * a)
            exbQ[p, pl.ds(v * 16, 16)] = jnp.exp(a)
            gidx[p, pl.ds(v * 16, 16)] = srcv + c * NPAD

    def _copy_dst(p):
        for v in range(5):
            dstS[p, pl.ds(v * 16, 16)] = dstQ[p, pl.ds(v * 16, 16)]

    def _scale3(p):
        def _s(g, carry):
            for u in range(4):
                e2 = g * 4 + u
                evec = plsc.load_gather(exbQ.at[p],
                                        [jnp.full((16,), e2, I32)])
                for f in range(8):
                    rows[p, e2, pl.ds(f * 16, 16)] = (
                        rows[p, e2, pl.ds(f * 16, 16)] * evec)
            return carry
        lax.fori_loop(0, 20, _s, 0)

    _loads(0, 0, semLa)
    _wait_loads(0, 0, semLa)
    _compute(0)
    _copy_dst(0)
    pltpu.async_copy(h_hbm.at[gidx.at[0]], rows.at[0], semGa)
    _loads(1, 1, semLb)

    def _p3(i, carry):
        ch = 2 * i

        @pl.when(ch + 1 < NCH)
        def _():
            _wait_loads(ch + 1, 1, semLb)
            _compute(1)

            @pl.when(ch > 0)
            def _():
                pltpu.make_async_copy(rows.at[1], out_acc.at[dstS.at[1]],
                                      semSb).wait()
            pltpu.async_copy(h_hbm.at[gidx.at[1]], rows.at[1], semGb)
            _copy_dst(1)

            @pl.when(ch + 2 < NCH)
            def _():
                _loads(ch + 2, 0, semLa)

        pltpu.make_async_copy(h_hbm.at[gidx.at[0]], rows.at[0], semGa).wait()
        _scale3(0)
        pltpu.async_copy(rows.at[0], out_acc.at[dstS.at[0]], semSa, add=True)

        chb = 2 * i + 1

        @pl.when(chb < NCH)
        def _():
            @pl.when(chb + 1 < NCH)
            def _():
                _wait_loads(chb + 1, 0, semLa)
                _compute(0)
                pltpu.make_async_copy(rows.at[0], out_acc.at[dstS.at[0]],
                                      semSa).wait()
                pltpu.async_copy(h_hbm.at[gidx.at[0]], rows.at[0], semGa)
                _copy_dst(0)

                @pl.when(chb + 2 < NCH)
                def _():
                    _loads(chb + 2, 1, semLb)

            pltpu.make_async_copy(h_hbm.at[gidx.at[1]], rows.at[1],
                                  semGb).wait()
            _scale3(1)
            pltpu.async_copy(rows.at[1], out_acc.at[dstS.at[1]], semSb,
                             add=True)
        return carry
    lax.fori_loop(0, (NCH + 1) // 2, _p3, 0)

    pltpu.make_async_copy(rows.at[0], out_acc.at[dstS.at[0]], semSa).wait()
    pltpu.make_async_copy(rows.at[1], out_acc.at[dstS.at[1]], semSb).wait()
    plsc.subcore_barrier()

    def _p4(q, carry):
        base = s * NPT + q * 80

        @pl.when(base < N)
        def _():
            pltpu.sync_copy(out_acc.at[pl.ds(base, 80)], rows.at[0])
            pltpu.sync_copy(den_sh.at[pl.ds(base, 80)], denb.at[pl.ds(0, 80)])

            def _row(g, carry2):
                for u in range(4):
                    e2 = g * 4 + u
                    dvec = plsc.load_gather(denb,
                                            [jnp.full((16,), e2, I32)])
                    ivec = 1.0 / (dvec + 1e-16)
                    for f in range(8):
                        v = (rows[0, e2, pl.ds(f * 16, 16)] * ivec
                             + bbuf[pl.ds(f * 16, 16)])
                        rows[0, e2, pl.ds(f * 16, 16)] = jnp.maximum(v, 0.0)
                return carry2
            lax.fori_loop(0, 20, _row, 0)
            pltpu.sync_copy(rows.at[0], out_hbm.at[c, pl.ds(base, 80)])
        return carry
    lax.fori_loop(0, NPT // 80, _p4, 0)


def _sc_call(srcf, dstf, ef, h_tab, sdf, biasf):
    mesh = plsc.VectorSubcoreMesh(core_axis_name="c", subcore_axis_name="s")
    f = pl.kernel(
        _sc_body,
        out_type=jax.ShapeDtypeStruct((2, N, D), F32),
        mesh=mesh,
        compiler_params=pltpu.CompilerParams(needs_layout_passes=False),
        scratch_types=[
            pltpu.VMEM((2 * NPAD,), F32),
            pltpu.VMEM((K1,), I32),
            pltpu.VMEM((K1,), I32),
            pltpu.VMEM((K1,), F32),
            pltpu.VMEM((K1 // 80, 80), I32),
            pltpu.VMEM((K1 // 80, 80), F32),
            pltpu.VMEM((K1 // 80, 80), F32),
            pltpu.VMEM((80,), F32),
            pltpu.VMEM((2, K3), I32),
            pltpu.VMEM((2, K3), I32),
            pltpu.VMEM((2, K3), F32),
            pltpu.VMEM((2, K3), I32),
            pltpu.VMEM((2, K3), I32),
            pltpu.VMEM((2, K3), F32),
            pltpu.VMEM((2, K3, D), F32),
            pltpu.VMEM((160,), F32),
            pltpu.VMEM((160,), F32),
            pltpu.VMEM((160,), F32),
            pltpu.VMEM((160,), F32),
            pltpu.VMEM((D,), F32),
            pltpu.VMEM_SHARED((N, D), F32),
            pltpu.VMEM_SHARED((NA,), F32),
            pltpu.VMEM_SHARED((NA,), F32),
            pltpu.VMEM_SHARED((NA,), F32),
            pltpu.SemaphoreType.DMA,
            pltpu.SemaphoreType.DMA,
            pltpu.SemaphoreType.DMA,
            pltpu.SemaphoreType.DMA,
            pltpu.SemaphoreType.DMA,
            pltpu.SemaphoreType.DMA,
            pltpu.SemaphoreType.DMA,
            pltpu.SemaphoreType.DMA,
        ],
    )
    return f(srcf, dstf, ef, h_tab, sdf, biasf)



def kernel(x_one, edge_index_one, edge_attr_emb_one, x_two, edge_index_two,
           edge_attr_emb_two, W1, We1, as1, ad1, ae1, b1, W2, We2, as2, ad2,
           ae2, b2):
    wf1 = jnp.concatenate([W1, (W1 @ as1)[:, None], (W1 @ ad1)[:, None],
                           jnp.zeros((D, D - 2), F32)], axis=1)
    wf2 = jnp.concatenate([W2, (W2 @ as2)[:, None], (W2 @ ad2)[:, None],
                           jnp.zeros((D, D - 2), F32)], axis=1)
    wstack = jnp.stack([wf1, wf2])
    h_tab, sd_out = _tc_prep(x_one, x_two, wstack)

    eye = jnp.eye(64, dtype=F32)
    m1 = jnp.kron(eye, (We1 @ ae1)[:, None])
    m2 = jnp.kron(eye, (We2 @ ae2)[:, None])
    mstack = jnp.stack([m1, m2])
    ef = _tc_escore(edge_attr_emb_one.reshape(5000, 1024),
                    edge_attr_emb_two.reshape(5000, 1024),
                    mstack)

    srcf, dstf = _tc_flat(edge_index_one, edge_index_two)
    ef_flat = ef.reshape(-1)
    sdf = sd_out.reshape(-1)
    biasf = jnp.concatenate([b1, b2])

    out = _sc_call(srcf, dstf, ef_flat, h_tab, sdf, biasf)
    return (out[0], out[1])

# --- scband reference (transcript-rebuilt; emitter-appended) ---
"""Pipeline reference for scband-gatclassic-1013612282532 (READ-ONLY COPY).

The authoritative reference and input builder live on the scoring server;
editing this copy changes nothing except your own understanding.
"""

import jax, jax.numpy as jnp
import numpy as np


def _gat_conv(x, edge_index, edge_attr, W, We, a_src, a_dst, a_e, bias):
    # Classic GATConv (heads=1) with edge_dim, add_self_loops=True (fill_value='mean')
    N = x.shape[0]
    src, dst = edge_index[0], edge_index[1]
    # per-dst-node mean edge_attr for self-loop fill
    cnt = jax.ops.segment_sum(jnp.ones(src.shape[0], dtype=x.dtype), dst, num_segments=N)
    sum_attr = jax.ops.segment_sum(edge_attr, dst, num_segments=N)
    loop_attr = sum_attr / jnp.clip(cnt, 1.0)[:, None]
    loop = jnp.arange(N, dtype=edge_index.dtype)
    src = jnp.concatenate([src, loop])
    dst = jnp.concatenate([dst, loop])
    ea = jnp.concatenate([edge_attr, loop_attr], axis=0)
    h = x @ W                      # [N, D]
    he = ea @ We                   # [E+N, D]
    alpha = (h @ a_src)[src] + (h @ a_dst)[dst] + he @ a_e
    alpha = jnp.where(alpha > 0, alpha, 0.2 * alpha)   # leaky_relu(0.2)
    amax = jax.ops.segment_max(alpha, dst, num_segments=N)
    amax = jnp.where(jnp.isfinite(amax), amax, 0.0)
    ex = jnp.exp(alpha - amax[dst])
    den = jax.ops.segment_sum(ex, dst, num_segments=N)
    coef = ex / (den[dst] + 1e-16)
    out = jax.ops.segment_sum(coef[:, None] * h[src], dst, num_segments=N)
    return out + bias


def setup_inputs(seed: int = 0) -> dict:
    key = jax.random.key(seed)
    ks = jax.random.split(key, 24)
    N, E, D, De = 10000, 320000, 128, 16
    s = 1.0 / np.sqrt(D)
    se = 1.0 / np.sqrt(De)
    d = {}
    d['x_one'] = jax.random.normal(ks[0], (N, D), jnp.float32)
    d['edge_index_one'] = jax.random.randint(ks[1], (2, E), 0, N, jnp.int32)
    d['edge_attr_emb_one'] = jax.random.normal(ks[2], (E, De), jnp.float32)
    d['x_two'] = jax.random.normal(ks[3], (N, D), jnp.float32)
    d['edge_index_two'] = jax.random.randint(ks[4], (2, E), 0, N, jnp.int32)
    d['edge_attr_emb_two'] = jax.random.normal(ks[5], (E, De), jnp.float32)
    d['W1'] = jax.random.normal(ks[6], (D, D), jnp.float32) * s
    d['We1'] = jax.random.normal(ks[7], (De, D), jnp.float32) * se
    d['as1'] = jax.random.normal(ks[8], (D,), jnp.float32) * s
    d['ad1'] = jax.random.normal(ks[9], (D,), jnp.float32) * s
    d['ae1'] = jax.random.normal(ks[10], (D,), jnp.float32) * s
    d['b1'] = jnp.zeros((D,), jnp.float32)
    d['W2'] = jax.random.normal(ks[11], (D, D), jnp.float32) * s
    d['We2'] = jax.random.normal(ks[12], (De, D), jnp.float32) * se
    d['as2'] = jax.random.normal(ks[13], (D,), jnp.float32) * s
    d['ad2'] = jax.random.normal(ks[14], (D,), jnp.float32) * s
    d['ae2'] = jax.random.normal(ks[15], (D,), jnp.float32) * s
    d['b2'] = jnp.zeros((D,), jnp.float32)
    return d


def reference(x_one, edge_index_one, edge_attr_emb_one, x_two, edge_index_two, edge_attr_emb_two, W1, We1, as1, ad1, ae1, b1, W2, We2, as2, ad2, ae2, b2):
    # dropout is identity in eval mode
    o1 = jax.nn.relu(_gat_conv(x_one, edge_index_one, edge_attr_emb_one, W1, We1, as1, ad1, ae1, b1))
    o2 = jax.nn.relu(_gat_conv(x_two, edge_index_two, edge_attr_emb_two, W2, We2, as2, ad2, ae2, b2))
    return (o1, o2)

if __name__ == "__main__":
    import jax
    _d = setup_inputs()
    print(jax.jit(kernel)(*tuple(_d.values())))

</pallas_src>

<mosaic_0001>
#map = affine_map<(d0, d1) -> (0)>
#map1 = affine_map<(d0, d1) -> (0, 0)>
#map2 = affine_map<(d0, d1) -> (0, 0, 0)>
module attributes {stable_mosaic.version = 14 : i64} {
  func.func @_sc_body(%arg0: i32, %arg1: i32, %arg2: memref<640000xi32, #tpu.memory_space<hbm>>, %arg3: memref<640000xi32, #tpu.memory_space<hbm>>, %arg4: memref<640000xf32, #tpu.memory_space<hbm>>, %arg5: memref<20480x128xf32, #tpu.memory_space<hbm>>, %arg6: memref<40960xf32, #tpu.memory_space<hbm>>, %arg7: memref<256xf32, #tpu.memory_space<hbm>>, %arg8: memref<2x10000x128xf32, #tpu.memory_space<hbm>>, %arg9: memref<20480xf32, #tpu.memory_space<vmem>>, %arg10: memref<400xi32, #tpu.memory_space<vmem>>, %arg11: memref<400xi32, #tpu.memory_space<vmem>>, %arg12: memref<400xf32, #tpu.memory_space<vmem>>, %arg13: memref<5x80xi32, #tpu.memory_space<vmem>>, %arg14: memref<5x80xf32, #tpu.memory_space<vmem>>, %arg15: memref<5x80xf32, #tpu.memory_space<vmem>>, %arg16: memref<80xf32, #tpu.memory_space<vmem>>, %arg17: memref<2x80xi32, #tpu.memory_space<vmem>>, %arg18: memref<2x80xi32, #tpu.memory_space<vmem>>, %arg19: memref<2x80xf32, #tpu.memory_space<vmem>>, %arg20: memref<2x80xi32, #tpu.memory_space<vmem>>, %arg21: memref<2x80xi32, #tpu.memory_space<vmem>>, %arg22: memref<2x80xf32, #tpu.memory_space<vmem>>, %arg23: memref<2x80x128xf32, #tpu.memory_space<vmem>>, %arg24: memref<160xf32, #tpu.memory_space<vmem>>, %arg25: memref<160xf32, #tpu.memory_space<vmem>>, %arg26: memref<160xf32, #tpu.memory_space<vmem>>, %arg27: memref<160xf32, #tpu.memory_space<vmem>>, %arg28: memref<128xf32, #tpu.memory_space<vmem>>, %arg29: memref<10000x128xf32, #tpu.memory_space<vmem_shared>>, %arg30: memref<10080xf32, #tpu.memory_space<vmem_shared>>, %arg31: memref<10080xf32, #tpu.memory_space<vmem_shared>>, %arg32: memref<10080xf32, #tpu.memory_space<vmem_shared>>, %arg33: memref<!tpu.dma_semaphore, #tpu.memory_space<semaphore_mem>>, %arg34: memref<!tpu.dma_semaphore, #tpu.memory_space<semaphore_mem>>, %arg35: memref<!tpu.dma_semaphore, #tpu.memory_space<semaphore_mem>>, %arg36: memref<!tpu.dma_semaphore, #tpu.memory_space<semaphore_mem>>, %arg37: memref<!tpu.dma_semaphore, #tpu.memory_space<semaphore_mem>>, %arg38: memref<!tpu.dma_semaphore, #tpu.memory_space<semaphore_mem>>, %arg39: memref<!tpu.dma_semaphore, #tpu.memory_space<semaphore_mem>>, %arg40: memref<!tpu.dma_semaphore, #tpu.memory_space<semaphore_mem>>) attributes {dimension_semantics = [#tpu.dimension_semantics<core_parallel>, #tpu.dimension_semantics<subcore_parallel>], iteration_bounds = array<i64: 2, 16>, scalar_prefetch = 0 : i64, scratch_operands = 32 : i64, tpu.core_type = #tpu.core_type<sc_vector_subcore>, window_params = [{transform_indices = #map}, {transform_indices = #map}, {transform_indices = #map}, {transform_indices = #map1}, {transform_indices = #map}, {transform_indices = #map}, {transform_indices = #map2}]} {
    %iota3A = tpu.iota {dimensions = array<i32: 0>} : vector<16xi32>
    %mul3A = arith.constant 320000 : i32
    %mul3A_0 = arith.muli %arg0, %mul3A : i32
    %mul3A_1 = arith.constant 20000 : i32
    %mul3A_2 = arith.muli %arg1, %mul3A_1 : i32
    %add3A = arith.addi %mul3A_0, %mul3A_2 : i32
    %mul3A_3 = arith.constant 128 : i32
    %mul3A_4 = arith.muli %arg0, %mul3A_3 : i32
    "tpu.region"() ({
      %run_scoped3A = tpu.sem_alloc : memref<!tpu.dma_semaphore, #tpu.memory_space<semaphore_mem>>
      %dma_start3A_439 = tpu.memref_slice %arg7[%mul3A_4] : memref<256xf32, #tpu.memory_space<hbm>> -> memref<128xf32, #tpu.memory_space<hbm>>
      %dma_start3A_440 = tpu.memref_slice %arg7[%mul3A_4] : memref<256xf32, #tpu.memory_space<hbm>> -> memref<128xf32, #tpu.memory_space<hbm>>
      tpu.enqueue_dma source(%dma_start3A_440 : memref<128xf32, #tpu.memory_space<hbm>>) target(%arg28 : memref<128xf32, #tpu.memory_space<vmem>>) target_semaphore(%run_scoped3A : memref<!tpu.dma_semaphore, #tpu.memory_space<semaphore_mem>>)
      %dma_wait3A_441 = tpu.memref_slice %arg7[%mul3A_4] : memref<256xf32, #tpu.memory_space<hbm>> -> memref<128xf32, #tpu.memory_space<hbm>>
      %dma_wait3A_442 = tpu.memref_slice %arg7[%mul3A_4] : memref<256xf32, #tpu.memory_space<hbm>> -> memref<128xf32, #tpu.memory_space<hbm>>
      tpu.wait_dma2 semaphore(%run_scoped3A : memref<!tpu.dma_semaphore, #tpu.memory_space<semaphore_mem>>) src(%dma_wait3A_442 : memref<128xf32, #tpu.memory_space<hbm>>) dst(%arg28 : memref<128xf32, #tpu.memory_space<vmem>>)
      tpu.yield
    }) : () -> ()
    %mul3A_5 = arith.constant 2 : i32
    %mul3A_6 = arith.muli %arg0, %mul3A_5 : i32
    %mul3A_7 = arith.constant 10240 : i32
    %mul3A_8 = arith.muli %mul3A_6, %mul3A_7 : i32
    "tpu.region"() ({
      %run_scoped3A = tpu.sem_alloc : memref<!tpu.dma_semaphore, #tpu.memory_space<semaphore_mem>>
      %dma_start3A_439 = tpu.memref_slice %arg6[%mul3A_8] : memref<40960xf32, #tpu.memory_space<hbm>> -> memref<20480xf32, #tpu.memory_space<hbm>>
      %dma_start3A_440 = tpu.memref_slice %arg6[%mul3A_8] : memref<40960xf32, #tpu.memory_space<hbm>> -> memref<20480xf32, #tpu.memory_space<hbm>>
      tpu.enqueue_dma source(%dma_start3A_440 : memref<20480xf32, #tpu.memory_space<hbm>>) target(%arg9 : memref<20480xf32, #tpu.memory_space<vmem>>) target_semaphore(%run_scoped3A : memref<!tpu.dma_semaphore, #tpu.memory_space<semaphore_mem>>)
      %dma_wait3A_441 = tpu.memref_slice %arg6[%mul3A_8] : memref<40960xf32, #tpu.memory_space<hbm>> -> memref<20480xf32, #tpu.memory_space<hbm>>
      %dma_wait3A_442 = tpu.memref_slice %arg6[%mul3A_8] : memref<40960xf32, #tpu.memory_space<hbm>> -> memref<20480xf32, #tpu.memory_space<hbm>>
      tpu.wait_dma2 semaphore(%run_scoped3A : memref<!tpu.dma_semaphore, #tpu.memory_space<semaphore_mem>>) src(%dma_wait3A_442 : memref<20480xf32, #tpu.memory_space<hbm>>) dst(%arg9 : memref<20480xf32, #tpu.memory_space<vmem>>)
      tpu.yield
    }) : () -> ()
    %scan3A = arith.constant 0 : i32
    %scan3A_9 = arith.constant 0 : i32
    %scan3A_10 = arith.constant 5 : i32
    %scan3A_11 = arith.addi %scan3A_9, %scan3A_10 : i32
    %scan3A_12 = arith.constant 1 : i32
    scf.for %scan3A_439 = %scan3A_9 to %scan3A_11 step %scan3A_12  : i32 {
      %broadcast_in_dim3A = arith.constant 1.000000e+00 : f32
      %broadcast_in_dim3A_440 = vector.broadcast %broadcast_in_dim3A : f32 to vector<16xf32>
      %mul3A_441 = arith.constant 16 : i32
      %mul3A_442 = arith.muli %scan3A_439, %mul3A_441 : i32
      %swap3A_443 = arith.index_cast %mul3A_442 : i32 to index
      %swap3A_444 = tpu.vector_load %arg16[%swap3A_443] {strides = array<i32>} : memref<80xf32, #tpu.memory_space<vmem>>, vector<16xf32>,
      tpu.vector_store %arg16[%swap3A_443], %broadcast_in_dim3A_440 {strides = array<i32>} : memref<80xf32, #tpu.memory_space<vmem>>, vector<16xf32>,
    }
    %scan3A_13 = arith.constant 5 : i32
    %scan3A_14 = arith.constant 0 : i32
    %scan3A_15 = arith.constant 0 : i32
    %scan3A_16 = arith.constant 10 : i32
    %scan3A_17 = arith.addi %scan3A_15, %scan3A_16 : i32
    %scan3A_18 = arith.constant 1 : i32
    scf.for %scan3A_439 = %scan3A_15 to %scan3A_17 step %scan3A_18  : i32 {
      %broadcast_in_dim3A = arith.constant 0.000000e+00 : f32
      %broadcast_in_dim3A_440 = vector.broadcast %broadcast_in_dim3A : f32 to vector<16xf32>
      %mul3A_441 = arith.constant 16 : i32
      %mul3A_442 = arith.muli %scan3A_439, %mul3A_441 : i32
      %swap3A_443 = arith.index_cast %mul3A_442 : i32 to index
      %swap3A_444 = tpu.vector_load %arg24[%swap3A_443] {strides = array<i32>} : memref<160xf32, #tpu.memory_space<vmem>>, vector<16xf32>,
      tpu.vector_store %arg24[%swap3A_443], %broadcast_in_dim3A_440 {strides = array<i32>} : memref<160xf32, #tpu.memory_space<vmem>>, vector<16xf32>,
    }
    %scan3A_19 = arith.constant 10 : i32
    %scan3A_20 = arith.constant 0 : i32
    %scan3A_21 = arith.constant 0 : i32
    %scan3A_22 = arith.constant 4 : i32
    %scan3A_23 = arith.addi %scan3A_21, %scan3A_22 : i32
    %scan3A_24 = arith.constant 1 : i32
    scf.for %scan3A_439 = %scan3A_21 to %scan3A_23 step %scan3A_24  : i32 {
      %mul3A_440 = arith.constant 640 : i32
      %mul3A_441 = arith.muli %arg1, %mul3A_440 : i32
      %mul3A_442 = arith.constant 160 : i32
      %mul3A_443 = arith.muli %scan3A_439, %mul3A_442 : i32
      %add3A_444 = arith.addi %mul3A_441, %mul3A_443 : i32
      %lt3A = arith.constant 10080 : i32
      %lt3A_445 = arith.cmpi slt, %add3A_444, %lt3A : i32
      %convert_element_type3A = arith.extui %lt3A_445 : i1 to i32
      %cond3A = arith.constant 0 : i32
      %cond3A_446 = arith.cmpi ne, %convert_element_type3A, %cond3A : i32
      scf.if %cond3A_446 {
        "tpu.region"() ({
          %run_scoped3A = tpu.sem_alloc : memref<!tpu.dma_semaphore, #tpu.memory_space<semaphore_mem>>
          %dma_start3A_447 = tpu.memref_slice %arg30[%add3A_444] : memref<10080xf32, #tpu.memory_space<vmem_shared>> -> memref<160xf32, #tpu.memory_space<vmem_shared>>
          %dma_start3A_448 = tpu.memref_slice %arg30[%add3A_444] : memref<10080xf32, #tpu.memory_space<vmem_shared>> -> memref<160xf32, #tpu.memory_space<vmem_shared>>
          tpu.enqueue_dma source(%arg24 : memref<160xf32, #tpu.memory_space<vmem>>) target(%dma_start3A_448 : memref<160xf32, #tpu.memory_space<vmem_shared>>) target_semaphore(%run_scoped3A : memref<!tpu.dma_semaphore, #tpu.memory_space<semaphore_mem>>)
          %dma_wait3A_449 = tpu.memref_slice %arg30[%add3A_444] : memref<10080xf32, #tpu.memory_space<vmem_shared>> -> memref<160xf32, #tpu.memory_space<vmem_shared>>
          %dma_wait3A_450 = tpu.memref_slice %arg30[%add3A_444] : memref<10080xf32, #tpu.memory_space<vmem_shared>> -> memref<160xf32, #tpu.memory_space<vmem_shared>>
          tpu.wait_dma2 semaphore(%run_scoped3A : memref<!tpu.dma_semaphore, #tpu.memory_space<semaphore_mem>>) src(%arg24 : memref<160xf32, #tpu.memory_space<vmem>>) dst(%dma_wait3A_450 : memref<160xf32, #tpu.memory_space<vmem_shared>>)
          tpu.yield
        }) : () -> ()
        "tpu.region"() ({
          %run_scoped3A = tpu.sem_alloc : memref<!tpu.dma_semaphore, #tpu.memory_space<semaphore_mem>>
          %dma_start3A_447 = tpu.memref_slice %arg31[%add3A_444] : memref<10080xf32, #tpu.memory_space<vmem_shared>> -> memref<160xf32, #tpu.memory_space<vmem_shared>>
          %dma_start3A_448 = tpu.memref_slice %arg31[%add3A_444] : memref<10080xf32, #tpu.memory_space<vmem_shared>> -> memref<160xf32, #tpu.memory_space<vmem_shared>>
          tpu.enqueue_dma source(%arg24 : memref<160xf32, #tpu.memory_space<vmem>>) target(%dma_start3A_448 : memref<160xf32, #tpu.memory_space<vmem_shared>>) target_semaphore(%run_scoped3A : memref<!tpu.dma_semaphore, #tpu.memory_space<semaphore_mem>>)
          %dma_wait3A_449 = tpu.memref_slice %arg31[%add3A_444] : memref<10080xf32, #tpu.memory_space<vmem_shared>> -> memref<160xf32, #tpu.memory_space<vmem_shared>>
          %dma_wait3A_450 = tpu.memref_slice %arg31[%add3A_444] : memref<10080xf32, #tpu.memory_space<vmem_shared>> -> memref<160xf32, #tpu.memory_space<vmem_shared>>
          tpu.wait_dma2 semaphore(%run_scoped3A : memref<!tpu.dma_semaphore, #tpu.memory_space<semaphore_mem>>) src(%arg24 : memref<160xf32, #tpu.memory_space<vmem>>) dst(%dma_wait3A_450 : memref<160xf32, #tpu.memory_space<vmem_shared>>)
          tpu.yield
        }) : () -> ()
        "tpu.region"() ({
          %run_scoped3A = tpu.sem_alloc : memref<!tpu.dma_semaphore, #tpu.memory_space<semaphore_mem>>
          %dma_start3A_447 = tpu.memref_slice %arg32[%add3A_444] : memref<10080xf32, #tpu.memory_space<vmem_shared>> -> memref<160xf32, #tpu.memory_space<vmem_shared>>
          %dma_start3A_448 = tpu.memref_slice %arg32[%add3A_444] : memref<10080xf32, #tpu.memory_space<vmem_shared>> -> memref<160xf32, #tpu.memory_space<vmem_shared>>
          tpu.enqueue_dma source(%arg24 : memref<160xf32, #tpu.memory_space<vmem>>) target(%dma_start3A_448 : memref<160xf32, #tpu.memory_space<vmem_shared>>) target_semaphore(%run_scoped3A : memref<!tpu.dma_semaphore, #tpu.memory_space<semaphore_mem>>)
          %dma_wait3A_449 = tpu.memref_slice %arg32[%add3A_444] : memref<10080xf32, #tpu.memory_space<vmem_shared>> -> memref<160xf32, #tpu.memory_space<vmem_shared>>
          %dma_wait3A_450 = tpu.memref_slice %arg32[%add3A_444] : memref<10080xf32, #tpu.memory_space<vmem_shared>> -> memref<160xf32, #tpu.memory_space<vmem_shared>>
          tpu.wait_dma2 semaphore(%run_scoped3A : memref<!tpu.dma_semaphore, #tpu.memory_space<semaphore_mem>>) src(%arg24 : memref<160xf32, #tpu.memory_space<vmem>>) dst(%dma_wait3A_450 : memref<160xf32, #tpu.memory_space<vmem_shared>>)
          tpu.yield
        }) : () -> ()
      } else {
      }
    }
    %scan3A_25 = arith.constant 4 : i32
    %barrier3A = arith.constant 0 : index
    tpu.barrier barrier_id(%barrier3A)
    %scan3A_26 = arith.constant 0 : i32
    %scan3A_27 = arith.constant 0 : i32
    %scan3A_28 = arith.constant 50 : i32
    %scan3A_29 = arith.addi %scan3A_27, %scan3A_28 : i32
    %scan3A_30 = arith.constant 1 : i32
    scf.for %scan3A_439 = %scan3A_27 to %scan3A_29 step %scan3A_30  : i32 {
      %mul3A_440 = arith.constant 400 : i32
      %mul3A_441 = arith.muli %scan3A_439, %mul3A_440 : i32
      %add3A_442 = arith.addi %add3A, %mul3A_441 : i32
      %dma_start3A_443 = tpu.memref_slice %arg2[%add3A_442] : memref<640000xi32, #tpu.memory_space<hbm>> -> memref<400xi32, #tpu.memory_space<hbm>>
      %dma_start3A_444 = tpu.memref_slice %arg2[%add3A_442] : memref<640000xi32, #tpu.memory_space<hbm>> -> memref<400xi32, #tpu.memory_space<hbm>>
      tpu.enqueue_dma source(%dma_start3A_444 : memref<400xi32, #tpu.memory_space<hbm>>) target(%arg10 : memref<400xi32, #tpu.memory_space<vmem>>) target_semaphore(%arg33 : memref<!tpu.dma_semaphore, #tpu.memory_space<semaphore_mem>>)
      %dma_start3A_445 = tpu.memref_slice %arg3[%add3A_442] : memref<640000xi32, #tpu.memory_space<hbm>> -> memref<400xi32, #tpu.memory_space<hbm>>
      %dma_start3A_446 = tpu.memref_slice %arg3[%add3A_442] : memref<640000xi32, #tpu.memory_space<hbm>> -> memref<400xi32, #tpu.memory_space<hbm>>
      tpu.enqueue_dma source(%dma_start3A_446 : memref<400xi32, #tpu.memory_space<hbm>>) target(%arg11 : memref<400xi32, #tpu.memory_space<vmem>>) target_semaphore(%arg33 : memref<!tpu.dma_semaphore, #tpu.memory_space<semaphore_mem>>)
      %dma_start3A_447 = tpu.memref_slice %arg4[%add3A_442] : memref<640000xf32, #tpu.memory_space<hbm>> -> memref<400xf32, #tpu.memory_space<hbm>>
      %dma_start3A_448 = tpu.memref_slice %arg4[%add3A_442] : memref<640000xf32, #tpu.memory_space<hbm>> -> memref<400xf32, #tpu.memory_space<hbm>>
      tpu.enqueue_dma source(%dma_start3A_448 : memref<400xf32, #tpu.memory_space<hbm>>) target(%arg12 : memref<400xf32, #tpu.memory_space<vmem>>) target_semaphore(%arg33 : memref<!tpu.dma_semaphore, #tpu.memory_space<semaphore_mem>>)
      %gt3A_449 = arith.constant 0 : i32
      %gt3A_450 = arith.cmpi sgt, %scan3A_439, %gt3A_449 : i32
      %convert_element_type3A = arith.extui %gt3A_450 : i1 to i32
      %cond3A = arith.constant 0 : i32
      %cond3A_451 = arith.cmpi ne, %convert_element_type3A, %cond3A : i32
      scf.if %cond3A_451 {
        %scan3A_470 = arith.constant 0 : i32
        %scan3A_471 = arith.constant 0 : i32
        %scan3A_472 = arith.constant 5 : i32
        %scan3A_473 = arith.addi %scan3A_471, %scan3A_472 : i32
        %scan3A_474 = arith.constant 1 : i32
        scf.for %scan3A_476 = %scan3A_471 to %scan3A_473 step %scan3A_474  : i32 {
          %dma_wait3A_477 = arith.constant 0 : i32
          %dma_wait3A_478 = tpu.memref_slice %arg15[%scan3A_476, %dma_wait3A_477] : memref<5x80xf32, #tpu.memory_space<vmem>> -> memref<1x80xf32, #tpu.memory_space<vmem>>
          %dma_wait3A_479 = tpu.memref_squeeze %dma_wait3A_478 : memref<1x80xf32, #tpu.memory_space<vmem>> -> memref<80xf32, #tpu.memory_space<vmem>>
          %dma_wait3A_480 = arith.constant 0 : i32
          %dma_wait3A_481 = tpu.memref_slice %arg13[%scan3A_476, %dma_wait3A_480] : memref<5x80xi32, #tpu.memory_space<vmem>> -> memref<1x80xi32, #tpu.memory_space<vmem>>
          %dma_wait3A_482 = tpu.memref_squeeze %dma_wait3A_481 : memref<1x80xi32, #tpu.memory_space<vmem>> -> memref<80xi32, #tpu.memory_space<vmem>>
          %dma_wait3A_483 = arith.constant 0 : i32
          %dma_wait3A_484 = tpu.memref_slice %arg30[%dma_wait3A_483] : memref<10080xf32, #tpu.memory_space<vmem_shared>> -> memref<10080xf32, #tpu.memory_space<vmem_shared>>
          tpu.wait_indirect_dma semaphore(%arg34 : memref<!tpu.dma_semaphore, #tpu.memory_space<semaphore_mem>>) src(%dma_wait3A_479 : memref<80xf32, #tpu.memory_space<vmem>>) dst(%dma_wait3A_484 : memref<10080xf32, #tpu.memory_space<vmem_shared>>)
          %dma_wait3A_485 = arith.constant 0 : i32
          %dma_wait3A_486 = tpu.memref_slice %arg13[%scan3A_476, %dma_wait3A_485] : memref<5x80xi32, #tpu.memory_space<vmem>> -> memref<1x80xi32, #tpu.memory_space<vmem>>
          %dma_wait3A_487 = tpu.memref_squeeze %dma_wait3A_486 : memref<1x80xi32, #tpu.memory_space<vmem>> -> memref<80xi32, #tpu.memory_space<vmem>>
          %dma_wait3A_488 = arith.constant 0 : i32
          %dma_wait3A_489 = tpu.memref_slice %arg31[%dma_wait3A_488] : memref<10080xf32, #tpu.memory_space<vmem_shared>> -> memref<10080xf32, #tpu.memory_space<vmem_shared>>
          tpu.wait_indirect_dma semaphore(%arg34 : memref<!tpu.dma_semaphore, #tpu.memory_space<semaphore_mem>>) src(%arg16 : memref<80xf32, #tpu.memory_space<vmem>>) dst(%dma_wait3A_489 : memref<10080xf32, #tpu.memory_space<vmem_shared>>)
          %dma_wait3A_490 = arith.constant 0 : i32
          %dma_wait3A_491 = tpu.memref_slice %arg14[%scan3A_476, %dma_wait3A_490] : memref<5x80xf32, #tpu.memory_space<vmem>> -> memref<1x80xf32, #tpu.memory_space<vmem>>
          %dma_wait3A_492 = tpu.memref_squeeze %dma_wait3A_491 : memref<1x80xf32, #tpu.memory_space<vmem>> -> memref<80xf32, #tpu.memory_space<vmem>>
          %dma_wait3A_493 = arith.constant 0 : i32
          %dma_wait3A_494 = tpu.memref_slice %arg13[%scan3A_476, %dma_wait3A_493] : memref<5x80xi32, #tpu.memory_space<vmem>> -> memref<1x80xi32, #tpu.memory_space<vmem>>
          %dma_wait3A_495 = tpu.memref_squeeze %dma_wait3A_494 : memref<1x80xi32, #tpu.memory_space<vmem>> -> memref<80xi32, #tpu.memory_space<vmem>>
          %dma_wait3A_496 = arith.constant 0 : i32
          %dma_wait3A_497 = tpu.memref_slice %arg32[%dma_wait3A_496] : memref<10080xf32, #tpu.memory_space<vmem_shared>> -> memref<10080xf32, #tpu.memory_space<vmem_shared>>
          tpu.wait_indirect_dma semaphore(%arg34 : memref<!tpu.dma_semaphore, #tpu.memory_space<semaphore_mem>>) src(%dma_wait3A_492 : memref<80xf32, #tpu.memory_space<vmem>>) dst(%dma_wait3A_497 : memref<10080xf32, #tpu.memory_space<vmem_shared>>)
        }
        %scan3A_475 = arith.constant 5 : i32
      } else {
      }
      %dma_wait3A_452 = tpu.memref_slice %arg2[%add3A_442] : memref<640000xi32, #tpu.memory_space<hbm>> -> memref<400xi32, #tpu.memory_space<hbm>>
      %dma_wait3A_453 = tpu.memref_slice %arg2[%add3A_442] : memref<640000xi32, #tpu.memory_space<hbm>> -> memref<400xi32, #tpu.memory_space<hbm>>
      tpu.wait_dma2 semaphore(%arg33 : memref<!tpu.dma_semaphore, #tpu.memory_space<semaphore_mem>>) src(%dma_wait3A_453 : memref<400xi32, #tpu.memory_space<hbm>>) dst(%arg10 : memref<400xi32, #tpu.memory_space<vmem>>)
      %dma_wait3A_454 = tpu.memref_slice %arg3[%add3A_442] : memref<640000xi32, #tpu.memory_space<hbm>> -> memref<400xi32, #tpu.memory_space<hbm>>
      %dma_wait3A_455 = tpu.memref_slice %arg3[%add3A_442] : memref<640000xi32, #tpu.memory_space<hbm>> -> memref<400xi32, #tpu.memory_space<hbm>>
      tpu.wait_dma2 semaphore(%arg33 : memref<!tpu.dma_semaphore, #tpu.memory_space<semaphore_mem>>) src(%dma_wait3A_455 : memref<400xi32, #tpu.memory_space<hbm>>) dst(%arg11 : memref<400xi32, #tpu.memory_space<vmem>>)
      %dma_wait3A_456 = tpu.memref_slice %arg4[%add3A_442] : memref<640000xf32, #tpu.memory_space<hbm>> -> memref<400xf32, #tpu.memory_space<hbm>>
      %dma_wait3A_457 = tpu.memref_slice %arg4[%add3A_442] : memref<640000xf32, #tpu.memory_space<hbm>> -> memref<400xf32, #tpu.memory_space<hbm>>
      tpu.wait_dma2 semaphore(%arg33 : memref<!tpu.dma_semaphore, #tpu.memory_space<semaphore_mem>>) src(%dma_wait3A_457 : memref<400xf32, #tpu.memory_space<hbm>>) dst(%arg12 : memref<400xf32, #tpu.memory_space<vmem>>)
      %scan3A_458 = arith.constant 0 : i32
      %scan3A_459 = arith.constant 0 : i32
      %scan3A_460 = arith.constant 25 : i32
      %scan3A_461 = arith.addi %scan3A_459, %scan3A_460 : i32
      %scan3A_462 = arith.constant 1 : i32
      scf.for %scan3A_470 = %scan3A_459 to %scan3A_461 step %scan3A_462  : i32 {
        %mul3A_471 = arith.constant 16 : i32
        %mul3A_472 = arith.muli %scan3A_470, %mul3A_471 : i32
        %get3A_473 = arith.index_cast %mul3A_472 : i32 to index
        %get3A_474 = tpu.vector_load %arg10[%get3A_473] {strides = array<i32>} : memref<400xi32, #tpu.memory_space<vmem>>, vector<16xi32>,
        %mul3A_475 = arith.constant 16 : i32
        %mul3A_476 = arith.muli %scan3A_470, %mul3A_475 : i32
        %get3A_477 = arith.index_cast %mul3A_476 : i32 to index
        %get3A_478 = tpu.vector_load %arg11[%get3A_477] {strides = array<i32>} : memref<400xi32, #tpu.memory_space<vmem>>, vector<16xi32>,
        %mul3A_479 = arith.constant 16 : i32
        %mul3A_480 = arith.muli %scan3A_470, %mul3A_479 : i32
        %get3A_481 = arith.index_cast %mul3A_480 : i32 to index
        %get3A_482 = tpu.vector_load %arg12[%get3A_481] {strides = array<i32>} : memref<400xf32, #tpu.memory_space<vmem>>, vector<16xf32>,
        %mul3A_483 = arith.constant 2 : i32
        %mul3A_484 = vector.broadcast %mul3A_483 : i32 to vector<16xi32>
        %mul3A_485 = arith.muli %get3A_474, %mul3A_484 : vector<16xi32>
        %gather3A_486 = tpu.vector_load_idx %arg9[%mul3A_485] : memref<20480xf32, #tpu.memory_space<vmem>>[vector<16xi32>], vector<16xf32>,
        %mul3A_487 = arith.constant 2 : i32
        %mul3A_488 = vector.broadcast %mul3A_487 : i32 to vector<16xi32>
        %mul3A_489 = arith.muli %get3A_478, %mul3A_488 : vector<16xi32>
        %add3A_490 = arith.constant 1 : i32
        %add3A_491 = vector.broadcast %add3A_490 : i32 to vector<16xi32>
        %add3A_492 = arith.addi %mul3A_489, %add3A_491 : vector<16xi32>
        %gather3A_493 = tpu.vector_load_idx %arg9[%add3A_492] : memref<20480xf32, #tpu.memory_space<vmem>>[vector<16xi32>], vector<16xf32>,
        %add3A_494 = arith.addf %gather3A_486, %gather3A_493 : vector<16xf32>
        %add3A_495 = arith.addf %add3A_494, %get3A_482 : vector<16xf32>
        %gt3A_496 = arith.constant 0.000000e+00 : f32
        %gt3A_497 = vector.broadcast %gt3A_496 : f32 to vector<16xf32>
        %gt3A_498 = arith.cmpf ogt, %add3A_495, %gt3A_497 : vector<16xf32>
        %mul3A_499 = arith.constant 2.000000e-01 : f32
        %mul3A_500 = vector.broadcast %mul3A_499 : f32 to vector<16xf32>
        %mul3A_501 = arith.mulf %mul3A_500, %add3A_495 : vector<16xf32>
        %select_n3A_502 = arith.select %gt3A_498, %add3A_495, %mul3A_501 : vector<16xi1>, vector<16xf32>
        %exp3A_503 = math.exp %select_n3A_502 : vector<16xf32>
        %jit3A = arith.constant 5 : i32
        %div3A = arith.divsi %scan3A_470, %jit3A : i32
        %sign3A = arith.constant 0 : i32
        %sign3A_504 = arith.cmpi sgt, %scan3A_470, %sign3A : i32
        %sign3A_505 = arith.extui %sign3A_504 : i1 to i32
        %sign3A_506 = arith.constant 0 : i32
        %sign3A_507 = arith.cmpi slt, %scan3A_470, %sign3A_506 : i32
        %sign3A_508 = arith.extui %sign3A_507 : i1 to i32
        %sign3A_509 = arith.subi %sign3A_505, %sign3A_508 : i32
        %sign3A_510 = arith.constant 0 : i32
        %sign3A_511 = arith.cmpi sgt, %jit3A, %sign3A_510 : i32
        %sign3A_512 = arith.extui %sign3A_511 : i1 to i32
        %sign3A_513 = arith.constant 0 : i32
        %sign3A_514 = arith.cmpi slt, %jit3A, %sign3A_513 : i32
        %sign3A_515 = arith.extui %sign3A_514 : i1 to i32
        %sign3A_516 = arith.subi %sign3A_512, %sign3A_515 : i32
        %ne3A = arith.cmpi ne, %sign3A_509, %sign3A_516 : i32
        %rem3A = arith.remsi %scan3A_470, %jit3A : i32
        %ne3A_517 = arith.constant 0 : i32
        %ne3A_518 = arith.cmpi ne, %rem3A, %ne3A_517 : i32
        %and3A = arith.andi %ne3A, %ne3A_518 : i1
        %sub3A = arith.constant 1 : i32
        %sub3A_519 = arith.subi %div3A, %sub3A : i32
        %select_n3A_520 = arith.select %and3A, %sub3A_519, %div3A : i32
        %jit3A_521 = arith.constant 5 : i32
        %eq3A = arith.constant 0 : i32
        %eq3A_522 = arith.cmpi eq, %jit3A_521, %eq3A : i32
        %jit3A_523 = arith.constant 1 : i32
        %select_n3A_524 = arith.select %eq3A_522, %jit3A_523, %jit3A_521 : i32
        %rem3A_525 = arith.remsi %scan3A_470, %select_n3A_524 : i32
        %ne3A_526 = arith.constant 0 : i32
        %ne3A_527 = arith.cmpi ne, %rem3A_525, %ne3A_526 : i32
        %lt3A = arith.constant 0 : i32
        %lt3A_528 = arith.cmpi slt, %rem3A_525, %lt3A : i32
        %lt3A_529 = arith.constant 0 : i32
        %lt3A_530 = arith.cmpi slt, %select_n3A_524, %lt3A_529 : i32
        %ne3A_531 = arith.xori %lt3A_528, %lt3A_530 : i1
        %and3A_532 = arith.andi %ne3A_531, %ne3A_527 : i1
        %add3A_533 = arith.addi %rem3A_525, %select_n3A_524 : i32
        %select_n3A_534 = arith.select %and3A_532, %add3A_533, %rem3A_525 : i32
        %mul3A_535 = arith.constant 16 : i32
        %mul3A_536 = arith.muli %select_n3A_534, %mul3A_535 : i32
        %swap3A_537 = arith.index_cast %select_n3A_520 : i32 to index
        %swap3A_538 = arith.index_cast %mul3A_536 : i32 to index
        %swap3A_539 = tpu.vector_load %arg15[%swap3A_537, %swap3A_538] {strides = array<i32>} : memref<5x80xf32, #tpu.memory_space<vmem>>, vector<16xf32>,
        tpu.vector_store %arg15[%swap3A_537, %swap3A_538], %exp3A_503 {strides = array<i32>} : memref<5x80xf32, #tpu.memory_space<vmem>>, vector<16xf32>,
        %jit3A_540 = arith.constant 5 : i32
        %div3A_541 = arith.divsi %scan3A_470, %jit3A_540 : i32
        %sign3A_542 = arith.constant 0 : i32
        %sign3A_543 = arith.cmpi sgt, %scan3A_470, %sign3A_542 : i32
        %sign3A_544 = arith.extui %sign3A_543 : i1 to i32
        %sign3A_545 = arith.constant 0 : i32
        %sign3A_546 = arith.cmpi slt, %scan3A_470, %sign3A_545 : i32
        %sign3A_547 = arith.extui %sign3A_546 : i1 to i32
        %sign3A_548 = arith.subi %sign3A_544, %sign3A_547 : i32
        %sign3A_549 = arith.constant 0 : i32
        %sign3A_550 = arith.cmpi sgt, %jit3A_540, %sign3A_549 : i32
        %sign3A_551 = arith.extui %sign3A_550 : i1 to i32
        %sign3A_552 = arith.constant 0 : i32
        %sign3A_553 = arith.cmpi slt, %jit3A_540, %sign3A_552 : i32
        %sign3A_554 = arith.extui %sign3A_553 : i1 to i32
        %sign3A_555 = arith.subi %sign3A_551, %sign3A_554 : i32
        %ne3A_556 = arith.cmpi ne, %sign3A_548, %sign3A_555 : i32
        %rem3A_557 = arith.remsi %scan3A_470, %jit3A_540 : i32
        %ne3A_558 = arith.constant 0 : i32
        %ne3A_559 = arith.cmpi ne, %rem3A_557, %ne3A_558 : i32
        %and3A_560 = arith.andi %ne3A_556, %ne3A_559 : i1
        %sub3A_561 = arith.constant 1 : i32
        %sub3A_562 = arith.subi %div3A_541, %sub3A_561 : i32
        %select_n3A_563 = arith.select %and3A_560, %sub3A_562, %div3A_541 : i32
        %jit3A_564 = arith.constant 5 : i32
        %eq3A_565 = arith.constant 0 : i32
        %eq3A_566 = arith.cmpi eq, %jit3A_564, %eq3A_565 : i32
        %jit3A_567 = arith.constant 1 : i32
        %select_n3A_568 = arith.select %eq3A_566, %jit3A_567, %jit3A_564 : i32
        %rem3A_569 = arith.remsi %scan3A_470, %select_n3A_568 : i32
        %ne3A_570 = arith.constant 0 : i32
        %ne3A_571 = arith.cmpi ne, %rem3A_569, %ne3A_570 : i32
        %lt3A_572 = arith.constant 0 : i32
        %lt3A_573 = arith.cmpi slt, %rem3A_569, %lt3A_572 : i32
        %lt3A_574 = arith.constant 0 : i32
        %lt3A_575 = arith.cmpi slt, %select_n3A_568, %lt3A_574 : i32
        %ne3A_576 = arith.xori %lt3A_573, %lt3A_575 : i1
        %and3A_577 = arith.andi %ne3A_576, %ne3A_571 : i1
        %add3A_578 = arith.addi %rem3A_569, %select_n3A_568 : i32
        %select_n3A_579 = arith.select %and3A_577, %add3A_578, %rem3A_569 : i32
        %mul3A_580 = arith.constant 16 : i32
        %mul3A_581 = arith.muli %select_n3A_579, %mul3A_580 : i32
        %swap3A_582 = arith.index_cast %select_n3A_563 : i32 to index
        %swap3A_583 = arith.index_cast %mul3A_581 : i32 to index
        %swap3A_584 = tpu.vector_load %arg14[%swap3A_582, %swap3A_583] {strides = array<i32>} : memref<5x80xf32, #tpu.memory_space<vmem>>, vector<16xf32>,
        tpu.vector_store %arg14[%swap3A_582, %swap3A_583], %get3A_482 {strides = array<i32>} : memref<5x80xf32, #tpu.memory_space<vmem>>, vector<16xf32>,
        %jit3A_585 = arith.constant 5 : i32
        %div3A_586 = arith.divsi %scan3A_470, %jit3A_585 : i32
        %sign3A_587 = arith.constant 0 : i32
        %sign3A_588 = arith.cmpi sgt, %scan3A_470, %sign3A_587 : i32
        %sign3A_589 = arith.extui %sign3A_588 : i1 to i32
        %sign3A_590 = arith.constant 0 : i32
        %sign3A_591 = arith.cmpi slt, %scan3A_470, %sign3A_590 : i32
        %sign3A_592 = arith.extui %sign3A_591 : i1 to i32
        %sign3A_593 = arith.subi %sign3A_589, %sign3A_592 : i32
        %sign3A_594 = arith.constant 0 : i32
        %sign3A_595 = arith.cmpi sgt, %jit3A_585, %sign3A_594 : i32
        %sign3A_596 = arith.extui %sign3A_595 : i1 to i32
        %sign3A_597 = arith.constant 0 : i32
        %sign3A_598 = arith.cmpi slt, %jit3A_585, %sign3A_597 : i32
        %sign3A_599 = arith.extui %sign3A_598 : i1 to i32
        %sign3A_600 = arith.subi %sign3A_596, %sign3A_599 : i32
        %ne3A_601 = arith.cmpi ne, %sign3A_593, %sign3A_600 : i32
        %rem3A_602 = arith.remsi %scan3A_470, %jit3A_585 : i32
        %ne3A_603 = arith.constant 0 : i32
        %ne3A_604 = arith.cmpi ne, %rem3A_602, %ne3A_603 : i32
        %and3A_605 = arith.andi %ne3A_601, %ne3A_604 : i1
        %sub3A_606 = arith.constant 1 : i32
        %sub3A_607 = arith.subi %div3A_586, %sub3A_606 : i32
        %select_n3A_608 = arith.select %and3A_605, %sub3A_607, %div3A_586 : i32
        %jit3A_609 = arith.constant 5 : i32
        %eq3A_610 = arith.constant 0 : i32
        %eq3A_611 = arith.cmpi eq, %jit3A_609, %eq3A_610 : i32
        %jit3A_612 = arith.constant 1 : i32
        %select_n3A_613 = arith.select %eq3A_611, %jit3A_612, %jit3A_609 : i32
        %rem3A_614 = arith.remsi %scan3A_470, %select_n3A_613 : i32
        %ne3A_615 = arith.constant 0 : i32
        %ne3A_616 = arith.cmpi ne, %rem3A_614, %ne3A_615 : i32
        %lt3A_617 = arith.constant 0 : i32
        %lt3A_618 = arith.cmpi slt, %rem3A_614, %lt3A_617 : i32
        %lt3A_619 = arith.constant 0 : i32
        %lt3A_620 = arith.cmpi slt, %select_n3A_613, %lt3A_619 : i32
        %ne3A_621 = arith.xori %lt3A_618, %lt3A_620 : i1
        %and3A_622 = arith.andi %ne3A_621, %ne3A_616 : i1
        %add3A_623 = arith.addi %rem3A_614, %select_n3A_613 : i32
        %select_n3A_624 = arith.select %and3A_622, %add3A_623, %rem3A_614 : i32
        %mul3A_625 = arith.constant 16 : i32
        %mul3A_626 = arith.muli %select_n3A_624, %mul3A_625 : i32
        %swap3A_627 = arith.index_cast %select_n3A_608 : i32 to index
        %swap3A_628 = arith.index_cast %mul3A_626 : i32 to index
        %swap3A_629 = tpu.vector_load %arg13[%swap3A_627, %swap3A_628] {strides = array<i32>} : memref<5x80xi32, #tpu.memory_space<vmem>>, vector<16xi32>,
        tpu.vector_store %arg13[%swap3A_627, %swap3A_628], %get3A_478 {strides = array<i32>} : memref<5x80xi32, #tpu.memory_space<vmem>>, vector<16xi32>,
      }
      %scan3A_463 = arith.constant 25 : i32
      %scan3A_464 = arith.constant 0 : i32
      %scan3A_465 = arith.constant 0 : i32
      %scan3A_466 = arith.constant 5 : i32
      %scan3A_467 = arith.addi %scan3A_465, %scan3A_466 : i32
      %scan3A_468 = arith.constant 1 : i32
      scf.for %scan3A_470 = %scan3A_465 to %scan3A_467 step %scan3A_468  : i32 {
        %dma_start3A_471 = arith.constant 0 : i32
        %dma_start3A_472 = tpu.memref_slice %arg15[%scan3A_470, %dma_start3A_471] : memref<5x80xf32, #tpu.memory_space<vmem>> -> memref<1x80xf32, #tpu.memory_space<vmem>>
        %dma_start3A_473 = tpu.memref_squeeze %dma_start3A_472 : memref<1x80xf32, #tpu.memory_space<vmem>> -> memref<80xf32, #tpu.memory_space<vmem>>
        %dma_start3A_474 = arith.constant 0 : i32
        %dma_start3A_475 = tpu.memref_slice %arg13[%scan3A_470, %dma_start3A_474] : memref<5x80xi32, #tpu.memory_space<vmem>> -> memref<1x80xi32, #tpu.memory_space<vmem>>
        %dma_start3A_476 = tpu.memref_squeeze %dma_start3A_475 : memref<1x80xi32, #tpu.memory_space<vmem>> -> memref<80xi32, #tpu.memory_space<vmem>>
        %dma_start3A_477 = arith.constant 0 : i32
        %dma_start3A_478 = tpu.memref_slice %arg30[%dma_start3A_477] : memref<10080xf32, #tpu.memory_space<vmem_shared>> -> memref<10080xf32, #tpu.memory_space<vmem_shared>>
        tpu.enqueue_indirect_dma source(%dma_start3A_473 : memref<80xf32, #tpu.memory_space<vmem>>) target(%dma_start3A_478 : memref<10080xf32, #tpu.memory_space<vmem_shared>>) offsets(%dma_start3A_476 : memref<80xi32, #tpu.memory_space<vmem>>) semaphore(%arg34 : memref<!tpu.dma_semaphore, #tpu.memory_space<semaphore_mem>>) {add = true}
        %dma_start3A_479 = arith.constant 0 : i32
        %dma_start3A_480 = tpu.memref_slice %arg13[%scan3A_470, %dma_start3A_479] : memref<5x80xi32, #tpu.memory_space<vmem>> -> memref<1x80xi32, #tpu.memory_space<vmem>>
        %dma_start3A_481 = tpu.memref_squeeze %dma_start3A_480 : memref<1x80xi32, #tpu.memory_space<vmem>> -> memref<80xi32, #tpu.memory_space<vmem>>
        %dma_start3A_482 = arith.constant 0 : i32
        %dma_start3A_483 = tpu.memref_slice %arg31[%dma_start3A_482] : memref<10080xf32, #tpu.memory_space<vmem_shared>> -> memref<10080xf32, #tpu.memory_space<vmem_shared>>
        tpu.enqueue_indirect_dma source(%arg16 : memref<80xf32, #tpu.memory_space<vmem>>) target(%dma_start3A_483 : memref<10080xf32, #tpu.memory_space<vmem_shared>>) offsets(%dma_start3A_481 : memref<80xi32, #tpu.memory_space<vmem>>) semaphore(%arg34 : memref<!tpu.dma_semaphore, #tpu.memory_space<semaphore_mem>>) {add = true}
        %dma_start3A_484 = arith.constant 0 : i32
        %dma_start3A_485 = tpu.memref_slice %arg14[%scan3A_470, %dma_start3A_484] : memref<5x80xf32, #tpu.memory_space<vmem>> -> memref<1x80xf32, #tpu.memory_space<vmem>>
        %dma_start3A_486 = tpu.memref_squeeze %dma_start3A_485 : memref<1x80xf32, #tpu.memory_space<vmem>> -> memref<80xf32, #tpu.memory_space<vmem>>
        %dma_start3A_487 = arith.constant 0 : i32
        %dma_start3A_488 = tpu.memref_slice %arg13[%scan3A_470, %dma_start3A_487] : memref<5x80xi32, #tpu.memory_space<vmem>> -> memref<1x80xi32, #tpu.memory_space<vmem>>
        %dma_start3A_489 = tpu.memref_squeeze %dma_start3A_488 : memref<1x80xi32, #tpu.memory_space<vmem>> -> memref<80xi32, #tpu.memory_space<vmem>>
        %dma_start3A_490 = arith.constant 0 : i32
        %dma_start3A_491 = tpu.memref_slice %arg32[%dma_start3A_490] : memref<10080xf32, #tpu.memory_space<vmem_shared>> -> memref<10080xf32, #tpu.memory_space<vmem_shared>>
        tpu.enqueue_indirect_dma source(%dma_start3A_486 : memref<80xf32, #tpu.memory_space<vmem>>) target(%dma_start3A_491 : memref<10080xf32, #tpu.memory_space<vmem_shared>>) offsets(%dma_start3A_489 : memref<80xi32, #tpu.memory_space<vmem>>) semaphore(%arg34 : memref<!tpu.dma_semaphore, #tpu.memory_space<semaphore_mem>>) {add = true}
      }
      %scan3A_469 = arith.constant 5 : i32
    }
    %scan3A_31 = arith.constant 50 : i32
    %scan3A_32 = arith.constant 0 : i32
    %scan3A_33 = arith.constant 0 : i32
    %scan3A_34 = arith.constant 5 : i32
    %scan3A_35 = arith.addi %scan3A_33, %scan3A_34 : i32
    %scan3A_36 = arith.constant 1 : i32
    scf.for %scan3A_439 = %scan3A_33 to %scan3A_35 step %scan3A_36  : i32 {
      %dma_wait3A_440 = arith.constant 0 : i32
      %dma_wait3A_441 = tpu.memref_slice %arg15[%scan3A_439, %dma_wait3A_440] : memref<5x80xf32, #tpu.memory_space<vmem>> -> memref<1x80xf32, #tpu.memory_space<vmem>>
      %dma_wait3A_442 = tpu.memref_squeeze %dma_wait3A_441 : memref<1x80xf32, #tpu.memory_space<vmem>> -> memref<80xf32, #tpu.memory_space<vmem>>
      %dma_wait3A_443 = arith.constant 0 : i32
      %dma_wait3A_444 = tpu.memref_slice %arg13[%scan3A_439, %dma_wait3A_443] : memref<5x80xi32, #tpu.memory_space<vmem>> -> memref<1x80xi32, #tpu.memory_space<vmem>>
      %dma_wait3A_445 = tpu.memref_squeeze %dma_wait3A_444 : memref<1x80xi32, #tpu.memory_space<vmem>> -> memref<80xi32, #tpu.memory_space<vmem>>
      %dma_wait3A_446 = arith.constant 0 : i32
      %dma_wait3A_447 = tpu.memref_slice %arg30[%dma_wait3A_446] : memref<10080xf32, #tpu.memory_space<vmem_shared>> -> memref<10080xf32, #tpu.memory_space<vmem_shared>>
      tpu.wait_indirect_dma semaphore(%arg34 : memref<!tpu.dma_semaphore, #tpu.memory_space<semaphore_mem>>) src(%dma_wait3A_442 : memref<80xf32, #tpu.memory_space<vmem>>) dst(%dma_wait3A_447 : memref<10080xf32, #tpu.memory_space<vmem_shared>>)
      %dma_wait3A_448 = arith.constant 0 : i32
      %dma_wait3A_449 = tpu.memref_slice %arg13[%scan3A_439, %dma_wait3A_448] : memref<5x80xi32, #tpu.memory_space<vmem>> -> memref<1x80xi32, #tpu.memory_space<vmem>>
      %dma_wait3A_450 = tpu.memref_squeeze %dma_wait3A_449 : memref<1x80xi32, #tpu.memory_space<vmem>> -> memref<80xi32, #tpu.memory_space<vmem>>
      %dma_wait3A_451 = arith.constant 0 : i32
      %dma_wait3A_452 = tpu.memref_slice %arg31[%dma_wait3A_451] : memref<10080xf32, #tpu.memory_space<vmem_shared>> -> memref<10080xf32, #tpu.memory_space<vmem_shared>>
      tpu.wait_indirect_dma semaphore(%arg34 : memref<!tpu.dma_semaphore, #tpu.memory_space<semaphore_mem>>) src(%arg16 : memref<80xf32, #tpu.memory_space<vmem>>) dst(%dma_wait3A_452 : memref<10080xf32, #tpu.memory_space<vmem_shared>>)
      %dma_wait3A_453 = arith.constant 0 : i32
      %dma_wait3A_454 = tpu.memref_slice %arg14[%scan3A_439, %dma_wait3A_453] : memref<5x80xf32, #tpu.memory_space<vmem>> -> memref<1x80xf32, #tpu.memory_space<vmem>>
      %dma_wait3A_455 = tpu.memref_squeeze %dma_wait3A_454 : memref<1x80xf32, #tpu.memory_space<vmem>> -> memref<80xf32, #tpu.memory_space<vmem>>
      %dma_wait3A_456 = arith.constant 0 : i32
      %dma_wait3A_457 = tpu.memref_slice %arg13[%scan3A_439, %dma_wait3A_456] : memref<5x80xi32, #tpu.memory_space<vmem>> -> memref<1x80xi32, #tpu.memory_space<vmem>>
      %dma_wait3A_458 = tpu.memref_squeeze %dma_wait3A_457 : memref<1x80xi32, #tpu.memory_space<vmem>> -> memref<80xi32, #tpu.memory_space<vmem>>
      %dma_wait3A_459 = arith.constant 0 : i32
      %dma_wait3A_460 = tpu.memref_slice %arg32[%dma_wait3A_459] : memref<10080xf32, #tpu.memory_space<vmem_shared>> -> memref<10080xf32, #tpu.memory_space<vmem_shared>>
      tpu.wait_indirect_dma semaphore(%arg34 : memref<!tpu.dma_semaphore, #tpu.memory_space<semaphore_mem>>) src(%dma_wait3A_455 : memref<80xf32, #tpu.memory_space<vmem>>) dst(%dma_wait3A_460 : memref<10080xf32, #tpu.memory_space<vmem_shared>>)
    }
    %scan3A_37 = arith.constant 5 : i32
    %barrier3A_38 = arith.constant 0 : index
    tpu.barrier barrier_id(%barrier3A_38)
    %scan3A_39 = arith.constant 0 : i32
    %scan3A_40 = arith.constant 0 : i32
    %scan3A_41 = arith.constant 4 : i32
    %scan3A_42 = arith.addi %scan3A_40, %scan3A_41 : i32
    %scan3A_43 = arith.constant 1 : i32
    scf.for %scan3A_439 = %scan3A_40 to %scan3A_42 step %scan3A_43  : i32 {
      %mul3A_440 = arith.constant 640 : i32
      %mul3A_441 = arith.muli %arg1, %mul3A_440 : i32
      %mul3A_442 = arith.constant 160 : i32
      %mul3A_443 = arith.muli %scan3A_439, %mul3A_442 : i32
      %add3A_444 = arith.addi %mul3A_441, %mul3A_443 : i32
      %mul3A_445 = arith.constant 10240 : i32
      %mul3A_446 = arith.muli %arg0, %mul3A_445 : i32
      %add3A_447 = arith.addi %mul3A_446, %add3A_444 : i32
      %lt3A = arith.constant 10080 : i32
      %lt3A_448 = arith.cmpi slt, %add3A_444, %lt3A : i32
      %convert_element_type3A = arith.extui %lt3A_448 : i1 to i32
      %cond3A = arith.constant 0 : i32
      %cond3A_449 = arith.cmpi ne, %convert_element_type3A, %cond3A : i32
      scf.if %cond3A_449 {
        "tpu.region"() ({
          %run_scoped3A = tpu.sem_alloc : memref<!tpu.dma_semaphore, #tpu.memory_space<semaphore_mem>>
          %dma_start3A_462 = tpu.memref_slice %arg30[%add3A_444] : memref<10080xf32, #tpu.memory_space<vmem_shared>> -> memref<160xf32, #tpu.memory_space<vmem_shared>>
          %dma_start3A_463 = tpu.memref_slice %arg30[%add3A_444] : memref<10080xf32, #tpu.memory_space<vmem_shared>> -> memref<160xf32, #tpu.memory_space<vmem_shared>>
          tpu.enqueue_dma source(%dma_start3A_463 : memref<160xf32, #tpu.memory_space<vmem_shared>>) target(%arg24 : memref<160xf32, #tpu.memory_space<vmem>>) target_semaphore(%run_scoped3A : memref<!tpu.dma_semaphore, #tpu.memory_space<semaphore_mem>>)
          %dma_wait3A_464 = tpu.memref_slice %arg30[%add3A_444] : memref<10080xf32, #tpu.memory_space<vmem_shared>> -> memref<160xf32, #tpu.memory_space<vmem_shared>>
          %dma_wait3A_465 = tpu.memref_slice %arg30[%add3A_444] : memref<10080xf32, #tpu.memory_space<vmem_shared>> -> memref<160xf32, #tpu.memory_space<vmem_shared>>
          tpu.wait_dma2 semaphore(%run_scoped3A : memref<!tpu.dma_semaphore, #tpu.memory_space<semaphore_mem>>) src(%dma_wait3A_465 : memref<160xf32, #tpu.memory_space<vmem_shared>>) dst(%arg24 : memref<160xf32, #tpu.memory_space<vmem>>)
          tpu.yield
        }) : () -> ()
        "tpu.region"() ({
          %run_scoped3A = tpu.sem_alloc : memref<!tpu.dma_semaphore, #tpu.memory_space<semaphore_mem>>
          %dma_start3A_462 = tpu.memref_slice %arg31[%add3A_444] : memref<10080xf32, #tpu.memory_space<vmem_shared>> -> memref<160xf32, #tpu.memory_space<vmem_shared>>
          %dma_start3A_463 = tpu.memref_slice %arg31[%add3A_444] : memref<10080xf32, #tpu.memory_space<vmem_shared>> -> memref<160xf32, #tpu.memory_space<vmem_shared>>
          tpu.enqueue_dma source(%dma_start3A_463 : memref<160xf32, #tpu.memory_space<vmem_shared>>) target(%arg25 : memref<160xf32, #tpu.memory_space<vmem>>) target_semaphore(%run_scoped3A : memref<!tpu.dma_semaphore, #tpu.memory_space<semaphore_mem>>)
          %dma_wait3A_464 = tpu.memref_slice %arg31[%add3A_444] : memref<10080xf32, #tpu.memory_space<vmem_shared>> -> memref<160xf32, #tpu.memory_space<vmem_shared>>
          %dma_wait3A_465 = tpu.memref_slice %arg31[%add3A_444] : memref<10080xf32, #tpu.memory_space<vmem_shared>> -> memref<160xf32, #tpu.memory_space<vmem_shared>>
          tpu.wait_dma2 semaphore(%run_scoped3A : memref<!tpu.dma_semaphore, #tpu.memory_space<semaphore_mem>>) src(%dma_wait3A_465 : memref<160xf32, #tpu.memory_space<vmem_shared>>) dst(%arg25 : memref<160xf32, #tpu.memory_space<vmem>>)
          tpu.yield
        }) : () -> ()
        "tpu.region"() ({
          %run_scoped3A = tpu.sem_alloc : memref<!tpu.dma_semaphore, #tpu.memory_space<semaphore_mem>>
          %dma_start3A_462 = tpu.memref_slice %arg32[%add3A_444] : memref<10080xf32, #tpu.memory_space<vmem_shared>> -> memref<160xf32, #tpu.memory_space<vmem_shared>>
          %dma_start3A_463 = tpu.memref_slice %arg32[%add3A_444] : memref<10080xf32, #tpu.memory_space<vmem_shared>> -> memref<160xf32, #tpu.memory_space<vmem_shared>>
          tpu.enqueue_dma source(%dma_start3A_463 : memref<160xf32, #tpu.memory_space<vmem_shared>>) target(%arg26 : memref<160xf32, #tpu.memory_space<vmem>>) target_semaphore(%run_scoped3A : memref<!tpu.dma_semaphore, #tpu.memory_space<semaphore_mem>>)
          %dma_wait3A_464 = tpu.memref_slice %arg32[%add3A_444] : memref<10080xf32, #tpu.memory_space<vmem_shared>> -> memref<160xf32, #tpu.memory_space<vmem_shared>>
          %dma_wait3A_465 = tpu.memref_slice %arg32[%add3A_444] : memref<10080xf32, #tpu.memory_space<vmem_shared>> -> memref<160xf32, #tpu.memory_space<vmem_shared>>
          tpu.wait_dma2 semaphore(%run_scoped3A : memref<!tpu.dma_semaphore, #tpu.memory_space<semaphore_mem>>) src(%dma_wait3A_465 : memref<160xf32, #tpu.memory_space<vmem_shared>>) dst(%arg26 : memref<160xf32, #tpu.memory_space<vmem>>)
          tpu.yield
        }) : () -> ()
        %scan3A_450 = arith.constant 0 : i32
        %scan3A_451 = arith.constant 0 : i32
        %scan3A_452 = arith.constant 10 : i32
        %scan3A_453 = arith.addi %scan3A_451, %scan3A_452 : i32
        %scan3A_454 = arith.constant 1 : i32
        scf.for %scan3A_462 = %scan3A_451 to %scan3A_453 step %scan3A_454  : i32 {
          %mul3A_463 = arith.constant 16 : i32
          %mul3A_464 = arith.muli %scan3A_462, %mul3A_463 : i32
          %add3A_465 = arith.addi %add3A_444, %mul3A_464 : i32
          %broadcast_in_dim3A = vector.broadcast %add3A_465 : i32 to vector<16xi32>
          %add3A_466 = arith.addi %broadcast_in_dim3A, %iota3A : vector<16xi32>
          %mul3A_467 = arith.constant 2 : i32
          %mul3A_468 = vector.broadcast %mul3A_467 : i32 to vector<16xi32>
          %mul3A_469 = arith.muli %add3A_466, %mul3A_468 : vector<16xi32>
          %gather3A_470 = tpu.vector_load_idx %arg9[%mul3A_469] : memref<20480xf32, #tpu.memory_space<vmem>>[vector<16xi32>], vector<16xf32>,
          %mul3A_471 = arith.constant 2 : i32
          %mul3A_472 = vector.broadcast %mul3A_471 : i32 to vector<16xi32>
          %mul3A_473 = arith.muli %add3A_466, %mul3A_472 : vector<16xi32>
          %add3A_474 = arith.constant 1 : i32
          %add3A_475 = vector.broadcast %add3A_474 : i32 to vector<16xi32>
          %add3A_476 = arith.addi %mul3A_473, %add3A_475 : vector<16xi32>
          %gather3A_477 = tpu.vector_load_idx %arg9[%add3A_476] : memref<20480xf32, #tpu.memory_space<vmem>>[vector<16xi32>], vector<16xf32>,
          %mul3A_478 = arith.constant 16 : i32
          %mul3A_479 = arith.muli %scan3A_462, %mul3A_478 : i32
          %get3A_480 = arith.index_cast %mul3A_479 : i32 to index
          %get3A_481 = tpu.vector_load %arg25[%get3A_480] {strides = array<i32>} : memref<160xf32, #tpu.memory_space<vmem>>, vector<16xf32>,
          %add3A_482 = arith.addf %gather3A_470, %gather3A_477 : vector<16xf32>
          %mul3A_483 = arith.constant 16 : i32
          %mul3A_484 = arith.muli %scan3A_462, %mul3A_483 : i32
          %get3A_485 = arith.index_cast %mul3A_484 : i32 to index
          %get3A_486 = tpu.vector_load %arg26[%get3A_485] {strides = array<i32>} : memref<160xf32, #tpu.memory_space<vmem>>, vector<16xf32>,
          %max3A = arith.constant 1.000000e+00 : f32
          %max3A_487 = vector.broadcast %max3A : f32 to vector<16xf32>
          %max3A_488 = arith.maximumf %get3A_481, %max3A_487 : vector<16xf32>
          %div3A = arith.divf %get3A_486, %max3A_488 : vector<16xf32>
          %add3A_489 = arith.addf %add3A_482, %div3A : vector<16xf32>
          %gt3A_490 = arith.constant 0.000000e+00 : f32
          %gt3A_491 = vector.broadcast %gt3A_490 : f32 to vector<16xf32>
          %gt3A_492 = arith.cmpf ogt, %add3A_489, %gt3A_491 : vector<16xf32>
          %mul3A_493 = arith.constant 2.000000e-01 : f32
          %mul3A_494 = vector.broadcast %mul3A_493 : f32 to vector<16xf32>
          %mul3A_495 = arith.mulf %mul3A_494, %add3A_489 : vector<16xf32>
          %select_n3A_496 = arith.select %gt3A_492, %add3A_489, %mul3A_495 : vector<16xi1>, vector<16xf32>
          %exp3A_497 = math.exp %select_n3A_496 : vector<16xf32>
          %mul3A_498 = arith.constant 16 : i32
          %mul3A_499 = arith.muli %scan3A_462, %mul3A_498 : i32
          %swap3A_500 = arith.index_cast %mul3A_499 : i32 to index
          %swap3A_501 = tpu.vector_load %arg27[%swap3A_500] {strides = array<i32>} : memref<160xf32, #tpu.memory_space<vmem>>, vector<16xf32>,
          tpu.vector_store %arg27[%swap3A_500], %exp3A_497 {strides = array<i32>} : memref<160xf32, #tpu.memory_space<vmem>>, vector<16xf32>,
          %mul3A_502 = arith.constant 16 : i32
          %mul3A_503 = arith.muli %scan3A_462, %mul3A_502 : i32
          %get3A_504 = arith.index_cast %mul3A_503 : i32 to index
          %get3A_505 = tpu.vector_load %arg24[%get3A_504] {strides = array<i32>} : memref<160xf32, #tpu.memory_space<vmem>>, vector<16xf32>,
          %add3A_506 = arith.addf %get3A_505, %exp3A_497 : vector<16xf32>
          %mul3A_507 = arith.constant 16 : i32
          %mul3A_508 = arith.muli %scan3A_462, %mul3A_507 : i32
          %swap3A_509 = arith.index_cast %mul3A_508 : i32 to index
          %swap3A_510 = tpu.vector_load %arg24[%swap3A_509] {strides = array<i32>} : memref<160xf32, #tpu.memory_space<vmem>>, vector<16xf32>,
          tpu.vector_store %arg24[%swap3A_509], %add3A_506 {strides = array<i32>} : memref<160xf32, #tpu.memory_space<vmem>>, vector<16xf32>,
        }
        %scan3A_455 = arith.constant 10 : i32
        "tpu.region"() ({
          %run_scoped3A = tpu.sem_alloc : memref<!tpu.dma_semaphore, #tpu.memory_space<semaphore_mem>>
          %dma_start3A_462 = tpu.memref_slice %arg30[%add3A_444] : memref<10080xf32, #tpu.memory_space<vmem_shared>> -> memref<160xf32, #tpu.memory_space<vmem_shared>>
          %dma_start3A_463 = tpu.memref_slice %arg30[%add3A_444] : memref<10080xf32, #tpu.memory_space<vmem_shared>> -> memref<160xf32, #tpu.memory_space<vmem_shared>>
          tpu.enqueue_dma source(%arg24 : memref<160xf32, #tpu.memory_space<vmem>>) target(%dma_start3A_463 : memref<160xf32, #tpu.memory_space<vmem_shared>>) target_semaphore(%run_scoped3A : memref<!tpu.dma_semaphore, #tpu.memory_space<semaphore_mem>>)
          %dma_wait3A_464 = tpu.memref_slice %arg30[%add3A_444] : memref<10080xf32, #tpu.memory_space<vmem_shared>> -> memref<160xf32, #tpu.memory_space<vmem_shared>>
          %dma_wait3A_465 = tpu.memref_slice %arg30[%add3A_444] : memref<10080xf32, #tpu.memory_space<vmem_shared>> -> memref<160xf32, #tpu.memory_space<vmem_shared>>
          tpu.wait_dma2 semaphore(%run_scoped3A : memref<!tpu.dma_semaphore, #tpu.memory_space<semaphore_mem>>) src(%arg24 : memref<160xf32, #tpu.memory_space<vmem>>) dst(%dma_wait3A_465 : memref<160xf32, #tpu.memory_space<vmem_shared>>)
          tpu.yield
        }) : () -> ()
        %scan3A_456 = arith.constant 0 : i32
        %scan3A_457 = arith.constant 0 : i32
        %scan3A_458 = arith.constant 2 : i32
        %scan3A_459 = arith.addi %scan3A_457, %scan3A_458 : i32
        %scan3A_460 = arith.constant 1 : i32
        scf.for %scan3A_462 = %scan3A_457 to %scan3A_459 step %scan3A_460  : i32 {
          %mul3A_463 = arith.constant 80 : i32
          %mul3A_464 = arith.muli %scan3A_462, %mul3A_463 : i32
          %add3A_465 = arith.addi %add3A_444, %mul3A_464 : i32
          %lt3A_466 = arith.constant 10000 : i32
          %lt3A_467 = arith.cmpi slt, %add3A_465, %lt3A_466 : i32
          %convert_element_type3A_468 = arith.extui %lt3A_467 : i1 to i32
          %cond3A_469 = arith.constant 0 : i32
          %cond3A_470 = arith.cmpi ne, %convert_element_type3A_468, %cond3A_469 : i32
          scf.if %cond3A_470 {
            %scan3A_471 = arith.constant 0 : i32
            %scan3A_472 = arith.constant 0 : i32
            %scan3A_473 = arith.constant 5 : i32
            %scan3A_474 = arith.addi %scan3A_472, %scan3A_473 : i32
            %scan3A_475 = arith.constant 1 : i32
            scf.for %scan3A_488 = %scan3A_472 to %scan3A_474 step %scan3A_475  : i32 {
              %mul3A_489 = arith.constant 80 : i32
              %mul3A_490 = arith.muli %scan3A_462, %mul3A_489 : i32
              %add3A_491 = arith.addi %add3A_447, %mul3A_490 : i32
              %mul3A_492 = arith.constant 16 : i32
              %mul3A_493 = arith.muli %scan3A_488, %mul3A_492 : i32
              %add3A_494 = arith.addi %add3A_491, %mul3A_493 : i32
              %broadcast_in_dim3A = vector.broadcast %add3A_494 : i32 to vector<16xi32>
              %add3A_495 = arith.addi %broadcast_in_dim3A, %iota3A : vector<16xi32>
              %mul3A_496 = arith.constant 16 : i32
              %mul3A_497 = arith.muli %scan3A_488, %mul3A_496 : i32
              %swap3A_498 = arith.constant 0 : i32
              %swap3A_499 = arith.index_cast %swap3A_498 : i32 to index
              %swap3A_500 = arith.index_cast %mul3A_497 : i32 to index
              %swap3A_501 = tpu.vector_load %arg20[%swap3A_499, %swap3A_500] {strides = array<i32>} : memref<2x80xi32, #tpu.memory_space<vmem>>, vector<16xi32>,
              tpu.vector_store %arg20[%swap3A_499, %swap3A_500], %add3A_495 {strides = array<i32>} : memref<2x80xi32, #tpu.memory_space<vmem>>, vector<16xi32>,
            }
            %scan3A_476 = arith.constant 5 : i32
            %run_scoped3A = arith.constant 0 : i32
            %run_scoped3A_477 = arith.constant 0 : i32
            "tpu.region"() ({
              %run_scoped3A_488 = tpu.sem_alloc : memref<!tpu.dma_semaphore, #tpu.memory_space<semaphore_mem>>
              %dma_start3A_489 = arith.constant 0 : i32
              %dma_start3A_490 = arith.constant 0 : i32
              %dma_start3A_491 = tpu.memref_slice %arg23[%run_scoped3A_477, %dma_start3A_489, %dma_start3A_490] : memref<2x80x128xf32, #tpu.memory_space<vmem>> -> memref<1x80x128xf32, #tpu.memory_space<vmem>>
              %dma_start3A_492 = tpu.memref_squeeze %dma_start3A_491 : memref<1x80x128xf32, #tpu.memory_space<vmem>> -> memref<80x128xf32, #tpu.memory_space<vmem>>
              %dma_start3A_493 = arith.constant 0 : i32
              %dma_start3A_494 = tpu.memref_slice %arg20[%run_scoped3A, %dma_start3A_493] : memref<2x80xi32, #tpu.memory_space<vmem>> -> memref<1x80xi32, #tpu.memory_space<vmem>>
              %dma_start3A_495 = tpu.memref_squeeze %dma_start3A_494 : memref<1x80xi32, #tpu.memory_space<vmem>> -> memref<80xi32, #tpu.memory_space<vmem>>
              %dma_start3A_496 = arith.constant 0 : i32
              %dma_start3A_497 = arith.constant 0 : i32
              %dma_start3A_498 = tpu.memref_slice %arg5[%dma_start3A_496, %dma_start3A_497] : memref<20480x128xf32, #tpu.memory_space<hbm>> -> memref<20480x128xf32, #tpu.memory_space<hbm>>
              tpu.enqueue_indirect_dma source(%dma_start3A_498 : memref<20480x128xf32, #tpu.memory_space<hbm>>) target(%dma_start3A_492 : memref<80x128xf32, #tpu.memory_space<vmem>>) offsets(%dma_start3A_495 : memref<80xi32, #tpu.memory_space<vmem>>) semaphore(%run_scoped3A_488 : memref<!tpu.dma_semaphore, #tpu.memory_space<semaphore_mem>>)
              %dma_wait3A_499 = arith.constant 0 : i32
              %dma_wait3A_500 = arith.constant 0 : i32
              %dma_wait3A_501 = tpu.memref_slice %arg23[%run_scoped3A_477, %dma_wait3A_499, %dma_wait3A_500] : memref<2x80x128xf32, #tpu.memory_space<vmem>> -> memref<1x80x128xf32, #tpu.memory_space<vmem>>
              %dma_wait3A_502 = tpu.memref_squeeze %dma_wait3A_501 : memref<1x80x128xf32, #tpu.memory_space<vmem>> -> memref<80x128xf32, #tpu.memory_space<vmem>>
              %dma_wait3A_503 = arith.constant 0 : i32
              %dma_wait3A_504 = tpu.memref_slice %arg20[%run_scoped3A, %dma_wait3A_503] : memref<2x80xi32, #tpu.memory_space<vmem>> -> memref<1x80xi32, #tpu.memory_space<vmem>>
              %dma_wait3A_505 = tpu.memref_squeeze %dma_wait3A_504 : memref<1x80xi32, #tpu.memory_space<vmem>> -> memref<80xi32, #tpu.memory_space<vmem>>
              %dma_wait3A_506 = arith.constant 0 : i32
              %dma_wait3A_507 = arith.constant 0 : i32
              %dma_wait3A_508 = tpu.memref_slice %arg5[%dma_wait3A_506, %dma_wait3A_507] : memref<20480x128xf32, #tpu.memory_space<hbm>> -> memref<20480x128xf32, #tpu.memory_space<hbm>>
              tpu.wait_indirect_dma semaphore(%run_scoped3A_488 : memref<!tpu.dma_semaphore, #tpu.memory_space<semaphore_mem>>) src(%dma_wait3A_508 : memref<20480x128xf32, #tpu.memory_space<hbm>>) dst(%dma_wait3A_502 : memref<80x128xf32, #tpu.memory_space<vmem>>)
              tpu.yield
            }) : () -> ()
            %scan3A_478 = arith.constant 0 : i32
            %scan3A_479 = arith.constant 0 : i32
            %scan3A_480 = arith.constant 20 : i32
            %scan3A_481 = arith.addi %scan3A_479, %scan3A_480 : i32
            %scan3A_482 = arith.constant 1 : i32
            scf.for %scan3A_488 = %scan3A_479 to %scan3A_481 step %scan3A_482  : i32 {
              %mul3A_489 = arith.constant 4 : i32
              %mul3A_490 = arith.muli %scan3A_488, %mul3A_489 : i32
              %add3A_491 = arith.constant 0 : i32
              %add3A_492 = arith.addi %mul3A_490, %add3A_491 : i32
              %mul3A_493 = arith.constant 80 : i32
              %mul3A_494 = arith.muli %scan3A_462, %mul3A_493 : i32
              %add3A_495 = arith.addi %mul3A_494, %add3A_492 : i32
              %broadcast_in_dim3A = vector.broadcast %add3A_495 : i32 to vector<16xi32>
              %gather3A_496 = tpu.vector_load_idx %arg27[%broadcast_in_dim3A] : memref<160xf32, #tpu.memory_space<vmem>>[vector<16xi32>], vector<16xf32>,
              %get3A_497 = arith.constant 0 : i32
              %get3A_498 = arith.index_cast %get3A_497 : i32 to index
              %get3A_499 = arith.index_cast %add3A_492 : i32 to index
              %get3A_500 = arith.constant 0 : index
              %get3A_501 = tpu.vector_load %arg23[%get3A_498, %get3A_499, %get3A_500] {strides = array<i32>} : memref<2x80x128xf32, #tpu.memory_space<vmem>>, vector<16xf32>,
              %mul3A_502 = arith.mulf %get3A_501, %gather3A_496 : vector<16xf32>
              %swap3A_503 = arith.constant 0 : i32
              %swap3A_504 = arith.index_cast %swap3A_503 : i32 to index
              %swap3A_505 = arith.index_cast %add3A_492 : i32 to index
              %swap3A_506 = arith.constant 0 : index
              %swap3A_507 = tpu.vector_load %arg23[%swap3A_504, %swap3A_505, %swap3A_506] {strides = array<i32>} : memref<2x80x128xf32, #tpu.memory_space<vmem>>, vector<16xf32>,
              tpu.vector_store %arg23[%swap3A_504, %swap3A_505, %swap3A_506], %mul3A_502 {strides = array<i32>} : memref<2x80x128xf32, #tpu.memory_space<vmem>>, vector<16xf32>,
              %get3A_508 = arith.constant 0 : i32
              %get3A_509 = arith.index_cast %get3A_508 : i32 to index
              %get3A_510 = arith.index_cast %add3A_492 : i32 to index
              %get3A_511 = arith.constant 16 : index
              %get3A_512 = tpu.vector_load %arg23[%get3A_509, %get3A_510, %get3A_511] {strides = array<i32>} : memref<2x80x128xf32, #tpu.memory_space<vmem>>, vector<16xf32>,
              %mul3A_513 = arith.mulf %get3A_512, %gather3A_496 : vector<16xf32>
              %swap3A_514 = arith.constant 0 : i32
              %swap3A_515 = arith.index_cast %swap3A_514 : i32 to index
              %swap3A_516 = arith.index_cast %add3A_492 : i32 to index
              %swap3A_517 = arith.constant 16 : index
              %swap3A_518 = tpu.vector_load %arg23[%swap3A_515, %swap3A_516, %swap3A_517] {strides = array<i32>} : memref<2x80x128xf32, #tpu.memory_space<vmem>>, vector<16xf32>,
              tpu.vector_store %arg23[%swap3A_515, %swap3A_516, %swap3A_517], %mul3A_513 {strides = array<i32>} : memref<2x80x128xf32, #tpu.memory_space<vmem>>, vector<16xf32>,
              %get3A_519 = arith.constant 0 : i32
              %get3A_520 = arith.index_cast %get3A_519 : i32 to index
              %get3A_521 = arith.index_cast %add3A_492 : i32 to index
              %get3A_522 = arith.constant 32 : index
              %get3A_523 = tpu.vector_load %arg23[%get3A_520, %get3A_521, %get3A_522] {strides = array<i32>} : memref<2x80x128xf32, #tpu.memory_space<vmem>>, vector<16xf32>,
              %mul3A_524 = arith.mulf %get3A_523, %gather3A_496 : vector<16xf32>
              %swap3A_525 = arith.constant 0 : i32
              %swap3A_526 = arith.index_cast %swap3A_525 : i32 to index
              %swap3A_527 = arith.index_cast %add3A_492 : i32 to index
              %swap3A_528 = arith.constant 32 : index
              %swap3A_529 = tpu.vector_load %arg23[%swap3A_526, %swap3A_527, %swap3A_528] {strides = array<i32>} : memref<2x80x128xf32, #tpu.memory_space<vmem>>, vector<16xf32>,
              tpu.vector_store %arg23[%swap3A_526, %swap3A_527, %swap3A_528], %mul3A_524 {strides = array<i32>} : memref<2x80x128xf32, #tpu.memory_space<vmem>>, vector<16xf32>,
              %get3A_530 = arith.constant 0 : i32
              %get3A_531 = arith.index_cast %get3A_530 : i32 to index
              %get3A_532 = arith.index_cast %add3A_492 : i32 to index
              %get3A_533 = arith.constant 48 : index
              %get3A_534 = tpu.vector_load %arg23[%get3A_531, %get3A_532, %get3A_533] {strides = array<i32>} : memref<2x80x128xf32, #tpu.memory_space<vmem>>, vector<16xf32>,
              %mul3A_535 = arith.mulf %get3A_534, %gather3A_496 : vector<16xf32>
              %swap3A_536 = arith.constant 0 : i32
              %swap3A_537 = arith.index_cast %swap3A_536 : i32 to index
              %swap3A_538 = arith.index_cast %add3A_492 : i32 to index
              %swap3A_539 = arith.constant 48 : index
              %swap3A_540 = tpu.vector_load %arg23[%swap3A_537, %swap3A_538, %swap3A_539] {strides = array<i32>} : memref<2x80x128xf32, #tpu.memory_space<vmem>>, vector<16xf32>,
              tpu.vector_store %arg23[%swap3A_537, %swap3A_538, %swap3A_539], %mul3A_535 {strides = array<i32>} : memref<2x80x128xf32, #tpu.memory_space<vmem>>, vector<16xf32>,
              %get3A_541 = arith.constant 0 : i32
              %get3A_542 = arith.index_cast %get3A_541 : i32 to index
              %get3A_543 = arith.index_cast %add3A_492 : i32 to index
              %get3A_544 = arith.constant 64 : index
              %get3A_545 = tpu.vector_load %arg23[%get3A_542, %get3A_543, %get3A_544] {strides = array<i32>} : memref<2x80x128xf32, #tpu.memory_space<vmem>>, vector<16xf32>,
              %mul3A_546 = arith.mulf %get3A_545, %gather3A_496 : vector<16xf32>
              %swap3A_547 = arith.constant 0 : i32
              %swap3A_548 = arith.index_cast %swap3A_547 : i32 to index
              %swap3A_549 = arith.index_cast %add3A_492 : i32 to index
              %swap3A_550 = arith.constant 64 : index
              %swap3A_551 = tpu.vector_load %arg23[%swap3A_548, %swap3A_549, %swap3A_550] {strides = array<i32>} : memref<2x80x128xf32, #tpu.memory_space<vmem>>, vector<16xf32>,
              tpu.vector_store %arg23[%swap3A_548, %swap3A_549, %swap3A_550], %mul3A_546 {strides = array<i32>} : memref<2x80x128xf32, #tpu.memory_space<vmem>>, vector<16xf32>,
              %get3A_552 = arith.constant 0 : i32
              %get3A_553 = arith.index_cast %get3A_552 : i32 to index
              %get3A_554 = arith.index_cast %add3A_492 : i32 to index
              %get3A_555 = arith.constant 80 : index
              %get3A_556 = tpu.vector_load %arg23[%get3A_553, %get3A_554, %get3A_555] {strides = array<i32>} : memref<2x80x128xf32, #tpu.memory_space<vmem>>, vector<16xf32>,
              %mul3A_557 = arith.mulf %get3A_556, %gather3A_496 : vector<16xf32>
              %swap3A_558 = arith.constant 0 : i32
              %swap3A_559 = arith.index_cast %swap3A_558 : i32 to index
              %swap3A_560 = arith.index_cast %add3A_492 : i32 to index
              %swap3A_561 = arith.constant 80 : index
              %swap3A_562 = tpu.vector_load %arg23[%swap3A_559, %swap3A_560, %swap3A_561] {strides = array<i32>} : memref<2x80x128xf32, #tpu.memory_space<vmem>>, vector<16xf32>,
              tpu.vector_store %arg23[%swap3A_559, %swap3A_560, %swap3A_561], %mul3A_557 {strides = array<i32>} : memref<2x80x128xf32, #tpu.memory_space<vmem>>, vector<16xf32>,
              %get3A_563 = arith.constant 0 : i32
              %get3A_564 = arith.index_cast %get3A_563 : i32 to index
              %get3A_565 = arith.index_cast %add3A_492 : i32 to index
              %get3A_566 = arith.constant 96 : index
              %get3A_567 = tpu.vector_load %arg23[%get3A_564, %get3A_565, %get3A_566] {strides = array<i32>} : memref<2x80x128xf32, #tpu.memory_space<vmem>>, vector<16xf32>,
              %mul3A_568 = arith.mulf %get3A_567, %gather3A_496 : vector<16xf32>
              %swap3A_569 = arith.constant 0 : i32
              %swap3A_570 = arith.index_cast %swap3A_569 : i32 to index
              %swap3A_571 = arith.index_cast %add3A_492 : i32 to index
              %swap3A_572 = arith.constant 96 : index
              %swap3A_573 = tpu.vector_load %arg23[%swap3A_570, %swap3A_571, %swap3A_572] {strides = array<i32>} : memref<2x80x128xf32, #tpu.memory_space<vmem>>, vector<16xf32>,
              tpu.vector_store %arg23[%swap3A_570, %swap3A_571, %swap3A_572], %mul3A_568 {strides = array<i32>} : memref<2x80x128xf32, #tpu.memory_space<vmem>>, vector<16xf32>,
              %get3A_574 = arith.constant 0 : i32
              %get3A_575 = arith.index_cast %get3A_574 : i32 to index
              %get3A_576 = arith.index_cast %add3A_492 : i32 to index
              %get3A_577 = arith.constant 112 : index
              %get3A_578 = tpu.vector_load %arg23[%get3A_575, %get3A_576, %get3A_577] {strides = array<i32>} : memref<2x80x128xf32, #tpu.memory_space<vmem>>, vector<16xf32>,
              %mul3A_579 = arith.mulf %get3A_578, %gather3A_496 : vector<16xf32>
              %swap3A_580 = arith.constant 0 : i32
              %swap3A_581 = arith.index_cast %swap3A_580 : i32 to index
              %swap3A_582 = arith.index_cast %add3A_492 : i32 to index
              %swap3A_583 = arith.constant 112 : index
              %swap3A_584 = tpu.vector_load %arg23[%swap3A_581, %swap3A_582, %swap3A_583] {strides = array<i32>} : memref<2x80x128xf32, #tpu.memory_space<vmem>>, vector<16xf32>,
              tpu.vector_store %arg23[%swap3A_581, %swap3A_582, %swap3A_583], %mul3A_579 {strides = array<i32>} : memref<2x80x128xf32, #tpu.memory_space<vmem>>, vector<16xf32>,
              %mul3A_585 = arith.constant 4 : i32
              %mul3A_586 = arith.muli %scan3A_488, %mul3A_585 : i32
              %add3A_587 = arith.constant 1 : i32
              %add3A_588 = arith.addi %mul3A_586, %add3A_587 : i32
              %mul3A_589 = arith.constant 80 : i32
              %mul3A_590 = arith.muli %scan3A_462, %mul3A_589 : i32
              %add3A_591 = arith.addi %mul3A_590, %add3A_588 : i32
              %broadcast_in_dim3A_592 = vector.broadcast %add3A_591 : i32 to vector<16xi32>
              %gather3A_593 = tpu.vector_load_idx %arg27[%broadcast_in_dim3A_592] : memref<160xf32, #tpu.memory_space<vmem>>[vector<16xi32>], vector<16xf32>,
              %get3A_594 = arith.constant 0 : i32
              %get3A_595 = arith.index_cast %get3A_594 : i32 to index
              %get3A_596 = arith.index_cast %add3A_588 : i32 to index
              %get3A_597 = arith.constant 0 : index
              %get3A_598 = tpu.vector_load %arg23[%get3A_595, %get3A_596, %get3A_597] {strides = array<i32>} : memref<2x80x128xf32, #tpu.memory_space<vmem>>, vector<16xf32>,
              %mul3A_599 = arith.mulf %get3A_598, %gather3A_593 : vector<16xf32>
              %swap3A_600 = arith.constant 0 : i32
              %swap3A_601 = arith.index_cast %swap3A_600 : i32 to index
              %swap3A_602 = arith.index_cast %add3A_588 : i32 to index
              %swap3A_603 = arith.constant 0 : index
              %swap3A_604 = tpu.vector_load %arg23[%swap3A_601, %swap3A_602, %swap3A_603] {strides = array<i32>} : memref<2x80x128xf32, #tpu.memory_space<vmem>>, vector<16xf32>,
              tpu.vector_store %arg23[%swap3A_601, %swap3A_602, %swap3A_603], %mul3A_599 {strides = array<i32>} : memref<2x80x128xf32, #tpu.memory_space<vmem>>, vector<16xf32>,
              %get3A_605 = arith.constant 0 : i32
              %get3A_606 = arith.index_cast %get3A_605 : i32 to index
              %get3A_607 = arith.index_cast %add3A_588 : i32 to index
              %get3A_608 = arith.constant 16 : index
              %get3A_609 = tpu.vector_load %arg23[%get3A_606, %get3A_607, %get3A_608] {strides = array<i32>} : memref<2x80x128xf32, #tpu.memory_space<vmem>>, vector<16xf32>,
              %mul3A_610 = arith.mulf %get3A_609, %gather3A_593 : vector<16xf32>
              %swap3A_611 = arith.constant 0 : i32
              %swap3A_612 = arith.index_cast %swap3A_611 : i32 to index
              %swap3A_613 = arith.index_cast %add3A_588 : i32 to index
              %swap3A_614 = arith.constant 16 : index
              %swap3A_615 = tpu.vector_load %arg23[%swap3A_612, %swap3A_613, %swap3A_614] {strides = array<i32>} : memref<2x80x128xf32, #tpu.memory_space<vmem>>, vector<16xf32>,
              tpu.vector_store %arg23[%swap3A_612, %swap3A_613, %swap3A_614], %mul3A_610 {strides = array<i32>} : memref<2x80x128xf32, #tpu.memory_space<vmem>>, vector<16xf32>,
              %get3A_616 = arith.constant 0 : i32
              %get3A_617 = arith.index_cast %get3A_616 : i32 to index
              %get3A_618 = arith.index_cast %add3A_588 : i32 to index
              %get3A_619 = arith.constant 32 : index
              %get3A_620 = tpu.vector_load %arg23[%get3A_617, %get3A_618, %get3A_619] {strides = array<i32>} : memref<2x80x128xf32, #tpu.memory_space<vmem>>, vector<16xf32>,
              %mul3A_621 = arith.mulf %get3A_620, %gather3A_593 : vector<16xf32>
              %swap3A_622 = arith.constant 0 : i32
              %swap3A_623 = arith.index_cast %swap3A_622 : i32 to index
              %swap3A_624 = arith.index_cast %add3A_588 : i32 to index
              %swap3A_625 = arith.constant 32 : index
              %swap3A_626 = tpu.vector_load %arg23[%swap3A_623, %swap3A_624, %swap3A_625] {strides = array<i32>} : memref<2x80x128xf32, #tpu.memory_space<vmem>>, vector<16xf32>,
              tpu.vector_store %arg23[%swap3A_623, %swap3A_624, %swap3A_625], %mul3A_621 {strides = array<i32>} : memref<2x80x128xf32, #tpu.memory_space<vmem>>, vector<16xf32>,
              %get3A_627 = arith.constant 0 : i32
              %get3A_628 = arith.index_cast %get3A_627 : i32 to index
              %get3A_629 = arith.index_cast %add3A_588 : i32 to index
              %get3A_630 = arith.constant 48 : index
              %get3A_631 = tpu.vector_load %arg23[%get3A_628, %get3A_629, %get3A_630] {strides = array<i32>} : memref<2x80x128xf32, #tpu.memory_space<vmem>>, vector<16xf32>,
              %mul3A_632 = arith.mulf %get3A_631, %gather3A_593 : vector<16xf32>
              %swap3A_633 = arith.constant 0 : i32
              %swap3A_634 = arith.index_cast %swap3A_633 : i32 to index
              %swap3A_635 = arith.index_cast %add3A_588 : i32 to index
              %swap3A_636 = arith.constant 48 : index
              %swap3A_637 = tpu.vector_load %arg23[%swap3A_634, %swap3A_635, %swap3A_636] {strides = array<i32>} : memref<2x80x128xf32, #tpu.memory_space<vmem>>, vector<16xf32>,
              tpu.vector_store %arg23[%swap3A_634, %swap3A_635, %swap3A_636], %mul3A_632 {strides = array<i32>} : memref<2x80x128xf32, #tpu.memory_space<vmem>>, vector<16xf32>,
              %get3A_638 = arith.constant 0 : i32
              %get3A_639 = arith.index_cast %get3A_638 : i32 to index
              %get3A_640 = arith.index_cast %add3A_588 : i32 to index
              %get3A_641 = arith.constant 64 : index
              %get3A_642 = tpu.vector_load %arg23[%get3A_639, %get3A_640, %get3A_641] {strides = array<i32>} : memref<2x80x128xf32, #tpu.memory_space<vmem>>, vector<16xf32>,
              %mul3A_643 = arith.mulf %get3A_642, %gather3A_593 : vector<16xf32>
              %swap3A_644 = arith.constant 0 : i32
              %swap3A_645 = arith.index_cast %swap3A_644 : i32 to index
              %swap3A_646 = arith.index_cast %add3A_588 : i32 to index
              %swap3A_647 = arith.constant 64 : index
              %swap3A_648 = tpu.vector_load %arg23[%swap3A_645, %swap3A_646, %swap3A_647] {strides = array<i32>} : memref<2x80x128xf32, #tpu.memory_space<vmem>>, vector<16xf32>,
              tpu.vector_store %arg23[%swap3A_645, %swap3A_646, %swap3A_647], %mul3A_643 {strides = array<i32>} : memref<2x80x128xf32, #tpu.memory_space<vmem>>, vector<16xf32>,
              %get3A_649 = arith.constant 0 : i32
              %get3A_650 = arith.index_cast %get3A_649 : i32 to index
              %get3A_651 = arith.index_cast %add3A_588 : i32 to index
              %get3A_652 = arith.constant 80 : index
              %get3A_653 = tpu.vector_load %arg23[%get3A_650, %get3A_651, %get3A_652] {strides = array<i32>} : memref<2x80x128xf32, #tpu.memory_space<vmem>>, vector<16xf32>,
              %mul3A_654 = arith.mulf %get3A_653, %gather3A_593 : vector<16xf32>
              %swap3A_655 = arith.constant 0 : i32
              %swap3A_656 = arith.index_cast %swap3A_655 : i32 to index
              %swap3A_657 = arith.index_cast %add3A_588 : i32 to index
              %swap3A_658 = arith.constant 80 : index
              %swap3A_659 = tpu.vector_load %arg23[%swap3A_656, %swap3A_657, %swap3A_658] {strides = array<i32>} : memref<2x80x128xf32, #tpu.memory_space<vmem>>, vector<16xf32>,
              tpu.vector_store %arg23[%swap3A_656, %swap3A_657, %swap3A_658], %mul3A_654 {strides = array<i32>} : memref<2x80x128xf32, #tpu.memory_space<vmem>>, vector<16xf32>,
              %get3A_660 = arith.constant 0 : i32
              %get3A_661 = arith.index_cast %get3A_660 : i32 to index
              %get3A_662 = arith.index_cast %add3A_588 : i32 to index
              %get3A_663 = arith.constant 96 : index
              %get3A_664 = tpu.vector_load %arg23[%get3A_661, %get3A_662, %get3A_663] {strides = array<i32>} : memref<2x80x128xf32, #tpu.memory_space<vmem>>, vector<16xf32>,
              %mul3A_665 = arith.mulf %get3A_664, %gather3A_593 : vector<16xf32>
              %swap3A_666 = arith.constant 0 : i32
              %swap3A_667 = arith.index_cast %swap3A_666 : i32 to index
              %swap3A_668 = arith.index_cast %add3A_588 : i32 to index
              %swap3A_669 = arith.constant 96 : index
              %swap3A_670 = tpu.vector_load %arg23[%swap3A_667, %swap3A_668, %swap3A_669] {strides = array<i32>} : memref<2x80x128xf32, #tpu.memory_space<vmem>>, vector<16xf32>,
              tpu.vector_store %arg23[%swap3A_667, %swap3A_668, %swap3A_669], %mul3A_665 {strides = array<i32>} : memref<2x80x128xf32, #tpu.memory_space<vmem>>, vector<16xf32>,
              %get3A_671 = arith.constant 0 : i32
              %get3A_672 = arith.index_cast %get3A_671 : i32 to index
              %get3A_673 = arith.index_cast %add3A_588 : i32 to index
              %get3A_674 = arith.constant 112 : index
              %get3A_675 = tpu.vector_load %arg23[%get3A_672, %get3A_673, %get3A_674] {strides = array<i32>} : memref<2x80x128xf32, #tpu.memory_space<vmem>>, vector<16xf32>,
              %mul3A_676 = arith.mulf %get3A_675, %gather3A_593 : vector<16xf32>
              %swap3A_677 = arith.constant 0 : i32
              %swap3A_678 = arith.index_cast %swap3A_677 : i32 to index
              %swap3A_679 = arith.index_cast %add3A_588 : i32 to index
              %swap3A_680 = arith.constant 112 : index
              %swap3A_681 = tpu.vector_load %arg23[%swap3A_678, %swap3A_679, %swap3A_680] {strides = array<i32>} : memref<2x80x128xf32, #tpu.memory_space<vmem>>, vector<16xf32>,
              tpu.vector_store %arg23[%swap3A_678, %swap3A_679, %swap3A_680], %mul3A_676 {strides = array<i32>} : memref<2x80x128xf32, #tpu.memory_space<vmem>>, vector<16xf32>,
              %mul3A_682 = arith.constant 4 : i32
              %mul3A_683 = arith.muli %scan3A_488, %mul3A_682 : i32
              %add3A_684 = arith.constant 2 : i32
              %add3A_685 = arith.addi %mul3A_683, %add3A_684 : i32
              %mul3A_686 = arith.constant 80 : i32
              %mul3A_687 = arith.muli %scan3A_462, %mul3A_686 : i32
              %add3A_688 = arith.addi %mul3A_687, %add3A_685 : i32
              %broadcast_in_dim3A_689 = vector.broadcast %add3A_688 : i32 to vector<16xi32>
              %gather3A_690 = tpu.vector_load_idx %arg27[%broadcast_in_dim3A_689] : memref<160xf32, #tpu.memory_space<vmem>>[vector<16xi32>], vector<16xf32>,
              %get3A_691 = arith.constant 0 : i32
              %get3A_692 = arith.index_cast %get3A_691 : i32 to index
              %get3A_693 = arith.index_cast %add3A_685 : i32 to index
              %get3A_694 = arith.constant 0 : index
              %get3A_695 = tpu.vector_load %arg23[%get3A_692, %get3A_693, %get3A_694] {strides = array<i32>} : memref<2x80x128xf32, #tpu.memory_space<vmem>>, vector<16xf32>,
              %mul3A_696 = arith.mulf %get3A_695, %gather3A_690 : vector<16xf32>
              %swap3A_697 = arith.constant 0 : i32
              %swap3A_698 = arith.index_cast %swap3A_697 : i32 to index
              %swap3A_699 = arith.index_cast %add3A_685 : i32 to index
              %swap3A_700 = arith.constant 0 : index
              %swap3A_701 = tpu.vector_load %arg23[%swap3A_698, %swap3A_699, %swap3A_700] {strides = array<i32>} : memref<2x80x128xf32, #tpu.memory_space<vmem>>, vector<16xf32>,
              tpu.vector_store %arg23[%swap3A_698, %swap3A_699, %swap3A_700], %mul3A_696 {strides = array<i32>} : memref<2x80x128xf32, #tpu.memory_space<vmem>>, vector<16xf32>,
              %get3A_702 = arith.constant 0 : i32
              %get3A_703 = arith.index_cast %get3A_702 : i32 to index
              %get3A_704 = arith.index_cast %add3A_685 : i32 to index
              %get3A_705 = arith.constant 16 : index
              %get3A_706 = tpu.vector_load %arg23[%get3A_703, %get3A_704, %get3A_705] {strides = array<i32>} : memref<2x80x128xf32, #tpu.memory_space<vmem>>, vector<16xf32>,
              %mul3A_707 = arith.mulf %get3A_706, %gather3A_690 : vector<16xf32>
              %swap3A_708 = arith.constant 0 : i32
              %swap3A_709 = arith.index_cast %swap3A_708 : i32 to index
              %swap3A_710 = arith.index_cast %add3A_685 : i32 to index
              %swap3A_711 = arith.constant 16 : index
              %swap3A_712 = tpu.vector_load %arg23[%swap3A_709, %swap3A_710, %swap3A_711] {strides = array<i32>} : memref<2x80x128xf32, #tpu.memory_space<vmem>>, vector<16xf32>,
              tpu.vector_store %arg23[%swap3A_709, %swap3A_710, %swap3A_711], %mul3A_707 {strides = array<i32>} : memref<2x80x128xf32, #tpu.memory_space<vmem>>, vector<16xf32>,
              %get3A_713 = arith.constant 0 : i32
              %get3A_714 = arith.index_cast %get3A_713 : i32 to index
              %get3A_715 = arith.index_cast %add3A_685 : i32 to index
              %get3A_716 = arith.constant 32 : index
              %get3A_717 = tpu.vector_load %arg23[%get3A_714, %get3A_715, %get3A_716] {strides = array<i32>} : memref<2x80x128xf32, #tpu.memory_space<vmem>>, vector<16xf32>,
              %mul3A_718 = arith.mulf %get3A_717, %gather3A_690 : vector<16xf32>
              %swap3A_719 = arith.constant 0 : i32
              %swap3A_720 = arith.index_cast %swap3A_719 : i32 to index
              %swap3A_721 = arith.index_cast %add3A_685 : i32 to index
              %swap3A_722 = arith.constant 32 : index
              %swap3A_723 = tpu.vector_load %arg23[%swap3A_720, %swap3A_721, %swap3A_722] {strides = array<i32>} : memref<2x80x128xf32, #tpu.memory_space<vmem>>, vector<16xf32>,
              tpu.vector_store %arg23[%swap3A_720, %swap3A_721, %swap3A_722], %mul3A_718 {strides = array<i32>} : memref<2x80x128xf32, #tpu.memory_space<vmem>>, vector<16xf32>,
              %get3A_724 = arith.constant 0 : i32
              %get3A_725 = arith.index_cast %get3A_724 : i32 to index
              %get3A_726 = arith.index_cast %add3A_685 : i32 to index
              %get3A_727 = arith.constant 48 : index
              %get3A_728 = tpu.vector_load %arg23[%get3A_725, %get3A_726, %get3A_727] {strides = array<i32>} : memref<2x80x128xf32, #tpu.memory_space<vmem>>, vector<16xf32>,
              %mul3A_729 = arith.mulf %get3A_728, %gather3A_690 : vector<16xf32>
              %swap3A_730 = arith.constant 0 : i32
              %swap3A_731 = arith.index_cast %swap3A_730 : i32 to index
              %swap3A_732 = arith.index_cast %add3A_685 : i32 to index
              %swap3A_733 = arith.constant 48 : index
              %swap3A_734 = tpu.vector_load %arg23[%swap3A_731, %swap3A_732, %swap3A_733] {strides = array<i32>} : memref<2x80x128xf32, #tpu.memory_space<vmem>>, vector<16xf32>,
              tpu.vector_store %arg23[%swap3A_731, %swap3A_732, %swap3A_733], %mul3A_729 {strides = array<i32>} : memref<2x80x128xf32, #tpu.memory_space<vmem>>, vector<16xf32>,
              %get3A_735 = arith.constant 0 : i32
              %get3A_736 = arith.index_cast %get3A_735 : i32 to index
              %get3A_737 = arith.index_cast %add3A_685 : i32 to index
              %get3A_738 = arith.constant 64 : index
              %get3A_739 = tpu.vector_load %arg23[%get3A_736, %get3A_737, %get3A_738] {strides = array<i32>} : memref<2x80x128xf32, #tpu.memory_space<vmem>>, vector<16xf32>,
              %mul3A_740 = arith.mulf %get3A_739, %gather3A_690 : vector<16xf32>
              %swap3A_741 = arith.constant 0 : i32
              %swap3A_742 = arith.index_cast %swap3A_741 : i32 to index
              %swap3A_743 = arith.index_cast %add3A_685 : i32 to index
              %swap3A_744 = arith.constant 64 : index
              %swap3A_745 = tpu.vector_load %arg23[%swap3A_742, %swap3A_743, %swap3A_744] {strides = array<i32>} : memref<2x80x128xf32, #tpu.memory_space<vmem>>, vector<16xf32>,
              tpu.vector_store %arg23[%swap3A_742, %swap3A_743, %swap3A_744], %mul3A_740 {strides = array<i32>} : memref<2x80x128xf32, #tpu.memory_space<vmem>>, vector<16xf32>,
              %get3A_746 = arith.constant 0 : i32
              %get3A_747 = arith.index_cast %get3A_746 : i32 to index
              %get3A_748 = arith.index_cast %add3A_685 : i32 to index
              %get3A_749 = arith.constant 80 : index
              %get3A_750 = tpu.vector_load %arg23[%get3A_747, %get3A_748, %get3A_749] {strides = array<i32>} : memref<2x80x128xf32, #tpu.memory_space<vmem>>, vector<16xf32>,
              %mul3A_751 = arith.mulf %get3A_750, %gather3A_690 : vector<16xf32>
              %swap3A_752 = arith.constant 0 : i32
              %swap3A_753 = arith.index_cast %swap3A_752 : i32 to index
              %swap3A_754 = arith.index_cast %add3A_685 : i32 to index
              %swap3A_755 = arith.constant 80 : index
              %swap3A_756 = tpu.vector_load %arg23[%swap3A_753, %swap3A_754, %swap3A_755] {strides = array<i32>} : memref<2x80x128xf32, #tpu.memory_space<vmem>>, vector<16xf32>,
              tpu.vector_store %arg23[%swap3A_753, %swap3A_754, %swap3A_755], %mul3A_751 {strides = array<i32>} : memref<2x80x128xf32, #tpu.memory_space<vmem>>, vector<16xf32>,
              %get3A_757 = arith.constant 0 : i32
              %get3A_758 = arith.index_cast %get3A_757 : i32 to index
              %get3A_759 = arith.index_cast %add3A_685 : i32 to index
              %get3A_760 = arith.constant 96 : index
              %get3A_761 = tpu.vector_load %arg23[%get3A_758, %get3A_759, %get3A_760] {strides = array<i32>} : memref<2x80x128xf32, #tpu.memory_space<vmem>>, vector<16xf32>,
              %mul3A_762 = arith.mulf %get3A_761, %gather3A_690 : vector<16xf32>
              %swap3A_763 = arith.constant 0 : i32
              %swap3A_764 = arith.index_cast %swap3A_763 : i32 to index
              %swap3A_765 = arith.index_cast %add3A_685 : i32 to index
              %swap3A_766 = arith.constant 96 : index
              %swap3A_767 = tpu.vector_load %arg23[%swap3A_764, %swap3A_765, %swap3A_766] {strides = array<i32>} : memref<2x80x128xf32, #tpu.memory_space<vmem>>, vector<16xf32>,
              tpu.vector_store %arg23[%swap3A_764, %swap3A_765, %swap3A_766], %mul3A_762 {strides = array<i32>} : memref<2x80x128xf32, #tpu.memory_space<vmem>>, vector<16xf32>,
              %get3A_768 = arith.constant 0 : i32
              %get3A_769 = arith.index_cast %get3A_768 : i32 to index
              %get3A_770 = arith.index_cast %add3A_685 : i32 to index
              %get3A_771 = arith.constant 112 : index
              %get3A_772 = tpu.vector_load %arg23[%get3A_769, %get3A_770, %get3A_771] {strides = array<i32>} : memref<2x80x128xf32, #tpu.memory_space<vmem>>, vector<16xf32>,
              %mul3A_773 = arith.mulf %get3A_772, %gather3A_690 : vector<16xf32>
              %swap3A_774 = arith.constant 0 : i32
              %swap3A_775 = arith.index_cast %swap3A_774 : i32 to index
              %swap3A_776 = arith.index_cast %add3A_685 : i32 to index
              %swap3A_777 = arith.constant 112 : index
              %swap3A_778 = tpu.vector_load %arg23[%swap3A_775, %swap3A_776, %swap3A_777] {strides = array<i32>} : memref<2x80x128xf32, #tpu.memory_space<vmem>>, vector<16xf32>,
              tpu.vector_store %arg23[%swap3A_775, %swap3A_776, %swap3A_777], %mul3A_773 {strides = array<i32>} : memref<2x80x128xf32, #tpu.memory_space<vmem>>, vector<16xf32>,
              %mul3A_779 = arith.constant 4 : i32
              %mul3A_780 = arith.muli %scan3A_488, %mul3A_779 : i32
              %add3A_781 = arith.constant 3 : i32
              %add3A_782 = arith.addi %mul3A_780, %add3A_781 : i32
              %mul3A_783 = arith.constant 80 : i32
              %mul3A_784 = arith.muli %scan3A_462, %mul3A_783 : i32
              %add3A_785 = arith.addi %mul3A_784, %add3A_782 : i32
              %broadcast_in_dim3A_786 = vector.broadcast %add3A_785 : i32 to vector<16xi32>
              %gather3A_787 = tpu.vector_load_idx %arg27[%broadcast_in_dim3A_786] : memref<160xf32, #tpu.memory_space<vmem>>[vector<16xi32>], vector<16xf32>,
              %get3A_788 = arith.constant 0 : i32
              %get3A_789 = arith.index_cast %get3A_788 : i32 to index
              %get3A_790 = arith.index_cast %add3A_782 : i32 to index
              %get3A_791 = arith.constant 0 : index
              %get3A_792 = tpu.vector_load %arg23[%get3A_789, %get3A_790, %get3A_791] {strides = array<i32>} : memref<2x80x128xf32, #tpu.memory_space<vmem>>, vector<16xf32>,
              %mul3A_793 = arith.mulf %get3A_792, %gather3A_787 : vector<16xf32>
              %swap3A_794 = arith.constant 0 : i32
              %swap3A_795 = arith.index_cast %swap3A_794 : i32 to index
              %swap3A_796 = arith.index_cast %add3A_782 : i32 to index
              %swap3A_797 = arith.constant 0 : index
              %swap3A_798 = tpu.vector_load %arg23[%swap3A_795, %swap3A_796, %swap3A_797] {strides = array<i32>} : memref<2x80x128xf32, #tpu.memory_space<vmem>>, vector<16xf32>,
              tpu.vector_store %arg23[%swap3A_795, %swap3A_796, %swap3A_797], %mul3A_793 {strides = array<i32>} : memref<2x80x128xf32, #tpu.memory_space<vmem>>, vector<16xf32>,
              %get3A_799 = arith.constant 0 : i32
              %get3A_800 = arith.index_cast %get3A_799 : i32 to index
              %get3A_801 = arith.index_cast %add3A_782 : i32 to index
              %get3A_802 = arith.constant 16 : index
              %get3A_803 = tpu.vector_load %arg23[%get3A_800, %get3A_801, %get3A_802] {strides = array<i32>} : memref<2x80x128xf32, #tpu.memory_space<vmem>>, vector<16xf32>,
              %mul3A_804 = arith.mulf %get3A_803, %gather3A_787 : vector<16xf32>
              %swap3A_805 = arith.constant 0 : i32
              %swap3A_806 = arith.index_cast %swap3A_805 : i32 to index
              %swap3A_807 = arith.index_cast %add3A_782 : i32 to index
              %swap3A_808 = arith.constant 16 : index
              %swap3A_809 = tpu.vector_load %arg23[%swap3A_806, %swap3A_807, %swap3A_808] {strides = array<i32>} : memref<2x80x128xf32, #tpu.memory_space<vmem>>, vector<16xf32>,
              tpu.vector_store %arg23[%swap3A_806, %swap3A_807, %swap3A_808], %mul3A_804 {strides = array<i32>} : memref<2x80x128xf32, #tpu.memory_space<vmem>>, vector<16xf32>,
              %get3A_810 = arith.constant 0 : i32
              %get3A_811 = arith.index_cast %get3A_810 : i32 to index
              %get3A_812 = arith.index_cast %add3A_782 : i32 to index
              %get3A_813 = arith.constant 32 : index
              %get3A_814 = tpu.vector_load %arg23[%get3A_811, %get3A_812, %get3A_813] {strides = array<i32>} : memref<2x80x128xf32, #tpu.memory_space<vmem>>, vector<16xf32>,
              %mul3A_815 = arith.mulf %get3A_814, %gather3A_787 : vector<16xf32>
              %swap3A_816 = arith.constant 0 : i32
              %swap3A_817 = arith.index_cast %swap3A_816 : i32 to index
              %swap3A_818 = arith.index_cast %add3A_782 : i32 to index
              %swap3A_819 = arith.constant 32 : index
              %swap3A_820 = tpu.vector_load %arg23[%swap3A_817, %swap3A_818, %swap3A_819] {strides = array<i32>} : memref<2x80x128xf32, #tpu.memory_space<vmem>>, vector<16xf32>,
              tpu.vector_store %arg23[%swap3A_817, %swap3A_818, %swap3A_819], %mul3A_815 {strides = array<i32>} : memref<2x80x128xf32, #tpu.memory_space<vmem>>, vector<16xf32>,
              %get3A_821 = arith.constant 0 : i32
              %get3A_822 = arith.index_cast %get3A_821 : i32 to index
              %get3A_823 = arith.index_cast %add3A_782 : i32 to index
              %get3A_824 = arith.constant 48 : index
              %get3A_825 = tpu.vector_load %arg23[%get3A_822, %get3A_823, %get3A_824] {strides = array<i32>} : memref<2x80x128xf32, #tpu.memory_space<vmem>>, vector<16xf32>,
              %mul3A_826 = arith.mulf %get3A_825, %gather3A_787 : vector<16xf32>
              %swap3A_827 = arith.constant 0 : i32
              %swap3A_828 = arith.index_cast %swap3A_827 : i32 to index
              %swap3A_829 = arith.index_cast %add3A_782 : i32 to index
              %swap3A_830 = arith.constant 48 : index
              %swap3A_831 = tpu.vector_load %arg23[%swap3A_828, %swap3A_829, %swap3A_830] {strides = array<i32>} : memref<2x80x128xf32, #tpu.memory_space<vmem>>, vector<16xf32>,
              tpu.vector_store %arg23[%swap3A_828, %swap3A_829, %swap3A_830], %mul3A_826 {strides = array<i32>} : memref<2x80x128xf32, #tpu.memory_space<vmem>>, vector<16xf32>,
              %get3A_832 = arith.constant 0 : i32
              %get3A_833 = arith.index_cast %get3A_832 : i32 to index
              %get3A_834 = arith.index_cast %add3A_782 : i32 to index
              %get3A_835 = arith.constant 64 : index
              %get3A_836 = tpu.vector_load %arg23[%get3A_833, %get3A_834, %get3A_835] {strides = array<i32>} : memref<2x80x128xf32, #tpu.memory_space<vmem>>, vector<16xf32>,
              %mul3A_837 = arith.mulf %get3A_836, %gather3A_787 : vector<16xf32>
              %swap3A_838 = arith.constant 0 : i32
              %swap3A_839 = arith.index_cast %swap3A_838 : i32 to index
              %swap3A_840 = arith.index_cast %add3A_782 : i32 to index
              %swap3A_841 = arith.constant 64 : index
              %swap3A_842 = tpu.vector_load %arg23[%swap3A_839, %swap3A_840, %swap3A_841] {strides = array<i32>} : memref<2x80x128xf32, #tpu.memory_space<vmem>>, vector<16xf32>,
              tpu.vector_store %arg23[%swap3A_839, %swap3A_840, %swap3A_841], %mul3A_837 {strides = array<i32>} : memref<2x80x128xf32, #tpu.memory_space<vmem>>, vector<16xf32>,
              %get3A_843 = arith.constant 0 : i32
              %get3A_844 = arith.index_cast %get3A_843 : i32 to index
              %get3A_845 = arith.index_cast %add3A_782 : i32 to index
              %get3A_846 = arith.constant 80 : index
              %get3A_847 = tpu.vector_load %arg23[%get3A_844, %get3A_845, %get3A_846] {strides = array<i32>} : memref<2x80x128xf32, #tpu.memory_space<vmem>>, vector<16xf32>,
              %mul3A_848 = arith.mulf %get3A_847, %gather3A_787 : vector<16xf32>
              %swap3A_849 = arith.constant 0 : i32
              %swap3A_850 = arith.index_cast %swap3A_849 : i32 to index
              %swap3A_851 = arith.index_cast %add3A_782 : i32 to index
              %swap3A_852 = arith.constant 80 : index
              %swap3A_853 = tpu.vector_load %arg23[%swap3A_850, %swap3A_851, %swap3A_852] {strides = array<i32>} : memref<2x80x128xf32, #tpu.memory_space<vmem>>, vector<16xf32>,
              tpu.vector_store %arg23[%swap3A_850, %swap3A_851, %swap3A_852], %mul3A_848 {strides = array<i32>} : memref<2x80x128xf32, #tpu.memory_space<vmem>>, vector<16xf32>,
              %get3A_854 = arith.constant 0 : i32
              %get3A_855 = arith.index_cast %get3A_854 : i32 to index
              %get3A_856 = arith.index_cast %add3A_782 : i32 to index
              %get3A_857 = arith.constant 96 : index
              %get3A_858 = tpu.vector_load %arg23[%get3A_855, %get3A_856, %get3A_857] {strides = array<i32>} : memref<2x80x128xf32, #tpu.memory_space<vmem>>, vector<16xf32>,
              %mul3A_859 = arith.mulf %get3A_858, %gather3A_787 : vector<16xf32>
              %swap3A_860 = arith.constant 0 : i32
              %swap3A_861 = arith.index_cast %swap3A_860 : i32 to index
              %swap3A_862 = arith.index_cast %add3A_782 : i32 to index
              %swap3A_863 = arith.constant 96 : index
              %swap3A_864 = tpu.vector_load %arg23[%swap3A_861, %swap3A_862, %swap3A_863] {strides = array<i32>} : memref<2x80x128xf32, #tpu.memory_space<vmem>>, vector<16xf32>,
              tpu.vector_store %arg23[%swap3A_861, %swap3A_862, %swap3A_863], %mul3A_859 {strides = array<i32>} : memref<2x80x128xf32, #tpu.memory_space<vmem>>, vector<16xf32>,
              %get3A_865 = arith.constant 0 : i32
              %get3A_866 = arith.index_cast %get3A_865 : i32 to index
              %get3A_867 = arith.index_cast %add3A_782 : i32 to index
              %get3A_868 = arith.constant 112 : index
              %get3A_869 = tpu.vector_load %arg23[%get3A_866, %get3A_867, %get3A_868] {strides = array<i32>} : memref<2x80x128xf32, #tpu.memory_space<vmem>>, vector<16xf32>,
              %mul3A_870 = arith.mulf %get3A_869, %gather3A_787 : vector<16xf32>
              %swap3A_871 = arith.constant 0 : i32
              %swap3A_872 = arith.index_cast %swap3A_871 : i32 to index
              %swap3A_873 = arith.index_cast %add3A_782 : i32 to index
              %swap3A_874 = arith.constant 112 : index
              %swap3A_875 = tpu.vector_load %arg23[%swap3A_872, %swap3A_873, %swap3A_874] {strides = array<i32>} : memref<2x80x128xf32, #tpu.memory_space<vmem>>, vector<16xf32>,
              tpu.vector_store %arg23[%swap3A_872, %swap3A_873, %swap3A_874], %mul3A_870 {strides = array<i32>} : memref<2x80x128xf32, #tpu.memory_space<vmem>>, vector<16xf32>,
            }
            %scan3A_483 = arith.constant 20 : i32
            %mul3A_484 = arith.constant 80 : i32
            %mul3A_485 = arith.muli %scan3A_462, %mul3A_484 : i32
            %add3A_486 = arith.addi %add3A_444, %mul3A_485 : i32
            %run_scoped3A_487 = arith.constant 0 : i32
            "tpu.region"() ({
              %run_scoped3A_488 = tpu.sem_alloc : memref<!tpu.dma_semaphore, #tpu.memory_space<semaphore_mem>>
              %dma_start3A_489 = arith.constant 0 : i32
              %dma_start3A_490 = arith.constant 0 : i32
              %dma_start3A_491 = tpu.memref_slice %arg23[%run_scoped3A_487, %dma_start3A_489, %dma_start3A_490] : memref<2x80x128xf32, #tpu.memory_space<vmem>> -> memref<1x80x128xf32, #tpu.memory_space<vmem>>
              %dma_start3A_492 = tpu.memref_squeeze %dma_start3A_491 : memref<1x80x128xf32, #tpu.memory_space<vmem>> -> memref<80x128xf32, #tpu.memory_space<vmem>>
              %dma_start3A_493 = arith.constant 0 : i32
              %dma_start3A_494 = tpu.memref_slice %arg29[%add3A_486, %dma_start3A_493] : memref<10000x128xf32, #tpu.memory_space<vmem_shared>> -> memref<80x128xf32, #tpu.memory_space<vmem_shared>>
              %dma_start3A_495 = arith.constant 0 : i32
              %dma_start3A_496 = tpu.memref_slice %arg29[%add3A_486, %dma_start3A_495] : memref<10000x128xf32, #tpu.memory_space<vmem_shared>> -> memref<80x128xf32, #tpu.memory_space<vmem_shared>>
              %dma_start3A_497 = arith.constant 0 : i32
              %dma_start3A_498 = arith.constant 0 : i32
              %dma_start3A_499 = tpu.memref_slice %arg23[%run_scoped3A_487, %dma_start3A_497, %dma_start3A_498] : memref<2x80x128xf32, #tpu.memory_space<vmem>> -> memref<1x80x128xf32, #tpu.memory_space<vmem>>
              %dma_start3A_500 = tpu.memref_squeeze %dma_start3A_499 : memref<1x80x128xf32, #tpu.memory_space<vmem>> -> memref<80x128xf32, #tpu.memory_space<vmem>>
              tpu.enqueue_dma source(%dma_start3A_500 : memref<80x128xf32, #tpu.memory_space<vmem>>) target(%dma_start3A_496 : memref<80x128xf32, #tpu.memory_space<vmem_shared>>) target_semaphore(%run_scoped3A_488 : memref<!tpu.dma_semaphore, #tpu.memory_space<semaphore_mem>>)
              %dma_wait3A_501 = arith.constant 0 : i32
              %dma_wait3A_502 = arith.constant 0 : i32
              %dma_wait3A_503 = tpu.memref_slice %arg23[%run_scoped3A_487, %dma_wait3A_501, %dma_wait3A_502] : memref<2x80x128xf32, #tpu.memory_space<vmem>> -> memref<1x80x128xf32, #tpu.memory_space<vmem>>
              %dma_wait3A_504 = tpu.memref_squeeze %dma_wait3A_503 : memref<1x80x128xf32, #tpu.memory_space<vmem>> -> memref<80x128xf32, #tpu.memory_space<vmem>>
              %dma_wait3A_505 = arith.constant 0 : i32
              %dma_wait3A_506 = tpu.memref_slice %arg29[%add3A_486, %dma_wait3A_505] : memref<10000x128xf32, #tpu.memory_space<vmem_shared>> -> memref<80x128xf32, #tpu.memory_space<vmem_shared>>
              %dma_wait3A_507 = arith.constant 0 : i32
              %dma_wait3A_508 = tpu.memref_slice %arg29[%add3A_486, %dma_wait3A_507] : memref<10000x128xf32, #tpu.memory_space<vmem_shared>> -> memref<80x128xf32, #tpu.memory_space<vmem_shared>>
              %dma_wait3A_509 = arith.constant 0 : i32
              %dma_wait3A_510 = arith.constant 0 : i32
              %dma_wait3A_511 = tpu.memref_slice %arg23[%run_scoped3A_487, %dma_wait3A_509, %dma_wait3A_510] : memref<2x80x128xf32, #tpu.memory_space<vmem>> -> memref<1x80x128xf32, #tpu.memory_space<vmem>>
              %dma_wait3A_512 = tpu.memref_squeeze %dma_wait3A_511 : memref<1x80x128xf32, #tpu.memory_space<vmem>> -> memref<80x128xf32, #tpu.memory_space<vmem>>
              tpu.wait_dma2 semaphore(%run_scoped3A_488 : memref<!tpu.dma_semaphore, #tpu.memory_space<semaphore_mem>>) src(%dma_wait3A_512 : memref<80x128xf32, #tpu.memory_space<vmem>>) dst(%dma_wait3A_508 : memref<80x128xf32, #tpu.memory_space<vmem_shared>>)
              tpu.yield
            }) : () -> ()
          } else {
          }
        }
        %scan3A_461 = arith.constant 2 : i32
      } else {
      }
    }
    %scan3A_44 = arith.constant 4 : i32
    %barrier3A_45 = arith.constant 0 : index
    tpu.barrier barrier_id(%barrier3A_45)
    %add3A_46 = arith.constant 0 : i32
    %add3A_47 = arith.addi %add3A, %add3A_46 : i32
    %dma_start3A = arith.constant 0 : i32
    %dma_start3A_48 = arith.constant 0 : i32
    %dma_start3A_49 = tpu.memref_slice %arg17[%dma_start3A, %dma_start3A_48] : memref<2x80xi32, #tpu.memory_space<vmem>> -> memref<1x80xi32, #tpu.memory_space<vmem>>
    %dma_start3A_50 = tpu.memref_squeeze %dma_start3A_49 : memref<1x80xi32, #tpu.memory_space<vmem>> -> memref<80xi32, #tpu.memory_space<vmem>>
    %dma_start3A_51 = tpu.memref_slice %arg2[%add3A_47] : memref<640000xi32, #tpu.memory_space<hbm>> -> memref<80xi32, #tpu.memory_space<hbm>>
    %dma_start3A_52 = arith.constant 0 : i32
    %dma_start3A_53 = tpu.memref_slice %arg17[%dma_start3A, %dma_start3A_52] : memref<2x80xi32, #tpu.memory_space<vmem>> -> memref<1x80xi32, #tpu.memory_space<vmem>>
    %dma_start3A_54 = tpu.memref_squeeze %dma_start3A_53 : memref<1x80xi32, #tpu.memory_space<vmem>> -> memref<80xi32, #tpu.memory_space<vmem>>
    %dma_start3A_55 = tpu.memref_slice %arg2[%add3A_47] : memref<640000xi32, #tpu.memory_space<hbm>> -> memref<80xi32, #tpu.memory_space<hbm>>
    tpu.enqueue_dma source(%dma_start3A_55 : memref<80xi32, #tpu.memory_space<hbm>>) target(%dma_start3A_54 : memref<80xi32, #tpu.memory_space<vmem>>) target_semaphore(%arg35 : memref<!tpu.dma_semaphore, #tpu.memory_space<semaphore_mem>>)
    %dma_start3A_56 = arith.constant 0 : i32
    %dma_start3A_57 = arith.constant 0 : i32
    %dma_start3A_58 = tpu.memref_slice %arg18[%dma_start3A_56, %dma_start3A_57] : memref<2x80xi32, #tpu.memory_space<vmem>> -> memref<1x80xi32, #tpu.memory_space<vmem>>
    %dma_start3A_59 = tpu.memref_squeeze %dma_start3A_58 : memref<1x80xi32, #tpu.memory_space<vmem>> -> memref<80xi32, #tpu.memory_space<vmem>>
    %dma_start3A_60 = tpu.memref_slice %arg3[%add3A_47] : memref<640000xi32, #tpu.memory_space<hbm>> -> memref<80xi32, #tpu.memory_space<hbm>>
    %dma_start3A_61 = arith.constant 0 : i32
    %dma_start3A_62 = tpu.memref_slice %arg18[%dma_start3A_56, %dma_start3A_61] : memref<2x80xi32, #tpu.memory_space<vmem>> -> memref<1x80xi32, #tpu.memory_space<vmem>>
    %dma_start3A_63 = tpu.memref_squeeze %dma_start3A_62 : memref<1x80xi32, #tpu.memory_space<vmem>> -> memref<80xi32, #tpu.memory_space<vmem>>
    %dma_start3A_64 = tpu.memref_slice %arg3[%add3A_47] : memref<640000xi32, #tpu.memory_space<hbm>> -> memref<80xi32, #tpu.memory_space<hbm>>
    tpu.enqueue_dma source(%dma_start3A_64 : memref<80xi32, #tpu.memory_space<hbm>>) target(%dma_start3A_63 : memref<80xi32, #tpu.memory_space<vmem>>) target_semaphore(%arg35 : memref<!tpu.dma_semaphore, #tpu.memory_space<semaphore_mem>>)
    %dma_start3A_65 = arith.constant 0 : i32
    %dma_start3A_66 = arith.constant 0 : i32
    %dma_start3A_67 = tpu.memref_slice %arg19[%dma_start3A_65, %dma_start3A_66] : memref<2x80xf32, #tpu.memory_space<vmem>> -> memref<1x80xf32, #tpu.memory_space<vmem>>
    %dma_start3A_68 = tpu.memref_squeeze %dma_start3A_67 : memref<1x80xf32, #tpu.memory_space<vmem>> -> memref<80xf32, #tpu.memory_space<vmem>>
    %dma_start3A_69 = tpu.memref_slice %arg4[%add3A_47] : memref<640000xf32, #tpu.memory_space<hbm>> -> memref<80xf32, #tpu.memory_space<hbm>>
    %dma_start3A_70 = arith.constant 0 : i32
    %dma_start3A_71 = tpu.memref_slice %arg19[%dma_start3A_65, %dma_start3A_70] : memref<2x80xf32, #tpu.memory_space<vmem>> -> memref<1x80xf32, #tpu.memory_space<vmem>>
    %dma_start3A_72 = tpu.memref_squeeze %dma_start3A_71 : memref<1x80xf32, #tpu.memory_space<vmem>> -> memref<80xf32, #tpu.memory_space<vmem>>
    %dma_start3A_73 = tpu.memref_slice %arg4[%add3A_47] : memref<640000xf32, #tpu.memory_space<hbm>> -> memref<80xf32, #tpu.memory_space<hbm>>
    tpu.enqueue_dma source(%dma_start3A_73 : memref<80xf32, #tpu.memory_space<hbm>>) target(%dma_start3A_72 : memref<80xf32, #tpu.memory_space<vmem>>) target_semaphore(%arg35 : memref<!tpu.dma_semaphore, #tpu.memory_space<semaphore_mem>>)
    %add3A_74 = arith.constant 0 : i32
    %add3A_75 = arith.addi %add3A, %add3A_74 : i32
    %dma_wait3A = arith.constant 0 : i32
    %dma_wait3A_76 = arith.constant 0 : i32
    %dma_wait3A_77 = tpu.memref_slice %arg17[%dma_wait3A, %dma_wait3A_76] : memref<2x80xi32, #tpu.memory_space<vmem>> -> memref<1x80xi32, #tpu.memory_space<vmem>>
    %dma_wait3A_78 = tpu.memref_squeeze %dma_wait3A_77 : memref<1x80xi32, #tpu.memory_space<vmem>> -> memref<80xi32, #tpu.memory_space<vmem>>
    %dma_wait3A_79 = tpu.memref_slice %arg2[%add3A_75] : memref<640000xi32, #tpu.memory_space<hbm>> -> memref<80xi32, #tpu.memory_space<hbm>>
    %dma_wait3A_80 = arith.constant 0 : i32
    %dma_wait3A_81 = tpu.memref_slice %arg17[%dma_wait3A, %dma_wait3A_80] : memref<2x80xi32, #tpu.memory_space<vmem>> -> memref<1x80xi32, #tpu.memory_space<vmem>>
    %dma_wait3A_82 = tpu.memref_squeeze %dma_wait3A_81 : memref<1x80xi32, #tpu.memory_space<vmem>> -> memref<80xi32, #tpu.memory_space<vmem>>
    %dma_wait3A_83 = tpu.memref_slice %arg2[%add3A_75] : memref<640000xi32, #tpu.memory_space<hbm>> -> memref<80xi32, #tpu.memory_space<hbm>>
    tpu.wait_dma2 semaphore(%arg35 : memref<!tpu.dma_semaphore, #tpu.memory_space<semaphore_mem>>) src(%dma_wait3A_83 : memref<80xi32, #tpu.memory_space<hbm>>) dst(%dma_wait3A_82 : memref<80xi32, #tpu.memory_space<vmem>>)
    %dma_wait3A_84 = arith.constant 0 : i32
    %dma_wait3A_85 = arith.constant 0 : i32
    %dma_wait3A_86 = tpu.memref_slice %arg18[%dma_wait3A_84, %dma_wait3A_85] : memref<2x80xi32, #tpu.memory_space<vmem>> -> memref<1x80xi32, #tpu.memory_space<vmem>>
    %dma_wait3A_87 = tpu.memref_squeeze %dma_wait3A_86 : memref<1x80xi32, #tpu.memory_space<vmem>> -> memref<80xi32, #tpu.memory_space<vmem>>
    %dma_wait3A_88 = tpu.memref_slice %arg3[%add3A_75] : memref<640000xi32, #tpu.memory_space<hbm>> -> memref<80xi32, #tpu.memory_space<hbm>>
    %dma_wait3A_89 = arith.constant 0 : i32
    %dma_wait3A_90 = tpu.memref_slice %arg18[%dma_wait3A_84, %dma_wait3A_89] : memref<2x80xi32, #tpu.memory_space<vmem>> -> memref<1x80xi32, #tpu.memory_space<vmem>>
    %dma_wait3A_91 = tpu.memref_squeeze %dma_wait3A_90 : memref<1x80xi32, #tpu.memory_space<vmem>> -> memref<80xi32, #tpu.memory_space<vmem>>
    %dma_wait3A_92 = tpu.memref_slice %arg3[%add3A_75] : memref<640000xi32, #tpu.memory_space<hbm>> -> memref<80xi32, #tpu.memory_space<hbm>>
    tpu.wait_dma2 semaphore(%arg35 : memref<!tpu.dma_semaphore, #tpu.memory_space<semaphore_mem>>) src(%dma_wait3A_92 : memref<80xi32, #tpu.memory_space<hbm>>) dst(%dma_wait3A_91 : memref<80xi32, #tpu.memory_space<vmem>>)
    %dma_wait3A_93 = arith.constant 0 : i32
    %dma_wait3A_94 = arith.constant 0 : i32
    %dma_wait3A_95 = tpu.memref_slice %arg19[%dma_wait3A_93, %dma_wait3A_94] : memref<2x80xf32, #tpu.memory_space<vmem>> -> memref<1x80xf32, #tpu.memory_space<vmem>>
    %dma_wait3A_96 = tpu.memref_squeeze %dma_wait3A_95 : memref<1x80xf32, #tpu.memory_space<vmem>> -> memref<80xf32, #tpu.memory_space<vmem>>
    %dma_wait3A_97 = tpu.memref_slice %arg4[%add3A_75] : memref<640000xf32, #tpu.memory_space<hbm>> -> memref<80xf32, #tpu.memory_space<hbm>>
    %dma_wait3A_98 = arith.constant 0 : i32
    %dma_wait3A_99 = tpu.memref_slice %arg19[%dma_wait3A_93, %dma_wait3A_98] : memref<2x80xf32, #tpu.memory_space<vmem>> -> memref<1x80xf32, #tpu.memory_space<vmem>>
    %dma_wait3A_100 = tpu.memref_squeeze %dma_wait3A_99 : memref<1x80xf32, #tpu.memory_space<vmem>> -> memref<80xf32, #tpu.memory_space<vmem>>
    %dma_wait3A_101 = tpu.memref_slice %arg4[%add3A_75] : memref<640000xf32, #tpu.memory_space<hbm>> -> memref<80xf32, #tpu.memory_space<hbm>>
    tpu.wait_dma2 semaphore(%arg35 : memref<!tpu.dma_semaphore, #tpu.memory_space<semaphore_mem>>) src(%dma_wait3A_101 : memref<80xf32, #tpu.memory_space<hbm>>) dst(%dma_wait3A_100 : memref<80xf32, #tpu.memory_space<vmem>>)
    %get3A = arith.constant 0 : i32
    %get3A_102 = arith.index_cast %get3A : i32 to index
    %get3A_103 = arith.constant 0 : index
    %get3A_104 = tpu.vector_load %arg17[%get3A_102, %get3A_103] {strides = array<i32>} : memref<2x80xi32, #tpu.memory_space<vmem>>, vector<16xi32>,
    %get3A_105 = arith.constant 0 : i32
    %get3A_106 = arith.index_cast %get3A_105 : i32 to index
    %get3A_107 = arith.constant 0 : index
    %get3A_108 = tpu.vector_load %arg18[%get3A_106, %get3A_107] {strides = array<i32>} : memref<2x80xi32, #tpu.memory_space<vmem>>, vector<16xi32>,
    %get3A_109 = arith.constant 0 : i32
    %get3A_110 = arith.index_cast %get3A_109 : i32 to index
    %get3A_111 = arith.constant 0 : index
    %get3A_112 = tpu.vector_load %arg19[%get3A_110, %get3A_111] {strides = array<i32>} : memref<2x80xf32, #tpu.memory_space<vmem>>, vector<16xf32>,
    %mul3A_113 = arith.constant 2 : i32
    %mul3A_114 = vector.broadcast %mul3A_113 : i32 to vector<16xi32>
    %mul3A_115 = arith.muli %get3A_104, %mul3A_114 : vector<16xi32>
    %gather3A = tpu.vector_load_idx %arg9[%mul3A_115] : memref<20480xf32, #tpu.memory_space<vmem>>[vector<16xi32>], vector<16xf32>,
    %mul3A_116 = arith.constant 2 : i32
    %mul3A_117 = vector.broadcast %mul3A_116 : i32 to vector<16xi32>
    %mul3A_118 = arith.muli %get3A_108, %mul3A_117 : vector<16xi32>
    %add3A_119 = arith.constant 1 : i32
    %add3A_120 = vector.broadcast %add3A_119 : i32 to vector<16xi32>
    %add3A_121 = arith.addi %mul3A_118, %add3A_120 : vector<16xi32>
    %gather3A_122 = tpu.vector_load_idx %arg9[%add3A_121] : memref<20480xf32, #tpu.memory_space<vmem>>[vector<16xi32>], vector<16xf32>,
    %add3A_123 = arith.addf %gather3A, %gather3A_122 : vector<16xf32>
    %add3A_124 = arith.addf %add3A_123, %get3A_112 : vector<16xf32>
    %gt3A = arith.constant 0.000000e+00 : f32
    %gt3A_125 = vector.broadcast %gt3A : f32 to vector<16xf32>
    %gt3A_126 = arith.cmpf ogt, %add3A_124, %gt3A_125 : vector<16xf32>
    %mul3A_127 = arith.constant 2.000000e-01 : f32
    %mul3A_128 = vector.broadcast %mul3A_127 : f32 to vector<16xf32>
    %mul3A_129 = arith.mulf %mul3A_128, %add3A_124 : vector<16xf32>
    %select_n3A = arith.select %gt3A_126, %add3A_124, %mul3A_129 : vector<16xi1>, vector<16xf32>
    %exp3A = math.exp %select_n3A : vector<16xf32>
    %swap3A = arith.constant 0 : i32
    %swap3A_130 = arith.index_cast %swap3A : i32 to index
    %swap3A_131 = arith.constant 0 : index
    %swap3A_132 = tpu.vector_load %arg22[%swap3A_130, %swap3A_131] {strides = array<i32>} : memref<2x80xf32, #tpu.memory_space<vmem>>, vector<16xf32>,
    tpu.vector_store %arg22[%swap3A_130, %swap3A_131], %exp3A {strides = array<i32>} : memref<2x80xf32, #tpu.memory_space<vmem>>, vector<16xf32>,
    %mul3A_133 = arith.constant 10240 : i32
    %mul3A_134 = arith.muli %arg0, %mul3A_133 : i32
    %add3A_135 = vector.broadcast %mul3A_134 : i32 to vector<16xi32>
    %add3A_136 = arith.addi %get3A_104, %add3A_135 : vector<16xi32>
    %swap3A_137 = arith.constant 0 : i32
    %swap3A_138 = arith.index_cast %swap3A_137 : i32 to index
    %swap3A_139 = arith.constant 0 : index
    %swap3A_140 = tpu.vector_load %arg20[%swap3A_138, %swap3A_139] {strides = array<i32>} : memref<2x80xi32, #tpu.memory_space<vmem>>, vector<16xi32>,
    tpu.vector_store %arg20[%swap3A_138, %swap3A_139], %add3A_136 {strides = array<i32>} : memref<2x80xi32, #tpu.memory_space<vmem>>, vector<16xi32>,
    %get3A_141 = arith.constant 0 : i32
    %get3A_142 = arith.index_cast %get3A_141 : i32 to index
    %get3A_143 = arith.constant 16 : index
    %get3A_144 = tpu.vector_load %arg17[%get3A_142, %get3A_143] {strides = array<i32>} : memref<2x80xi32, #tpu.memory_space<vmem>>, vector<16xi32>,
    %get3A_145 = arith.constant 0 : i32
    %get3A_146 = arith.index_cast %get3A_145 : i32 to index
    %get3A_147 = arith.constant 16 : index
    %get3A_148 = tpu.vector_load %arg18[%get3A_146, %get3A_147] {strides = array<i32>} : memref<2x80xi32, #tpu.memory_space<vmem>>, vector<16xi32>,
    %get3A_149 = arith.constant 0 : i32
    %get3A_150 = arith.index_cast %get3A_149 : i32 to index
    %get3A_151 = arith.constant 16 : index
    %get3A_152 = tpu.vector_load %arg19[%get3A_150, %get3A_151] {strides = array<i32>} : memref<2x80xf32, #tpu.memory_space<vmem>>, vector<16xf32>,
    %mul3A_153 = arith.constant 2 : i32
    %mul3A_154 = vector.broadcast %mul3A_153 : i32 to vector<16xi32>
    %mul3A_155 = arith.muli %get3A_144, %mul3A_154 : vector<16xi32>
    %gather3A_156 = tpu.vector_load_idx %arg9[%mul3A_155] : memref<20480xf32, #tpu.memory_space<vmem>>[vector<16xi32>], vector<16xf32>,
    %mul3A_157 = arith.constant 2 : i32
    %mul3A_158 = vector.broadcast %mul3A_157 : i32 to vector<16xi32>
    %mul3A_159 = arith.muli %get3A_148, %mul3A_158 : vector<16xi32>
    %add3A_160 = arith.constant 1 : i32
    %add3A_161 = vector.broadcast %add3A_160 : i32 to vector<16xi32>
    %add3A_162 = arith.addi %mul3A_159, %add3A_161 : vector<16xi32>
    %gather3A_163 = tpu.vector_load_idx %arg9[%add3A_162] : memref<20480xf32, #tpu.memory_space<vmem>>[vector<16xi32>], vector<16xf32>,
    %add3A_164 = arith.addf %gather3A_156, %gather3A_163 : vector<16xf32>
    %add3A_165 = arith.addf %add3A_164, %get3A_152 : vector<16xf32>
    %gt3A_166 = arith.constant 0.000000e+00 : f32
    %gt3A_167 = vector.broadcast %gt3A_166 : f32 to vector<16xf32>
    %gt3A_168 = arith.cmpf ogt, %add3A_165, %gt3A_167 : vector<16xf32>
    %mul3A_169 = arith.constant 2.000000e-01 : f32
    %mul3A_170 = vector.broadcast %mul3A_169 : f32 to vector<16xf32>
    %mul3A_171 = arith.mulf %mul3A_170, %add3A_165 : vector<16xf32>
    %select_n3A_172 = arith.select %gt3A_168, %add3A_165, %mul3A_171 : vector<16xi1>, vector<16xf32>
    %exp3A_173 = math.exp %select_n3A_172 : vector<16xf32>
    %swap3A_174 = arith.constant 0 : i32
    %swap3A_175 = arith.index_cast %swap3A_174 : i32 to index
    %swap3A_176 = arith.constant 16 : index
    %swap3A_177 = tpu.vector_load %arg22[%swap3A_175, %swap3A_176] {strides = array<i32>} : memref<2x80xf32, #tpu.memory_space<vmem>>, vector<16xf32>,
    tpu.vector_store %arg22[%swap3A_175, %swap3A_176], %exp3A_173 {strides = array<i32>} : memref<2x80xf32, #tpu.memory_space<vmem>>, vector<16xf32>,
    %mul3A_178 = arith.constant 10240 : i32
    %mul3A_179 = arith.muli %arg0, %mul3A_178 : i32
    %add3A_180 = vector.broadcast %mul3A_179 : i32 to vector<16xi32>
    %add3A_181 = arith.addi %get3A_144, %add3A_180 : vector<16xi32>
    %swap3A_182 = arith.constant 0 : i32
    %swap3A_183 = arith.index_cast %swap3A_182 : i32 to index
    %swap3A_184 = arith.constant 16 : index
    %swap3A_185 = tpu.vector_load %arg20[%swap3A_183, %swap3A_184] {strides = array<i32>} : memref<2x80xi32, #tpu.memory_space<vmem>>, vector<16xi32>,
    tpu.vector_store %arg20[%swap3A_183, %swap3A_184], %add3A_181 {strides = array<i32>} : memref<2x80xi32, #tpu.memory_space<vmem>>, vector<16xi32>,
    %get3A_186 = arith.constant 0 : i32
    %get3A_187 = arith.index_cast %get3A_186 : i32 to index
    %get3A_188 = arith.constant 32 : index
    %get3A_189 = tpu.vector_load %arg17[%get3A_187, %get3A_188] {strides = array<i32>} : memref<2x80xi32, #tpu.memory_space<vmem>>, vector<16xi32>,
    %get3A_190 = arith.constant 0 : i32
    %get3A_191 = arith.index_cast %get3A_190 : i32 to index
    %get3A_192 = arith.constant 32 : index
    %get3A_193 = tpu.vector_load %arg18[%get3A_191, %get3A_192] {strides = array<i32>} : memref<2x80xi32, #tpu.memory_space<vmem>>, vector<16xi32>,
    %get3A_194 = arith.constant 0 : i32
    %get3A_195 = arith.index_cast %get3A_194 : i32 to index
    %get3A_196 = arith.constant 32 : index
    %get3A_197 = tpu.vector_load %arg19[%get3A_195, %get3A_196] {strides = array<i32>} : memref<2x80xf32, #tpu.memory_space<vmem>>, vector<16xf32>,
    %mul3A_198 = arith.constant 2 : i32
    %mul3A_199 = vector.broadcast %mul3A_198 : i32 to vector<16xi32>
    %mul3A_200 = arith.muli %get3A_189, %mul3A_199 : vector<16xi32>
    %gather3A_201 = tpu.vector_load_idx %arg9[%mul3A_200] : memref<20480xf32, #tpu.memory_space<vmem>>[vector<16xi32>], vector<16xf32>,
    %mul3A_202 = arith.constant 2 : i32
    %mul3A_203 = vector.broadcast %mul3A_202 : i32 to vector<16xi32>
    %mul3A_204 = arith.muli %get3A_193, %mul3A_203 : vector<16xi32>
    %add3A_205 = arith.constant 1 : i32
    %add3A_206 = vector.broadcast %add3A_205 : i32 to vector<16xi32>
    %add3A_207 = arith.addi %mul3A_204, %add3A_206 : vector<16xi32>
    %gather3A_208 = tpu.vector_load_idx %arg9[%add3A_207] : memref<20480xf32, #tpu.memory_space<vmem>>[vector<16xi32>], vector<16xf32>,
    %add3A_209 = arith.addf %gather3A_201, %gather3A_208 : vector<16xf32>
    %add3A_210 = arith.addf %add3A_209, %get3A_197 : vector<16xf32>
    %gt3A_211 = arith.constant 0.000000e+00 : f32
    %gt3A_212 = vector.broadcast %gt3A_211 : f32 to vector<16xf32>
    %gt3A_213 = arith.cmpf ogt, %add3A_210, %gt3A_212 : vector<16xf32>
    %mul3A_214 = arith.constant 2.000000e-01 : f32
    %mul3A_215 = vector.broadcast %mul3A_214 : f32 to vector<16xf32>
    %mul3A_216 = arith.mulf %mul3A_215, %add3A_210 : vector<16xf32>
    %select_n3A_217 = arith.select %gt3A_213, %add3A_210, %mul3A_216 : vector<16xi1>, vector<16xf32>
    %exp3A_218 = math.exp %select_n3A_217 : vector<16xf32>
    %swap3A_219 = arith.constant 0 : i32
    %swap3A_220 = arith.index_cast %swap3A_219 : i32 to index
    %swap3A_221 = arith.constant 32 : index
    %swap3A_222 = tpu.vector_load %arg22[%swap3A_220, %swap3A_221] {strides = array<i32>} : memref<2x80xf32, #tpu.memory_space<vmem>>, vector<16xf32>,
    tpu.vector_store %arg22[%swap3A_220, %swap3A_221], %exp3A_218 {strides = array<i32>} : memref<2x80xf32, #tpu.memory_space<vmem>>, vector<16xf32>,
    %mul3A_223 = arith.constant 10240 : i32
    %mul3A_224 = arith.muli %arg0, %mul3A_223 : i32
    %add3A_225 = vector.broadcast %mul3A_224 : i32 to vector<16xi32>
    %add3A_226 = arith.addi %get3A_189, %add3A_225 : vector<16xi32>
    %swap3A_227 = arith.constant 0 : i32
    %swap3A_228 = arith.index_cast %swap3A_227 : i32 to index
    %swap3A_229 = arith.constant 32 : index
    %swap3A_230 = tpu.vector_load %arg20[%swap3A_228, %swap3A_229] {strides = array<i32>} : memref<2x80xi32, #tpu.memory_space<vmem>>, vector<16xi32>,
    tpu.vector_store %arg20[%swap3A_228, %swap3A_229], %add3A_226 {strides = array<i32>} : memref<2x80xi32, #tpu.memory_space<vmem>>, vector<16xi32>,
    %get3A_231 = arith.constant 0 : i32
    %get3A_232 = arith.index_cast %get3A_231 : i32 to index
    %get3A_233 = arith.constant 48 : index
    %get3A_234 = tpu.vector_load %arg17[%get3A_232, %get3A_233] {strides = array<i32>} : memref<2x80xi32, #tpu.memory_space<vmem>>, vector<16xi32>,
    %get3A_235 = arith.constant 0 : i32
    %get3A_236 = arith.index_cast %get3A_235 : i32 to index
    %get3A_237 = arith.constant 48 : index
    %get3A_238 = tpu.vector_load %arg18[%get3A_236, %get3A_237] {strides = array<i32>} : memref<2x80xi32, #tpu.memory_space<vmem>>, vector<16xi32>,
    %get3A_239 = arith.constant 0 : i32
    %get3A_240 = arith.index_cast %get3A_239 : i32 to index
    %get3A_241 = arith.constant 48 : index
    %get3A_242 = tpu.vector_load %arg19[%get3A_240, %get3A_241] {strides = array<i32>} : memref<2x80xf32, #tpu.memory_space<vmem>>, vector<16xf32>,
    %mul3A_243 = arith.constant 2 : i32
    %mul3A_244 = vector.broadcast %mul3A_243 : i32 to vector<16xi32>
    %mul3A_245 = arith.muli %get3A_234, %mul3A_244 : vector<16xi32>
    %gather3A_246 = tpu.vector_load_idx %arg9[%mul3A_245] : memref<20480xf32, #tpu.memory_space<vmem>>[vector<16xi32>], vector<16xf32>,
    %mul3A_247 = arith.constant 2 : i32
    %mul3A_248 = vector.broadcast %mul3A_247 : i32 to vector<16xi32>
    %mul3A_249 = arith.muli %get3A_238, %mul3A_248 : vector<16xi32>
    %add3A_250 = arith.constant 1 : i32
    %add3A_251 = vector.broadcast %add3A_250 : i32 to vector<16xi32>
    %add3A_252 = arith.addi %mul3A_249, %add3A_251 : vector<16xi32>
    %gather3A_253 = tpu.vector_load_idx %arg9[%add3A_252] : memref<20480xf32, #tpu.memory_space<vmem>>[vector<16xi32>], vector<16xf32>,
    %add3A_254 = arith.addf %gather3A_246, %gather3A_253 : vector<16xf32>
    %add3A_255 = arith.addf %add3A_254, %get3A_242 : vector<16xf32>
    %gt3A_256 = arith.constant 0.000000e+00 : f32
    %gt3A_257 = vector.broadcast %gt3A_256 : f32 to vector<16xf32>
    %gt3A_258 = arith.cmpf ogt, %add3A_255, %gt3A_257 : vector<16xf32>
    %mul3A_259 = arith.constant 2.000000e-01 : f32
    %mul3A_260 = vector.broadcast %mul3A_259 : f32 to vector<16xf32>
    %mul3A_261 = arith.mulf %mul3A_260, %add3A_255 : vector<16xf32>
    %select_n3A_262 = arith.select %gt3A_258, %add3A_255, %mul3A_261 : vector<16xi1>, vector<16xf32>
    %exp3A_263 = math.exp %select_n3A_262 : vector<16xf32>
    %swap3A_264 = arith.constant 0 : i32
    %swap3A_265 = arith.index_cast %swap3A_264 : i32 to index
    %swap3A_266 = arith.constant 48 : index
    %swap3A_267 = tpu.vector_load %arg22[%swap3A_265, %swap3A_266] {strides = array<i32>} : memref<2x80xf32, #tpu.memory_space<vmem>>, vector<16xf32>,
    tpu.vector_store %arg22[%swap3A_265, %swap3A_266], %exp3A_263 {strides = array<i32>} : memref<2x80xf32, #tpu.memory_space<vmem>>, vector<16xf32>,
    %mul3A_268 = arith.constant 10240 : i32
    %mul3A_269 = arith.muli %arg0, %mul3A_268 : i32
    %add3A_270 = vector.broadcast %mul3A_269 : i32 to vector<16xi32>
    %add3A_271 = arith.addi %get3A_234, %add3A_270 : vector<16xi32>
    %swap3A_272 = arith.constant 0 : i32
    %swap3A_273 = arith.index_cast %swap3A_272 : i32 to index
    %swap3A_274 = arith.constant 48 : index
    %swap3A_275 = tpu.vector_load %arg20[%swap3A_273, %swap3A_274] {strides = array<i32>} : memref<2x80xi32, #tpu.memory_space<vmem>>, vector<16xi32>,
    tpu.vector_store %arg20[%swap3A_273, %swap3A_274], %add3A_271 {strides = array<i32>} : memref<2x80xi32, #tpu.memory_space<vmem>>, vector<16xi32>,
    %get3A_276 = arith.constant 0 : i32
    %get3A_277 = arith.index_cast %get3A_276 : i32 to index
    %get3A_278 = arith.constant 64 : index
    %get3A_279 = tpu.vector_load %arg17[%get3A_277, %get3A_278] {strides = array<i32>} : memref<2x80xi32, #tpu.memory_space<vmem>>, vector<16xi32>,
    %get3A_280 = arith.constant 0 : i32
    %get3A_281 = arith.index_cast %get3A_280 : i32 to index
    %get3A_282 = arith.constant 64 : index
    %get3A_283 = tpu.vector_load %arg18[%get3A_281, %get3A_282] {strides = array<i32>} : memref<2x80xi32, #tpu.memory_space<vmem>>, vector<16xi32>,
    %get3A_284 = arith.constant 0 : i32
    %get3A_285 = arith.index_cast %get3A_284 : i32 to index
    %get3A_286 = arith.constant 64 : index
    %get3A_287 = tpu.vector_load %arg19[%get3A_285, %get3A_286] {strides = array<i32>} : memref<2x80xf32, #tpu.memory_space<vmem>>, vector<16xf32>,
    %mul3A_288 = arith.constant 2 : i32
    %mul3A_289 = vector.broadcast %mul3A_288 : i32 to vector<16xi32>
    %mul3A_290 = arith.muli %get3A_279, %mul3A_289 : vector<16xi32>
    %gather3A_291 = tpu.vector_load_idx %arg9[%mul3A_290] : memref<20480xf32, #tpu.memory_space<vmem>>[vector<16xi32>], vector<16xf32>,
    %mul3A_292 = arith.constant 2 : i32
    %mul3A_293 = vector.broadcast %mul3A_292 : i32 to vector<16xi32>
    %mul3A_294 = arith.muli %get3A_283, %mul3A_293 : vector<16xi32>
    %add3A_295 = arith.constant 1 : i32
    %add3A_296 = vector.broadcast %add3A_295 : i32 to vector<16xi32>
    %add3A_297 = arith.addi %mul3A_294, %add3A_296 : vector<16xi32>
    %gather3A_298 = tpu.vector_load_idx %arg9[%add3A_297] : memref<20480xf32, #tpu.memory_space<vmem>>[vector<16xi32>], vector<16xf32>,
    %add3A_299 = arith.addf %gather3A_291, %gather3A_298 : vector<16xf32>
    %add3A_300 = arith.addf %add3A_299, %get3A_287 : vector<16xf32>
    %gt3A_301 = arith.constant 0.000000e+00 : f32
    %gt3A_302 = vector.broadcast %gt3A_301 : f32 to vector<16xf32>
    %gt3A_303 = arith.cmpf ogt, %add3A_300, %gt3A_302 : vector<16xf32>
    %mul3A_304 = arith.constant 2.000000e-01 : f32
    %mul3A_305 = vector.broadcast %mul3A_304 : f32 to vector<16xf32>
    %mul3A_306 = arith.mulf %mul3A_305, %add3A_300 : vector<16xf32>
    %select_n3A_307 = arith.select %gt3A_303, %add3A_300, %mul3A_306 : vector<16xi1>, vector<16xf32>
    %exp3A_308 = math.exp %select_n3A_307 : vector<16xf32>
    %swap3A_309 = arith.constant 0 : i32
    %swap3A_310 = arith.index_cast %swap3A_309 : i32 to index
    %swap3A_311 = arith.constant 64 : index
    %swap3A_312 = tpu.vector_load %arg22[%swap3A_310, %swap3A_311] {strides = array<i32>} : memref<2x80xf32, #tpu.memory_space<vmem>>, vector<16xf32>,
    tpu.vector_store %arg22[%swap3A_310, %swap3A_311], %exp3A_308 {strides = array<i32>} : memref<2x80xf32, #tpu.memory_space<vmem>>, vector<16xf32>,
    %mul3A_313 = arith.constant 10240 : i32
    %mul3A_314 = arith.muli %arg0, %mul3A_313 : i32
    %add3A_315 = vector.broadcast %mul3A_314 : i32 to vector<16xi32>
    %add3A_316 = arith.addi %get3A_279, %add3A_315 : vector<16xi32>
    %swap3A_317 = arith.constant 0 : i32
    %swap3A_318 = arith.index_cast %swap3A_317 : i32 to index
    %swap3A_319 = arith.constant 64 : index
    %swap3A_320 = tpu.vector_load %arg20[%swap3A_318, %swap3A_319] {strides = array<i32>} : memref<2x80xi32, #tpu.memory_space<vmem>>, vector<16xi32>,
    tpu.vector_store %arg20[%swap3A_318, %swap3A_319], %add3A_316 {strides = array<i32>} : memref<2x80xi32, #tpu.memory_space<vmem>>, vector<16xi32>,
    %get3A_321 = arith.constant 0 : i32
    %get3A_322 = arith.index_cast %get3A_321 : i32 to index
    %get3A_323 = arith.constant 0 : index
    %get3A_324 = tpu.vector_load %arg18[%get3A_322, %get3A_323] {strides = array<i32>} : memref<2x80xi32, #tpu.memory_space<vmem>>, vector<16xi32>,
    %swap3A_325 = arith.constant 0 : i32
    %swap3A_326 = arith.index_cast %swap3A_325 : i32 to index
    %swap3A_327 = arith.constant 0 : index
    %swap3A_328 = tpu.vector_load %arg21[%swap3A_326, %swap3A_327] {strides = array<i32>} : memref<2x80xi32, #tpu.memory_space<vmem>>, vector<16xi32>,
    tpu.vector_store %arg21[%swap3A_326, %swap3A_327], %get3A_324 {strides = array<i32>} : memref<2x80xi32, #tpu.memory_space<vmem>>, vector<16xi32>,
    %get3A_329 = arith.constant 0 : i32
    %get3A_330 = arith.index_cast %get3A_329 : i32 to index
    %get3A_331 = arith.constant 16 : index
    %get3A_332 = tpu.vector_load %arg18[%get3A_330, %get3A_331] {strides = array<i32>} : memref<2x80xi32, #tpu.memory_space<vmem>>, vector<16xi32>,
    %swap3A_333 = arith.constant 0 : i32
    %swap3A_334 = arith.index_cast %swap3A_333 : i32 to index
    %swap3A_335 = arith.constant 16 : index
    %swap3A_336 = tpu.vector_load %arg21[%swap3A_334, %swap3A_335] {strides = array<i32>} : memref<2x80xi32, #tpu.memory_space<vmem>>, vector<16xi32>,
    tpu.vector_store %arg21[%swap3A_334, %swap3A_335], %get3A_332 {strides = array<i32>} : memref<2x80xi32, #tpu.memory_space<vmem>>, vector<16xi32>,
    %get3A_337 = arith.constant 0 : i32
    %get3A_338 = arith.index_cast %get3A_337 : i32 to index
    %get3A_339 = arith.constant 32 : index
    %get3A_340 = tpu.vector_load %arg18[%get3A_338, %get3A_339] {strides = array<i32>} : memref<2x80xi32, #tpu.memory_space<vmem>>, vector<16xi32>,
    %swap3A_341 = arith.constant 0 : i32
    %swap3A_342 = arith.index_cast %swap3A_341 : i32 to index
    %swap3A_343 = arith.constant 32 : index
    %swap3A_344 = tpu.vector_load %arg21[%swap3A_342, %swap3A_343] {strides = array<i32>} : memref<2x80xi32, #tpu.memory_space<vmem>>, vector<16xi32>,
    tpu.vector_store %arg21[%swap3A_342, %swap3A_343], %get3A_340 {strides = array<i32>} : memref<2x80xi32, #tpu.memory_space<vmem>>, vector<16xi32>,
    %get3A_345 = arith.constant 0 : i32
    %get3A_346 = arith.index_cast %get3A_345 : i32 to index
    %get3A_347 = arith.constant 48 : index
    %get3A_348 = tpu.vector_load %arg18[%get3A_346, %get3A_347] {strides = array<i32>} : memref<2x80xi32, #tpu.memory_space<vmem>>, vector<16xi32>,
    %swap3A_349 = arith.constant 0 : i32
    %swap3A_350 = arith.index_cast %swap3A_349 : i32 to index
    %swap3A_351 = arith.constant 48 : index
    %swap3A_352 = tpu.vector_load %arg21[%swap3A_350, %swap3A_351] {strides = array<i32>} : memref<2x80xi32, #tpu.memory_space<vmem>>, vector<16xi32>,
    tpu.vector_store %arg21[%swap3A_350, %swap3A_351], %get3A_348 {strides = array<i32>} : memref<2x80xi32, #tpu.memory_space<vmem>>, vector<16xi32>,
    %get3A_353 = arith.constant 0 : i32
    %get3A_354 = arith.index_cast %get3A_353 : i32 to index
    %get3A_355 = arith.constant 64 : index
    %get3A_356 = tpu.vector_load %arg18[%get3A_354, %get3A_355] {strides = array<i32>} : memref<2x80xi32, #tpu.memory_space<vmem>>, vector<16xi32>,
    %swap3A_357 = arith.constant 0 : i32
    %swap3A_358 = arith.index_cast %swap3A_357 : i32 to index
    %swap3A_359 = arith.constant 64 : index
    %swap3A_360 = tpu.vector_load %arg21[%swap3A_358, %swap3A_359] {strides = array<i32>} : memref<2x80xi32, #tpu.memory_space<vmem>>, vector<16xi32>,
    tpu.vector_store %arg21[%swap3A_358, %swap3A_359], %get3A_356 {strides = array<i32>} : memref<2x80xi32, #tpu.memory_space<vmem>>, vector<16xi32>,
    %dma_start3A_361 = arith.constant 0 : i32
    %dma_start3A_362 = arith.constant 0 : i32
    %dma_start3A_363 = arith.constant 0 : i32
    %dma_start3A_364 = arith.constant 0 : i32
    %dma_start3A_365 = tpu.memref_slice %arg23[%dma_start3A_362, %dma_start3A_363, %dma_start3A_364] : memref<2x80x128xf32, #tpu.memory_space<vmem>> -> memref<1x80x128xf32, #tpu.memory_space<vmem>>
    %dma_start3A_366 = tpu.memref_squeeze %dma_start3A_365 : memref<1x80x128xf32, #tpu.memory_space<vmem>> -> memref<80x128xf32, #tpu.memory_space<vmem>>
    %dma_start3A_367 = arith.constant 0 : i32
    %dma_start3A_368 = tpu.memref_slice %arg20[%dma_start3A_361, %dma_start3A_367] : memref<2x80xi32, #tpu.memory_space<vmem>> -> memref<1x80xi32, #tpu.memory_space<vmem>>
    %dma_start3A_369 = tpu.memref_squeeze %dma_start3A_368 : memref<1x80xi32, #tpu.memory_space<vmem>> -> memref<80xi32, #tpu.memory_space<vmem>>
    %dma_start3A_370 = arith.constant 0 : i32
    %dma_start3A_371 = arith.constant 0 : i32
    %dma_start3A_372 = tpu.memref_slice %arg5[%dma_start3A_370, %dma_start3A_371] : memref<20480x128xf32, #tpu.memory_space<hbm>> -> memref<20480x128xf32, #tpu.memory_space<hbm>>
    tpu.enqueue_indirect_dma source(%dma_start3A_372 : memref<20480x128xf32, #tpu.memory_space<hbm>>) target(%dma_start3A_366 : memref<80x128xf32, #tpu.memory_space<vmem>>) offsets(%dma_start3A_369 : memref<80xi32, #tpu.memory_space<vmem>>) semaphore(%arg37 : memref<!tpu.dma_semaphore, #tpu.memory_space<semaphore_mem>>)
    %add3A_373 = arith.constant 80 : i32
    %add3A_374 = arith.addi %add3A, %add3A_373 : i32
    %dma_start3A_375 = arith.constant 1 : i32
    %dma_start3A_376 = arith.constant 0 : i32
    %dma_start3A_377 = tpu.memref_slice %arg17[%dma_start3A_375, %dma_start3A_376] : memref<2x80xi32, #tpu.memory_space<vmem>> -> memref<1x80xi32, #tpu.memory_space<vmem>>
    %dma_start3A_378 = tpu.memref_squeeze %dma_start3A_377 : memref<1x80xi32, #tpu.memory_space<vmem>> -> memref<80xi32, #tpu.memory_space<vmem>>
    %dma_start3A_379 = tpu.memref_slice %arg2[%add3A_374] : memref<640000xi32, #tpu.memory_space<hbm>> -> memref<80xi32, #tpu.memory_space<hbm>>
    %dma_start3A_380 = arith.constant 0 : i32
    %dma_start3A_381 = tpu.memref_slice %arg17[%dma_start3A_375, %dma_start3A_380] : memref<2x80xi32, #tpu.memory_space<vmem>> -> memref<1x80xi32, #tpu.memory_space<vmem>>
    %dma_start3A_382 = tpu.memref_squeeze %dma_start3A_381 : memref<1x80xi32, #tpu.memory_space<vmem>> -> memref<80xi32, #tpu.memory_space<vmem>>
    %dma_start3A_383 = tpu.memref_slice %arg2[%add3A_374] : memref<640000xi32, #tpu.memory_space<hbm>> -> memref<80xi32, #tpu.memory_space<hbm>>
    tpu.enqueue_dma source(%dma_start3A_383 : memref<80xi32, #tpu.memory_space<hbm>>) target(%dma_start3A_382 : memref<80xi32, #tpu.memory_space<vmem>>) target_semaphore(%arg36 : memref<!tpu.dma_semaphore, #tpu.memory_space<semaphore_mem>>)
    %dma_start3A_384 = arith.constant 1 : i32
    %dma_start3A_385 = arith.constant 0 : i32
    %dma_start3A_386 = tpu.memref_slice %arg18[%dma_start3A_384, %dma_start3A_385] : memref<2x80xi32, #tpu.memory_space<vmem>> -> memref<1x80xi32, #tpu.memory_space<vmem>>
    %dma_start3A_387 = tpu.memref_squeeze %dma_start3A_386 : memref<1x80xi32, #tpu.memory_space<vmem>> -> memref<80xi32, #tpu.memory_space<vmem>>
    %dma_start3A_388 = tpu.memref_slice %arg3[%add3A_374] : memref<640000xi32, #tpu.memory_space<hbm>> -> memref<80xi32, #tpu.memory_space<hbm>>
    %dma_start3A_389 = arith.constant 0 : i32
    %dma_start3A_390 = tpu.memref_slice %arg18[%dma_start3A_384, %dma_start3A_389] : memref<2x80xi32, #tpu.memory_space<vmem>> -> memref<1x80xi32, #tpu.memory_space<vmem>>
    %dma_start3A_391 = tpu.memref_squeeze %dma_start3A_390 : memref<1x80xi32, #tpu.memory_space<vmem>> -> memref<80xi32, #tpu.memory_space<vmem>>
    %dma_start3A_392 = tpu.memref_slice %arg3[%add3A_374] : memref<640000xi32, #tpu.memory_space<hbm>> -> memref<80xi32, #tpu.memory_space<hbm>>
    tpu.enqueue_dma source(%dma_start3A_392 : memref<80xi32, #tpu.memory_space<hbm>>) target(%dma_start3A_391 : memref<80xi32, #tpu.memory_space<vmem>>) target_semaphore(%arg36 : memref<!tpu.dma_semaphore, #tpu.memory_space<semaphore_mem>>)
    %dma_start3A_393 = arith.constant 1 : i32
    %dma_start3A_394 = arith.constant 0 : i32
    %dma_start3A_395 = tpu.memref_slice %arg19[%dma_start3A_393, %dma_start3A_394] : memref<2x80xf32, #tpu.memory_space<vmem>> -> memref<1x80xf32, #tpu.memory_space<vmem>>
    %dma_start3A_396 = tpu.memref_squeeze %dma_start3A_395 : memref<1x80xf32, #tpu.memory_space<vmem>> -> memref<80xf32, #tpu.memory_space<vmem>>
    %dma_start3A_397 = tpu.memref_slice %arg4[%add3A_374] : memref<640000xf32, #tpu.memory_space<hbm>> -> memref<80xf32, #tpu.memory_space<hbm>>
    %dma_start3A_398 = arith.constant 0 : i32
    %dma_start3A_399 = tpu.memref_slice %arg19[%dma_start3A_393, %dma_start3A_398] : memref<2x80xf32, #tpu.memory_space<vmem>> -> memref<1x80xf32, #tpu.memory_space<vmem>>
    %dma_start3A_400 = tpu.memref_squeeze %dma_start3A_399 : memref<1x80xf32, #tpu.memory_space<vmem>> -> memref<80xf32, #tpu.memory_space<vmem>>
    %dma_start3A_401 = tpu.memref_slice %arg4[%add3A_374] : memref<640000xf32, #tpu.memory_space<hbm>> -> memref<80xf32, #tpu.memory_space<hbm>>
    tpu.enqueue_dma source(%dma_start3A_401 : memref<80xf32, #tpu.memory_space<hbm>>) target(%dma_start3A_400 : memref<80xf32, #tpu.memory_space<vmem>>) target_semaphore(%arg36 : memref<!tpu.dma_semaphore, #tpu.memory_space<semaphore_mem>>)
    %scan3A_402 = arith.constant 0 : i32
    %scan3A_403 = arith.constant 0 : i32
    %scan3A_404 = arith.constant 125 : i32
    %scan3A_405 = arith.addi %scan3A_403, %scan3A_404 : i32
    %scan3A_406 = arith.constant 1 : i32
    scf.for %scan3A_439 = %scan3A_403 to %scan3A_405 step %scan3A_406  : i32 {
      %mul3A_440 = arith.constant 2 : i32
      %mul3A_441 = arith.muli %mul3A_440, %scan3A_439 : i32
      %add3A_442 = arith.constant 1 : i32
      %add3A_443 = arith.addi %mul3A_441, %add3A_442 : i32
      %lt3A = arith.constant 250 : i32
      %lt3A_444 = arith.cmpi slt, %add3A_443, %lt3A : i32
      %convert_element_type3A = arith.extui %lt3A_444 : i1 to i32
      %cond3A = arith.constant 0 : i32
      %cond3A_445 = arith.cmpi ne, %convert_element_type3A, %cond3A : i32
      scf.if %cond3A_445 {
        %add3A_485 = arith.constant 1 : i32
        %add3A_486 = arith.addi %mul3A_441, %add3A_485 : i32
        %mul3A_487 = arith.constant 80 : i32
        %mul3A_488 = arith.muli %add3A_486, %mul3A_487 : i32
        %add3A_489 = arith.addi %add3A, %mul3A_488 : i32
        %dma_wait3A_490 = arith.constant 1 : i32
        %dma_wait3A_491 = arith.constant 0 : i32
        %dma_wait3A_492 = tpu.memref_slice %arg17[%dma_wait3A_490, %dma_wait3A_491] : memref<2x80xi32, #tpu.memory_space<vmem>> -> memref<1x80xi32, #tpu.memory_space<vmem>>
        %dma_wait3A_493 = tpu.memref_squeeze %dma_wait3A_492 : memref<1x80xi32, #tpu.memory_space<vmem>> -> memref<80xi32, #tpu.memory_space<vmem>>
        %dma_wait3A_494 = tpu.memref_slice %arg2[%add3A_489] : memref<640000xi32, #tpu.memory_space<hbm>> -> memref<80xi32, #tpu.memory_space<hbm>>
        %dma_wait3A_495 = arith.constant 0 : i32
        %dma_wait3A_496 = tpu.memref_slice %arg17[%dma_wait3A_490, %dma_wait3A_495] : memref<2x80xi32, #tpu.memory_space<vmem>> -> memref<1x80xi32, #tpu.memory_space<vmem>>
        %dma_wait3A_497 = tpu.memref_squeeze %dma_wait3A_496 : memref<1x80xi32, #tpu.memory_space<vmem>> -> memref<80xi32, #tpu.memory_space<vmem>>
        %dma_wait3A_498 = tpu.memref_slice %arg2[%add3A_489] : memref<640000xi32, #tpu.memory_space<hbm>> -> memref<80xi32, #tpu.memory_space<hbm>>
        tpu.wait_dma2 semaphore(%arg36 : memref<!tpu.dma_semaphore, #tpu.memory_space<semaphore_mem>>) src(%dma_wait3A_498 : memref<80xi32, #tpu.memory_space<hbm>>) dst(%dma_wait3A_497 : memref<80xi32, #tpu.memory_space<vmem>>)
        %dma_wait3A_499 = arith.constant 1 : i32
        %dma_wait3A_500 = arith.constant 0 : i32
        %dma_wait3A_501 = tpu.memref_slice %arg18[%dma_wait3A_499, %dma_wait3A_500] : memref<2x80xi32, #tpu.memory_space<vmem>> -> memref<1x80xi32, #tpu.memory_space<vmem>>
        %dma_wait3A_502 = tpu.memref_squeeze %dma_wait3A_501 : memref<1x80xi32, #tpu.memory_space<vmem>> -> memref<80xi32, #tpu.memory_space<vmem>>
        %dma_wait3A_503 = tpu.memref_slice %arg3[%add3A_489] : memref<640000xi32, #tpu.memory_space<hbm>> -> memref<80xi32, #tpu.memory_space<hbm>>
        %dma_wait3A_504 = arith.constant 0 : i32
        %dma_wait3A_505 = tpu.memref_slice %arg18[%dma_wait3A_499, %dma_wait3A_504] : memref<2x80xi32, #tpu.memory_space<vmem>> -> memref<1x80xi32, #tpu.memory_space<vmem>>
        %dma_wait3A_506 = tpu.memref_squeeze %dma_wait3A_505 : memref<1x80xi32, #tpu.memory_space<vmem>> -> memref<80xi32, #tpu.memory_space<vmem>>
        %dma_wait3A_507 = tpu.memref_slice %arg3[%add3A_489] : memref<640000xi32, #tpu.memory_space<hbm>> -> memref<80xi32, #tpu.memory_space<hbm>>
        tpu.wait_dma2 semaphore(%arg36 : memref<!tpu.dma_semaphore, #tpu.memory_space<semaphore_mem>>) src(%dma_wait3A_507 : memref<80xi32, #tpu.memory_space<hbm>>) dst(%dma_wait3A_506 : memref<80xi32, #tpu.memory_space<vmem>>)
        %dma_wait3A_508 = arith.constant 1 : i32
        %dma_wait3A_509 = arith.constant 0 : i32
        %dma_wait3A_510 = tpu.memref_slice %arg19[%dma_wait3A_508, %dma_wait3A_509] : memref<2x80xf32, #tpu.memory_space<vmem>> -> memref<1x80xf32, #tpu.memory_space<vmem>>
        %dma_wait3A_511 = tpu.memref_squeeze %dma_wait3A_510 : memref<1x80xf32, #tpu.memory_space<vmem>> -> memref<80xf32, #tpu.memory_space<vmem>>
        %dma_wait3A_512 = tpu.memref_slice %arg4[%add3A_489] : memref<640000xf32, #tpu.memory_space<hbm>> -> memref<80xf32, #tpu.memory_space<hbm>>
        %dma_wait3A_513 = arith.constant 0 : i32
        %dma_wait3A_514 = tpu.memref_slice %arg19[%dma_wait3A_508, %dma_wait3A_513] : memref<2x80xf32, #tpu.memory_space<vmem>> -> memref<1x80xf32, #tpu.memory_space<vmem>>
        %dma_wait3A_515 = tpu.memref_squeeze %dma_wait3A_514 : memref<1x80xf32, #tpu.memory_space<vmem>> -> memref<80xf32, #tpu.memory_space<vmem>>
        %dma_wait3A_516 = tpu.memref_slice %arg4[%add3A_489] : memref<640000xf32, #tpu.memory_space<hbm>> -> memref<80xf32, #tpu.memory_space<hbm>>
        tpu.wait_dma2 semaphore(%arg36 : memref<!tpu.dma_semaphore, #tpu.memory_space<semaphore_mem>>) src(%dma_wait3A_516 : memref<80xf32, #tpu.memory_space<hbm>>) dst(%dma_wait3A_515 : memref<80xf32, #tpu.memory_space<vmem>>)
        %get3A_517 = arith.constant 1 : i32
        %get3A_518 = arith.index_cast %get3A_517 : i32 to index
        %get3A_519 = arith.constant 0 : index
        %get3A_520 = tpu.vector_load %arg17[%get3A_518, %get3A_519] {strides = array<i32>} : memref<2x80xi32, #tpu.memory_space<vmem>>, vector<16xi32>,
        %get3A_521 = arith.constant 1 : i32
        %get3A_522 = arith.index_cast %get3A_521 : i32 to index
        %get3A_523 = arith.constant 0 : index
        %get3A_524 = tpu.vector_load %arg18[%get3A_522, %get3A_523] {strides = array<i32>} : memref<2x80xi32, #tpu.memory_space<vmem>>, vector<16xi32>,
        %get3A_525 = arith.constant 1 : i32
        %get3A_526 = arith.index_cast %get3A_525 : i32 to index
        %get3A_527 = arith.constant 0 : index
        %get3A_528 = tpu.vector_load %arg19[%get3A_526, %get3A_527] {strides = array<i32>} : memref<2x80xf32, #tpu.memory_space<vmem>>, vector<16xf32>,
        %mul3A_529 = arith.constant 2 : i32
        %mul3A_530 = vector.broadcast %mul3A_529 : i32 to vector<16xi32>
        %mul3A_531 = arith.muli %get3A_520, %mul3A_530 : vector<16xi32>
        %gather3A_532 = tpu.vector_load_idx %arg9[%mul3A_531] : memref<20480xf32, #tpu.memory_space<vmem>>[vector<16xi32>], vector<16xf32>,
        %mul3A_533 = arith.constant 2 : i32
        %mul3A_534 = vector.broadcast %mul3A_533 : i32 to vector<16xi32>
        %mul3A_535 = arith.muli %get3A_524, %mul3A_534 : vector<16xi32>
        %add3A_536 = arith.constant 1 : i32
        %add3A_537 = vector.broadcast %add3A_536 : i32 to vector<16xi32>
        %add3A_538 = arith.addi %mul3A_535, %add3A_537 : vector<16xi32>
        %gather3A_539 = tpu.vector_load_idx %arg9[%add3A_538] : memref<20480xf32, #tpu.memory_space<vmem>>[vector<16xi32>], vector<16xf32>,
        %add3A_540 = arith.addf %gather3A_532, %gather3A_539 : vector<16xf32>
        %add3A_541 = arith.addf %add3A_540, %get3A_528 : vector<16xf32>
        %gt3A_542 = arith.constant 0.000000e+00 : f32
        %gt3A_543 = vector.broadcast %gt3A_542 : f32 to vector<16xf32>
        %gt3A_544 = arith.cmpf ogt, %add3A_541, %gt3A_543 : vector<16xf32>
        %mul3A_545 = arith.constant 2.000000e-01 : f32
        %mul3A_546 = vector.broadcast %mul3A_545 : f32 to vector<16xf32>
        %mul3A_547 = arith.mulf %mul3A_546, %add3A_541 : vector<16xf32>
        %select_n3A_548 = arith.select %gt3A_544, %add3A_541, %mul3A_547 : vector<16xi1>, vector<16xf32>
        %exp3A_549 = math.exp %select_n3A_548 : vector<16xf32>
        %swap3A_550 = arith.constant 1 : i32
        %swap3A_551 = arith.index_cast %swap3A_550 : i32 to index
        %swap3A_552 = arith.constant 0 : index
        %swap3A_553 = tpu.vector_load %arg22[%swap3A_551, %swap3A_552] {strides = array<i32>} : memref<2x80xf32, #tpu.memory_space<vmem>>, vector<16xf32>,
        tpu.vector_store %arg22[%swap3A_551, %swap3A_552], %exp3A_549 {strides = array<i32>} : memref<2x80xf32, #tpu.memory_space<vmem>>, vector<16xf32>,
        %mul3A_554 = arith.constant 10240 : i32
        %mul3A_555 = arith.muli %arg0, %mul3A_554 : i32
        %add3A_556 = vector.broadcast %mul3A_555 : i32 to vector<16xi32>
        %add3A_557 = arith.addi %get3A_520, %add3A_556 : vector<16xi32>
        %swap3A_558 = arith.constant 1 : i32
        %swap3A_559 = arith.index_cast %swap3A_558 : i32 to index
        %swap3A_560 = arith.constant 0 : index
        %swap3A_561 = tpu.vector_load %arg20[%swap3A_559, %swap3A_560] {strides = array<i32>} : memref<2x80xi32, #tpu.memory_space<vmem>>, vector<16xi32>,
        tpu.vector_store %arg20[%swap3A_559, %swap3A_560], %add3A_557 {strides = array<i32>} : memref<2x80xi32, #tpu.memory_space<vmem>>, vector<16xi32>,
        %get3A_562 = arith.constant 1 : i32
        %get3A_563 = arith.index_cast %get3A_562 : i32 to index
        %get3A_564 = arith.constant 16 : index
        %get3A_565 = tpu.vector_load %arg17[%get3A_563, %get3A_564] {strides = array<i32>} : memref<2x80xi32, #tpu.memory_space<vmem>>, vector<16xi32>,
        %get3A_566 = arith.constant 1 : i32
        %get3A_567 = arith.index_cast %get3A_566 : i32 to index
        %get3A_568 = arith.constant 16 : index
        %get3A_569 = tpu.vector_load %arg18[%get3A_567, %get3A_568] {strides = array<i32>} : memref<2x80xi32, #tpu.memory_space<vmem>>, vector<16xi32>,
        %get3A_570 = arith.constant 1 : i32
        %get3A_571 = arith.index_cast %get3A_570 : i32 to index
        %get3A_572 = arith.constant 16 : index
        %get3A_573 = tpu.vector_load %arg19[%get3A_571, %get3A_572] {strides = array<i32>} : memref<2x80xf32, #tpu.memory_space<vmem>>, vector<16xf32>,
        %mul3A_574 = arith.constant 2 : i32
        %mul3A_575 = vector.broadcast %mul3A_574 : i32 to vector<16xi32>
        %mul3A_576 = arith.muli %get3A_565, %mul3A_575 : vector<16xi32>
        %gather3A_577 = tpu.vector_load_idx %arg9[%mul3A_576] : memref<20480xf32, #tpu.memory_space<vmem>>[vector<16xi32>], vector<16xf32>,
        %mul3A_578 = arith.constant 2 : i32
        %mul3A_579 = vector.broadcast %mul3A_578 : i32 to vector<16xi32>
        %mul3A_580 = arith.muli %get3A_569, %mul3A_579 : vector<16xi32>
        %add3A_581 = arith.constant 1 : i32
        %add3A_582 = vector.broadcast %add3A_581 : i32 to vector<16xi32>
        %add3A_583 = arith.addi %mul3A_580, %add3A_582 : vector<16xi32>
        %gather3A_584 = tpu.vector_load_idx %arg9[%add3A_583] : memref<20480xf32, #tpu.memory_space<vmem>>[vector<16xi32>], vector<16xf32>,
        %add3A_585 = arith.addf %gather3A_577, %gather3A_584 : vector<16xf32>
        %add3A_586 = arith.addf %add3A_585, %get3A_573 : vector<16xf32>
        %gt3A_587 = arith.constant 0.000000e+00 : f32
        %gt3A_588 = vector.broadcast %gt3A_587 : f32 to vector<16xf32>
        %gt3A_589 = arith.cmpf ogt, %add3A_586, %gt3A_588 : vector<16xf32>
        %mul3A_590 = arith.constant 2.000000e-01 : f32
        %mul3A_591 = vector.broadcast %mul3A_590 : f32 to vector<16xf32>
        %mul3A_592 = arith.mulf %mul3A_591, %add3A_586 : vector<16xf32>
        %select_n3A_593 = arith.select %gt3A_589, %add3A_586, %mul3A_592 : vector<16xi1>, vector<16xf32>
        %exp3A_594 = math.exp %select_n3A_593 : vector<16xf32>
        %swap3A_595 = arith.constant 1 : i32
        %swap3A_596 = arith.index_cast %swap3A_595 : i32 to index
        %swap3A_597 = arith.constant 16 : index
        %swap3A_598 = tpu.vector_load %arg22[%swap3A_596, %swap3A_597] {strides = array<i32>} : memref<2x80xf32, #tpu.memory_space<vmem>>, vector<16xf32>,
        tpu.vector_store %arg22[%swap3A_596, %swap3A_597], %exp3A_594 {strides = array<i32>} : memref<2x80xf32, #tpu.memory_space<vmem>>, vector<16xf32>,
        %mul3A_599 = arith.constant 10240 : i32
        %mul3A_600 = arith.muli %arg0, %mul3A_599 : i32
        %add3A_601 = vector.broadcast %mul3A_600 : i32 to vector<16xi32>
        %add3A_602 = arith.addi %get3A_565, %add3A_601 : vector<16xi32>
        %swap3A_603 = arith.constant 1 : i32
        %swap3A_604 = arith.index_cast %swap3A_603 : i32 to index
        %swap3A_605 = arith.constant 16 : index
        %swap3A_606 = tpu.vector_load %arg20[%swap3A_604, %swap3A_605] {strides = array<i32>} : memref<2x80xi32, #tpu.memory_space<vmem>>, vector<16xi32>,
        tpu.vector_store %arg20[%swap3A_604, %swap3A_605], %add3A_602 {strides = array<i32>} : memref<2x80xi32, #tpu.memory_space<vmem>>, vector<16xi32>,
        %get3A_607 = arith.constant 1 : i32
        %get3A_608 = arith.index_cast %get3A_607 : i32 to index
        %get3A_609 = arith.constant 32 : index
        %get3A_610 = tpu.vector_load %arg17[%get3A_608, %get3A_609] {strides = array<i32>} : memref<2x80xi32, #tpu.memory_space<vmem>>, vector<16xi32>,
        %get3A_611 = arith.constant 1 : i32
        %get3A_612 = arith.index_cast %get3A_611 : i32 to index
        %get3A_613 = arith.constant 32 : index
        %get3A_614 = tpu.vector_load %arg18[%get3A_612, %get3A_613] {strides = array<i32>} : memref<2x80xi32, #tpu.memory_space<vmem>>, vector<16xi32>,
        %get3A_615 = arith.constant 1 : i32
        %get3A_616 = arith.index_cast %get3A_615 : i32 to index
        %get3A_617 = arith.constant 32 : index
        %get3A_618 = tpu.vector_load %arg19[%get3A_616, %get3A_617] {strides = array<i32>} : memref<2x80xf32, #tpu.memory_space<vmem>>, vector<16xf32>,
        %mul3A_619 = arith.constant 2 : i32
        %mul3A_620 = vector.broadcast %mul3A_619 : i32 to vector<16xi32>
        %mul3A_621 = arith.muli %get3A_610, %mul3A_620 : vector<16xi32>
        %gather3A_622 = tpu.vector_load_idx %arg9[%mul3A_621] : memref<20480xf32, #tpu.memory_space<vmem>>[vector<16xi32>], vector<16xf32>,
        %mul3A_623 = arith.constant 2 : i32
        %mul3A_624 = vector.broadcast %mul3A_623 : i32 to vector<16xi32>
        %mul3A_625 = arith.muli %get3A_614, %mul3A_624 : vector<16xi32>
        %add3A_626 = arith.constant 1 : i32
        %add3A_627 = vector.broadcast %add3A_626 : i32 to vector<16xi32>
        %add3A_628 = arith.addi %mul3A_625, %add3A_627 : vector<16xi32>
        %gather3A_629 = tpu.vector_load_idx %arg9[%add3A_628] : memref<20480xf32, #tpu.memory_space<vmem>>[vector<16xi32>], vector<16xf32>,
        %add3A_630 = arith.addf %gather3A_622, %gather3A_629 : vector<16xf32>
        %add3A_631 = arith.addf %add3A_630, %get3A_618 : vector<16xf32>
        %gt3A_632 = arith.constant 0.000000e+00 : f32
        %gt3A_633 = vector.broadcast %gt3A_632 : f32 to vector<16xf32>
        %gt3A_634 = arith.cmpf ogt, %add3A_631, %gt3A_633 : vector<16xf32>
        %mul3A_635 = arith.constant 2.000000e-01 : f32
        %mul3A_636 = vector.broadcast %mul3A_635 : f32 to vector<16xf32>
        %mul3A_637 = arith.mulf %mul3A_636, %add3A_631 : vector<16xf32>
        %select_n3A_638 = arith.select %gt3A_634, %add3A_631, %mul3A_637 : vector<16xi1>, vector<16xf32>
        %exp3A_639 = math.exp %select_n3A_638 : vector<16xf32>
        %swap3A_640 = arith.constant 1 : i32
        %swap3A_641 = arith.index_cast %swap3A_640 : i32 to index
        %swap3A_642 = arith.constant 32 : index
        %swap3A_643 = tpu.vector_load %arg22[%swap3A_641, %swap3A_642] {strides = array<i32>} : memref<2x80xf32, #tpu.memory_space<vmem>>, vector<16xf32>,
        tpu.vector_store %arg22[%swap3A_641, %swap3A_642], %exp3A_639 {strides = array<i32>} : memref<2x80xf32, #tpu.memory_space<vmem>>, vector<16xf32>,
        %mul3A_644 = arith.constant 10240 : i32
        %mul3A_645 = arith.muli %arg0, %mul3A_644 : i32
        %add3A_646 = vector.broadcast %mul3A_645 : i32 to vector<16xi32>
        %add3A_647 = arith.addi %get3A_610, %add3A_646 : vector<16xi32>
        %swap3A_648 = arith.constant 1 : i32
        %swap3A_649 = arith.index_cast %swap3A_648 : i32 to index
        %swap3A_650 = arith.constant 32 : index
        %swap3A_651 = tpu.vector_load %arg20[%swap3A_649, %swap3A_650] {strides = array<i32>} : memref<2x80xi32, #tpu.memory_space<vmem>>, vector<16xi32>,
        tpu.vector_store %arg20[%swap3A_649, %swap3A_650], %add3A_647 {strides = array<i32>} : memref<2x80xi32, #tpu.memory_space<vmem>>, vector<16xi32>,
        %get3A_652 = arith.constant 1 : i32
        %get3A_653 = arith.index_cast %get3A_652 : i32 to index
        %get3A_654 = arith.constant 48 : index
        %get3A_655 = tpu.vector_load %arg17[%get3A_653, %get3A_654] {strides = array<i32>} : memref<2x80xi32, #tpu.memory_space<vmem>>, vector<16xi32>,
        %get3A_656 = arith.constant 1 : i32
        %get3A_657 = arith.index_cast %get3A_656 : i32 to index
        %get3A_658 = arith.constant 48 : index
        %get3A_659 = tpu.vector_load %arg18[%get3A_657, %get3A_658] {strides = array<i32>} : memref<2x80xi32, #tpu.memory_space<vmem>>, vector<16xi32>,
        %get3A_660 = arith.constant 1 : i32
        %get3A_661 = arith.index_cast %get3A_660 : i32 to index
        %get3A_662 = arith.constant 48 : index
        %get3A_663 = tpu.vector_load %arg19[%get3A_661, %get3A_662] {strides = array<i32>} : memref<2x80xf32, #tpu.memory_space<vmem>>, vector<16xf32>,
        %mul3A_664 = arith.constant 2 : i32
        %mul3A_665 = vector.broadcast %mul3A_664 : i32 to vector<16xi32>
        %mul3A_666 = arith.muli %get3A_655, %mul3A_665 : vector<16xi32>
        %gather3A_667 = tpu.vector_load_idx %arg9[%mul3A_666] : memref<20480xf32, #tpu.memory_space<vmem>>[vector<16xi32>], vector<16xf32>,
        %mul3A_668 = arith.constant 2 : i32
        %mul3A_669 = vector.broadcast %mul3A_668 : i32 to vector<16xi32>
        %mul3A_670 = arith.muli %get3A_659, %mul3A_669 : vector<16xi32>
        %add3A_671 = arith.constant 1 : i32
        %add3A_672 = vector.broadcast %add3A_671 : i32 to vector<16xi32>
        %add3A_673 = arith.addi %mul3A_670, %add3A_672 : vector<16xi32>
        %gather3A_674 = tpu.vector_load_idx %arg9[%add3A_673] : memref<20480xf32, #tpu.memory_space<vmem>>[vector<16xi32>], vector<16xf32>,
        %add3A_675 = arith.addf %gather3A_667, %gather3A_674 : vector<16xf32>
        %add3A_676 = arith.addf %add3A_675, %get3A_663 : vector<16xf32>
        %gt3A_677 = arith.constant 0.000000e+00 : f32
        %gt3A_678 = vector.broadcast %gt3A_677 : f32 to vector<16xf32>
        %gt3A_679 = arith.cmpf ogt, %add3A_676, %gt3A_678 : vector<16xf32>
        %mul3A_680 = arith.constant 2.000000e-01 : f32
        %mul3A_681 = vector.broadcast %mul3A_680 : f32 to vector<16xf32>
        %mul3A_682 = arith.mulf %mul3A_681, %add3A_676 : vector<16xf32>
        %select_n3A_683 = arith.select %gt3A_679, %add3A_676, %mul3A_682 : vector<16xi1>, vector<16xf32>
        %exp3A_684 = math.exp %select_n3A_683 : vector<16xf32>
        %swap3A_685 = arith.constant 1 : i32
        %swap3A_686 = arith.index_cast %swap3A_685 : i32 to index
        %swap3A_687 = arith.constant 48 : index
        %swap3A_688 = tpu.vector_load %arg22[%swap3A_686, %swap3A_687] {strides = array<i32>} : memref<2x80xf32, #tpu.memory_space<vmem>>, vector<16xf32>,
        tpu.vector_store %arg22[%swap3A_686, %swap3A_687], %exp3A_684 {strides = array<i32>} : memref<2x80xf32, #tpu.memory_space<vmem>>, vector<16xf32>,
        %mul3A_689 = arith.constant 10240 : i32
        %mul3A_690 = arith.muli %arg0, %mul3A_689 : i32
        %add3A_691 = vector.broadcast %mul3A_690 : i32 to vector<16xi32>
        %add3A_692 = arith.addi %get3A_655, %add3A_691 : vector<16xi32>
        %swap3A_693 = arith.constant 1 : i32
        %swap3A_694 = arith.index_cast %swap3A_693 : i32 to index
        %swap3A_695 = arith.constant 48 : index
        %swap3A_696 = tpu.vector_load %arg20[%swap3A_694, %swap3A_695] {strides = array<i32>} : memref<2x80xi32, #tpu.memory_space<vmem>>, vector<16xi32>,
        tpu.vector_store %arg20[%swap3A_694, %swap3A_695], %add3A_692 {strides = array<i32>} : memref<2x80xi32, #tpu.memory_space<vmem>>, vector<16xi32>,
        %get3A_697 = arith.constant 1 : i32
        %get3A_698 = arith.index_cast %get3A_697 : i32 to index
        %get3A_699 = arith.constant 64 : index
        %get3A_700 = tpu.vector_load %arg17[%get3A_698, %get3A_699] {strides = array<i32>} : memref<2x80xi32, #tpu.memory_space<vmem>>, vector<16xi32>,
        %get3A_701 = arith.constant 1 : i32
        %get3A_702 = arith.index_cast %get3A_701 : i32 to index
        %get3A_703 = arith.constant 64 : index
        %get3A_704 = tpu.vector_load %arg18[%get3A_702, %get3A_703] {strides = array<i32>} : memref<2x80xi32, #tpu.memory_space<vmem>>, vector<16xi32>,
        %get3A_705 = arith.constant 1 : i32
        %get3A_706 = arith.index_cast %get3A_705 : i32 to index
        %get3A_707 = arith.constant 64 : index
        %get3A_708 = tpu.vector_load %arg19[%get3A_706, %get3A_707] {strides = array<i32>} : memref<2x80xf32, #tpu.memory_space<vmem>>, vector<16xf32>,
        %mul3A_709 = arith.constant 2 : i32
        %mul3A_710 = vector.broadcast %mul3A_709 : i32 to vector<16xi32>
        %mul3A_711 = arith.muli %get3A_700, %mul3A_710 : vector<16xi32>
        %gather3A_712 = tpu.vector_load_idx %arg9[%mul3A_711] : memref<20480xf32, #tpu.memory_space<vmem>>[vector<16xi32>], vector<16xf32>,
        %mul3A_713 = arith.constant 2 : i32
        %mul3A_714 = vector.broadcast %mul3A_713 : i32 to vector<16xi32>
        %mul3A_715 = arith.muli %get3A_704, %mul3A_714 : vector<16xi32>
        %add3A_716 = arith.constant 1 : i32
        %add3A_717 = vector.broadcast %add3A_716 : i32 to vector<16xi32>
        %add3A_718 = arith.addi %mul3A_715, %add3A_717 : vector<16xi32>
        %gather3A_719 = tpu.vector_load_idx %arg9[%add3A_718] : memref<20480xf32, #tpu.memory_space<vmem>>[vector<16xi32>], vector<16xf32>,
        %add3A_720 = arith.addf %gather3A_712, %gather3A_719 : vector<16xf32>
        %add3A_721 = arith.addf %add3A_720, %get3A_708 : vector<16xf32>
        %gt3A_722 = arith.constant 0.000000e+00 : f32
        %gt3A_723 = vector.broadcast %gt3A_722 : f32 to vector<16xf32>
        %gt3A_724 = arith.cmpf ogt, %add3A_721, %gt3A_723 : vector<16xf32>
        %mul3A_725 = arith.constant 2.000000e-01 : f32
        %mul3A_726 = vector.broadcast %mul3A_725 : f32 to vector<16xf32>
        %mul3A_727 = arith.mulf %mul3A_726, %add3A_721 : vector<16xf32>
        %select_n3A_728 = arith.select %gt3A_724, %add3A_721, %mul3A_727 : vector<16xi1>, vector<16xf32>
        %exp3A_729 = math.exp %select_n3A_728 : vector<16xf32>
        %swap3A_730 = arith.constant 1 : i32
        %swap3A_731 = arith.index_cast %swap3A_730 : i32 to index
        %swap3A_732 = arith.constant 64 : index
        %swap3A_733 = tpu.vector_load %arg22[%swap3A_731, %swap3A_732] {strides = array<i32>} : memref<2x80xf32, #tpu.memory_space<vmem>>, vector<16xf32>,
        tpu.vector_store %arg22[%swap3A_731, %swap3A_732], %exp3A_729 {strides = array<i32>} : memref<2x80xf32, #tpu.memory_space<vmem>>, vector<16xf32>,
        %mul3A_734 = arith.constant 10240 : i32
        %mul3A_735 = arith.muli %arg0, %mul3A_734 : i32
        %add3A_736 = vector.broadcast %mul3A_735 : i32 to vector<16xi32>
        %add3A_737 = arith.addi %get3A_700, %add3A_736 : vector<16xi32>
        %swap3A_738 = arith.constant 1 : i32
        %swap3A_739 = arith.index_cast %swap3A_738 : i32 to index
        %swap3A_740 = arith.constant 64 : index
        %swap3A_741 = tpu.vector_load %arg20[%swap3A_739, %swap3A_740] {strides = array<i32>} : memref<2x80xi32, #tpu.memory_space<vmem>>, vector<16xi32>,
        tpu.vector_store %arg20[%swap3A_739, %swap3A_740], %add3A_737 {strides = array<i32>} : memref<2x80xi32, #tpu.memory_space<vmem>>, vector<16xi32>,
        %gt3A_742 = arith.constant 0 : i32
        %gt3A_743 = arith.cmpi sgt, %mul3A_441, %gt3A_742 : i32
        %convert_element_type3A_744 = arith.extui %gt3A_743 : i1 to i32
        %cond3A_745 = arith.constant 0 : i32
        %cond3A_746 = arith.cmpi ne, %convert_element_type3A_744, %cond3A_745 : i32
        scf.if %cond3A_746 {
          %dma_wait3A_806 = arith.constant 1 : i32
          %dma_wait3A_807 = arith.constant 1 : i32
          %dma_wait3A_808 = arith.constant 0 : i32
          %dma_wait3A_809 = arith.constant 0 : i32
          %dma_wait3A_810 = tpu.memref_slice %arg23[%dma_wait3A_806, %dma_wait3A_808, %dma_wait3A_809] : memref<2x80x128xf32, #tpu.memory_space<vmem>> -> memref<1x80x128xf32, #tpu.memory_space<vmem>>
          %dma_wait3A_811 = tpu.memref_squeeze %dma_wait3A_810 : memref<1x80x128xf32, #tpu.memory_space<vmem>> -> memref<80x128xf32, #tpu.memory_space<vmem>>
          %dma_wait3A_812 = arith.constant 0 : i32
          %dma_wait3A_813 = tpu.memref_slice %arg21[%dma_wait3A_807, %dma_wait3A_812] : memref<2x80xi32, #tpu.memory_space<vmem>> -> memref<1x80xi32, #tpu.memory_space<vmem>>
          %dma_wait3A_814 = tpu.memref_squeeze %dma_wait3A_813 : memref<1x80xi32, #tpu.memory_space<vmem>> -> memref<80xi32, #tpu.memory_space<vmem>>
          %dma_wait3A_815 = arith.constant 0 : i32
          %dma_wait3A_816 = arith.constant 0 : i32
          %dma_wait3A_817 = tpu.memref_slice %arg29[%dma_wait3A_815, %dma_wait3A_816] : memref<10000x128xf32, #tpu.memory_space<vmem_shared>> -> memref<10000x128xf32, #tpu.memory_space<vmem_shared>>
          tpu.wait_indirect_dma semaphore(%arg40 : memref<!tpu.dma_semaphore, #tpu.memory_space<semaphore_mem>>) src(%dma_wait3A_811 : memref<80x128xf32, #tpu.memory_space<vmem>>) dst(%dma_wait3A_817 : memref<10000x128xf32, #tpu.memory_space<vmem_shared>>)
        } else {
        }
        %dma_start3A_747 = arith.constant 1 : i32
        %dma_start3A_748 = arith.constant 1 : i32
        %dma_start3A_749 = arith.constant 0 : i32
        %dma_start3A_750 = arith.constant 0 : i32
        %dma_start3A_751 = tpu.memref_slice %arg23[%dma_start3A_748, %dma_start3A_749, %dma_start3A_750] : memref<2x80x128xf32, #tpu.memory_space<vmem>> -> memref<1x80x128xf32, #tpu.memory_space<vmem>>
        %dma_start3A_752 = tpu.memref_squeeze %dma_start3A_751 : memref<1x80x128xf32, #tpu.memory_space<vmem>> -> memref<80x128xf32, #tpu.memory_space<vmem>>
        %dma_start3A_753 = arith.constant 0 : i32
        %dma_start3A_754 = tpu.memref_slice %arg20[%dma_start3A_747, %dma_start3A_753] : memref<2x80xi32, #tpu.memory_space<vmem>> -> memref<1x80xi32, #tpu.memory_space<vmem>>
        %dma_start3A_755 = tpu.memref_squeeze %dma_start3A_754 : memref<1x80xi32, #tpu.memory_space<vmem>> -> memref<80xi32, #tpu.memory_space<vmem>>
        %dma_start3A_756 = arith.constant 0 : i32
        %dma_start3A_757 = arith.constant 0 : i32
        %dma_start3A_758 = tpu.memref_slice %arg5[%dma_start3A_756, %dma_start3A_757] : memref<20480x128xf32, #tpu.memory_space<hbm>> -> memref<20480x128xf32, #tpu.memory_space<hbm>>
        tpu.enqueue_indirect_dma source(%dma_start3A_758 : memref<20480x128xf32, #tpu.memory_space<hbm>>) target(%dma_start3A_752 : memref<80x128xf32, #tpu.memory_space<vmem>>) offsets(%dma_start3A_755 : memref<80xi32, #tpu.memory_space<vmem>>) semaphore(%arg38 : memref<!tpu.dma_semaphore, #tpu.memory_space<semaphore_mem>>)
        %get3A_759 = arith.constant 1 : i32
        %get3A_760 = arith.index_cast %get3A_759 : i32 to index
        %get3A_761 = arith.constant 0 : index
        %get3A_762 = tpu.vector_load %arg18[%get3A_760, %get3A_761] {strides = array<i32>} : memref<2x80xi32, #tpu.memory_space<vmem>>, vector<16xi32>,
        %swap3A_763 = arith.constant 1 : i32
        %swap3A_764 = arith.index_cast %swap3A_763 : i32 to index
        %swap3A_765 = arith.constant 0 : index
        %swap3A_766 = tpu.vector_load %arg21[%swap3A_764, %swap3A_765] {strides = array<i32>} : memref<2x80xi32, #tpu.memory_space<vmem>>, vector<16xi32>,
        tpu.vector_store %arg21[%swap3A_764, %swap3A_765], %get3A_762 {strides = array<i32>} : memref<2x80xi32, #tpu.memory_space<vmem>>, vector<16xi32>,
        %get3A_767 = arith.constant 1 : i32
        %get3A_768 = arith.index_cast %get3A_767 : i32 to index
        %get3A_769 = arith.constant 16 : index
        %get3A_770 = tpu.vector_load %arg18[%get3A_768, %get3A_769] {strides = array<i32>} : memref<2x80xi32, #tpu.memory_space<vmem>>, vector<16xi32>,
        %swap3A_771 = arith.constant 1 : i32
        %swap3A_772 = arith.index_cast %swap3A_771 : i32 to index
        %swap3A_773 = arith.constant 16 : index
        %swap3A_774 = tpu.vector_load %arg21[%swap3A_772, %swap3A_773] {strides = array<i32>} : memref<2x80xi32, #tpu.memory_space<vmem>>, vector<16xi32>,
        tpu.vector_store %arg21[%swap3A_772, %swap3A_773], %get3A_770 {strides = array<i32>} : memref<2x80xi32, #tpu.memory_space<vmem>>, vector<16xi32>,
        %get3A_775 = arith.constant 1 : i32
        %get3A_776 = arith.index_cast %get3A_775 : i32 to index
        %get3A_777 = arith.constant 32 : index
        %get3A_778 = tpu.vector_load %arg18[%get3A_776, %get3A_777] {strides = array<i32>} : memref<2x80xi32, #tpu.memory_space<vmem>>, vector<16xi32>,
        %swap3A_779 = arith.constant 1 : i32
        %swap3A_780 = arith.index_cast %swap3A_779 : i32 to index
        %swap3A_781 = arith.constant 32 : index
        %swap3A_782 = tpu.vector_load %arg21[%swap3A_780, %swap3A_781] {strides = array<i32>} : memref<2x80xi32, #tpu.memory_space<vmem>>, vector<16xi32>,
        tpu.vector_store %arg21[%swap3A_780, %swap3A_781], %get3A_778 {strides = array<i32>} : memref<2x80xi32, #tpu.memory_space<vmem>>, vector<16xi32>,
        %get3A_783 = arith.constant 1 : i32
        %get3A_784 = arith.index_cast %get3A_783 : i32 to index
        %get3A_785 = arith.constant 48 : index
        %get3A_786 = tpu.vector_load %arg18[%get3A_784, %get3A_785] {strides = array<i32>} : memref<2x80xi32, #tpu.memory_space<vmem>>, vector<16xi32>,
        %swap3A_787 = arith.constant 1 : i32
        %swap3A_788 = arith.index_cast %swap3A_787 : i32 to index
        %swap3A_789 = arith.constant 48 : index
        %swap3A_790 = tpu.vector_load %arg21[%swap3A_788, %swap3A_789] {strides = array<i32>} : memref<2x80xi32, #tpu.memory_space<vmem>>, vector<16xi32>,
        tpu.vector_store %arg21[%swap3A_788, %swap3A_789], %get3A_786 {strides = array<i32>} : memref<2x80xi32, #tpu.memory_space<vmem>>, vector<16xi32>,
        %get3A_791 = arith.constant 1 : i32
        %get3A_792 = arith.index_cast %get3A_791 : i32 to index
        %get3A_793 = arith.constant 64 : index
        %get3A_794 = tpu.vector_load %arg18[%get3A_792, %get3A_793] {strides = array<i32>} : memref<2x80xi32, #tpu.memory_space<vmem>>, vector<16xi32>,
        %swap3A_795 = arith.constant 1 : i32
        %swap3A_796 = arith.index_cast %swap3A_795 : i32 to index
        %swap3A_797 = arith.constant 64 : index
        %swap3A_798 = tpu.vector_load %arg21[%swap3A_796, %swap3A_797] {strides = array<i32>} : memref<2x80xi32, #tpu.memory_space<vmem>>, vector<16xi32>,
        tpu.vector_store %arg21[%swap3A_796, %swap3A_797], %get3A_794 {strides = array<i32>} : memref<2x80xi32, #tpu.memory_space<vmem>>, vector<16xi32>,
        %add3A_799 = arith.constant 2 : i32
        %add3A_800 = arith.addi %mul3A_441, %add3A_799 : i32
        %lt3A_801 = arith.constant 250 : i32
        %lt3A_802 = arith.cmpi slt, %add3A_800, %lt3A_801 : i32
        %convert_element_type3A_803 = arith.extui %lt3A_802 : i1 to i32
        %cond3A_804 = arith.constant 0 : i32
        %cond3A_805 = arith.cmpi ne, %convert_element_type3A_803, %cond3A_804 : i32
        scf.if %cond3A_805 {
          %add3A_806 = arith.constant 2 : i32
          %add3A_807 = arith.addi %mul3A_441, %add3A_806 : i32
          %mul3A_808 = arith.constant 80 : i32
          %mul3A_809 = arith.muli %add3A_807, %mul3A_808 : i32
          %add3A_810 = arith.addi %add3A, %mul3A_809 : i32
          %dma_start3A_811 = arith.constant 0 : i32
          %dma_start3A_812 = arith.constant 0 : i32
          %dma_start3A_813 = tpu.memref_slice %arg17[%dma_start3A_811, %dma_start3A_812] : memref<2x80xi32, #tpu.memory_space<vmem>> -> memref<1x80xi32, #tpu.memory_space<vmem>>
          %dma_start3A_814 = tpu.memref_squeeze %dma_start3A_813 : memref<1x80xi32, #tpu.memory_space<vmem>> -> memref<80xi32, #tpu.memory_space<vmem>>
          %dma_start3A_815 = tpu.memref_slice %arg2[%add3A_810] : memref<640000xi32, #tpu.memory_space<hbm>> -> memref<80xi32, #tpu.memory_space<hbm>>
          %dma_start3A_816 = arith.constant 0 : i32
          %dma_start3A_817 = tpu.memref_slice %arg17[%dma_start3A_811, %dma_start3A_816] : memref<2x80xi32, #tpu.memory_space<vmem>> -> memref<1x80xi32, #tpu.memory_space<vmem>>
          %dma_start3A_818 = tpu.memref_squeeze %dma_start3A_817 : memref<1x80xi32, #tpu.memory_space<vmem>> -> memref<80xi32, #tpu.memory_space<vmem>>
          %dma_start3A_819 = tpu.memref_slice %arg2[%add3A_810] : memref<640000xi32, #tpu.memory_space<hbm>> -> memref<80xi32, #tpu.memory_space<hbm>>
          tpu.enqueue_dma source(%dma_start3A_819 : memref<80xi32, #tpu.memory_space<hbm>>) target(%dma_start3A_818 : memref<80xi32, #tpu.memory_space<vmem>>) target_semaphore(%arg35 : memref<!tpu.dma_semaphore, #tpu.memory_space<semaphore_mem>>)
          %dma_start3A_820 = arith.constant 0 : i32
          %dma_start3A_821 = arith.constant 0 : i32
          %dma_start3A_822 = tpu.memref_slice %arg18[%dma_start3A_820, %dma_start3A_821] : memref<2x80xi32, #tpu.memory_space<vmem>> -> memref<1x80xi32, #tpu.memory_space<vmem>>
          %dma_start3A_823 = tpu.memref_squeeze %dma_start3A_822 : memref<1x80xi32, #tpu.memory_space<vmem>> -> memref<80xi32, #tpu.memory_space<vmem>>
          %dma_start3A_824 = tpu.memref_slice %arg3[%add3A_810] : memref<640000xi32, #tpu.memory_space<hbm>> -> memref<80xi32, #tpu.memory_space<hbm>>
          %dma_start3A_825 = arith.constant 0 : i32
          %dma_start3A_826 = tpu.memref_slice %arg18[%dma_start3A_820, %dma_start3A_825] : memref<2x80xi32, #tpu.memory_space<vmem>> -> memref<1x80xi32, #tpu.memory_space<vmem>>
          %dma_start3A_827 = tpu.memref_squeeze %dma_start3A_826 : memref<1x80xi32, #tpu.memory_space<vmem>> -> memref<80xi32, #tpu.memory_space<vmem>>
          %dma_start3A_828 = tpu.memref_slice %arg3[%add3A_810] : memref<640000xi32, #tpu.memory_space<hbm>> -> memref<80xi32, #tpu.memory_space<hbm>>
          tpu.enqueue_dma source(%dma_start3A_828 : memref<80xi32, #tpu.memory_space<hbm>>) target(%dma_start3A_827 : memref<80xi32, #tpu.memory_space<vmem>>) target_semaphore(%arg35 : memref<!tpu.dma_semaphore, #tpu.memory_space<semaphore_mem>>)
          %dma_start3A_829 = arith.constant 0 : i32
          %dma_start3A_830 = arith.constant 0 : i32
          %dma_start3A_831 = tpu.memref_slice %arg19[%dma_start3A_829, %dma_start3A_830] : memref<2x80xf32, #tpu.memory_space<vmem>> -> memref<1x80xf32, #tpu.memory_space<vmem>>
          %dma_start3A_832 = tpu.memref_squeeze %dma_start3A_831 : memref<1x80xf32, #tpu.memory_space<vmem>> -> memref<80xf32, #tpu.memory_space<vmem>>
          %dma_start3A_833 = tpu.memref_slice %arg4[%add3A_810] : memref<640000xf32, #tpu.memory_space<hbm>> -> memref<80xf32, #tpu.memory_space<hbm>>
          %dma_start3A_834 = arith.constant 0 : i32
          %dma_start3A_835 = tpu.memref_slice %arg19[%dma_start3A_829, %dma_start3A_834] : memref<2x80xf32, #tpu.memory_space<vmem>> -> memref<1x80xf32, #tpu.memory_space<vmem>>
          %dma_start3A_836 = tpu.memref_squeeze %dma_start3A_835 : memref<1x80xf32, #tpu.memory_space<vmem>> -> memref<80xf32, #tpu.memory_space<vmem>>
          %dma_start3A_837 = tpu.memref_slice %arg4[%add3A_810] : memref<640000xf32, #tpu.memory_space<hbm>> -> memref<80xf32, #tpu.memory_space<hbm>>
          tpu.enqueue_dma source(%dma_start3A_837 : memref<80xf32, #tpu.memory_space<hbm>>) target(%dma_start3A_836 : memref<80xf32, #tpu.memory_space<vmem>>) target_semaphore(%arg35 : memref<!tpu.dma_semaphore, #tpu.memory_space<semaphore_mem>>)
        } else {
        }
      } else {
      }
      %dma_wait3A_446 = arith.constant 0 : i32
      %dma_wait3A_447 = arith.constant 0 : i32
      %dma_wait3A_448 = arith.constant 0 : i32
      %dma_wait3A_449 = arith.constant 0 : i32
      %dma_wait3A_450 = tpu.memref_slice %arg23[%dma_wait3A_447, %dma_wait3A_448, %dma_wait3A_449] : memref<2x80x128xf32, #tpu.memory_space<vmem>> -> memref<1x80x128xf32, #tpu.memory_space<vmem>>
      %dma_wait3A_451 = tpu.memref_squeeze %dma_wait3A_450 : memref<1x80x128xf32, #tpu.memory_space<vmem>> -> memref<80x128xf32, #tpu.memory_space<vmem>>
      %dma_wait3A_452 = arith.constant 0 : i32
      %dma_wait3A_453 = tpu.memref_slice %arg20[%dma_wait3A_446, %dma_wait3A_452] : memref<2x80xi32, #tpu.memory_space<vmem>> -> memref<1x80xi32, #tpu.memory_space<vmem>>
      %dma_wait3A_454 = tpu.memref_squeeze %dma_wait3A_453 : memref<1x80xi32, #tpu.memory_space<vmem>> -> memref<80xi32, #tpu.memory_space<vmem>>
      %dma_wait3A_455 = arith.constant 0 : i32
      %dma_wait3A_456 = arith.constant 0 : i32
      %dma_wait3A_457 = tpu.memref_slice %arg5[%dma_wait3A_455, %dma_wait3A_456] : memref<20480x128xf32, #tpu.memory_space<hbm>> -> memref<20480x128xf32, #tpu.memory_space<hbm>>
      tpu.wait_indirect_dma semaphore(%arg37 : memref<!tpu.dma_semaphore, #tpu.memory_space<semaphore_mem>>) src(%dma_wait3A_457 : memref<20480x128xf32, #tpu.memory_space<hbm>>) dst(%dma_wait3A_451 : memref<80x128xf32, #tpu.memory_space<vmem>>)
      %scan3A_458 = arith.constant 0 : i32
      %scan3A_459 = arith.constant 0 : i32
      %scan3A_460 = arith.constant 20 : i32
      %scan3A_461 = arith.addi %scan3A_459, %scan3A_460 : i32
      %scan3A_462 = arith.constant 1 : i32
      scf.for %scan3A_485 = %scan3A_459 to %scan3A_461 step %scan3A_462  : i32 {
        %mul3A_486 = arith.constant 4 : i32
        %mul3A_487 = arith.muli %scan3A_485, %mul3A_486 : i32
        %add3A_488 = arith.constant 0 : i32
        %add3A_489 = arith.addi %mul3A_487, %add3A_488 : i32
        %broadcast_in_dim3A = vector.broadcast %add3A_489 : i32 to vector<16xi32>
        %gather3A_490 = arith.constant 0 : i32
        %gather3A_491 = arith.constant 0 : i32
        %gather3A_492 = tpu.memref_slice %arg22[%gather3A_490, %gather3A_491] : memref<2x80xf32, #tpu.memory_space<vmem>> -> memref<1x80xf32, #tpu.memory_space<vmem>>
        %gather3A_493 = tpu.memref_squeeze %gather3A_492 : memref<1x80xf32, #tpu.memory_space<vmem>> -> memref<80xf32, #tpu.memory_space<vmem>>
        %gather3A_494 = tpu.vector_load_idx %gather3A_493[%broadcast_in_dim3A] : memref<80xf32, #tpu.memory_space<vmem>>[vector<16xi32>], vector<16xf32>,
        %get3A_495 = arith.constant 0 : i32
        %get3A_496 = arith.index_cast %get3A_495 : i32 to index
        %get3A_497 = arith.index_cast %add3A_489 : i32 to index
        %get3A_498 = arith.constant 0 : index
        %get3A_499 = tpu.vector_load %arg23[%get3A_496, %get3A_497, %get3A_498] {strides = array<i32>} : memref<2x80x128xf32, #tpu.memory_space<vmem>>, vector<16xf32>,
        %mul3A_500 = arith.mulf %get3A_499, %gather3A_494 : vector<16xf32>
        %swap3A_501 = arith.constant 0 : i32
        %swap3A_502 = arith.index_cast %swap3A_501 : i32 to index
        %swap3A_503 = arith.index_cast %add3A_489 : i32 to index
        %swap3A_504 = arith.constant 0 : index
        %swap3A_505 = tpu.vector_load %arg23[%swap3A_502, %swap3A_503, %swap3A_504] {strides = array<i32>} : memref<2x80x128xf32, #tpu.memory_space<vmem>>, vector<16xf32>,
        tpu.vector_store %arg23[%swap3A_502, %swap3A_503, %swap3A_504], %mul3A_500 {strides = array<i32>} : memref<2x80x128xf32, #tpu.memory_space<vmem>>, vector<16xf32>,
        %get3A_506 = arith.constant 0 : i32
        %get3A_507 = arith.index_cast %get3A_506 : i32 to index
        %get3A_508 = arith.index_cast %add3A_489 : i32 to index
        %get3A_509 = arith.constant 16 : index
        %get3A_510 = tpu.vector_load %arg23[%get3A_507, %get3A_508, %get3A_509] {strides = array<i32>} : memref<2x80x128xf32, #tpu.memory_space<vmem>>, vector<16xf32>,
        %mul3A_511 = arith.mulf %get3A_510, %gather3A_494 : vector<16xf32>
        %swap3A_512 = arith.constant 0 : i32
        %swap3A_513 = arith.index_cast %swap3A_512 : i32 to index
        %swap3A_514 = arith.index_cast %add3A_489 : i32 to index
        %swap3A_515 = arith.constant 16 : index
        %swap3A_516 = tpu.vector_load %arg23[%swap3A_513, %swap3A_514, %swap3A_515] {strides = array<i32>} : memref<2x80x128xf32, #tpu.memory_space<vmem>>, vector<16xf32>,
        tpu.vector_store %arg23[%swap3A_513, %swap3A_514, %swap3A_515], %mul3A_511 {strides = array<i32>} : memref<2x80x128xf32, #tpu.memory_space<vmem>>, vector<16xf32>,
        %get3A_517 = arith.constant 0 : i32
        %get3A_518 = arith.index_cast %get3A_517 : i32 to index
        %get3A_519 = arith.index_cast %add3A_489 : i32 to index
        %get3A_520 = arith.constant 32 : index
        %get3A_521 = tpu.vector_load %arg23[%get3A_518, %get3A_519, %get3A_520] {strides = array<i32>} : memref<2x80x128xf32, #tpu.memory_space<vmem>>, vector<16xf32>,
        %mul3A_522 = arith.mulf %get3A_521, %gather3A_494 : vector<16xf32>
        %swap3A_523 = arith.constant 0 : i32
        %swap3A_524 = arith.index_cast %swap3A_523 : i32 to index
        %swap3A_525 = arith.index_cast %add3A_489 : i32 to index
        %swap3A_526 = arith.constant 32 : index
        %swap3A_527 = tpu.vector_load %arg23[%swap3A_524, %swap3A_525, %swap3A_526] {strides = array<i32>} : memref<2x80x128xf32, #tpu.memory_space<vmem>>, vector<16xf32>,
        tpu.vector_store %arg23[%swap3A_524, %swap3A_525, %swap3A_526], %mul3A_522 {strides = array<i32>} : memref<2x80x128xf32, #tpu.memory_space<vmem>>, vector<16xf32>,
        %get3A_528 = arith.constant 0 : i32
        %get3A_529 = arith.index_cast %get3A_528 : i32 to index
        %get3A_530 = arith.index_cast %add3A_489 : i32 to index
        %get3A_531 = arith.constant 48 : index
        %get3A_532 = tpu.vector_load %arg23[%get3A_529, %get3A_530, %get3A_531] {strides = array<i32>} : memref<2x80x128xf32, #tpu.memory_space<vmem>>, vector<16xf32>,
        %mul3A_533 = arith.mulf %get3A_532, %gather3A_494 : vector<16xf32>
        %swap3A_534 = arith.constant 0 : i32
        %swap3A_535 = arith.index_cast %swap3A_534 : i32 to index
        %swap3A_536 = arith.index_cast %add3A_489 : i32 to index
        %swap3A_537 = arith.constant 48 : index
        %swap3A_538 = tpu.vector_load %arg23[%swap3A_535, %swap3A_536, %swap3A_537] {strides = array<i32>} : memref<2x80x128xf32, #tpu.memory_space<vmem>>, vector<16xf32>,
        tpu.vector_store %arg23[%swap3A_535, %swap3A_536, %swap3A_537], %mul3A_533 {strides = array<i32>} : memref<2x80x128xf32, #tpu.memory_space<vmem>>, vector<16xf32>,
        %get3A_539 = arith.constant 0 : i32
        %get3A_540 = arith.index_cast %get3A_539 : i32 to index
        %get3A_541 = arith.index_cast %add3A_489 : i32 to index
        %get3A_542 = arith.constant 64 : index
        %get3A_543 = tpu.vector_load %arg23[%get3A_540, %get3A_541, %get3A_542] {strides = array<i32>} : memref<2x80x128xf32, #tpu.memory_space<vmem>>, vector<16xf32>,
        %mul3A_544 = arith.mulf %get3A_543, %gather3A_494 : vector<16xf32>
        %swap3A_545 = arith.constant 0 : i32
        %swap3A_546 = arith.index_cast %swap3A_545 : i32 to index
        %swap3A_547 = arith.index_cast %add3A_489 : i32 to index
        %swap3A_548 = arith.constant 64 : index
        %swap3A_549 = tpu.vector_load %arg23[%swap3A_546, %swap3A_547, %swap3A_548] {strides = array<i32>} : memref<2x80x128xf32, #tpu.memory_space<vmem>>, vector<16xf32>,
        tpu.vector_store %arg23[%swap3A_546, %swap3A_547, %swap3A_548], %mul3A_544 {strides = array<i32>} : memref<2x80x128xf32, #tpu.memory_space<vmem>>, vector<16xf32>,
        %get3A_550 = arith.constant 0 : i32
        %get3A_551 = arith.index_cast %get3A_550 : i32 to index
        %get3A_552 = arith.index_cast %add3A_489 : i32 to index
        %get3A_553 = arith.constant 80 : index
        %get3A_554 = tpu.vector_load %arg23[%get3A_551, %get3A_552, %get3A_553] {strides = array<i32>} : memref<2x80x128xf32, #tpu.memory_space<vmem>>, vector<16xf32>,
        %mul3A_555 = arith.mulf %get3A_554, %gather3A_494 : vector<16xf32>
        %swap3A_556 = arith.constant 0 : i32
        %swap3A_557 = arith.index_cast %swap3A_556 : i32 to index
        %swap3A_558 = arith.index_cast %add3A_489 : i32 to index
        %swap3A_559 = arith.constant 80 : index
        %swap3A_560 = tpu.vector_load %arg23[%swap3A_557, %swap3A_558, %swap3A_559] {strides = array<i32>} : memref<2x80x128xf32, #tpu.memory_space<vmem>>, vector<16xf32>,
        tpu.vector_store %arg23[%swap3A_557, %swap3A_558, %swap3A_559], %mul3A_555 {strides = array<i32>} : memref<2x80x128xf32, #tpu.memory_space<vmem>>, vector<16xf32>,
        %get3A_561 = arith.constant 0 : i32
        %get3A_562 = arith.index_cast %get3A_561 : i32 to index
        %get3A_563 = arith.index_cast %add3A_489 : i32 to index
        %get3A_564 = arith.constant 96 : index
        %get3A_565 = tpu.vector_load %arg23[%get3A_562, %get3A_563, %get3A_564] {strides = array<i32>} : memref<2x80x128xf32, #tpu.memory_space<vmem>>, vector<16xf32>,
        %mul3A_566 = arith.mulf %get3A_565, %gather3A_494 : vector<16xf32>
        %swap3A_567 = arith.constant 0 : i32
        %swap3A_568 = arith.index_cast %swap3A_567 : i32 to index
        %swap3A_569 = arith.index_cast %add3A_489 : i32 to index
        %swap3A_570 = arith.constant 96 : index
        %swap3A_571 = tpu.vector_load %arg23[%swap3A_568, %swap3A_569, %swap3A_570] {strides = array<i32>} : memref<2x80x128xf32, #tpu.memory_space<vmem>>, vector<16xf32>,
        tpu.vector_store %arg23[%swap3A_568, %swap3A_569, %swap3A_570], %mul3A_566 {strides = array<i32>} : memref<2x80x128xf32, #tpu.memory_space<vmem>>, vector<16xf32>,
        %get3A_572 = arith.constant 0 : i32
        %get3A_573 = arith.index_cast %get3A_572 : i32 to index
        %get3A_574 = arith.index_cast %add3A_489 : i32 to index
        %get3A_575 = arith.constant 112 : index
        %get3A_576 = tpu.vector_load %arg23[%get3A_573, %get3A_574, %get3A_575] {strides = array<i32>} : memref<2x80x128xf32, #tpu.memory_space<vmem>>, vector<16xf32>,
        %mul3A_577 = arith.mulf %get3A_576, %gather3A_494 : vector<16xf32>
        %swap3A_578 = arith.constant 0 : i32
        %swap3A_579 = arith.index_cast %swap3A_578 : i32 to index
        %swap3A_580 = arith.index_cast %add3A_489 : i32 to index
        %swap3A_581 = arith.constant 112 : index
        %swap3A_582 = tpu.vector_load %arg23[%swap3A_579, %swap3A_580, %swap3A_581] {strides = array<i32>} : memref<2x80x128xf32, #tpu.memory_space<vmem>>, vector<16xf32>,
        tpu.vector_store %arg23[%swap3A_579, %swap3A_580, %swap3A_581], %mul3A_577 {strides = array<i32>} : memref<2x80x128xf32, #tpu.memory_space<vmem>>, vector<16xf32>,
        %mul3A_583 = arith.constant 4 : i32
        %mul3A_584 = arith.muli %scan3A_485, %mul3A_583 : i32
        %add3A_585 = arith.constant 1 : i32
        %add3A_586 = arith.addi %mul3A_584, %add3A_585 : i32
        %broadcast_in_dim3A_587 = vector.broadcast %add3A_586 : i32 to vector<16xi32>
        %gather3A_588 = arith.constant 0 : i32
        %gather3A_589 = arith.constant 0 : i32
        %gather3A_590 = tpu.memref_slice %arg22[%gather3A_588, %gather3A_589] : memref<2x80xf32, #tpu.memory_space<vmem>> -> memref<1x80xf32, #tpu.memory_space<vmem>>
        %gather3A_591 = tpu.memref_squeeze %gather3A_590 : memref<1x80xf32, #tpu.memory_space<vmem>> -> memref<80xf32, #tpu.memory_space<vmem>>
        %gather3A_592 = tpu.vector_load_idx %gather3A_591[%broadcast_in_dim3A_587] : memref<80xf32, #tpu.memory_space<vmem>>[vector<16xi32>], vector<16xf32>,
        %get3A_593 = arith.constant 0 : i32
        %get3A_594 = arith.index_cast %get3A_593 : i32 to index
        %get3A_595 = arith.index_cast %add3A_586 : i32 to index
        %get3A_596 = arith.constant 0 : index
        %get3A_597 = tpu.vector_load %arg23[%get3A_594, %get3A_595, %get3A_596] {strides = array<i32>} : memref<2x80x128xf32, #tpu.memory_space<vmem>>, vector<16xf32>,
        %mul3A_598 = arith.mulf %get3A_597, %gather3A_592 : vector<16xf32>
        %swap3A_599 = arith.constant 0 : i32
        %swap3A_600 = arith.index_cast %swap3A_599 : i32 to index
        %swap3A_601 = arith.index_cast %add3A_586 : i32 to index
        %swap3A_602 = arith.constant 0 : index
        %swap3A_603 = tpu.vector_load %arg23[%swap3A_600, %swap3A_601, %swap3A_602] {strides = array<i32>} : memref<2x80x128xf32, #tpu.memory_space<vmem>>, vector<16xf32>,
        tpu.vector_store %arg23[%swap3A_600, %swap3A_601, %swap3A_602], %mul3A_598 {strides = array<i32>} : memref<2x80x128xf32, #tpu.memory_space<vmem>>, vector<16xf32>,
        %get3A_604 = arith.constant 0 : i32
        %get3A_605 = arith.index_cast %get3A_604 : i32 to index
        %get3A_606 = arith.index_cast %add3A_586 : i32 to index
        %get3A_607 = arith.constant 16 : index
        %get3A_608 = tpu.vector_load %arg23[%get3A_605, %get3A_606, %get3A_607] {strides = array<i32>} : memref<2x80x128xf32, #tpu.memory_space<vmem>>, vector<16xf32>,
        %mul3A_609 = arith.mulf %get3A_608, %gather3A_592 : vector<16xf32>
        %swap3A_610 = arith.constant 0 : i32
        %swap3A_611 = arith.index_cast %swap3A_610 : i32 to index
        %swap3A_612 = arith.index_cast %add3A_586 : i32 to index
        %swap3A_613 = arith.constant 16 : index
        %swap3A_614 = tpu.vector_load %arg23[%swap3A_611, %swap3A_612, %swap3A_613] {strides = array<i32>} : memref<2x80x128xf32, #tpu.memory_space<vmem>>, vector<16xf32>,
        tpu.vector_store %arg23[%swap3A_611, %swap3A_612, %swap3A_613], %mul3A_609 {strides = array<i32>} : memref<2x80x128xf32, #tpu.memory_space<vmem>>, vector<16xf32>,
        %get3A_615 = arith.constant 0 : i32
        %get3A_616 = arith.index_cast %get3A_615 : i32 to index
        %get3A_617 = arith.index_cast %add3A_586 : i32 to index
        %get3A_618 = arith.constant 32 : index
        %get3A_619 = tpu.vector_load %arg23[%get3A_616, %get3A_617, %get3A_618] {strides = array<i32>} : memref<2x80x128xf32, #tpu.memory_space<vmem>>, vector<16xf32>,
        %mul3A_620 = arith.mulf %get3A_619, %gather3A_592 : vector<16xf32>
        %swap3A_621 = arith.constant 0 : i32
        %swap3A_622 = arith.index_cast %swap3A_621 : i32 to index
        %swap3A_623 = arith.index_cast %add3A_586 : i32 to index
        %swap3A_624 = arith.constant 32 : index
        %swap3A_625 = tpu.vector_load %arg23[%swap3A_622, %swap3A_623, %swap3A_624] {strides = array<i32>} : memref<2x80x128xf32, #tpu.memory_space<vmem>>, vector<16xf32>,
        tpu.vector_store %arg23[%swap3A_622, %swap3A_623, %swap3A_624], %mul3A_620 {strides = array<i32>} : memref<2x80x128xf32, #tpu.memory_space<vmem>>, vector<16xf32>,
        %get3A_626 = arith.constant 0 : i32
        %get3A_627 = arith.index_cast %get3A_626 : i32 to index
        %get3A_628 = arith.index_cast %add3A_586 : i32 to index
        %get3A_629 = arith.constant 48 : index
        %get3A_630 = tpu.vector_load %arg23[%get3A_627, %get3A_628, %get3A_629] {strides = array<i32>} : memref<2x80x128xf32, #tpu.memory_space<vmem>>, vector<16xf32>,
        %mul3A_631 = arith.mulf %get3A_630, %gather3A_592 : vector<16xf32>
        %swap3A_632 = arith.constant 0 : i32
        %swap3A_633 = arith.index_cast %swap3A_632 : i32 to index
        %swap3A_634 = arith.index_cast %add3A_586 : i32 to index
        %swap3A_635 = arith.constant 48 : index
        %swap3A_636 = tpu.vector_load %arg23[%swap3A_633, %swap3A_634, %swap3A_635] {strides = array<i32>} : memref<2x80x128xf32, #tpu.memory_space<vmem>>, vector<16xf32>,
        tpu.vector_store %arg23[%swap3A_633, %swap3A_634, %swap3A_635], %mul3A_631 {strides = array<i32>} : memref<2x80x128xf32, #tpu.memory_space<vmem>>, vector<16xf32>,
        %get3A_637 = arith.constant 0 : i32
        %get3A_638 = arith.index_cast %get3A_637 : i32 to index
        %get3A_639 = arith.index_cast %add3A_586 : i32 to index
        %get3A_640 = arith.constant 64 : index
        %get3A_641 = tpu.vector_load %arg23[%get3A_638, %get3A_639, %get3A_640] {strides = array<i32>} : memref<2x80x128xf32, #tpu.memory_space<vmem>>, vector<16xf32>,
        %mul3A_642 = arith.mulf %get3A_641, %gather3A_592 : vector<16xf32>
        %swap3A_643 = arith.constant 0 : i32
        %swap3A_644 = arith.index_cast %swap3A_643 : i32 to index
        %swap3A_645 = arith.index_cast %add3A_586 : i32 to index
        %swap3A_646 = arith.constant 64 : index
        %swap3A_647 = tpu.vector_load %arg23[%swap3A_644, %swap3A_645, %swap3A_646] {strides = array<i32>} : memref<2x80x128xf32, #tpu.memory_space<vmem>>, vector<16xf32>,
        tpu.vector_store %arg23[%swap3A_644, %swap3A_645, %swap3A_646], %mul3A_642 {strides = array<i32>} : memref<2x80x128xf32, #tpu.memory_space<vmem>>, vector<16xf32>,
        %get3A_648 = arith.constant 0 : i32
        %get3A_649 = arith.index_cast %get3A_648 : i32 to index
        %get3A_650 = arith.index_cast %add3A_586 : i32 to index
        %get3A_651 = arith.constant 80 : index
        %get3A_652 = tpu.vector_load %arg23[%get3A_649, %get3A_650, %get3A_651] {strides = array<i32>} : memref<2x80x128xf32, #tpu.memory_space<vmem>>, vector<16xf32>,
        %mul3A_653 = arith.mulf %get3A_652, %gather3A_592 : vector<16xf32>
        %swap3A_654 = arith.constant 0 : i32
        %swap3A_655 = arith.index_cast %swap3A_654 : i32 to index
        %swap3A_656 = arith.index_cast %add3A_586 : i32 to index
        %swap3A_657 = arith.constant 80 : index
        %swap3A_658 = tpu.vector_load %arg23[%swap3A_655, %swap3A_656, %swap3A_657] {strides = array<i32>} : memref<2x80x128xf32, #tpu.memory_space<vmem>>, vector<16xf32>,
        tpu.vector_store %arg23[%swap3A_655, %swap3A_656, %swap3A_657], %mul3A_653 {strides = array<i32>} : memref<2x80x128xf32, #tpu.memory_space<vmem>>, vector<16xf32>,
        %get3A_659 = arith.constant 0 : i32
        %get3A_660 = arith.index_cast %get3A_659 : i32 to index
        %get3A_661 = arith.index_cast %add3A_586 : i32 to index
        %get3A_662 = arith.constant 96 : index
        %get3A_663 = tpu.vector_load %arg23[%get3A_660, %get3A_661, %get3A_662] {strides = array<i32>} : memref<2x80x128xf32, #tpu.memory_space<vmem>>, vector<16xf32>,
        %mul3A_664 = arith.mulf %get3A_663, %gather3A_592 : vector<16xf32>
        %swap3A_665 = arith.constant 0 : i32
        %swap3A_666 = arith.index_cast %swap3A_665 : i32 to index
        %swap3A_667 = arith.index_cast %add3A_586 : i32 to index
        %swap3A_668 = arith.constant 96 : index
        %swap3A_669 = tpu.vector_load %arg23[%swap3A_666, %swap3A_667, %swap3A_668] {strides = array<i32>} : memref<2x80x128xf32, #tpu.memory_space<vmem>>, vector<16xf32>,
        tpu.vector_store %arg23[%swap3A_666, %swap3A_667, %swap3A_668], %mul3A_664 {strides = array<i32>} : memref<2x80x128xf32, #tpu.memory_space<vmem>>, vector<16xf32>,
        %get3A_670 = arith.constant 0 : i32
        %get3A_671 = arith.index_cast %get3A_670 : i32 to index
        %get3A_672 = arith.index_cast %add3A_586 : i32 to index
        %get3A_673 = arith.constant 112 : index
        %get3A_674 = tpu.vector_load %arg23[%get3A_671, %get3A_672, %get3A_673] {strides = array<i32>} : memref<2x80x128xf32, #tpu.memory_space<vmem>>, vector<16xf32>,
        %mul3A_675 = arith.mulf %get3A_674, %gather3A_592 : vector<16xf32>
        %swap3A_676 = arith.constant 0 : i32
        %swap3A_677 = arith.index_cast %swap3A_676 : i32 to index
        %swap3A_678 = arith.index_cast %add3A_586 : i32 to index
        %swap3A_679 = arith.constant 112 : index
        %swap3A_680 = tpu.vector_load %arg23[%swap3A_677, %swap3A_678, %swap3A_679] {strides = array<i32>} : memref<2x80x128xf32, #tpu.memory_space<vmem>>, vector<16xf32>,
        tpu.vector_store %arg23[%swap3A_677, %swap3A_678, %swap3A_679], %mul3A_675 {strides = array<i32>} : memref<2x80x128xf32, #tpu.memory_space<vmem>>, vector<16xf32>,
        %mul3A_681 = arith.constant 4 : i32
        %mul3A_682 = arith.muli %scan3A_485, %mul3A_681 : i32
        %add3A_683 = arith.constant 2 : i32
        %add3A_684 = arith.addi %mul3A_682, %add3A_683 : i32
        %broadcast_in_dim3A_685 = vector.broadcast %add3A_684 : i32 to vector<16xi32>
        %gather3A_686 = arith.constant 0 : i32
        %gather3A_687 = arith.constant 0 : i32
        %gather3A_688 = tpu.memref_slice %arg22[%gather3A_686, %gather3A_687] : memref<2x80xf32, #tpu.memory_space<vmem>> -> memref<1x80xf32, #tpu.memory_space<vmem>>
        %gather3A_689 = tpu.memref_squeeze %gather3A_688 : memref<1x80xf32, #tpu.memory_space<vmem>> -> memref<80xf32, #tpu.memory_space<vmem>>
        %gather3A_690 = tpu.vector_load_idx %gather3A_689[%broadcast_in_dim3A_685] : memref<80xf32, #tpu.memory_space<vmem>>[vector<16xi32>], vector<16xf32>,
        %get3A_691 = arith.constant 0 : i32
        %get3A_692 = arith.index_cast %get3A_691 : i32 to index
        %get3A_693 = arith.index_cast %add3A_684 : i32 to index
        %get3A_694 = arith.constant 0 : index
        %get3A_695 = tpu.vector_load %arg23[%get3A_692, %get3A_693, %get3A_694] {strides = array<i32>} : memref<2x80x128xf32, #tpu.memory_space<vmem>>, vector<16xf32>,
        %mul3A_696 = arith.mulf %get3A_695, %gather3A_690 : vector<16xf32>
        %swap3A_697 = arith.constant 0 : i32
        %swap3A_698 = arith.index_cast %swap3A_697 : i32 to index
        %swap3A_699 = arith.index_cast %add3A_684 : i32 to index
        %swap3A_700 = arith.constant 0 : index
        %swap3A_701 = tpu.vector_load %arg23[%swap3A_698, %swap3A_699, %swap3A_700] {strides = array<i32>} : memref<2x80x128xf32, #tpu.memory_space<vmem>>, vector<16xf32>,
        tpu.vector_store %arg23[%swap3A_698, %swap3A_699, %swap3A_700], %mul3A_696 {strides = array<i32>} : memref<2x80x128xf32, #tpu.memory_space<vmem>>, vector<16xf32>,
        %get3A_702 = arith.constant 0 : i32
        %get3A_703 = arith.index_cast %get3A_702 : i32 to index
        %get3A_704 = arith.index_cast %add3A_684 : i32 to index
        %get3A_705 = arith.constant 16 : index
        %get3A_706 = tpu.vector_load %arg23[%get3A_703, %get3A_704, %get3A_705] {strides = array<i32>} : memref<2x80x128xf32, #tpu.memory_space<vmem>>, vector<16xf32>,
        %mul3A_707 = arith.mulf %get3A_706, %gather3A_690 : vector<16xf32>
        %swap3A_708 = arith.constant 0 : i32
        %swap3A_709 = arith.index_cast %swap3A_708 : i32 to index
        %swap3A_710 = arith.index_cast %add3A_684 : i32 to index
        %swap3A_711 = arith.constant 16 : index
        %swap3A_712 = tpu.vector_load %arg23[%swap3A_709, %swap3A_710, %swap3A_711] {strides = array<i32>} : memref<2x80x128xf32, #tpu.memory_space<vmem>>, vector<16xf32>,
        tpu.vector_store %arg23[%swap3A_709, %swap3A_710, %swap3A_711], %mul3A_707 {strides = array<i32>} : memref<2x80x128xf32, #tpu.memory_space<vmem>>, vector<16xf32>,
        %get3A_713 = arith.constant 0 : i32
        %get3A_714 = arith.index_cast %get3A_713 : i32 to index
        %get3A_715 = arith.index_cast %add3A_684 : i32 to index
        %get3A_716 = arith.constant 32 : index
        %get3A_717 = tpu.vector_load %arg23[%get3A_714, %get3A_715, %get3A_716] {strides = array<i32>} : memref<2x80x128xf32, #tpu.memory_space<vmem>>, vector<16xf32>,
        %mul3A_718 = arith.mulf %get3A_717, %gather3A_690 : vector<16xf32>
        %swap3A_719 = arith.constant 0 : i32
        %swap3A_720 = arith.index_cast %swap3A_719 : i32 to index
        %swap3A_721 = arith.index_cast %add3A_684 : i32 to index
        %swap3A_722 = arith.constant 32 : index
        %swap3A_723 = tpu.vector_load %arg23[%swap3A_720, %swap3A_721, %swap3A_722] {strides = array<i32>} : memref<2x80x128xf32, #tpu.memory_space<vmem>>, vector<16xf32>,
        tpu.vector_store %arg23[%swap3A_720, %swap3A_721, %swap3A_722], %mul3A_718 {strides = array<i32>} : memref<2x80x128xf32, #tpu.memory_space<vmem>>, vector<16xf32>,
        %get3A_724 = arith.constant 0 : i32
        %get3A_725 = arith.index_cast %get3A_724 : i32 to index
        %get3A_726 = arith.index_cast %add3A_684 : i32 to index
        %get3A_727 = arith.constant 48 : index
        %get3A_728 = tpu.vector_load %arg23[%get3A_725, %get3A_726, %get3A_727] {strides = array<i32>} : memref<2x80x128xf32, #tpu.memory_space<vmem>>, vector<16xf32>,
        %mul3A_729 = arith.mulf %get3A_728, %gather3A_690 : vector<16xf32>
        %swap3A_730 = arith.constant 0 : i32
        %swap3A_731 = arith.index_cast %swap3A_730 : i32 to index
        %swap3A_732 = arith.index_cast %add3A_684 : i32 to index
        %swap3A_733 = arith.constant 48 : index
        %swap3A_734 = tpu.vector_load %arg23[%swap3A_731, %swap3A_732, %swap3A_733] {strides = array<i32>} : memref<2x80x128xf32, #tpu.memory_space<vmem>>, vector<16xf32>,
        tpu.vector_store %arg23[%swap3A_731, %swap3A_732, %swap3A_733], %mul3A_729 {strides = array<i32>} : memref<2x80x128xf32, #tpu.memory_space<vmem>>, vector<16xf32>,
        %get3A_735 = arith.constant 0 : i32
        %get3A_736 = arith.index_cast %get3A_735 : i32 to index
        %get3A_737 = arith.index_cast %add3A_684 : i32 to index
        %get3A_738 = arith.constant 64 : index
        %get3A_739 = tpu.vector_load %arg23[%get3A_736, %get3A_737, %get3A_738] {strides = array<i32>} : memref<2x80x128xf32, #tpu.memory_space<vmem>>, vector<16xf32>,
        %mul3A_740 = arith.mulf %get3A_739, %gather3A_690 : vector<16xf32>
        %swap3A_741 = arith.constant 0 : i32
        %swap3A_742 = arith.index_cast %swap3A_741 : i32 to index
        %swap3A_743 = arith.index_cast %add3A_684 : i32 to index
        %swap3A_744 = arith.constant 64 : index
        %swap3A_745 = tpu.vector_load %arg23[%swap3A_742, %swap3A_743, %swap3A_744] {strides = array<i32>} : memref<2x80x128xf32, #tpu.memory_space<vmem>>, vector<16xf32>,
        tpu.vector_store %arg23[%swap3A_742, %swap3A_743, %swap3A_744], %mul3A_740 {strides = array<i32>} : memref<2x80x128xf32, #tpu.memory_space<vmem>>, vector<16xf32>,
        %get3A_746 = arith.constant 0 : i32
        %get3A_747 = arith.index_cast %get3A_746 : i32 to index
        %get3A_748 = arith.index_cast %add3A_684 : i32 to index
        %get3A_749 = arith.constant 80 : index
        %get3A_750 = tpu.vector_load %arg23[%get3A_747, %get3A_748, %get3A_749] {strides = array<i32>} : memref<2x80x128xf32, #tpu.memory_space<vmem>>, vector<16xf32>,
        %mul3A_751 = arith.mulf %get3A_750, %gather3A_690 : vector<16xf32>
        %swap3A_752 = arith.constant 0 : i32
        %swap3A_753 = arith.index_cast %swap3A_752 : i32 to index
        %swap3A_754 = arith.index_cast %add3A_684 : i32 to index
        %swap3A_755 = arith.constant 80 : index
        %swap3A_756 = tpu.vector_load %arg23[%swap3A_753, %swap3A_754, %swap3A_755] {strides = array<i32>} : memref<2x80x128xf32, #tpu.memory_space<vmem>>, vector<16xf32>,
        tpu.vector_store %arg23[%swap3A_753, %swap3A_754, %swap3A_755], %mul3A_751 {strides = array<i32>} : memref<2x80x128xf32, #tpu.memory_space<vmem>>, vector<16xf32>,
        %get3A_757 = arith.constant 0 : i32
        %get3A_758 = arith.index_cast %get3A_757 : i32 to index
        %get3A_759 = arith.index_cast %add3A_684 : i32 to index
        %get3A_760 = arith.constant 96 : index
        %get3A_761 = tpu.vector_load %arg23[%get3A_758, %get3A_759, %get3A_760] {strides = array<i32>} : memref<2x80x128xf32, #tpu.memory_space<vmem>>, vector<16xf32>,
        %mul3A_762 = arith.mulf %get3A_761, %gather3A_690 : vector<16xf32>
        %swap3A_763 = arith.constant 0 : i32
        %swap3A_764 = arith.index_cast %swap3A_763 : i32 to index
        %swap3A_765 = arith.index_cast %add3A_684 : i32 to index
        %swap3A_766 = arith.constant 96 : index
        %swap3A_767 = tpu.vector_load %arg23[%swap3A_764, %swap3A_765, %swap3A_766] {strides = array<i32>} : memref<2x80x128xf32, #tpu.memory_space<vmem>>, vector<16xf32>,
        tpu.vector_store %arg23[%swap3A_764, %swap3A_765, %swap3A_766], %mul3A_762 {strides = array<i32>} : memref<2x80x128xf32, #tpu.memory_space<vmem>>, vector<16xf32>,
        %get3A_768 = arith.constant 0 : i32
        %get3A_769 = arith.index_cast %get3A_768 : i32 to index
        %get3A_770 = arith.index_cast %add3A_684 : i32 to index
        %get3A_771 = arith.constant 112 : index
        %get3A_772 = tpu.vector_load %arg23[%get3A_769, %get3A_770, %get3A_771] {strides = array<i32>} : memref<2x80x128xf32, #tpu.memory_space<vmem>>, vector<16xf32>,
        %mul3A_773 = arith.mulf %get3A_772, %gather3A_690 : vector<16xf32>
        %swap3A_774 = arith.constant 0 : i32
        %swap3A_775 = arith.index_cast %swap3A_774 : i32 to index
        %swap3A_776 = arith.index_cast %add3A_684 : i32 to index
        %swap3A_777 = arith.constant 112 : index
        %swap3A_778 = tpu.vector_load %arg23[%swap3A_775, %swap3A_776, %swap3A_777] {strides = array<i32>} : memref<2x80x128xf32, #tpu.memory_space<vmem>>, vector<16xf32>,
        tpu.vector_store %arg23[%swap3A_775, %swap3A_776, %swap3A_777], %mul3A_773 {strides = array<i32>} : memref<2x80x128xf32, #tpu.memory_space<vmem>>, vector<16xf32>,
        %mul3A_779 = arith.constant 4 : i32
        %mul3A_780 = arith.muli %scan3A_485, %mul3A_779 : i32
        %add3A_781 = arith.constant 3 : i32
        %add3A_782 = arith.addi %mul3A_780, %add3A_781 : i32
        %broadcast_in_dim3A_783 = vector.broadcast %add3A_782 : i32 to vector<16xi32>
        %gather3A_784 = arith.constant 0 : i32
        %gather3A_785 = arith.constant 0 : i32
        %gather3A_786 = tpu.memref_slice %arg22[%gather3A_784, %gather3A_785] : memref<2x80xf32, #tpu.memory_space<vmem>> -> memref<1x80xf32, #tpu.memory_space<vmem>>
        %gather3A_787 = tpu.memref_squeeze %gather3A_786 : memref<1x80xf32, #tpu.memory_space<vmem>> -> memref<80xf32, #tpu.memory_space<vmem>>
        %gather3A_788 = tpu.vector_load_idx %gather3A_787[%broadcast_in_dim3A_783] : memref<80xf32, #tpu.memory_space<vmem>>[vector<16xi32>], vector<16xf32>,
        %get3A_789 = arith.constant 0 : i32
        %get3A_790 = arith.index_cast %get3A_789 : i32 to index
        %get3A_791 = arith.index_cast %add3A_782 : i32 to index
        %get3A_792 = arith.constant 0 : index
        %get3A_793 = tpu.vector_load %arg23[%get3A_790, %get3A_791, %get3A_792] {strides = array<i32>} : memref<2x80x128xf32, #tpu.memory_space<vmem>>, vector<16xf32>,
        %mul3A_794 = arith.mulf %get3A_793, %gather3A_788 : vector<16xf32>
        %swap3A_795 = arith.constant 0 : i32
        %swap3A_796 = arith.index_cast %swap3A_795 : i32 to index
        %swap3A_797 = arith.index_cast %add3A_782 : i32 to index
        %swap3A_798 = arith.constant 0 : index
        %swap3A_799 = tpu.vector_load %arg23[%swap3A_796, %swap3A_797, %swap3A_798] {strides = array<i32>} : memref<2x80x128xf32, #tpu.memory_space<vmem>>, vector<16xf32>,
        tpu.vector_store %arg23[%swap3A_796, %swap3A_797, %swap3A_798], %mul3A_794 {strides = array<i32>} : memref<2x80x128xf32, #tpu.memory_space<vmem>>, vector<16xf32>,
        %get3A_800 = arith.constant 0 : i32
        %get3A_801 = arith.index_cast %get3A_800 : i32 to index
        %get3A_802 = arith.index_cast %add3A_782 : i32 to index
        %get3A_803 = arith.constant 16 : index
        %get3A_804 = tpu.vector_load %arg23[%get3A_801, %get3A_802, %get3A_803] {strides = array<i32>} : memref<2x80x128xf32, #tpu.memory_space<vmem>>, vector<16xf32>,
        %mul3A_805 = arith.mulf %get3A_804, %gather3A_788 : vector<16xf32>
        %swap3A_806 = arith.constant 0 : i32
        %swap3A_807 = arith.index_cast %swap3A_806 : i32 to index
        %swap3A_808 = arith.index_cast %add3A_782 : i32 to index
        %swap3A_809 = arith.constant 16 : index
        %swap3A_810 = tpu.vector_load %arg23[%swap3A_807, %swap3A_808, %swap3A_809] {strides = array<i32>} : memref<2x80x128xf32, #tpu.memory_space<vmem>>, vector<16xf32>,
        tpu.vector_store %arg23[%swap3A_807, %swap3A_808, %swap3A_809], %mul3A_805 {strides = array<i32>} : memref<2x80x128xf32, #tpu.memory_space<vmem>>, vector<16xf32>,
        %get3A_811 = arith.constant 0 : i32
        %get3A_812 = arith.index_cast %get3A_811 : i32 to index
        %get3A_813 = arith.index_cast %add3A_782 : i32 to index
        %get3A_814 = arith.constant 32 : index
        %get3A_815 = tpu.vector_load %arg23[%get3A_812, %get3A_813, %get3A_814] {strides = array<i32>} : memref<2x80x128xf32, #tpu.memory_space<vmem>>, vector<16xf32>,
        %mul3A_816 = arith.mulf %get3A_815, %gather3A_788 : vector<16xf32>
        %swap3A_817 = arith.constant 0 : i32
        %swap3A_818 = arith.index_cast %swap3A_817 : i32 to index
        %swap3A_819 = arith.index_cast %add3A_782 : i32 to index
        %swap3A_820 = arith.constant 32 : index
        %swap3A_821 = tpu.vector_load %arg23[%swap3A_818, %swap3A_819, %swap3A_820] {strides = array<i32>} : memref<2x80x128xf32, #tpu.memory_space<vmem>>, vector<16xf32>,
        tpu.vector_store %arg23[%swap3A_818, %swap3A_819, %swap3A_820], %mul3A_816 {strides = array<i32>} : memref<2x80x128xf32, #tpu.memory_space<vmem>>, vector<16xf32>,
        %get3A_822 = arith.constant 0 : i32
        %get3A_823 = arith.index_cast %get3A_822 : i32 to index
        %get3A_824 = arith.index_cast %add3A_782 : i32 to index
        %get3A_825 = arith.constant 48 : index
        %get3A_826 = tpu.vector_load %arg23[%get3A_823, %get3A_824, %get3A_825] {strides = array<i32>} : memref<2x80x128xf32, #tpu.memory_space<vmem>>, vector<16xf32>,
        %mul3A_827 = arith.mulf %get3A_826, %gather3A_788 : vector<16xf32>
        %swap3A_828 = arith.constant 0 : i32
        %swap3A_829 = arith.index_cast %swap3A_828 : i32 to index
        %swap3A_830 = arith.index_cast %add3A_782 : i32 to index
        %swap3A_831 = arith.constant 48 : index
        %swap3A_832 = tpu.vector_load %arg23[%swap3A_829, %swap3A_830, %swap3A_831] {strides = array<i32>} : memref<2x80x128xf32, #tpu.memory_space<vmem>>, vector<16xf32>,
        tpu.vector_store %arg23[%swap3A_829, %swap3A_830, %swap3A_831], %mul3A_827 {strides = array<i32>} : memref<2x80x128xf32, #tpu.memory_space<vmem>>, vector<16xf32>,
        %get3A_833 = arith.constant 0 : i32
        %get3A_834 = arith.index_cast %get3A_833 : i32 to index
        %get3A_835 = arith.index_cast %add3A_782 : i32 to index
        %get3A_836 = arith.constant 64 : index
        %get3A_837 = tpu.vector_load %arg23[%get3A_834, %get3A_835, %get3A_836] {strides = array<i32>} : memref<2x80x128xf32, #tpu.memory_space<vmem>>, vector<16xf32>,
        %mul3A_838 = arith.mulf %get3A_837, %gather3A_788 : vector<16xf32>
        %swap3A_839 = arith.constant 0 : i32
        %swap3A_840 = arith.index_cast %swap3A_839 : i32 to index
        %swap3A_841 = arith.index_cast %add3A_782 : i32 to index
        %swap3A_842 = arith.constant 64 : index
        %swap3A_843 = tpu.vector_load %arg23[%swap3A_840, %swap3A_841, %swap3A_842] {strides = array<i32>} : memref<2x80x128xf32, #tpu.memory_space<vmem>>, vector<16xf32>,
        tpu.vector_store %arg23[%swap3A_840, %swap3A_841, %swap3A_842], %mul3A_838 {strides = array<i32>} : memref<2x80x128xf32, #tpu.memory_space<vmem>>, vector<16xf32>,
        %get3A_844 = arith.constant 0 : i32
        %get3A_845 = arith.index_cast %get3A_844 : i32 to index
        %get3A_846 = arith.index_cast %add3A_782 : i32 to index
        %get3A_847 = arith.constant 80 : index
        %get3A_848 = tpu.vector_load %arg23[%get3A_845, %get3A_846, %get3A_847] {strides = array<i32>} : memref<2x80x128xf32, #tpu.memory_space<vmem>>, vector<16xf32>,
        %mul3A_849 = arith.mulf %get3A_848, %gather3A_788 : vector<16xf32>
        %swap3A_850 = arith.constant 0 : i32
        %swap3A_851 = arith.index_cast %swap3A_850 : i32 to index
        %swap3A_852 = arith.index_cast %add3A_782 : i32 to index
        %swap3A_853 = arith.constant 80 : index
        %swap3A_854 = tpu.vector_load %arg23[%swap3A_851, %swap3A_852, %swap3A_853] {strides = array<i32>} : memref<2x80x128xf32, #tpu.memory_space<vmem>>, vector<16xf32>,
        tpu.vector_store %arg23[%swap3A_851, %swap3A_852, %swap3A_853], %mul3A_849 {strides = array<i32>} : memref<2x80x128xf32, #tpu.memory_space<vmem>>, vector<16xf32>,
        %get3A_855 = arith.constant 0 : i32
        %get3A_856 = arith.index_cast %get3A_855 : i32 to index
        %get3A_857 = arith.index_cast %add3A_782 : i32 to index
        %get3A_858 = arith.constant 96 : index
        %get3A_859 = tpu.vector_load %arg23[%get3A_856, %get3A_857, %get3A_858] {strides = array<i32>} : memref<2x80x128xf32, #tpu.memory_space<vmem>>, vector<16xf32>,
        %mul3A_860 = arith.mulf %get3A_859, %gather3A_788 : vector<16xf32>
        %swap3A_861 = arith.constant 0 : i32
        %swap3A_862 = arith.index_cast %swap3A_861 : i32 to index
        %swap3A_863 = arith.index_cast %add3A_782 : i32 to index
        %swap3A_864 = arith.constant 96 : index
        %swap3A_865 = tpu.vector_load %arg23[%swap3A_862, %swap3A_863, %swap3A_864] {strides = array<i32>} : memref<2x80x128xf32, #tpu.memory_space<vmem>>, vector<16xf32>,
        tpu.vector_store %arg23[%swap3A_862, %swap3A_863, %swap3A_864], %mul3A_860 {strides = array<i32>} : memref<2x80x128xf32, #tpu.memory_space<vmem>>, vector<16xf32>,
        %get3A_866 = arith.constant 0 : i32
        %get3A_867 = arith.index_cast %get3A_866 : i32 to index
        %get3A_868 = arith.index_cast %add3A_782 : i32 to index
        %get3A_869 = arith.constant 112 : index
        %get3A_870 = tpu.vector_load %arg23[%get3A_867, %get3A_868, %get3A_869] {strides = array<i32>} : memref<2x80x128xf32, #tpu.memory_space<vmem>>, vector<16xf32>,
        %mul3A_871 = arith.mulf %get3A_870, %gather3A_788 : vector<16xf32>
        %swap3A_872 = arith.constant 0 : i32
        %swap3A_873 = arith.index_cast %swap3A_872 : i32 to index
        %swap3A_874 = arith.index_cast %add3A_782 : i32 to index
        %swap3A_875 = arith.constant 112 : index
        %swap3A_876 = tpu.vector_load %arg23[%swap3A_873, %swap3A_874, %swap3A_875] {strides = array<i32>} : memref<2x80x128xf32, #tpu.memory_space<vmem>>, vector<16xf32>,
        tpu.vector_store %arg23[%swap3A_873, %swap3A_874, %swap3A_875], %mul3A_871 {strides = array<i32>} : memref<2x80x128xf32, #tpu.memory_space<vmem>>, vector<16xf32>,
      }
      %scan3A_463 = arith.constant 20 : i32
      %dma_start3A_464 = arith.constant 0 : i32
      %dma_start3A_465 = arith.constant 0 : i32
      %dma_start3A_466 = arith.constant 0 : i32
      %dma_start3A_467 = arith.constant 0 : i32
      %dma_start3A_468 = tpu.memref_slice %arg23[%dma_start3A_464, %dma_start3A_466, %dma_start3A_467] : memref<2x80x128xf32, #tpu.memory_space<vmem>> -> memref<1x80x128xf32, #tpu.memory_space<vmem>>
      %dma_start3A_469 = tpu.memref_squeeze %dma_start3A_468 : memref<1x80x128xf32, #tpu.memory_space<vmem>> -> memref<80x128xf32, #tpu.memory_space<vmem>>
      %dma_start3A_470 = arith.constant 0 : i32
      %dma_start3A_471 = tpu.memref_slice %arg21[%dma_start3A_465, %dma_start3A_470] : memref<2x80xi32, #tpu.memory_space<vmem>> -> memref<1x80xi32, #tpu.memory_space<vmem>>
      %dma_start3A_472 = tpu.memref_squeeze %dma_start3A_471 : memref<1x80xi32, #tpu.memory_space<vmem>> -> memref<80xi32, #tpu.memory_space<vmem>>
      %dma_start3A_473 = arith.constant 0 : i32
      %dma_start3A_474 = arith.constant 0 : i32
      %dma_start3A_475 = tpu.memref_slice %arg29[%dma_start3A_473, %dma_start3A_474] : memref<10000x128xf32, #tpu.memory_space<vmem_shared>> -> memref<10000x128xf32, #tpu.memory_space<vmem_shared>>
      tpu.enqueue_indirect_dma source(%dma_start3A_469 : memref<80x128xf32, #tpu.memory_space<vmem>>) target(%dma_start3A_475 : memref<10000x128xf32, #tpu.memory_space<vmem_shared>>) offsets(%dma_start3A_472 : memref<80xi32, #tpu.memory_space<vmem>>) semaphore(%arg39 : memref<!tpu.dma_semaphore, #tpu.memory_space<semaphore_mem>>) {add = true}
      %mul3A_476 = arith.constant 2 : i32
      %mul3A_477 = arith.muli %mul3A_476, %scan3A_439 : i32
      %add3A_478 = arith.constant 1 : i32
      %add3A_479 = arith.addi %mul3A_477, %add3A_478 : i32
      %lt3A_480 = arith.constant 250 : i32
      %lt3A_481 = arith.cmpi slt, %add3A_479, %lt3A_480 : i32
      %convert_element_type3A_482 = arith.extui %lt3A_481 : i1 to i32
      %cond3A_483 = arith.constant 0 : i32
      %cond3A_484 = arith.cmpi ne, %convert_element_type3A_482, %cond3A_483 : i32
      scf.if %cond3A_484 {
        %add3A_485 = arith.constant 1 : i32
        %add3A_486 = arith.addi %add3A_479, %add3A_485 : i32
        %lt3A_487 = arith.constant 250 : i32
        %lt3A_488 = arith.cmpi slt, %add3A_486, %lt3A_487 : i32
        %convert_element_type3A_489 = arith.extui %lt3A_488 : i1 to i32
        %cond3A_490 = arith.constant 0 : i32
        %cond3A_491 = arith.cmpi ne, %convert_element_type3A_489, %cond3A_490 : i32
        scf.if %cond3A_491 {
          %add3A_522 = arith.constant 1 : i32
          %add3A_523 = arith.addi %add3A_479, %add3A_522 : i32
          %mul3A_524 = arith.constant 80 : i32
          %mul3A_525 = arith.muli %add3A_523, %mul3A_524 : i32
          %add3A_526 = arith.addi %add3A, %mul3A_525 : i32
          %dma_wait3A_527 = arith.constant 0 : i32
          %dma_wait3A_528 = arith.constant 0 : i32
          %dma_wait3A_529 = tpu.memref_slice %arg17[%dma_wait3A_527, %dma_wait3A_528] : memref<2x80xi32, #tpu.memory_space<vmem>> -> memref<1x80xi32, #tpu.memory_space<vmem>>
          %dma_wait3A_530 = tpu.memref_squeeze %dma_wait3A_529 : memref<1x80xi32, #tpu.memory_space<vmem>> -> memref<80xi32, #tpu.memory_space<vmem>>
          %dma_wait3A_531 = tpu.memref_slice %arg2[%add3A_526] : memref<640000xi32, #tpu.memory_space<hbm>> -> memref<80xi32, #tpu.memory_space<hbm>>
          %dma_wait3A_532 = arith.constant 0 : i32
          %dma_wait3A_533 = tpu.memref_slice %arg17[%dma_wait3A_527, %dma_wait3A_532] : memref<2x80xi32, #tpu.memory_space<vmem>> -> memref<1x80xi32, #tpu.memory_space<vmem>>
          %dma_wait3A_534 = tpu.memref_squeeze %dma_wait3A_533 : memref<1x80xi32, #tpu.memory_space<vmem>> -> memref<80xi32, #tpu.memory_space<vmem>>
          %dma_wait3A_535 = tpu.memref_slice %arg2[%add3A_526] : memref<640000xi32, #tpu.memory_space<hbm>> -> memref<80xi32, #tpu.memory_space<hbm>>
          tpu.wait_dma2 semaphore(%arg35 : memref<!tpu.dma_semaphore, #tpu.memory_space<semaphore_mem>>) src(%dma_wait3A_535 : memref<80xi32, #tpu.memory_space<hbm>>) dst(%dma_wait3A_534 : memref<80xi32, #tpu.memory_space<vmem>>)
          %dma_wait3A_536 = arith.constant 0 : i32
          %dma_wait3A_537 = arith.constant 0 : i32
          %dma_wait3A_538 = tpu.memref_slice %arg18[%dma_wait3A_536, %dma_wait3A_537] : memref<2x80xi32, #tpu.memory_space<vmem>> -> memref<1x80xi32, #tpu.memory_space<vmem>>
          %dma_wait3A_539 = tpu.memref_squeeze %dma_wait3A_538 : memref<1x80xi32, #tpu.memory_space<vmem>> -> memref<80xi32, #tpu.memory_space<vmem>>
          %dma_wait3A_540 = tpu.memref_slice %arg3[%add3A_526] : memref<640000xi32, #tpu.memory_space<hbm>> -> memref<80xi32, #tpu.memory_space<hbm>>
          %dma_wait3A_541 = arith.constant 0 : i32
          %dma_wait3A_542 = tpu.memref_slice %arg18[%dma_wait3A_536, %dma_wait3A_541] : memref<2x80xi32, #tpu.memory_space<vmem>> -> memref<1x80xi32, #tpu.memory_space<vmem>>
          %dma_wait3A_543 = tpu.memref_squeeze %dma_wait3A_542 : memref<1x80xi32, #tpu.memory_space<vmem>> -> memref<80xi32, #tpu.memory_space<vmem>>
          %dma_wait3A_544 = tpu.memref_slice %arg3[%add3A_526] : memref<640000xi32, #tpu.memory_space<hbm>> -> memref<80xi32, #tpu.memory_space<hbm>>
          tpu.wait_dma2 semaphore(%arg35 : memref<!tpu.dma_semaphore, #tpu.memory_space<semaphore_mem>>) src(%dma_wait3A_544 : memref<80xi32, #tpu.memory_space<hbm>>) dst(%dma_wait3A_543 : memref<80xi32, #tpu.memory_space<vmem>>)
          %dma_wait3A_545 = arith.constant 0 : i32
          %dma_wait3A_546 = arith.constant 0 : i32
          %dma_wait3A_547 = tpu.memref_slice %arg19[%dma_wait3A_545, %dma_wait3A_546] : memref<2x80xf32, #tpu.memory_space<vmem>> -> memref<1x80xf32, #tpu.memory_space<vmem>>
          %dma_wait3A_548 = tpu.memref_squeeze %dma_wait3A_547 : memref<1x80xf32, #tpu.memory_space<vmem>> -> memref<80xf32, #tpu.memory_space<vmem>>
          %dma_wait3A_549 = tpu.memref_slice %arg4[%add3A_526] : memref<640000xf32, #tpu.memory_space<hbm>> -> memref<80xf32, #tpu.memory_space<hbm>>
          %dma_wait3A_550 = arith.constant 0 : i32
          %dma_wait3A_551 = tpu.memref_slice %arg19[%dma_wait3A_545, %dma_wait3A_550] : memref<2x80xf32, #tpu.memory_space<vmem>> -> memref<1x80xf32, #tpu.memory_space<vmem>>
          %dma_wait3A_552 = tpu.memref_squeeze %dma_wait3A_551 : memref<1x80xf32, #tpu.memory_space<vmem>> -> memref<80xf32, #tpu.memory_space<vmem>>
          %dma_wait3A_553 = tpu.memref_slice %arg4[%add3A_526] : memref<640000xf32, #tpu.memory_space<hbm>> -> memref<80xf32, #tpu.memory_space<hbm>>
          tpu.wait_dma2 semaphore(%arg35 : memref<!tpu.dma_semaphore, #tpu.memory_space<semaphore_mem>>) src(%dma_wait3A_553 : memref<80xf32, #tpu.memory_space<hbm>>) dst(%dma_wait3A_552 : memref<80xf32, #tpu.memory_space<vmem>>)
          %get3A_554 = arith.constant 0 : i32
          %get3A_555 = arith.index_cast %get3A_554 : i32 to index
          %get3A_556 = arith.constant 0 : index
          %get3A_557 = tpu.vector_load %arg17[%get3A_555, %get3A_556] {strides = array<i32>} : memref<2x80xi32, #tpu.memory_space<vmem>>, vector<16xi32>,
          %get3A_558 = arith.constant 0 : i32
          %get3A_559 = arith.index_cast %get3A_558 : i32 to index
          %get3A_560 = arith.constant 0 : index
          %get3A_561 = tpu.vector_load %arg18[%get3A_559, %get3A_560] {strides = array<i32>} : memref<2x80xi32, #tpu.memory_space<vmem>>, vector<16xi32>,
          %get3A_562 = arith.constant 0 : i32
          %get3A_563 = arith.index_cast %get3A_562 : i32 to index
          %get3A_564 = arith.constant 0 : index
          %get3A_565 = tpu.vector_load %arg19[%get3A_563, %get3A_564] {strides = array<i32>} : memref<2x80xf32, #tpu.memory_space<vmem>>, vector<16xf32>,
          %mul3A_566 = arith.constant 2 : i32
          %mul3A_567 = vector.broadcast %mul3A_566 : i32 to vector<16xi32>
          %mul3A_568 = arith.muli %get3A_557, %mul3A_567 : vector<16xi32>
          %gather3A_569 = tpu.vector_load_idx %arg9[%mul3A_568] : memref<20480xf32, #tpu.memory_space<vmem>>[vector<16xi32>], vector<16xf32>,
          %mul3A_570 = arith.constant 2 : i32
          %mul3A_571 = vector.broadcast %mul3A_570 : i32 to vector<16xi32>
          %mul3A_572 = arith.muli %get3A_561, %mul3A_571 : vector<16xi32>
          %add3A_573 = arith.constant 1 : i32
          %add3A_574 = vector.broadcast %add3A_573 : i32 to vector<16xi32>
          %add3A_575 = arith.addi %mul3A_572, %add3A_574 : vector<16xi32>
          %gather3A_576 = tpu.vector_load_idx %arg9[%add3A_575] : memref<20480xf32, #tpu.memory_space<vmem>>[vector<16xi32>], vector<16xf32>,
          %add3A_577 = arith.addf %gather3A_569, %gather3A_576 : vector<16xf32>
          %add3A_578 = arith.addf %add3A_577, %get3A_565 : vector<16xf32>
          %gt3A_579 = arith.constant 0.000000e+00 : f32
          %gt3A_580 = vector.broadcast %gt3A_579 : f32 to vector<16xf32>
          %gt3A_581 = arith.cmpf ogt, %add3A_578, %gt3A_580 : vector<16xf32>
          %mul3A_582 = arith.constant 2.000000e-01 : f32
          %mul3A_583 = vector.broadcast %mul3A_582 : f32 to vector<16xf32>
          %mul3A_584 = arith.mulf %mul3A_583, %add3A_578 : vector<16xf32>
          %select_n3A_585 = arith.select %gt3A_581, %add3A_578, %mul3A_584 : vector<16xi1>, vector<16xf32>
          %exp3A_586 = math.exp %select_n3A_585 : vector<16xf32>
          %swap3A_587 = arith.constant 0 : i32
          %swap3A_588 = arith.index_cast %swap3A_587 : i32 to index
          %swap3A_589 = arith.constant 0 : index
          %swap3A_590 = tpu.vector_load %arg22[%swap3A_588, %swap3A_589] {strides = array<i32>} : memref<2x80xf32, #tpu.memory_space<vmem>>, vector<16xf32>,
          tpu.vector_store %arg22[%swap3A_588, %swap3A_589], %exp3A_586 {strides = array<i32>} : memref<2x80xf32, #tpu.memory_space<vmem>>, vector<16xf32>,
          %mul3A_591 = arith.constant 10240 : i32
          %mul3A_592 = arith.muli %arg0, %mul3A_591 : i32
          %add3A_593 = vector.broadcast %mul3A_592 : i32 to vector<16xi32>
          %add3A_594 = arith.addi %get3A_557, %add3A_593 : vector<16xi32>
          %swap3A_595 = arith.constant 0 : i32
          %swap3A_596 = arith.index_cast %swap3A_595 : i32 to index
          %swap3A_597 = arith.constant 0 : index
          %swap3A_598 = tpu.vector_load %arg20[%swap3A_596, %swap3A_597] {strides = array<i32>} : memref<2x80xi32, #tpu.memory_space<vmem>>, vector<16xi32>,
          tpu.vector_store %arg20[%swap3A_596, %swap3A_597], %add3A_594 {strides = array<i32>} : memref<2x80xi32, #tpu.memory_space<vmem>>, vector<16xi32>,
          %get3A_599 = arith.constant 0 : i32
          %get3A_600 = arith.index_cast %get3A_599 : i32 to index
          %get3A_601 = arith.constant 16 : index
          %get3A_602 = tpu.vector_load %arg17[%get3A_600, %get3A_601] {strides = array<i32>} : memref<2x80xi32, #tpu.memory_space<vmem>>, vector<16xi32>,
          %get3A_603 = arith.constant 0 : i32
          %get3A_604 = arith.index_cast %get3A_603 : i32 to index
          %get3A_605 = arith.constant 16 : index
          %get3A_606 = tpu.vector_load %arg18[%get3A_604, %get3A_605] {strides = array<i32>} : memref<2x80xi32, #tpu.memory_space<vmem>>, vector<16xi32>,
          %get3A_607 = arith.constant 0 : i32
          %get3A_608 = arith.index_cast %get3A_607 : i32 to index
          %get3A_609 = arith.constant 16 : index
          %get3A_610 = tpu.vector_load %arg19[%get3A_608, %get3A_609] {strides = array<i32>} : memref<2x80xf32, #tpu.memory_space<vmem>>, vector<16xf32>,
          %mul3A_611 = arith.constant 2 : i32
          %mul3A_612 = vector.broadcast %mul3A_611 : i32 to vector<16xi32>
          %mul3A_613 = arith.muli %get3A_602, %mul3A_612 : vector<16xi32>
          %gather3A_614 = tpu.vector_load_idx %arg9[%mul3A_613] : memref<20480xf32, #tpu.memory_space<vmem>>[vector<16xi32>], vector<16xf32>,
          %mul3A_615 = arith.constant 2 : i32
          %mul3A_616 = vector.broadcast %mul3A_615 : i32 to vector<16xi32>
          %mul3A_617 = arith.muli %get3A_606, %mul3A_616 : vector<16xi32>
          %add3A_618 = arith.constant 1 : i32
          %add3A_619 = vector.broadcast %add3A_618 : i32 to vector<16xi32>
          %add3A_620 = arith.addi %mul3A_617, %add3A_619 : vector<16xi32>
          %gather3A_621 = tpu.vector_load_idx %arg9[%add3A_620] : memref<20480xf32, #tpu.memory_space<vmem>>[vector<16xi32>], vector<16xf32>,
          %add3A_622 = arith.addf %gather3A_614, %gather3A_621 : vector<16xf32>
          %add3A_623 = arith.addf %add3A_622, %get3A_610 : vector<16xf32>
          %gt3A_624 = arith.constant 0.000000e+00 : f32
          %gt3A_625 = vector.broadcast %gt3A_624 : f32 to vector<16xf32>
          %gt3A_626 = arith.cmpf ogt, %add3A_623, %gt3A_625 : vector<16xf32>
          %mul3A_627 = arith.constant 2.000000e-01 : f32
          %mul3A_628 = vector.broadcast %mul3A_627 : f32 to vector<16xf32>
          %mul3A_629 = arith.mulf %mul3A_628, %add3A_623 : vector<16xf32>
          %select_n3A_630 = arith.select %gt3A_626, %add3A_623, %mul3A_629 : vector<16xi1>, vector<16xf32>
          %exp3A_631 = math.exp %select_n3A_630 : vector<16xf32>
          %swap3A_632 = arith.constant 0 : i32
          %swap3A_633 = arith.index_cast %swap3A_632 : i32 to index
          %swap3A_634 = arith.constant 16 : index
          %swap3A_635 = tpu.vector_load %arg22[%swap3A_633, %swap3A_634] {strides = array<i32>} : memref<2x80xf32, #tpu.memory_space<vmem>>, vector<16xf32>,
          tpu.vector_store %arg22[%swap3A_633, %swap3A_634], %exp3A_631 {strides = array<i32>} : memref<2x80xf32, #tpu.memory_space<vmem>>, vector<16xf32>,
          %mul3A_636 = arith.constant 10240 : i32
          %mul3A_637 = arith.muli %arg0, %mul3A_636 : i32
          %add3A_638 = vector.broadcast %mul3A_637 : i32 to vector<16xi32>
          %add3A_639 = arith.addi %get3A_602, %add3A_638 : vector<16xi32>
          %swap3A_640 = arith.constant 0 : i32
          %swap3A_641 = arith.index_cast %swap3A_640 : i32 to index
          %swap3A_642 = arith.constant 16 : index
          %swap3A_643 = tpu.vector_load %arg20[%swap3A_641, %swap3A_642] {strides = array<i32>} : memref<2x80xi32, #tpu.memory_space<vmem>>, vector<16xi32>,
          tpu.vector_store %arg20[%swap3A_641, %swap3A_642], %add3A_639 {strides = array<i32>} : memref<2x80xi32, #tpu.memory_space<vmem>>, vector<16xi32>,
          %get3A_644 = arith.constant 0 : i32
          %get3A_645 = arith.index_cast %get3A_644 : i32 to index
          %get3A_646 = arith.constant 32 : index
          %get3A_647 = tpu.vector_load %arg17[%get3A_645, %get3A_646] {strides = array<i32>} : memref<2x80xi32, #tpu.memory_space<vmem>>, vector<16xi32>,
          %get3A_648 = arith.constant 0 : i32
          %get3A_649 = arith.index_cast %get3A_648 : i32 to index
          %get3A_650 = arith.constant 32 : index
          %get3A_651 = tpu.vector_load %arg18[%get3A_649, %get3A_650] {strides = array<i32>} : memref<2x80xi32, #tpu.memory_space<vmem>>, vector<16xi32>,
          %get3A_652 = arith.constant 0 : i32
          %get3A_653 = arith.index_cast %get3A_652 : i32 to index
          %get3A_654 = arith.constant 32 : index
          %get3A_655 = tpu.vector_load %arg19[%get3A_653, %get3A_654] {strides = array<i32>} : memref<2x80xf32, #tpu.memory_space<vmem>>, vector<16xf32>,
          %mul3A_656 = arith.constant 2 : i32
          %mul3A_657 = vector.broadcast %mul3A_656 : i32 to vector<16xi32>
          %mul3A_658 = arith.muli %get3A_647, %mul3A_657 : vector<16xi32>
          %gather3A_659 = tpu.vector_load_idx %arg9[%mul3A_658] : memref<20480xf32, #tpu.memory_space<vmem>>[vector<16xi32>], vector<16xf32>,
          %mul3A_660 = arith.constant 2 : i32
          %mul3A_661 = vector.broadcast %mul3A_660 : i32 to vector<16xi32>
          %mul3A_662 = arith.muli %get3A_651, %mul3A_661 : vector<16xi32>
          %add3A_663 = arith.constant 1 : i32
          %add3A_664 = vector.broadcast %add3A_663 : i32 to vector<16xi32>
          %add3A_665 = arith.addi %mul3A_662, %add3A_664 : vector<16xi32>
          %gather3A_666 = tpu.vector_load_idx %arg9[%add3A_665] : memref<20480xf32, #tpu.memory_space<vmem>>[vector<16xi32>], vector<16xf32>,
          %add3A_667 = arith.addf %gather3A_659, %gather3A_666 : vector<16xf32>
          %add3A_668 = arith.addf %add3A_667, %get3A_655 : vector<16xf32>
          %gt3A_669 = arith.constant 0.000000e+00 : f32
          %gt3A_670 = vector.broadcast %gt3A_669 : f32 to vector<16xf32>
          %gt3A_671 = arith.cmpf ogt, %add3A_668, %gt3A_670 : vector<16xf32>
          %mul3A_672 = arith.constant 2.000000e-01 : f32
          %mul3A_673 = vector.broadcast %mul3A_672 : f32 to vector<16xf32>
          %mul3A_674 = arith.mulf %mul3A_673, %add3A_668 : vector<16xf32>
          %select_n3A_675 = arith.select %gt3A_671, %add3A_668, %mul3A_674 : vector<16xi1>, vector<16xf32>
          %exp3A_676 = math.exp %select_n3A_675 : vector<16xf32>
          %swap3A_677 = arith.constant 0 : i32
          %swap3A_678 = arith.index_cast %swap3A_677 : i32 to index
          %swap3A_679 = arith.constant 32 : index
          %swap3A_680 = tpu.vector_load %arg22[%swap3A_678, %swap3A_679] {strides = array<i32>} : memref<2x80xf32, #tpu.memory_space<vmem>>, vector<16xf32>,
          tpu.vector_store %arg22[%swap3A_678, %swap3A_679], %exp3A_676 {strides = array<i32>} : memref<2x80xf32, #tpu.memory_space<vmem>>, vector<16xf32>,
          %mul3A_681 = arith.constant 10240 : i32
          %mul3A_682 = arith.muli %arg0, %mul3A_681 : i32
          %add3A_683 = vector.broadcast %mul3A_682 : i32 to vector<16xi32>
          %add3A_684 = arith.addi %get3A_647, %add3A_683 : vector<16xi32>
          %swap3A_685 = arith.constant 0 : i32
          %swap3A_686 = arith.index_cast %swap3A_685 : i32 to index
          %swap3A_687 = arith.constant 32 : index
          %swap3A_688 = tpu.vector_load %arg20[%swap3A_686, %swap3A_687] {strides = array<i32>} : memref<2x80xi32, #tpu.memory_space<vmem>>, vector<16xi32>,
          tpu.vector_store %arg20[%swap3A_686, %swap3A_687], %add3A_684 {strides = array<i32>} : memref<2x80xi32, #tpu.memory_space<vmem>>, vector<16xi32>,
          %get3A_689 = arith.constant 0 : i32
          %get3A_690 = arith.index_cast %get3A_689 : i32 to index
          %get3A_691 = arith.constant 48 : index
          %get3A_692 = tpu.vector_load %arg17[%get3A_690, %get3A_691] {strides = array<i32>} : memref<2x80xi32, #tpu.memory_space<vmem>>, vector<16xi32>,
          %get3A_693 = arith.constant 0 : i32
          %get3A_694 = arith.index_cast %get3A_693 : i32 to index
          %get3A_695 = arith.constant 48 : index
          %get3A_696 = tpu.vector_load %arg18[%get3A_694, %get3A_695] {strides = array<i32>} : memref<2x80xi32, #tpu.memory_space<vmem>>, vector<16xi32>,
          %get3A_697 = arith.constant 0 : i32
          %get3A_698 = arith.index_cast %get3A_697 : i32 to index
          %get3A_699 = arith.constant 48 : index
          %get3A_700 = tpu.vector_load %arg19[%get3A_698, %get3A_699] {strides = array<i32>} : memref<2x80xf32, #tpu.memory_space<vmem>>, vector<16xf32>,
          %mul3A_701 = arith.constant 2 : i32
          %mul3A_702 = vector.broadcast %mul3A_701 : i32 to vector<16xi32>
          %mul3A_703 = arith.muli %get3A_692, %mul3A_702 : vector<16xi32>
          %gather3A_704 = tpu.vector_load_idx %arg9[%mul3A_703] : memref<20480xf32, #tpu.memory_space<vmem>>[vector<16xi32>], vector<16xf32>,
          %mul3A_705 = arith.constant 2 : i32
          %mul3A_706 = vector.broadcast %mul3A_705 : i32 to vector<16xi32>
          %mul3A_707 = arith.muli %get3A_696, %mul3A_706 : vector<16xi32>
          %add3A_708 = arith.constant 1 : i32
          %add3A_709 = vector.broadcast %add3A_708 : i32 to vector<16xi32>
          %add3A_710 = arith.addi %mul3A_707, %add3A_709 : vector<16xi32>
          %gather3A_711 = tpu.vector_load_idx %arg9[%add3A_710] : memref<20480xf32, #tpu.memory_space<vmem>>[vector<16xi32>], vector<16xf32>,
          %add3A_712 = arith.addf %gather3A_704, %gather3A_711 : vector<16xf32>
          %add3A_713 = arith.addf %add3A_712, %get3A_700 : vector<16xf32>
          %gt3A_714 = arith.constant 0.000000e+00 : f32
          %gt3A_715 = vector.broadcast %gt3A_714 : f32 to vector<16xf32>
          %gt3A_716 = arith.cmpf ogt, %add3A_713, %gt3A_715 : vector<16xf32>
          %mul3A_717 = arith.constant 2.000000e-01 : f32
          %mul3A_718 = vector.broadcast %mul3A_717 : f32 to vector<16xf32>
          %mul3A_719 = arith.mulf %mul3A_718, %add3A_713 : vector<16xf32>
          %select_n3A_720 = arith.select %gt3A_716, %add3A_713, %mul3A_719 : vector<16xi1>, vector<16xf32>
          %exp3A_721 = math.exp %select_n3A_720 : vector<16xf32>
          %swap3A_722 = arith.constant 0 : i32
          %swap3A_723 = arith.index_cast %swap3A_722 : i32 to index
          %swap3A_724 = arith.constant 48 : index
          %swap3A_725 = tpu.vector_load %arg22[%swap3A_723, %swap3A_724] {strides = array<i32>} : memref<2x80xf32, #tpu.memory_space<vmem>>, vector<16xf32>,
          tpu.vector_store %arg22[%swap3A_723, %swap3A_724], %exp3A_721 {strides = array<i32>} : memref<2x80xf32, #tpu.memory_space<vmem>>, vector<16xf32>,
          %mul3A_726 = arith.constant 10240 : i32
          %mul3A_727 = arith.muli %arg0, %mul3A_726 : i32
          %add3A_728 = vector.broadcast %mul3A_727 : i32 to vector<16xi32>
          %add3A_729 = arith.addi %get3A_692, %add3A_728 : vector<16xi32>
          %swap3A_730 = arith.constant 0 : i32
          %swap3A_731 = arith.index_cast %swap3A_730 : i32 to index
          %swap3A_732 = arith.constant 48 : index
          %swap3A_733 = tpu.vector_load %arg20[%swap3A_731, %swap3A_732] {strides = array<i32>} : memref<2x80xi32, #tpu.memory_space<vmem>>, vector<16xi32>,
          tpu.vector_store %arg20[%swap3A_731, %swap3A_732], %add3A_729 {strides = array<i32>} : memref<2x80xi32, #tpu.memory_space<vmem>>, vector<16xi32>,
          %get3A_734 = arith.constant 0 : i32
          %get3A_735 = arith.index_cast %get3A_734 : i32 to index
          %get3A_736 = arith.constant 64 : index
          %get3A_737 = tpu.vector_load %arg17[%get3A_735, %get3A_736] {strides = array<i32>} : memref<2x80xi32, #tpu.memory_space<vmem>>, vector<16xi32>,
          %get3A_738 = arith.constant 0 : i32
          %get3A_739 = arith.index_cast %get3A_738 : i32 to index
          %get3A_740 = arith.constant 64 : index
          %get3A_741 = tpu.vector_load %arg18[%get3A_739, %get3A_740] {strides = array<i32>} : memref<2x80xi32, #tpu.memory_space<vmem>>, vector<16xi32>,
          %get3A_742 = arith.constant 0 : i32
          %get3A_743 = arith.index_cast %get3A_742 : i32 to index
          %get3A_744 = arith.constant 64 : index
          %get3A_745 = tpu.vector_load %arg19[%get3A_743, %get3A_744] {strides = array<i32>} : memref<2x80xf32, #tpu.memory_space<vmem>>, vector<16xf32>,
          %mul3A_746 = arith.constant 2 : i32
          %mul3A_747 = vector.broadcast %mul3A_746 : i32 to vector<16xi32>
          %mul3A_748 = arith.muli %get3A_737, %mul3A_747 : vector<16xi32>
          %gather3A_749 = tpu.vector_load_idx %arg9[%mul3A_748] : memref<20480xf32, #tpu.memory_space<vmem>>[vector<16xi32>], vector<16xf32>,
          %mul3A_750 = arith.constant 2 : i32
          %mul3A_751 = vector.broadcast %mul3A_750 : i32 to vector<16xi32>
          %mul3A_752 = arith.muli %get3A_741, %mul3A_751 : vector<16xi32>
          %add3A_753 = arith.constant 1 : i32
          %add3A_754 = vector.broadcast %add3A_753 : i32 to vector<16xi32>
          %add3A_755 = arith.addi %mul3A_752, %add3A_754 : vector<16xi32>
          %gather3A_756 = tpu.vector_load_idx %arg9[%add3A_755] : memref<20480xf32, #tpu.memory_space<vmem>>[vector<16xi32>], vector<16xf32>,
          %add3A_757 = arith.addf %gather3A_749, %gather3A_756 : vector<16xf32>
          %add3A_758 = arith.addf %add3A_757, %get3A_745 : vector<16xf32>
          %gt3A_759 = arith.constant 0.000000e+00 : f32
          %gt3A_760 = vector.broadcast %gt3A_759 : f32 to vector<16xf32>
          %gt3A_761 = arith.cmpf ogt, %add3A_758, %gt3A_760 : vector<16xf32>
          %mul3A_762 = arith.constant 2.000000e-01 : f32
          %mul3A_763 = vector.broadcast %mul3A_762 : f32 to vector<16xf32>
          %mul3A_764 = arith.mulf %mul3A_763, %add3A_758 : vector<16xf32>
          %select_n3A_765 = arith.select %gt3A_761, %add3A_758, %mul3A_764 : vector<16xi1>, vector<16xf32>
          %exp3A_766 = math.exp %select_n3A_765 : vector<16xf32>
          %swap3A_767 = arith.constant 0 : i32
          %swap3A_768 = arith.index_cast %swap3A_767 : i32 to index
          %swap3A_769 = arith.constant 64 : index
          %swap3A_770 = tpu.vector_load %arg22[%swap3A_768, %swap3A_769] {strides = array<i32>} : memref<2x80xf32, #tpu.memory_space<vmem>>, vector<16xf32>,
          tpu.vector_store %arg22[%swap3A_768, %swap3A_769], %exp3A_766 {strides = array<i32>} : memref<2x80xf32, #tpu.memory_space<vmem>>, vector<16xf32>,
          %mul3A_771 = arith.constant 10240 : i32
          %mul3A_772 = arith.muli %arg0, %mul3A_771 : i32
          %add3A_773 = vector.broadcast %mul3A_772 : i32 to vector<16xi32>
          %add3A_774 = arith.addi %get3A_737, %add3A_773 : vector<16xi32>
          %swap3A_775 = arith.constant 0 : i32
          %swap3A_776 = arith.index_cast %swap3A_775 : i32 to index
          %swap3A_777 = arith.constant 64 : index
          %swap3A_778 = tpu.vector_load %arg20[%swap3A_776, %swap3A_777] {strides = array<i32>} : memref<2x80xi32, #tpu.memory_space<vmem>>, vector<16xi32>,
          tpu.vector_store %arg20[%swap3A_776, %swap3A_777], %add3A_774 {strides = array<i32>} : memref<2x80xi32, #tpu.memory_space<vmem>>, vector<16xi32>,
          %dma_wait3A_779 = arith.constant 0 : i32
          %dma_wait3A_780 = arith.constant 0 : i32
          %dma_wait3A_781 = arith.constant 0 : i32
          %dma_wait3A_782 = arith.constant 0 : i32
          %dma_wait3A_783 = tpu.memref_slice %arg23[%dma_wait3A_779, %dma_wait3A_781, %dma_wait3A_782] : memref<2x80x128xf32, #tpu.memory_space<vmem>> -> memref<1x80x128xf32, #tpu.memory_space<vmem>>
          %dma_wait3A_784 = tpu.memref_squeeze %dma_wait3A_783 : memref<1x80x128xf32, #tpu.memory_space<vmem>> -> memref<80x128xf32, #tpu.memory_space<vmem>>
          %dma_wait3A_785 = arith.constant 0 : i32
          %dma_wait3A_786 = tpu.memref_slice %arg21[%dma_wait3A_780, %dma_wait3A_785] : memref<2x80xi32, #tpu.memory_space<vmem>> -> memref<1x80xi32, #tpu.memory_space<vmem>>
          %dma_wait3A_787 = tpu.memref_squeeze %dma_wait3A_786 : memref<1x80xi32, #tpu.memory_space<vmem>> -> memref<80xi32, #tpu.memory_space<vmem>>
          %dma_wait3A_788 = arith.constant 0 : i32
          %dma_wait3A_789 = arith.constant 0 : i32
          %dma_wait3A_790 = tpu.memref_slice %arg29[%dma_wait3A_788, %dma_wait3A_789] : memref<10000x128xf32, #tpu.memory_space<vmem_shared>> -> memref<10000x128xf32, #tpu.memory_space<vmem_shared>>
          tpu.wait_indirect_dma semaphore(%arg39 : memref<!tpu.dma_semaphore, #tpu.memory_space<semaphore_mem>>) src(%dma_wait3A_784 : memref<80x128xf32, #tpu.memory_space<vmem>>) dst(%dma_wait3A_790 : memref<10000x128xf32, #tpu.memory_space<vmem_shared>>)
          %dma_start3A_791 = arith.constant 0 : i32
          %dma_start3A_792 = arith.constant 0 : i32
          %dma_start3A_793 = arith.constant 0 : i32
          %dma_start3A_794 = arith.constant 0 : i32
          %dma_start3A_795 = tpu.memref_slice %arg23[%dma_start3A_792, %dma_start3A_793, %dma_start3A_794] : memref<2x80x128xf32, #tpu.memory_space<vmem>> -> memref<1x80x128xf32, #tpu.memory_space<vmem>>
          %dma_start3A_796 = tpu.memref_squeeze %dma_start3A_795 : memref<1x80x128xf32, #tpu.memory_space<vmem>> -> memref<80x128xf32, #tpu.memory_space<vmem>>
          %dma_start3A_797 = arith.constant 0 : i32
          %dma_start3A_798 = tpu.memref_slice %arg20[%dma_start3A_791, %dma_start3A_797] : memref<2x80xi32, #tpu.memory_space<vmem>> -> memref<1x80xi32, #tpu.memory_space<vmem>>
          %dma_start3A_799 = tpu.memref_squeeze %dma_start3A_798 : memref<1x80xi32, #tpu.memory_space<vmem>> -> memref<80xi32, #tpu.memory_space<vmem>>
          %dma_start3A_800 = arith.constant 0 : i32
          %dma_start3A_801 = arith.constant 0 : i32
          %dma_start3A_802 = tpu.memref_slice %arg5[%dma_start3A_800, %dma_start3A_801] : memref<20480x128xf32, #tpu.memory_space<hbm>> -> memref<20480x128xf32, #tpu.memory_space<hbm>>
          tpu.enqueue_indirect_dma source(%dma_start3A_802 : memref<20480x128xf32, #tpu.memory_space<hbm>>) target(%dma_start3A_796 : memref<80x128xf32, #tpu.memory_space<vmem>>) offsets(%dma_start3A_799 : memref<80xi32, #tpu.memory_space<vmem>>) semaphore(%arg37 : memref<!tpu.dma_semaphore, #tpu.memory_space<semaphore_mem>>)
          %get3A_803 = arith.constant 0 : i32
          %get3A_804 = arith.index_cast %get3A_803 : i32 to index
          %get3A_805 = arith.constant 0 : index
          %get3A_806 = tpu.vector_load %arg18[%get3A_804, %get3A_805] {strides = array<i32>} : memref<2x80xi32, #tpu.memory_space<vmem>>, vector<16xi32>,
          %swap3A_807 = arith.constant 0 : i32
          %swap3A_808 = arith.index_cast %swap3A_807 : i32 to index
          %swap3A_809 = arith.constant 0 : index
          %swap3A_810 = tpu.vector_load %arg21[%swap3A_808, %swap3A_809] {strides = array<i32>} : memref<2x80xi32, #tpu.memory_space<vmem>>, vector<16xi32>,
          tpu.vector_store %arg21[%swap3A_808, %swap3A_809], %get3A_806 {strides = array<i32>} : memref<2x80xi32, #tpu.memory_space<vmem>>, vector<16xi32>,
          %get3A_811 = arith.constant 0 : i32
          %get3A_812 = arith.index_cast %get3A_811 : i32 to index
          %get3A_813 = arith.constant 16 : index
          %get3A_814 = tpu.vector_load %arg18[%get3A_812, %get3A_813] {strides = array<i32>} : memref<2x80xi32, #tpu.memory_space<vmem>>, vector<16xi32>,
          %swap3A_815 = arith.constant 0 : i32
          %swap3A_816 = arith.index_cast %swap3A_815 : i32 to index
          %swap3A_817 = arith.constant 16 : index
          %swap3A_818 = tpu.vector_load %arg21[%swap3A_816, %swap3A_817] {strides = array<i32>} : memref<2x80xi32, #tpu.memory_space<vmem>>, vector<16xi32>,
          tpu.vector_store %arg21[%swap3A_816, %swap3A_817], %get3A_814 {strides = array<i32>} : memref<2x80xi32, #tpu.memory_space<vmem>>, vector<16xi32>,
          %get3A_819 = arith.constant 0 : i32
          %get3A_820 = arith.index_cast %get3A_819 : i32 to index
          %get3A_821 = arith.constant 32 : index
          %get3A_822 = tpu.vector_load %arg18[%get3A_820, %get3A_821] {strides = array<i32>} : memref<2x80xi32, #tpu.memory_space<vmem>>, vector<16xi32>,
          %swap3A_823 = arith.constant 0 : i32
          %swap3A_824 = arith.index_cast %swap3A_823 : i32 to index
          %swap3A_825 = arith.constant 32 : index
          %swap3A_826 = tpu.vector_load %arg21[%swap3A_824, %swap3A_825] {strides = array<i32>} : memref<2x80xi32, #tpu.memory_space<vmem>>, vector<16xi32>,
          tpu.vector_store %arg21[%swap3A_824, %swap3A_825], %get3A_822 {strides = array<i32>} : memref<2x80xi32, #tpu.memory_space<vmem>>, vector<16xi32>,
          %get3A_827 = arith.constant 0 : i32
          %get3A_828 = arith.index_cast %get3A_827 : i32 to index
          %get3A_829 = arith.constant 48 : index
          %get3A_830 = tpu.vector_load %arg18[%get3A_828, %get3A_829] {strides = array<i32>} : memref<2x80xi32, #tpu.memory_space<vmem>>, vector<16xi32>,
          %swap3A_831 = arith.constant 0 : i32
          %swap3A_832 = arith.index_cast %swap3A_831 : i32 to index
          %swap3A_833 = arith.constant 48 : index
          %swap3A_834 = tpu.vector_load %arg21[%swap3A_832, %swap3A_833] {strides = array<i32>} : memref<2x80xi32, #tpu.memory_space<vmem>>, vector<16xi32>,
          tpu.vector_store %arg21[%swap3A_832, %swap3A_833], %get3A_830 {strides = array<i32>} : memref<2x80xi32, #tpu.memory_space<vmem>>, vector<16xi32>,
          %get3A_835 = arith.constant 0 : i32
          %get3A_836 = arith.index_cast %get3A_835 : i32 to index
          %get3A_837 = arith.constant 64 : index
          %get3A_838 = tpu.vector_load %arg18[%get3A_836, %get3A_837] {strides = array<i32>} : memref<2x80xi32, #tpu.memory_space<vmem>>, vector<16xi32>,
          %swap3A_839 = arith.constant 0 : i32
          %swap3A_840 = arith.index_cast %swap3A_839 : i32 to index
          %swap3A_841 = arith.constant 64 : index
          %swap3A_842 = tpu.vector_load %arg21[%swap3A_840, %swap3A_841] {strides = array<i32>} : memref<2x80xi32, #tpu.memory_space<vmem>>, vector<16xi32>,
          tpu.vector_store %arg21[%swap3A_840, %swap3A_841], %get3A_838 {strides = array<i32>} : memref<2x80xi32, #tpu.memory_space<vmem>>, vector<16xi32>,
          %add3A_843 = arith.constant 2 : i32
          %add3A_844 = arith.addi %add3A_479, %add3A_843 : i32
          %lt3A_845 = arith.constant 250 : i32
          %lt3A_846 = arith.cmpi slt, %add3A_844, %lt3A_845 : i32
          %convert_element_type3A_847 = arith.extui %lt3A_846 : i1 to i32
          %cond3A_848 = arith.constant 0 : i32
          %cond3A_849 = arith.cmpi ne, %convert_element_type3A_847, %cond3A_848 : i32
          scf.if %cond3A_849 {
            %add3A_850 = arith.constant 2 : i32
            %add3A_851 = arith.addi %add3A_479, %add3A_850 : i32
            %mul3A_852 = arith.constant 80 : i32
            %mul3A_853 = arith.muli %add3A_851, %mul3A_852 : i32
            %add3A_854 = arith.addi %add3A, %mul3A_853 : i32
            %dma_start3A_855 = arith.constant 1 : i32
            %dma_start3A_856 = arith.constant 0 : i32
            %dma_start3A_857 = tpu.memref_slice %arg17[%dma_start3A_855, %dma_start3A_856] : memref<2x80xi32, #tpu.memory_space<vmem>> -> memref<1x80xi32, #tpu.memory_space<vmem>>
            %dma_start3A_858 = tpu.memref_squeeze %dma_start3A_857 : memref<1x80xi32, #tpu.memory_space<vmem>> -> memref<80xi32, #tpu.memory_space<vmem>>
            %dma_start3A_859 = tpu.memref_slice %arg2[%add3A_854] : memref<640000xi32, #tpu.memory_space<hbm>> -> memref<80xi32, #tpu.memory_space<hbm>>
            %dma_start3A_860 = arith.constant 0 : i32
            %dma_start3A_861 = tpu.memref_slice %arg17[%dma_start3A_855, %dma_start3A_860] : memref<2x80xi32, #tpu.memory_space<vmem>> -> memref<1x80xi32, #tpu.memory_space<vmem>>
            %dma_start3A_862 = tpu.memref_squeeze %dma_start3A_861 : memref<1x80xi32, #tpu.memory_space<vmem>> -> memref<80xi32, #tpu.memory_space<vmem>>
            %dma_start3A_863 = tpu.memref_slice %arg2[%add3A_854] : memref<640000xi32, #tpu.memory_space<hbm>> -> memref<80xi32, #tpu.memory_space<hbm>>
            tpu.enqueue_dma source(%dma_start3A_863 : memref<80xi32, #tpu.memory_space<hbm>>) target(%dma_start3A_862 : memref<80xi32, #tpu.memory_space<vmem>>) target_semaphore(%arg36 : memref<!tpu.dma_semaphore, #tpu.memory_space<semaphore_mem>>)
            %dma_start3A_864 = arith.constant 1 : i32
            %dma_start3A_865 = arith.constant 0 : i32
            %dma_start3A_866 = tpu.memref_slice %arg18[%dma_start3A_864, %dma_start3A_865] : memref<2x80xi32, #tpu.memory_space<vmem>> -> memref<1x80xi32, #tpu.memory_space<vmem>>
            %dma_start3A_867 = tpu.memref_squeeze %dma_start3A_866 : memref<1x80xi32, #tpu.memory_space<vmem>> -> memref<80xi32, #tpu.memory_space<vmem>>
            %dma_start3A_868 = tpu.memref_slice %arg3[%add3A_854] : memref<640000xi32, #tpu.memory_space<hbm>> -> memref<80xi32, #tpu.memory_space<hbm>>
            %dma_start3A_869 = arith.constant 0 : i32
            %dma_start3A_870 = tpu.memref_slice %arg18[%dma_start3A_864, %dma_start3A_869] : memref<2x80xi32, #tpu.memory_space<vmem>> -> memref<1x80xi32, #tpu.memory_space<vmem>>
            %dma_start3A_871 = tpu.memref_squeeze %dma_start3A_870 : memref<1x80xi32, #tpu.memory_space<vmem>> -> memref<80xi32, #tpu.memory_space<vmem>>
            %dma_start3A_872 = tpu.memref_slice %arg3[%add3A_854] : memref<640000xi32, #tpu.memory_space<hbm>> -> memref<80xi32, #tpu.memory_space<hbm>>
            tpu.enqueue_dma source(%dma_start3A_872 : memref<80xi32, #tpu.memory_space<hbm>>) target(%dma_start3A_871 : memref<80xi32, #tpu.memory_space<vmem>>) target_semaphore(%arg36 : memref<!tpu.dma_semaphore, #tpu.memory_space<semaphore_mem>>)
            %dma_start3A_873 = arith.constant 1 : i32
            %dma_start3A_874 = arith.constant 0 : i32
            %dma_start3A_875 = tpu.memref_slice %arg19[%dma_start3A_873, %dma_start3A_874] : memref<2x80xf32, #tpu.memory_space<vmem>> -> memref<1x80xf32, #tpu.memory_space<vmem>>
            %dma_start3A_876 = tpu.memref_squeeze %dma_start3A_875 : memref<1x80xf32, #tpu.memory_space<vmem>> -> memref<80xf32, #tpu.memory_space<vmem>>
            %dma_start3A_877 = tpu.memref_slice %arg4[%add3A_854] : memref<640000xf32, #tpu.memory_space<hbm>> -> memref<80xf32, #tpu.memory_space<hbm>>
            %dma_start3A_878 = arith.constant 0 : i32
            %dma_start3A_879 = tpu.memref_slice %arg19[%dma_start3A_873, %dma_start3A_878] : memref<2x80xf32, #tpu.memory_space<vmem>> -> memref<1x80xf32, #tpu.memory_space<vmem>>
            %dma_start3A_880 = tpu.memref_squeeze %dma_start3A_879 : memref<1x80xf32, #tpu.memory_space<vmem>> -> memref<80xf32, #tpu.memory_space<vmem>>
            %dma_start3A_881 = tpu.memref_slice %arg4[%add3A_854] : memref<640000xf32, #tpu.memory_space<hbm>> -> memref<80xf32, #tpu.memory_space<hbm>>
            tpu.enqueue_dma source(%dma_start3A_881 : memref<80xf32, #tpu.memory_space<hbm>>) target(%dma_start3A_880 : memref<80xf32, #tpu.memory_space<vmem>>) target_semaphore(%arg36 : memref<!tpu.dma_semaphore, #tpu.memory_space<semaphore_mem>>)
          } else {
          }
        } else {
        }
        %dma_wait3A_492 = arith.constant 1 : i32
        %dma_wait3A_493 = arith.constant 1 : i32
        %dma_wait3A_494 = arith.constant 0 : i32
        %dma_wait3A_495 = arith.constant 0 : i32
        %dma_wait3A_496 = tpu.memref_slice %arg23[%dma_wait3A_493, %dma_wait3A_494, %dma_wait3A_495] : memref<2x80x128xf32, #tpu.memory_space<vmem>> -> memref<1x80x128xf32, #tpu.memory_space<vmem>>
        %dma_wait3A_497 = tpu.memref_squeeze %dma_wait3A_496 : memref<1x80x128xf32, #tpu.memory_space<vmem>> -> memref<80x128xf32, #tpu.memory_space<vmem>>
        %dma_wait3A_498 = arith.constant 0 : i32
        %dma_wait3A_499 = tpu.memref_slice %arg20[%dma_wait3A_492, %dma_wait3A_498] : memref<2x80xi32, #tpu.memory_space<vmem>> -> memref<1x80xi32, #tpu.memory_space<vmem>>
        %dma_wait3A_500 = tpu.memref_squeeze %dma_wait3A_499 : memref<1x80xi32, #tpu.memory_space<vmem>> -> memref<80xi32, #tpu.memory_space<vmem>>
        %dma_wait3A_501 = arith.constant 0 : i32
        %dma_wait3A_502 = arith.constant 0 : i32
        %dma_wait3A_503 = tpu.memref_slice %arg5[%dma_wait3A_501, %dma_wait3A_502] : memref<20480x128xf32, #tpu.memory_space<hbm>> -> memref<20480x128xf32, #tpu.memory_space<hbm>>
        tpu.wait_indirect_dma semaphore(%arg38 : memref<!tpu.dma_semaphore, #tpu.memory_space<semaphore_mem>>) src(%dma_wait3A_503 : memref<20480x128xf32, #tpu.memory_space<hbm>>) dst(%dma_wait3A_497 : memref<80x128xf32, #tpu.memory_space<vmem>>)
        %scan3A_504 = arith.constant 0 : i32
        %scan3A_505 = arith.constant 0 : i32
        %scan3A_506 = arith.constant 20 : i32
        %scan3A_507 = arith.addi %scan3A_505, %scan3A_506 : i32
        %scan3A_508 = arith.constant 1 : i32
        scf.for %scan3A_522 = %scan3A_505 to %scan3A_507 step %scan3A_508  : i32 {
          %mul3A_523 = arith.constant 4 : i32
          %mul3A_524 = arith.muli %scan3A_522, %mul3A_523 : i32
          %add3A_525 = arith.constant 0 : i32
          %add3A_526 = arith.addi %mul3A_524, %add3A_525 : i32
          %broadcast_in_dim3A = vector.broadcast %add3A_526 : i32 to vector<16xi32>
          %gather3A_527 = arith.constant 1 : i32
          %gather3A_528 = arith.constant 0 : i32
          %gather3A_529 = tpu.memref_slice %arg22[%gather3A_527, %gather3A_528] : memref<2x80xf32, #tpu.memory_space<vmem>> -> memref<1x80xf32, #tpu.memory_space<vmem>>
          %gather3A_530 = tpu.memref_squeeze %gather3A_529 : memref<1x80xf32, #tpu.memory_space<vmem>> -> memref<80xf32, #tpu.memory_space<vmem>>
          %gather3A_531 = tpu.vector_load_idx %gather3A_530[%broadcast_in_dim3A] : memref<80xf32, #tpu.memory_space<vmem>>[vector<16xi32>], vector<16xf32>,
          %get3A_532 = arith.constant 1 : i32
          %get3A_533 = arith.index_cast %get3A_532 : i32 to index
          %get3A_534 = arith.index_cast %add3A_526 : i32 to index
          %get3A_535 = arith.constant 0 : index
          %get3A_536 = tpu.vector_load %arg23[%get3A_533, %get3A_534, %get3A_535] {strides = array<i32>} : memref<2x80x128xf32, #tpu.memory_space<vmem>>, vector<16xf32>,
          %mul3A_537 = arith.mulf %get3A_536, %gather3A_531 : vector<16xf32>
          %swap3A_538 = arith.constant 1 : i32
          %swap3A_539 = arith.index_cast %swap3A_538 : i32 to index
          %swap3A_540 = arith.index_cast %add3A_526 : i32 to index
          %swap3A_541 = arith.constant 0 : index
          %swap3A_542 = tpu.vector_load %arg23[%swap3A_539, %swap3A_540, %swap3A_541] {strides = array<i32>} : memref<2x80x128xf32, #tpu.memory_space<vmem>>, vector<16xf32>,
          tpu.vector_store %arg23[%swap3A_539, %swap3A_540, %swap3A_541], %mul3A_537 {strides = array<i32>} : memref<2x80x128xf32, #tpu.memory_space<vmem>>, vector<16xf32>,
          %get3A_543 = arith.constant 1 : i32
          %get3A_544 = arith.index_cast %get3A_543 : i32 to index
          %get3A_545 = arith.index_cast %add3A_526 : i32 to index
          %get3A_546 = arith.constant 16 : index
          %get3A_547 = tpu.vector_load %arg23[%get3A_544, %get3A_545, %get3A_546] {strides = array<i32>} : memref<2x80x128xf32, #tpu.memory_space<vmem>>, vector<16xf32>,
          %mul3A_548 = arith.mulf %get3A_547, %gather3A_531 : vector<16xf32>
          %swap3A_549 = arith.constant 1 : i32
          %swap3A_550 = arith.index_cast %swap3A_549 : i32 to index
          %swap3A_551 = arith.index_cast %add3A_526 : i32 to index
          %swap3A_552 = arith.constant 16 : index
          %swap3A_553 = tpu.vector_load %arg23[%swap3A_550, %swap3A_551, %swap3A_552] {strides = array<i32>} : memref<2x80x128xf32, #tpu.memory_space<vmem>>, vector<16xf32>,
          tpu.vector_store %arg23[%swap3A_550, %swap3A_551, %swap3A_552], %mul3A_548 {strides = array<i32>} : memref<2x80x128xf32, #tpu.memory_space<vmem>>, vector<16xf32>,
          %get3A_554 = arith.constant 1 : i32
          %get3A_555 = arith.index_cast %get3A_554 : i32 to index
          %get3A_556 = arith.index_cast %add3A_526 : i32 to index
          %get3A_557 = arith.constant 32 : index
          %get3A_558 = tpu.vector_load %arg23[%get3A_555, %get3A_556, %get3A_557] {strides = array<i32>} : memref<2x80x128xf32, #tpu.memory_space<vmem>>, vector<16xf32>,
          %mul3A_559 = arith.mulf %get3A_558, %gather3A_531 : vector<16xf32>
          %swap3A_560 = arith.constant 1 : i32
          %swap3A_561 = arith.index_cast %swap3A_560 : i32 to index
          %swap3A_562 = arith.index_cast %add3A_526 : i32 to index
          %swap3A_563 = arith.constant 32 : index
          %swap3A_564 = tpu.vector_load %arg23[%swap3A_561, %swap3A_562, %swap3A_563] {strides = array<i32>} : memref<2x80x128xf32, #tpu.memory_space<vmem>>, vector<16xf32>,
          tpu.vector_store %arg23[%swap3A_561, %swap3A_562, %swap3A_563], %mul3A_559 {strides = array<i32>} : memref<2x80x128xf32, #tpu.memory_space<vmem>>, vector<16xf32>,
          %get3A_565 = arith.constant 1 : i32
          %get3A_566 = arith.index_cast %get3A_565 : i32 to index
          %get3A_567 = arith.index_cast %add3A_526 : i32 to index
          %get3A_568 = arith.constant 48 : index
          %get3A_569 = tpu.vector_load %arg23[%get3A_566, %get3A_567, %get3A_568] {strides = array<i32>} : memref<2x80x128xf32, #tpu.memory_space<vmem>>, vector<16xf32>,
          %mul3A_570 = arith.mulf %get3A_569, %gather3A_531 : vector<16xf32>
          %swap3A_571 = arith.constant 1 : i32
          %swap3A_572 = arith.index_cast %swap3A_571 : i32 to index
          %swap3A_573 = arith.index_cast %add3A_526 : i32 to index
          %swap3A_574 = arith.constant 48 : index
          %swap3A_575 = tpu.vector_load %arg23[%swap3A_572, %swap3A_573, %swap3A_574] {strides = array<i32>} : memref<2x80x128xf32, #tpu.memory_space<vmem>>, vector<16xf32>,
          tpu.vector_store %arg23[%swap3A_572, %swap3A_573, %swap3A_574], %mul3A_570 {strides = array<i32>} : memref<2x80x128xf32, #tpu.memory_space<vmem>>, vector<16xf32>,
          %get3A_576 = arith.constant 1 : i32
          %get3A_577 = arith.index_cast %get3A_576 : i32 to index
          %get3A_578 = arith.index_cast %add3A_526 : i32 to index
          %get3A_579 = arith.constant 64 : index
          %get3A_580 = tpu.vector_load %arg23[%get3A_577, %get3A_578, %get3A_579] {strides = array<i32>} : memref<2x80x128xf32, #tpu.memory_space<vmem>>, vector<16xf32>,
          %mul3A_581 = arith.mulf %get3A_580, %gather3A_531 : vector<16xf32>
          %swap3A_582 = arith.constant 1 : i32
          %swap3A_583 = arith.index_cast %swap3A_582 : i32 to index
          %swap3A_584 = arith.index_cast %add3A_526 : i32 to index
          %swap3A_585 = arith.constant 64 : index
          %swap3A_586 = tpu.vector_load %arg23[%swap3A_583, %swap3A_584, %swap3A_585] {strides = array<i32>} : memref<2x80x128xf32, #tpu.memory_space<vmem>>, vector<16xf32>,
          tpu.vector_store %arg23[%swap3A_583, %swap3A_584, %swap3A_585], %mul3A_581 {strides = array<i32>} : memref<2x80x128xf32, #tpu.memory_space<vmem>>, vector<16xf32>,
          %get3A_587 = arith.constant 1 : i32
          %get3A_588 = arith.index_cast %get3A_587 : i32 to index
          %get3A_589 = arith.index_cast %add3A_526 : i32 to index
          %get3A_590 = arith.constant 80 : index
          %get3A_591 = tpu.vector_load %arg23[%get3A_588, %get3A_589, %get3A_590] {strides = array<i32>} : memref<2x80x128xf32, #tpu.memory_space<vmem>>, vector<16xf32>,
          %mul3A_592 = arith.mulf %get3A_591, %gather3A_531 : vector<16xf32>
          %swap3A_593 = arith.constant 1 : i32
          %swap3A_594 = arith.index_cast %swap3A_593 : i32 to index
          %swap3A_595 = arith.index_cast %add3A_526 : i32 to index
          %swap3A_596 = arith.constant 80 : index
          %swap3A_597 = tpu.vector_load %arg23[%swap3A_594, %swap3A_595, %swap3A_596] {strides = array<i32>} : memref<2x80x128xf32, #tpu.memory_space<vmem>>, vector<16xf32>,
          tpu.vector_store %arg23[%swap3A_594, %swap3A_595, %swap3A_596], %mul3A_592 {strides = array<i32>} : memref<2x80x128xf32, #tpu.memory_space<vmem>>, vector<16xf32>,
          %get3A_598 = arith.constant 1 : i32
          %get3A_599 = arith.index_cast %get3A_598 : i32 to index
          %get3A_600 = arith.index_cast %add3A_526 : i32 to index
          %get3A_601 = arith.constant 96 : index
          %get3A_602 = tpu.vector_load %arg23[%get3A_599, %get3A_600, %get3A_601] {strides = array<i32>} : memref<2x80x128xf32, #tpu.memory_space<vmem>>, vector<16xf32>,
          %mul3A_603 = arith.mulf %get3A_602, %gather3A_531 : vector<16xf32>
          %swap3A_604 = arith.constant 1 : i32
          %swap3A_605 = arith.index_cast %swap3A_604 : i32 to index
          %swap3A_606 = arith.index_cast %add3A_526 : i32 to index
          %swap3A_607 = arith.constant 96 : index
          %swap3A_608 = tpu.vector_load %arg23[%swap3A_605, %swap3A_606, %swap3A_607] {strides = array<i32>} : memref<2x80x128xf32, #tpu.memory_space<vmem>>, vector<16xf32>,
          tpu.vector_store %arg23[%swap3A_605, %swap3A_606, %swap3A_607], %mul3A_603 {strides = array<i32>} : memref<2x80x128xf32, #tpu.memory_space<vmem>>, vector<16xf32>,
          %get3A_609 = arith.constant 1 : i32
          %get3A_610 = arith.index_cast %get3A_609 : i32 to index
          %get3A_611 = arith.index_cast %add3A_526 : i32 to index
          %get3A_612 = arith.constant 112 : index
          %get3A_613 = tpu.vector_load %arg23[%get3A_610, %get3A_611, %get3A_612] {strides = array<i32>} : memref<2x80x128xf32, #tpu.memory_space<vmem>>, vector<16xf32>,
          %mul3A_614 = arith.mulf %get3A_613, %gather3A_531 : vector<16xf32>
          %swap3A_615 = arith.constant 1 : i32
          %swap3A_616 = arith.index_cast %swap3A_615 : i32 to index
          %swap3A_617 = arith.index_cast %add3A_526 : i32 to index
          %swap3A_618 = arith.constant 112 : index
          %swap3A_619 = tpu.vector_load %arg23[%swap3A_616, %swap3A_617, %swap3A_618] {strides = array<i32>} : memref<2x80x128xf32, #tpu.memory_space<vmem>>, vector<16xf32>,
          tpu.vector_store %arg23[%swap3A_616, %swap3A_617, %swap3A_618], %mul3A_614 {strides = array<i32>} : memref<2x80x128xf32, #tpu.memory_space<vmem>>, vector<16xf32>,
          %mul3A_620 = arith.constant 4 : i32
          %mul3A_621 = arith.muli %scan3A_522, %mul3A_620 : i32
          %add3A_622 = arith.constant 1 : i32
          %add3A_623 = arith.addi %mul3A_621, %add3A_622 : i32
          %broadcast_in_dim3A_624 = vector.broadcast %add3A_623 : i32 to vector<16xi32>
          %gather3A_625 = arith.constant 1 : i32
          %gather3A_626 = arith.constant 0 : i32
          %gather3A_627 = tpu.memref_slice %arg22[%gather3A_625, %gather3A_626] : memref<2x80xf32, #tpu.memory_space<vmem>> -> memref<1x80xf32, #tpu.memory_space<vmem>>
          %gather3A_628 = tpu.memref_squeeze %gather3A_627 : memref<1x80xf32, #tpu.memory_space<vmem>> -> memref<80xf32, #tpu.memory_space<vmem>>
          %gather3A_629 = tpu.vector_load_idx %gather3A_628[%broadcast_in_dim3A_624] : memref<80xf32, #tpu.memory_space<vmem>>[vector<16xi32>], vector<16xf32>,
          %get3A_630 = arith.constant 1 : i32
          %get3A_631 = arith.index_cast %get3A_630 : i32 to index
          %get3A_632 = arith.index_cast %add3A_623 : i32 to index
          %get3A_633 = arith.constant 0 : index
          %get3A_634 = tpu.vector_load %arg23[%get3A_631, %get3A_632, %get3A_633] {strides = array<i32>} : memref<2x80x128xf32, #tpu.memory_space<vmem>>, vector<16xf32>,
          %mul3A_635 = arith.mulf %get3A_634, %gather3A_629 : vector<16xf32>
          %swap3A_636 = arith.constant 1 : i32
          %swap3A_637 = arith.index_cast %swap3A_636 : i32 to index
          %swap3A_638 = arith.index_cast %add3A_623 : i32 to index
          %swap3A_639 = arith.constant 0 : index
          %swap3A_640 = tpu.vector_load %arg23[%swap3A_637, %swap3A_638, %swap3A_639] {strides = array<i32>} : memref<2x80x128xf32, #tpu.memory_space<vmem>>, vector<16xf32>,
          tpu.vector_store %arg23[%swap3A_637, %swap3A_638, %swap3A_639], %mul3A_635 {strides = array<i32>} : memref<2x80x128xf32, #tpu.memory_space<vmem>>, vector<16xf32>,
          %get3A_641 = arith.constant 1 : i32
          %get3A_642 = arith.index_cast %get3A_641 : i32 to index
          %get3A_643 = arith.index_cast %add3A_623 : i32 to index
          %get3A_644 = arith.constant 16 : index
          %get3A_645 = tpu.vector_load %arg23[%get3A_642, %get3A_643, %get3A_644] {strides = array<i32>} : memref<2x80x128xf32, #tpu.memory_space<vmem>>, vector<16xf32>,
          %mul3A_646 = arith.mulf %get3A_645, %gather3A_629 : vector<16xf32>
          %swap3A_647 = arith.constant 1 : i32
          %swap3A_648 = arith.index_cast %swap3A_647 : i32 to index
          %swap3A_649 = arith.index_cast %add3A_623 : i32 to index
          %swap3A_650 = arith.constant 16 : index
          %swap3A_651 = tpu.vector_load %arg23[%swap3A_648, %swap3A_649, %swap3A_650] {strides = array<i32>} : memref<2x80x128xf32, #tpu.memory_space<vmem>>, vector<16xf32>,
          tpu.vector_store %arg23[%swap3A_648, %swap3A_649, %swap3A_650], %mul3A_646 {strides = array<i32>} : memref<2x80x128xf32, #tpu.memory_space<vmem>>, vector<16xf32>,
          %get3A_652 = arith.constant 1 : i32
          %get3A_653 = arith.index_cast %get3A_652 : i32 to index
          %get3A_654 = arith.index_cast %add3A_623 : i32 to index
          %get3A_655 = arith.constant 32 : index
          %get3A_656 = tpu.vector_load %arg23[%get3A_653, %get3A_654, %get3A_655] {strides = array<i32>} : memref<2x80x128xf32, #tpu.memory_space<vmem>>, vector<16xf32>,
          %mul3A_657 = arith.mulf %get3A_656, %gather3A_629 : vector<16xf32>
          %swap3A_658 = arith.constant 1 : i32
          %swap3A_659 = arith.index_cast %swap3A_658 : i32 to index
          %swap3A_660 = arith.index_cast %add3A_623 : i32 to index
          %swap3A_661 = arith.constant 32 : index
          %swap3A_662 = tpu.vector_load %arg23[%swap3A_659, %swap3A_660, %swap3A_661] {strides = array<i32>} : memref<2x80x128xf32, #tpu.memory_space<vmem>>, vector<16xf32>,
          tpu.vector_store %arg23[%swap3A_659, %swap3A_660, %swap3A_661], %mul3A_657 {strides = array<i32>} : memref<2x80x128xf32, #tpu.memory_space<vmem>>, vector<16xf32>,
          %get3A_663 = arith.constant 1 : i32
          %get3A_664 = arith.index_cast %get3A_663 : i32 to index
          %get3A_665 = arith.index_cast %add3A_623 : i32 to index
          %get3A_666 = arith.constant 48 : index
          %get3A_667 = tpu.vector_load %arg23[%get3A_664, %get3A_665, %get3A_666] {strides = array<i32>} : memref<2x80x128xf32, #tpu.memory_space<vmem>>, vector<16xf32>,
          %mul3A_668 = arith.mulf %get3A_667, %gather3A_629 : vector<16xf32>
          %swap3A_669 = arith.constant 1 : i32
          %swap3A_670 = arith.index_cast %swap3A_669 : i32 to index
          %swap3A_671 = arith.index_cast %add3A_623 : i32 to index
          %swap3A_672 = arith.constant 48 : index
          %swap3A_673 = tpu.vector_load %arg23[%swap3A_670, %swap3A_671, %swap3A_672] {strides = array<i32>} : memref<2x80x128xf32, #tpu.memory_space<vmem>>, vector<16xf32>,
          tpu.vector_store %arg23[%swap3A_670, %swap3A_671, %swap3A_672], %mul3A_668 {strides = array<i32>} : memref<2x80x128xf32, #tpu.memory_space<vmem>>, vector<16xf32>,
          %get3A_674 = arith.constant 1 : i32
          %get3A_675 = arith.index_cast %get3A_674 : i32 to index
          %get3A_676 = arith.index_cast %add3A_623 : i32 to index
          %get3A_677 = arith.constant 64 : index
          %get3A_678 = tpu.vector_load %arg23[%get3A_675, %get3A_676, %get3A_677] {strides = array<i32>} : memref<2x80x128xf32, #tpu.memory_space<vmem>>, vector<16xf32>,
          %mul3A_679 = arith.mulf %get3A_678, %gather3A_629 : vector<16xf32>
          %swap3A_680 = arith.constant 1 : i32
          %swap3A_681 = arith.index_cast %swap3A_680 : i32 to index
          %swap3A_682 = arith.index_cast %add3A_623 : i32 to index
          %swap3A_683 = arith.constant 64 : index
          %swap3A_684 = tpu.vector_load %arg23[%swap3A_681, %swap3A_682, %swap3A_683] {strides = array<i32>} : memref<2x80x128xf32, #tpu.memory_space<vmem>>, vector<16xf32>,
          tpu.vector_store %arg23[%swap3A_681, %swap3A_682, %swap3A_683], %mul3A_679 {strides = array<i32>} : memref<2x80x128xf32, #tpu.memory_space<vmem>>, vector<16xf32>,
          %get3A_685 = arith.constant 1 : i32
          %get3A_686 = arith.index_cast %get3A_685 : i32 to index
          %get3A_687 = arith.index_cast %add3A_623 : i32 to index
          %get3A_688 = arith.constant 80 : index
          %get3A_689 = tpu.vector_load %arg23[%get3A_686, %get3A_687, %get3A_688] {strides = array<i32>} : memref<2x80x128xf32, #tpu.memory_space<vmem>>, vector<16xf32>,
          %mul3A_690 = arith.mulf %get3A_689, %gather3A_629 : vector<16xf32>
          %swap3A_691 = arith.constant 1 : i32
          %swap3A_692 = arith.index_cast %swap3A_691 : i32 to index
          %swap3A_693 = arith.index_cast %add3A_623 : i32 to index
          %swap3A_694 = arith.constant 80 : index
          %swap3A_695 = tpu.vector_load %arg23[%swap3A_692, %swap3A_693, %swap3A_694] {strides = array<i32>} : memref<2x80x128xf32, #tpu.memory_space<vmem>>, vector<16xf32>,
          tpu.vector_store %arg23[%swap3A_692, %swap3A_693, %swap3A_694], %mul3A_690 {strides = array<i32>} : memref<2x80x128xf32, #tpu.memory_space<vmem>>, vector<16xf32>,
          %get3A_696 = arith.constant 1 : i32
          %get3A_697 = arith.index_cast %get3A_696 : i32 to index
          %get3A_698 = arith.index_cast %add3A_623 : i32 to index
          %get3A_699 = arith.constant 96 : index
          %get3A_700 = tpu.vector_load %arg23[%get3A_697, %get3A_698, %get3A_699] {strides = array<i32>} : memref<2x80x128xf32, #tpu.memory_space<vmem>>, vector<16xf32>,
          %mul3A_701 = arith.mulf %get3A_700, %gather3A_629 : vector<16xf32>
          %swap3A_702 = arith.constant 1 : i32
          %swap3A_703 = arith.index_cast %swap3A_702 : i32 to index
          %swap3A_704 = arith.index_cast %add3A_623 : i32 to index
          %swap3A_705 = arith.constant 96 : index
          %swap3A_706 = tpu.vector_load %arg23[%swap3A_703, %swap3A_704, %swap3A_705] {strides = array<i32>} : memref<2x80x128xf32, #tpu.memory_space<vmem>>, vector<16xf32>,
          tpu.vector_store %arg23[%swap3A_703, %swap3A_704, %swap3A_705], %mul3A_701 {strides = array<i32>} : memref<2x80x128xf32, #tpu.memory_space<vmem>>, vector<16xf32>,
          %get3A_707 = arith.constant 1 : i32
          %get3A_708 = arith.index_cast %get3A_707 : i32 to index
          %get3A_709 = arith.index_cast %add3A_623 : i32 to index
          %get3A_710 = arith.constant 112 : index
          %get3A_711 = tpu.vector_load %arg23[%get3A_708, %get3A_709, %get3A_710] {strides = array<i32>} : memref<2x80x128xf32, #tpu.memory_space<vmem>>, vector<16xf32>,
          %mul3A_712 = arith.mulf %get3A_711, %gather3A_629 : vector<16xf32>
          %swap3A_713 = arith.constant 1 : i32
          %swap3A_714 = arith.index_cast %swap3A_713 : i32 to index
          %swap3A_715 = arith.index_cast %add3A_623 : i32 to index
          %swap3A_716 = arith.constant 112 : index
          %swap3A_717 = tpu.vector_load %arg23[%swap3A_714, %swap3A_715, %swap3A_716] {strides = array<i32>} : memref<2x80x128xf32, #tpu.memory_space<vmem>>, vector<16xf32>,
          tpu.vector_store %arg23[%swap3A_714, %swap3A_715, %swap3A_716], %mul3A_712 {strides = array<i32>} : memref<2x80x128xf32, #tpu.memory_space<vmem>>, vector<16xf32>,
          %mul3A_718 = arith.constant 4 : i32
          %mul3A_719 = arith.muli %scan3A_522, %mul3A_718 : i32
          %add3A_720 = arith.constant 2 : i32
          %add3A_721 = arith.addi %mul3A_719, %add3A_720 : i32
          %broadcast_in_dim3A_722 = vector.broadcast %add3A_721 : i32 to vector<16xi32>
          %gather3A_723 = arith.constant 1 : i32
          %gather3A_724 = arith.constant 0 : i32
          %gather3A_725 = tpu.memref_slice %arg22[%gather3A_723, %gather3A_724] : memref<2x80xf32, #tpu.memory_space<vmem>> -> memref<1x80xf32, #tpu.memory_space<vmem>>
          %gather3A_726 = tpu.memref_squeeze %gather3A_725 : memref<1x80xf32, #tpu.memory_space<vmem>> -> memref<80xf32, #tpu.memory_space<vmem>>
          %gather3A_727 = tpu.vector_load_idx %gather3A_726[%broadcast_in_dim3A_722] : memref<80xf32, #tpu.memory_space<vmem>>[vector<16xi32>], vector<16xf32>,
          %get3A_728 = arith.constant 1 : i32
          %get3A_729 = arith.index_cast %get3A_728 : i32 to index
          %get3A_730 = arith.index_cast %add3A_721 : i32 to index
          %get3A_731 = arith.constant 0 : index
          %get3A_732 = tpu.vector_load %arg23[%get3A_729, %get3A_730, %get3A_731] {strides = array<i32>} : memref<2x80x128xf32, #tpu.memory_space<vmem>>, vector<16xf32>,
          %mul3A_733 = arith.mulf %get3A_732, %gather3A_727 : vector<16xf32>
          %swap3A_734 = arith.constant 1 : i32
          %swap3A_735 = arith.index_cast %swap3A_734 : i32 to index
          %swap3A_736 = arith.index_cast %add3A_721 : i32 to index
          %swap3A_737 = arith.constant 0 : index
          %swap3A_738 = tpu.vector_load %arg23[%swap3A_735, %swap3A_736, %swap3A_737] {strides = array<i32>} : memref<2x80x128xf32, #tpu.memory_space<vmem>>, vector<16xf32>,
          tpu.vector_store %arg23[%swap3A_735, %swap3A_736, %swap3A_737], %mul3A_733 {strides = array<i32>} : memref<2x80x128xf32, #tpu.memory_space<vmem>>, vector<16xf32>,
          %get3A_739 = arith.constant 1 : i32
          %get3A_740 = arith.index_cast %get3A_739 : i32 to index
          %get3A_741 = arith.index_cast %add3A_721 : i32 to index
          %get3A_742 = arith.constant 16 : index
          %get3A_743 = tpu.vector_load %arg23[%get3A_740, %get3A_741, %get3A_742] {strides = array<i32>} : memref<2x80x128xf32, #tpu.memory_space<vmem>>, vector<16xf32>,
          %mul3A_744 = arith.mulf %get3A_743, %gather3A_727 : vector<16xf32>
          %swap3A_745 = arith.constant 1 : i32
          %swap3A_746 = arith.index_cast %swap3A_745 : i32 to index
          %swap3A_747 = arith.index_cast %add3A_721 : i32 to index
          %swap3A_748 = arith.constant 16 : index
          %swap3A_749 = tpu.vector_load %arg23[%swap3A_746, %swap3A_747, %swap3A_748] {strides = array<i32>} : memref<2x80x128xf32, #tpu.memory_space<vmem>>, vector<16xf32>,
          tpu.vector_store %arg23[%swap3A_746, %swap3A_747, %swap3A_748], %mul3A_744 {strides = array<i32>} : memref<2x80x128xf32, #tpu.memory_space<vmem>>, vector<16xf32>,
          %get3A_750 = arith.constant 1 : i32
          %get3A_751 = arith.index_cast %get3A_750 : i32 to index
          %get3A_752 = arith.index_cast %add3A_721 : i32 to index
          %get3A_753 = arith.constant 32 : index
          %get3A_754 = tpu.vector_load %arg23[%get3A_751, %get3A_752, %get3A_753] {strides = array<i32>} : memref<2x80x128xf32, #tpu.memory_space<vmem>>, vector<16xf32>,
          %mul3A_755 = arith.mulf %get3A_754, %gather3A_727 : vector<16xf32>
          %swap3A_756 = arith.constant 1 : i32
          %swap3A_757 = arith.index_cast %swap3A_756 : i32 to index
          %swap3A_758 = arith.index_cast %add3A_721 : i32 to index
          %swap3A_759 = arith.constant 32 : index
          %swap3A_760 = tpu.vector_load %arg23[%swap3A_757, %swap3A_758, %swap3A_759] {strides = array<i32>} : memref<2x80x128xf32, #tpu.memory_space<vmem>>, vector<16xf32>,
          tpu.vector_store %arg23[%swap3A_757, %swap3A_758, %swap3A_759], %mul3A_755 {strides = array<i32>} : memref<2x80x128xf32, #tpu.memory_space<vmem>>, vector<16xf32>,
          %get3A_761 = arith.constant 1 : i32
          %get3A_762 = arith.index_cast %get3A_761 : i32 to index
          %get3A_763 = arith.index_cast %add3A_721 : i32 to index
          %get3A_764 = arith.constant 48 : index
          %get3A_765 = tpu.vector_load %arg23[%get3A_762, %get3A_763, %get3A_764] {strides = array<i32>} : memref<2x80x128xf32, #tpu.memory_space<vmem>>, vector<16xf32>,
          %mul3A_766 = arith.mulf %get3A_765, %gather3A_727 : vector<16xf32>
          %swap3A_767 = arith.constant 1 : i32
          %swap3A_768 = arith.index_cast %swap3A_767 : i32 to index
          %swap3A_769 = arith.index_cast %add3A_721 : i32 to index
          %swap3A_770 = arith.constant 48 : index
          %swap3A_771 = tpu.vector_load %arg23[%swap3A_768, %swap3A_769, %swap3A_770] {strides = array<i32>} : memref<2x80x128xf32, #tpu.memory_space<vmem>>, vector<16xf32>,
          tpu.vector_store %arg23[%swap3A_768, %swap3A_769, %swap3A_770], %mul3A_766 {strides = array<i32>} : memref<2x80x128xf32, #tpu.memory_space<vmem>>, vector<16xf32>,
          %get3A_772 = arith.constant 1 : i32
          %get3A_773 = arith.index_cast %get3A_772 : i32 to index
          %get3A_774 = arith.index_cast %add3A_721 : i32 to index
          %get3A_775 = arith.constant 64 : index
          %get3A_776 = tpu.vector_load %arg23[%get3A_773, %get3A_774, %get3A_775] {strides = array<i32>} : memref<2x80x128xf32, #tpu.memory_space<vmem>>, vector<16xf32>,
          %mul3A_777 = arith.mulf %get3A_776, %gather3A_727 : vector<16xf32>
          %swap3A_778 = arith.constant 1 : i32
          %swap3A_779 = arith.index_cast %swap3A_778 : i32 to index
          %swap3A_780 = arith.index_cast %add3A_721 : i32 to index
          %swap3A_781 = arith.constant 64 : index
          %swap3A_782 = tpu.vector_load %arg23[%swap3A_779, %swap3A_780, %swap3A_781] {strides = array<i32>} : memref<2x80x128xf32, #tpu.memory_space<vmem>>, vector<16xf32>,
          tpu.vector_store %arg23[%swap3A_779, %swap3A_780, %swap3A_781], %mul3A_777 {strides = array<i32>} : memref<2x80x128xf32, #tpu.memory_space<vmem>>, vector<16xf32>,
          %get3A_783 = arith.constant 1 : i32
          %get3A_784 = arith.index_cast %get3A_783 : i32 to index
          %get3A_785 = arith.index_cast %add3A_721 : i32 to index
          %get3A_786 = arith.constant 80 : index
          %get3A_787 = tpu.vector_load %arg23[%get3A_784, %get3A_785, %get3A_786] {strides = array<i32>} : memref<2x80x128xf32, #tpu.memory_space<vmem>>, vector<16xf32>,
          %mul3A_788 = arith.mulf %get3A_787, %gather3A_727 : vector<16xf32>
          %swap3A_789 = arith.constant 1 : i32
          %swap3A_790 = arith.index_cast %swap3A_789 : i32 to index
          %swap3A_791 = arith.index_cast %add3A_721 : i32 to index
          %swap3A_792 = arith.constant 80 : index
          %swap3A_793 = tpu.vector_load %arg23[%swap3A_790, %swap3A_791, %swap3A_792] {strides = array<i32>} : memref<2x80x128xf32, #tpu.memory_space<vmem>>, vector<16xf32>,
          tpu.vector_store %arg23[%swap3A_790, %swap3A_791, %swap3A_792], %mul3A_788 {strides = array<i32>} : memref<2x80x128xf32, #tpu.memory_space<vmem>>, vector<16xf32>,
          %get3A_794 = arith.constant 1 : i32
          %get3A_795 = arith.index_cast %get3A_794 : i32 to index
          %get3A_796 = arith.index_cast %add3A_721 : i32 to index
          %get3A_797 = arith.constant 96 : index
          %get3A_798 = tpu.vector_load %arg23[%get3A_795, %get3A_796, %get3A_797] {strides = array<i32>} : memref<2x80x128xf32, #tpu.memory_space<vmem>>, vector<16xf32>,
          %mul3A_799 = arith.mulf %get3A_798, %gather3A_727 : vector<16xf32>
          %swap3A_800 = arith.constant 1 : i32
          %swap3A_801 = arith.index_cast %swap3A_800 : i32 to index
          %swap3A_802 = arith.index_cast %add3A_721 : i32 to index
          %swap3A_803 = arith.constant 96 : index
          %swap3A_804 = tpu.vector_load %arg23[%swap3A_801, %swap3A_802, %swap3A_803] {strides = array<i32>} : memref<2x80x128xf32, #tpu.memory_space<vmem>>, vector<16xf32>,
          tpu.vector_store %arg23[%swap3A_801, %swap3A_802, %swap3A_803], %mul3A_799 {strides = array<i32>} : memref<2x80x128xf32, #tpu.memory_space<vmem>>, vector<16xf32>,
          %get3A_805 = arith.constant 1 : i32
          %get3A_806 = arith.index_cast %get3A_805 : i32 to index
          %get3A_807 = arith.index_cast %add3A_721 : i32 to index
          %get3A_808 = arith.constant 112 : index
          %get3A_809 = tpu.vector_load %arg23[%get3A_806, %get3A_807, %get3A_808] {strides = array<i32>} : memref<2x80x128xf32, #tpu.memory_space<vmem>>, vector<16xf32>,
          %mul3A_810 = arith.mulf %get3A_809, %gather3A_727 : vector<16xf32>
          %swap3A_811 = arith.constant 1 : i32
          %swap3A_812 = arith.index_cast %swap3A_811 : i32 to index
          %swap3A_813 = arith.index_cast %add3A_721 : i32 to index
          %swap3A_814 = arith.constant 112 : index
          %swap3A_815 = tpu.vector_load %arg23[%swap3A_812, %swap3A_813, %swap3A_814] {strides = array<i32>} : memref<2x80x128xf32, #tpu.memory_space<vmem>>, vector<16xf32>,
          tpu.vector_store %arg23[%swap3A_812, %swap3A_813, %swap3A_814], %mul3A_810 {strides = array<i32>} : memref<2x80x128xf32, #tpu.memory_space<vmem>>, vector<16xf32>,
          %mul3A_816 = arith.constant 4 : i32
          %mul3A_817 = arith.muli %scan3A_522, %mul3A_816 : i32
          %add3A_818 = arith.constant 3 : i32
          %add3A_819 = arith.addi %mul3A_817, %add3A_818 : i32
          %broadcast_in_dim3A_820 = vector.broadcast %add3A_819 : i32 to vector<16xi32>
          %gather3A_821 = arith.constant 1 : i32
          %gather3A_822 = arith.constant 0 : i32
          %gather3A_823 = tpu.memref_slice %arg22[%gather3A_821, %gather3A_822] : memref<2x80xf32, #tpu.memory_space<vmem>> -> memref<1x80xf32, #tpu.memory_space<vmem>>
          %gather3A_824 = tpu.memref_squeeze %gather3A_823 : memref<1x80xf32, #tpu.memory_space<vmem>> -> memref<80xf32, #tpu.memory_space<vmem>>
          %gather3A_825 = tpu.vector_load_idx %gather3A_824[%broadcast_in_dim3A_820] : memref<80xf32, #tpu.memory_space<vmem>>[vector<16xi32>], vector<16xf32>,
          %get3A_826 = arith.constant 1 : i32
          %get3A_827 = arith.index_cast %get3A_826 : i32 to index
          %get3A_828 = arith.index_cast %add3A_819 : i32 to index
          %get3A_829 = arith.constant 0 : index
          %get3A_830 = tpu.vector_load %arg23[%get3A_827, %get3A_828, %get3A_829] {strides = array<i32>} : memref<2x80x128xf32, #tpu.memory_space<vmem>>, vector<16xf32>,
          %mul3A_831 = arith.mulf %get3A_830, %gather3A_825 : vector<16xf32>
          %swap3A_832 = arith.constant 1 : i32
          %swap3A_833 = arith.index_cast %swap3A_832 : i32 to index
          %swap3A_834 = arith.index_cast %add3A_819 : i32 to index
          %swap3A_835 = arith.constant 0 : index
          %swap3A_836 = tpu.vector_load %arg23[%swap3A_833, %swap3A_834, %swap3A_835] {strides = array<i32>} : memref<2x80x128xf32, #tpu.memory_space<vmem>>, vector<16xf32>,
          tpu.vector_store %arg23[%swap3A_833, %swap3A_834, %swap3A_835], %mul3A_831 {strides = array<i32>} : memref<2x80x128xf32, #tpu.memory_space<vmem>>, vector<16xf32>,
          %get3A_837 = arith.constant 1 : i32
          %get3A_838 = arith.index_cast %get3A_837 : i32 to index
          %get3A_839 = arith.index_cast %add3A_819 : i32 to index
          %get3A_840 = arith.constant 16 : index
          %get3A_841 = tpu.vector_load %arg23[%get3A_838, %get3A_839, %get3A_840] {strides = array<i32>} : memref<2x80x128xf32, #tpu.memory_space<vmem>>, vector<16xf32>,
          %mul3A_842 = arith.mulf %get3A_841, %gather3A_825 : vector<16xf32>
          %swap3A_843 = arith.constant 1 : i32
          %swap3A_844 = arith.index_cast %swap3A_843 : i32 to index
          %swap3A_845 = arith.index_cast %add3A_819 : i32 to index
          %swap3A_846 = arith.constant 16 : index
          %swap3A_847 = tpu.vector_load %arg23[%swap3A_844, %swap3A_845, %swap3A_846] {strides = array<i32>} : memref<2x80x128xf32, #tpu.memory_space<vmem>>, vector<16xf32>,
          tpu.vector_store %arg23[%swap3A_844, %swap3A_845, %swap3A_846], %mul3A_842 {strides = array<i32>} : memref<2x80x128xf32, #tpu.memory_space<vmem>>, vector<16xf32>,
          %get3A_848 = arith.constant 1 : i32
          %get3A_849 = arith.index_cast %get3A_848 : i32 to index
          %get3A_850 = arith.index_cast %add3A_819 : i32 to index
          %get3A_851 = arith.constant 32 : index
          %get3A_852 = tpu.vector_load %arg23[%get3A_849, %get3A_850, %get3A_851] {strides = array<i32>} : memref<2x80x128xf32, #tpu.memory_space<vmem>>, vector<16xf32>,
          %mul3A_853 = arith.mulf %get3A_852, %gather3A_825 : vector<16xf32>
          %swap3A_854 = arith.constant 1 : i32
          %swap3A_855 = arith.index_cast %swap3A_854 : i32 to index
          %swap3A_856 = arith.index_cast %add3A_819 : i32 to index
          %swap3A_857 = arith.constant 32 : index
          %swap3A_858 = tpu.vector_load %arg23[%swap3A_855, %swap3A_856, %swap3A_857] {strides = array<i32>} : memref<2x80x128xf32, #tpu.memory_space<vmem>>, vector<16xf32>,
          tpu.vector_store %arg23[%swap3A_855, %swap3A_856, %swap3A_857], %mul3A_853 {strides = array<i32>} : memref<2x80x128xf32, #tpu.memory_space<vmem>>, vector<16xf32>,
          %get3A_859 = arith.constant 1 : i32
          %get3A_860 = arith.index_cast %get3A_859 : i32 to index
          %get3A_861 = arith.index_cast %add3A_819 : i32 to index
          %get3A_862 = arith.constant 48 : index
          %get3A_863 = tpu.vector_load %arg23[%get3A_860, %get3A_861, %get3A_862] {strides = array<i32>} : memref<2x80x128xf32, #tpu.memory_space<vmem>>, vector<16xf32>,
          %mul3A_864 = arith.mulf %get3A_863, %gather3A_825 : vector<16xf32>
          %swap3A_865 = arith.constant 1 : i32
          %swap3A_866 = arith.index_cast %swap3A_865 : i32 to index
          %swap3A_867 = arith.index_cast %add3A_819 : i32 to index
          %swap3A_868 = arith.constant 48 : index
          %swap3A_869 = tpu.vector_load %arg23[%swap3A_866, %swap3A_867, %swap3A_868] {strides = array<i32>} : memref<2x80x128xf32, #tpu.memory_space<vmem>>, vector<16xf32>,
          tpu.vector_store %arg23[%swap3A_866, %swap3A_867, %swap3A_868], %mul3A_864 {strides = array<i32>} : memref<2x80x128xf32, #tpu.memory_space<vmem>>, vector<16xf32>,
          %get3A_870 = arith.constant 1 : i32
          %get3A_871 = arith.index_cast %get3A_870 : i32 to index
          %get3A_872 = arith.index_cast %add3A_819 : i32 to index
          %get3A_873 = arith.constant 64 : index
          %get3A_874 = tpu.vector_load %arg23[%get3A_871, %get3A_872, %get3A_873] {strides = array<i32>} : memref<2x80x128xf32, #tpu.memory_space<vmem>>, vector<16xf32>,
          %mul3A_875 = arith.mulf %get3A_874, %gather3A_825 : vector<16xf32>
          %swap3A_876 = arith.constant 1 : i32
          %swap3A_877 = arith.index_cast %swap3A_876 : i32 to index
          %swap3A_878 = arith.index_cast %add3A_819 : i32 to index
          %swap3A_879 = arith.constant 64 : index
          %swap3A_880 = tpu.vector_load %arg23[%swap3A_877, %swap3A_878, %swap3A_879] {strides = array<i32>} : memref<2x80x128xf32, #tpu.memory_space<vmem>>, vector<16xf32>,
          tpu.vector_store %arg23[%swap3A_877, %swap3A_878, %swap3A_879], %mul3A_875 {strides = array<i32>} : memref<2x80x128xf32, #tpu.memory_space<vmem>>, vector<16xf32>,
          %get3A_881 = arith.constant 1 : i32
          %get3A_882 = arith.index_cast %get3A_881 : i32 to index
          %get3A_883 = arith.index_cast %add3A_819 : i32 to index
          %get3A_884 = arith.constant 80 : index
          %get3A_885 = tpu.vector_load %arg23[%get3A_882, %get3A_883, %get3A_884] {strides = array<i32>} : memref<2x80x128xf32, #tpu.memory_space<vmem>>, vector<16xf32>,
          %mul3A_886 = arith.mulf %get3A_885, %gather3A_825 : vector<16xf32>
          %swap3A_887 = arith.constant 1 : i32
          %swap3A_888 = arith.index_cast %swap3A_887 : i32 to index
          %swap3A_889 = arith.index_cast %add3A_819 : i32 to index
          %swap3A_890 = arith.constant 80 : index
          %swap3A_891 = tpu.vector_load %arg23[%swap3A_888, %swap3A_889, %swap3A_890] {strides = array<i32>} : memref<2x80x128xf32, #tpu.memory_space<vmem>>, vector<16xf32>,
          tpu.vector_store %arg23[%swap3A_888, %swap3A_889, %swap3A_890], %mul3A_886 {strides = array<i32>} : memref<2x80x128xf32, #tpu.memory_space<vmem>>, vector<16xf32>,
          %get3A_892 = arith.constant 1 : i32
          %get3A_893 = arith.index_cast %get3A_892 : i32 to index
          %get3A_894 = arith.index_cast %add3A_819 : i32 to index
          %get3A_895 = arith.constant 96 : index
          %get3A_896 = tpu.vector_load %arg23[%get3A_893, %get3A_894, %get3A_895] {strides = array<i32>} : memref<2x80x128xf32, #tpu.memory_space<vmem>>, vector<16xf32>,
          %mul3A_897 = arith.mulf %get3A_896, %gather3A_825 : vector<16xf32>
          %swap3A_898 = arith.constant 1 : i32
          %swap3A_899 = arith.index_cast %swap3A_898 : i32 to index
          %swap3A_900 = arith.index_cast %add3A_819 : i32 to index
          %swap3A_901 = arith.constant 96 : index
          %swap3A_902 = tpu.vector_load %arg23[%swap3A_899, %swap3A_900, %swap3A_901] {strides = array<i32>} : memref<2x80x128xf32, #tpu.memory_space<vmem>>, vector<16xf32>,
          tpu.vector_store %arg23[%swap3A_899, %swap3A_900, %swap3A_901], %mul3A_897 {strides = array<i32>} : memref<2x80x128xf32, #tpu.memory_space<vmem>>, vector<16xf32>,
          %get3A_903 = arith.constant 1 : i32
          %get3A_904 = arith.index_cast %get3A_903 : i32 to index
          %get3A_905 = arith.index_cast %add3A_819 : i32 to index
          %get3A_906 = arith.constant 112 : index
          %get3A_907 = tpu.vector_load %arg23[%get3A_904, %get3A_905, %get3A_906] {strides = array<i32>} : memref<2x80x128xf32, #tpu.memory_space<vmem>>, vector<16xf32>,
          %mul3A_908 = arith.mulf %get3A_907, %gather3A_825 : vector<16xf32>
          %swap3A_909 = arith.constant 1 : i32
          %swap3A_910 = arith.index_cast %swap3A_909 : i32 to index
          %swap3A_911 = arith.index_cast %add3A_819 : i32 to index
          %swap3A_912 = arith.constant 112 : index
          %swap3A_913 = tpu.vector_load %arg23[%swap3A_910, %swap3A_911, %swap3A_912] {strides = array<i32>} : memref<2x80x128xf32, #tpu.memory_space<vmem>>, vector<16xf32>,
          tpu.vector_store %arg23[%swap3A_910, %swap3A_911, %swap3A_912], %mul3A_908 {strides = array<i32>} : memref<2x80x128xf32, #tpu.memory_space<vmem>>, vector<16xf32>,
        }
        %scan3A_509 = arith.constant 20 : i32
        %dma_start3A_510 = arith.constant 1 : i32
        %dma_start3A_511 = arith.constant 1 : i32
        %dma_start3A_512 = arith.constant 0 : i32
        %dma_start3A_513 = arith.constant 0 : i32
        %dma_start3A_514 = tpu.memref_slice %arg23[%dma_start3A_510, %dma_start3A_512, %dma_start3A_513] : memref<2x80x128xf32, #tpu.memory_space<vmem>> -> memref<1x80x128xf32, #tpu.memory_space<vmem>>
        %dma_start3A_515 = tpu.memref_squeeze %dma_start3A_514 : memref<1x80x128xf32, #tpu.memory_space<vmem>> -> memref<80x128xf32, #tpu.memory_space<vmem>>
        %dma_start3A_516 = arith.constant 0 : i32
        %dma_start3A_517 = tpu.memref_slice %arg21[%dma_start3A_511, %dma_start3A_516] : memref<2x80xi32, #tpu.memory_space<vmem>> -> memref<1x80xi32, #tpu.memory_space<vmem>>
        %dma_start3A_518 = tpu.memref_squeeze %dma_start3A_517 : memref<1x80xi32, #tpu.memory_space<vmem>> -> memref<80xi32, #tpu.memory_space<vmem>>
        %dma_start3A_519 = arith.constant 0 : i32
        %dma_start3A_520 = arith.constant 0 : i32
        %dma_start3A_521 = tpu.memref_slice %arg29[%dma_start3A_519, %dma_start3A_520] : memref<10000x128xf32, #tpu.memory_space<vmem_shared>> -> memref<10000x128xf32, #tpu.memory_space<vmem_shared>>
        tpu.enqueue_indirect_dma source(%dma_start3A_515 : memref<80x128xf32, #tpu.memory_space<vmem>>) target(%dma_start3A_521 : memref<10000x128xf32, #tpu.memory_space<vmem_shared>>) offsets(%dma_start3A_518 : memref<80xi32, #tpu.memory_space<vmem>>) semaphore(%arg40 : memref<!tpu.dma_semaphore, #tpu.memory_space<semaphore_mem>>) {add = true}
      } else {
      }
    }
    %scan3A_407 = arith.constant 125 : i32
    %dma_wait3A_408 = arith.constant 0 : i32
    %dma_wait3A_409 = arith.constant 0 : i32
    %dma_wait3A_410 = arith.constant 0 : i32
    %dma_wait3A_411 = arith.constant 0 : i32
    %dma_wait3A_412 = tpu.memref_slice %arg23[%dma_wait3A_408, %dma_wait3A_410, %dma_wait3A_411] : memref<2x80x128xf32, #tpu.memory_space<vmem>> -> memref<1x80x128xf32, #tpu.memory_space<vmem>>
    %dma_wait3A_413 = tpu.memref_squeeze %dma_wait3A_412 : memref<1x80x128xf32, #tpu.memory_space<vmem>> -> memref<80x128xf32, #tpu.memory_space<vmem>>
    %dma_wait3A_414 = arith.constant 0 : i32
    %dma_wait3A_415 = tpu.memref_slice %arg21[%dma_wait3A_409, %dma_wait3A_414] : memref<2x80xi32, #tpu.memory_space<vmem>> -> memref<1x80xi32, #tpu.memory_space<vmem>>
    %dma_wait3A_416 = tpu.memref_squeeze %dma_wait3A_415 : memref<1x80xi32, #tpu.memory_space<vmem>> -> memref<80xi32, #tpu.memory_space<vmem>>
    %dma_wait3A_417 = arith.constant 0 : i32
    %dma_wait3A_418 = arith.constant 0 : i32
    %dma_wait3A_419 = tpu.memref_slice %arg29[%dma_wait3A_417, %dma_wait3A_418] : memref<10000x128xf32, #tpu.memory_space<vmem_shared>> -> memref<10000x128xf32, #tpu.memory_space<vmem_shared>>
    tpu.wait_indirect_dma semaphore(%arg39 : memref<!tpu.dma_semaphore, #tpu.memory_space<semaphore_mem>>) src(%dma_wait3A_413 : memref<80x128xf32, #tpu.memory_space<vmem>>) dst(%dma_wait3A_419 : memref<10000x128xf32, #tpu.memory_space<vmem_shared>>)
    %dma_wait3A_420 = arith.constant 1 : i32
    %dma_wait3A_421 = arith.constant 1 : i32
    %dma_wait3A_422 = arith.constant 0 : i32
    %dma_wait3A_423 = arith.constant 0 : i32
    %dma_wait3A_424 = tpu.memref_slice %arg23[%dma_wait3A_420, %dma_wait3A_422, %dma_wait3A_423] : memref<2x80x128xf32, #tpu.memory_space<vmem>> -> memref<1x80x128xf32, #tpu.memory_space<vmem>>
    %dma_wait3A_425 = tpu.memref_squeeze %dma_wait3A_424 : memref<1x80x128xf32, #tpu.memory_space<vmem>> -> memref<80x128xf32, #tpu.memory_space<vmem>>
    %dma_wait3A_426 = arith.constant 0 : i32
    %dma_wait3A_427 = tpu.memref_slice %arg21[%dma_wait3A_421, %dma_wait3A_426] : memref<2x80xi32, #tpu.memory_space<vmem>> -> memref<1x80xi32, #tpu.memory_space<vmem>>
    %dma_wait3A_428 = tpu.memref_squeeze %dma_wait3A_427 : memref<1x80xi32, #tpu.memory_space<vmem>> -> memref<80xi32, #tpu.memory_space<vmem>>
    %dma_wait3A_429 = arith.constant 0 : i32
    %dma_wait3A_430 = arith.constant 0 : i32
    %dma_wait3A_431 = tpu.memref_slice %arg29[%dma_wait3A_429, %dma_wait3A_430] : memref<10000x128xf32, #tpu.memory_space<vmem_shared>> -> memref<10000x128xf32, #tpu.memory_space<vmem_shared>>
    tpu.wait_indirect_dma semaphore(%arg40 : memref<!tpu.dma_semaphore, #tpu.memory_space<semaphore_mem>>) src(%dma_wait3A_425 : memref<80x128xf32, #tpu.memory_space<vmem>>) dst(%dma_wait3A_431 : memref<10000x128xf32, #tpu.memory_space<vmem_shared>>)
    %barrier3A_432 = arith.constant 0 : index
    tpu.barrier barrier_id(%barrier3A_432)
    %scan3A_433 = arith.constant 0 : i32
    %scan3A_434 = arith.constant 0 : i32
    %scan3A_435 = arith.constant 8 : i32
    %scan3A_436 = arith.addi %scan3A_434, %scan3A_435 : i32
    %scan3A_437 = arith.constant 1 : i32
    scf.for %scan3A_439 = %scan3A_434 to %scan3A_436 step %scan3A_437  : i32 {
      %mul3A_440 = arith.constant 640 : i32
      %mul3A_441 = arith.muli %arg1, %mul3A_440 : i32
      %mul3A_442 = arith.constant 80 : i32
      %mul3A_443 = arith.muli %scan3A_439, %mul3A_442 : i32
      %add3A_444 = arith.addi %mul3A_441, %mul3A_443 : i32
      %lt3A = arith.constant 10000 : i32
      %lt3A_445 = arith.cmpi slt, %add3A_444, %lt3A : i32
      %convert_element_type3A = arith.extui %lt3A_445 : i1 to i32
      %cond3A = arith.constant 0 : i32
      %cond3A_446 = arith.cmpi ne, %convert_element_type3A, %cond3A : i32
      scf.if %cond3A_446 {
        %run_scoped3A = arith.constant 0 : i32
        "tpu.region"() ({
          %run_scoped3A_454 = tpu.sem_alloc : memref<!tpu.dma_semaphore, #tpu.memory_space<semaphore_mem>>
          %dma_start3A_455 = arith.constant 0 : i32
          %dma_start3A_456 = arith.constant 0 : i32
          %dma_start3A_457 = tpu.memref_slice %arg23[%run_scoped3A, %dma_start3A_455, %dma_start3A_456] : memref<2x80x128xf32, #tpu.memory_space<vmem>> -> memref<1x80x128xf32, #tpu.memory_space<vmem>>
          %dma_start3A_458 = tpu.memref_squeeze %dma_start3A_457 : memref<1x80x128xf32, #tpu.memory_space<vmem>> -> memref<80x128xf32, #tpu.memory_space<vmem>>
          %dma_start3A_459 = arith.constant 0 : i32
          %dma_start3A_460 = tpu.memref_slice %arg29[%add3A_444, %dma_start3A_459] : memref<10000x128xf32, #tpu.memory_space<vmem_shared>> -> memref<80x128xf32, #tpu.memory_space<vmem_shared>>
          %dma_start3A_461 = arith.constant 0 : i32
          %dma_start3A_462 = arith.constant 0 : i32
          %dma_start3A_463 = tpu.memref_slice %arg23[%run_scoped3A, %dma_start3A_461, %dma_start3A_462] : memref<2x80x128xf32, #tpu.memory_space<vmem>> -> memref<1x80x128xf32, #tpu.memory_space<vmem>>
          %dma_start3A_464 = tpu.memref_squeeze %dma_start3A_463 : memref<1x80x128xf32, #tpu.memory_space<vmem>> -> memref<80x128xf32, #tpu.memory_space<vmem>>
          %dma_start3A_465 = arith.constant 0 : i32
          %dma_start3A_466 = tpu.memref_slice %arg29[%add3A_444, %dma_start3A_465] : memref<10000x128xf32, #tpu.memory_space<vmem_shared>> -> memref<80x128xf32, #tpu.memory_space<vmem_shared>>
          tpu.enqueue_dma source(%dma_start3A_466 : memref<80x128xf32, #tpu.memory_space<vmem_shared>>) target(%dma_start3A_464 : memref<80x128xf32, #tpu.memory_space<vmem>>) target_semaphore(%run_scoped3A_454 : memref<!tpu.dma_semaphore, #tpu.memory_space<semaphore_mem>>)
          %dma_wait3A_467 = arith.constant 0 : i32
          %dma_wait3A_468 = arith.constant 0 : i32
          %dma_wait3A_469 = tpu.memref_slice %arg23[%run_scoped3A, %dma_wait3A_467, %dma_wait3A_468] : memref<2x80x128xf32, #tpu.memory_space<vmem>> -> memref<1x80x128xf32, #tpu.memory_space<vmem>>
          %dma_wait3A_470 = tpu.memref_squeeze %dma_wait3A_469 : memref<1x80x128xf32, #tpu.memory_space<vmem>> -> memref<80x128xf32, #tpu.memory_space<vmem>>
          %dma_wait3A_471 = arith.constant 0 : i32
          %dma_wait3A_472 = tpu.memref_slice %arg29[%add3A_444, %dma_wait3A_471] : memref<10000x128xf32, #tpu.memory_space<vmem_shared>> -> memref<80x128xf32, #tpu.memory_space<vmem_shared>>
          %dma_wait3A_473 = arith.constant 0 : i32
          %dma_wait3A_474 = arith.constant 0 : i32
          %dma_wait3A_475 = tpu.memref_slice %arg23[%run_scoped3A, %dma_wait3A_473, %dma_wait3A_474] : memref<2x80x128xf32, #tpu.memory_space<vmem>> -> memref<1x80x128xf32, #tpu.memory_space<vmem>>
          %dma_wait3A_476 = tpu.memref_squeeze %dma_wait3A_475 : memref<1x80x128xf32, #tpu.memory_space<vmem>> -> memref<80x128xf32, #tpu.memory_space<vmem>>
          %dma_wait3A_477 = arith.constant 0 : i32
          %dma_wait3A_478 = tpu.memref_slice %arg29[%add3A_444, %dma_wait3A_477] : memref<10000x128xf32, #tpu.memory_space<vmem_shared>> -> memref<80x128xf32, #tpu.memory_space<vmem_shared>>
          tpu.wait_dma2 semaphore(%run_scoped3A_454 : memref<!tpu.dma_semaphore, #tpu.memory_space<semaphore_mem>>) src(%dma_wait3A_478 : memref<80x128xf32, #tpu.memory_space<vmem_shared>>) dst(%dma_wait3A_476 : memref<80x128xf32, #tpu.memory_space<vmem>>)
          tpu.yield
        }) : () -> ()
        "tpu.region"() ({
          %run_scoped3A_454 = tpu.sem_alloc : memref<!tpu.dma_semaphore, #tpu.memory_space<semaphore_mem>>
          %dma_start3A_455 = arith.constant 0 : i32
          %dma_start3A_456 = tpu.memref_slice %arg24[%dma_start3A_455] : memref<160xf32, #tpu.memory_space<vmem>> -> memref<80xf32, #tpu.memory_space<vmem>>
          %dma_start3A_457 = tpu.memref_slice %arg30[%add3A_444] : memref<10080xf32, #tpu.memory_space<vmem_shared>> -> memref<80xf32, #tpu.memory_space<vmem_shared>>
          %dma_start3A_458 = arith.constant 0 : i32
          %dma_start3A_459 = tpu.memref_slice %arg24[%dma_start3A_458] : memref<160xf32, #tpu.memory_space<vmem>> -> memref<80xf32, #tpu.memory_space<vmem>>
          %dma_start3A_460 = tpu.memref_slice %arg30[%add3A_444] : memref<10080xf32, #tpu.memory_space<vmem_shared>> -> memref<80xf32, #tpu.memory_space<vmem_shared>>
          tpu.enqueue_dma source(%dma_start3A_460 : memref<80xf32, #tpu.memory_space<vmem_shared>>) target(%dma_start3A_459 : memref<80xf32, #tpu.memory_space<vmem>>) target_semaphore(%run_scoped3A_454 : memref<!tpu.dma_semaphore, #tpu.memory_space<semaphore_mem>>)
          %dma_wait3A_461 = arith.constant 0 : i32
          %dma_wait3A_462 = tpu.memref_slice %arg24[%dma_wait3A_461] : memref<160xf32, #tpu.memory_space<vmem>> -> memref<80xf32, #tpu.memory_space<vmem>>
          %dma_wait3A_463 = tpu.memref_slice %arg30[%add3A_444] : memref<10080xf32, #tpu.memory_space<vmem_shared>> -> memref<80xf32, #tpu.memory_space<vmem_shared>>
          %dma_wait3A_464 = arith.constant 0 : i32
          %dma_wait3A_465 = tpu.memref_slice %arg24[%dma_wait3A_464] : memref<160xf32, #tpu.memory_space<vmem>> -> memref<80xf32, #tpu.memory_space<vmem>>
          %dma_wait3A_466 = tpu.memref_slice %arg30[%add3A_444] : memref<10080xf32, #tpu.memory_space<vmem_shared>> -> memref<80xf32, #tpu.memory_space<vmem_shared>>
          tpu.wait_dma2 semaphore(%run_scoped3A_454 : memref<!tpu.dma_semaphore, #tpu.memory_space<semaphore_mem>>) src(%dma_wait3A_466 : memref<80xf32, #tpu.memory_space<vmem_shared>>) dst(%dma_wait3A_465 : memref<80xf32, #tpu.memory_space<vmem>>)
          tpu.yield
        }) : () -> ()
        %scan3A_447 = arith.constant 0 : i32
        %scan3A_448 = arith.constant 0 : i32
        %scan3A_449 = arith.constant 20 : i32
        %scan3A_450 = arith.addi %scan3A_448, %scan3A_449 : i32
        %scan3A_451 = arith.constant 1 : i32
        scf.for %scan3A_454 = %scan3A_448 to %scan3A_450 step %scan3A_451  : i32 {
          %mul3A_455 = arith.constant 4 : i32
          %mul3A_456 = arith.muli %scan3A_454, %mul3A_455 : i32
          %add3A_457 = arith.constant 0 : i32
          %add3A_458 = arith.addi %mul3A_456, %add3A_457 : i32
          %broadcast_in_dim3A = vector.broadcast %add3A_458 : i32 to vector<16xi32>
          %gather3A_459 = tpu.vector_load_idx %arg24[%broadcast_in_dim3A] : memref<160xf32, #tpu.memory_space<vmem>>[vector<16xi32>], vector<16xf32>,
          %add3A_460 = arith.constant 1.000000e-16 : f32
          %add3A_461 = vector.broadcast %add3A_460 : f32 to vector<16xf32>
          %add3A_462 = arith.addf %gather3A_459, %add3A_461 : vector<16xf32>
          %div3A = arith.constant 1.000000e+00 : f32
          %div3A_463 = vector.broadcast %div3A : f32 to vector<16xf32>
          %div3A_464 = arith.divf %div3A_463, %add3A_462 : vector<16xf32>
          %get3A_465 = arith.constant 0 : i32
          %get3A_466 = arith.index_cast %get3A_465 : i32 to index
          %get3A_467 = arith.index_cast %add3A_458 : i32 to index
          %get3A_468 = arith.constant 0 : index
          %get3A_469 = tpu.vector_load %arg23[%get3A_466, %get3A_467, %get3A_468] {strides = array<i32>} : memref<2x80x128xf32, #tpu.memory_space<vmem>>, vector<16xf32>,
          %mul3A_470 = arith.mulf %get3A_469, %div3A_464 : vector<16xf32>
          %get3A_471 = arith.constant 0 : index
          %get3A_472 = tpu.vector_load %arg28[%get3A_471] {strides = array<i32>} : memref<128xf32, #tpu.memory_space<vmem>>, vector<16xf32>,
          %add3A_473 = arith.addf %mul3A_470, %get3A_472 : vector<16xf32>
          %max3A = arith.constant 0.000000e+00 : f32
          %max3A_474 = vector.broadcast %max3A : f32 to vector<16xf32>
          %max3A_475 = arith.maximumf %add3A_473, %max3A_474 : vector<16xf32>
          %swap3A_476 = arith.constant 0 : i32
          %swap3A_477 = arith.index_cast %swap3A_476 : i32 to index
          %swap3A_478 = arith.index_cast %add3A_458 : i32 to index
          %swap3A_479 = arith.constant 0 : index
          %swap3A_480 = tpu.vector_load %arg23[%swap3A_477, %swap3A_478, %swap3A_479] {strides = array<i32>} : memref<2x80x128xf32, #tpu.memory_space<vmem>>, vector<16xf32>,
          tpu.vector_store %arg23[%swap3A_477, %swap3A_478, %swap3A_479], %max3A_475 {strides = array<i32>} : memref<2x80x128xf32, #tpu.memory_space<vmem>>, vector<16xf32>,
          %get3A_481 = arith.constant 0 : i32
          %get3A_482 = arith.index_cast %get3A_481 : i32 to index
          %get3A_483 = arith.index_cast %add3A_458 : i32 to index
          %get3A_484 = arith.constant 16 : index
          %get3A_485 = tpu.vector_load %arg23[%get3A_482, %get3A_483, %get3A_484] {strides = array<i32>} : memref<2x80x128xf32, #tpu.memory_space<vmem>>, vector<16xf32>,
          %mul3A_486 = arith.mulf %get3A_485, %div3A_464 : vector<16xf32>
          %get3A_487 = arith.constant 16 : index
          %get3A_488 = tpu.vector_load %arg28[%get3A_487] {strides = array<i32>} : memref<128xf32, #tpu.memory_space<vmem>>, vector<16xf32>,
          %add3A_489 = arith.addf %mul3A_486, %get3A_488 : vector<16xf32>
          %max3A_490 = arith.constant 0.000000e+00 : f32
          %max3A_491 = vector.broadcast %max3A_490 : f32 to vector<16xf32>
          %max3A_492 = arith.maximumf %add3A_489, %max3A_491 : vector<16xf32>
          %swap3A_493 = arith.constant 0 : i32
          %swap3A_494 = arith.index_cast %swap3A_493 : i32 to index
          %swap3A_495 = arith.index_cast %add3A_458 : i32 to index
          %swap3A_496 = arith.constant 16 : index
          %swap3A_497 = tpu.vector_load %arg23[%swap3A_494, %swap3A_495, %swap3A_496] {strides = array<i32>} : memref<2x80x128xf32, #tpu.memory_space<vmem>>, vector<16xf32>,
          tpu.vector_store %arg23[%swap3A_494, %swap3A_495, %swap3A_496], %max3A_492 {strides = array<i32>} : memref<2x80x128xf32, #tpu.memory_space<vmem>>, vector<16xf32>,
          %get3A_498 = arith.constant 0 : i32
          %get3A_499 = arith.index_cast %get3A_498 : i32 to index
          %get3A_500 = arith.index_cast %add3A_458 : i32 to index
          %get3A_501 = arith.constant 32 : index
          %get3A_502 = tpu.vector_load %arg23[%get3A_499, %get3A_500, %get3A_501] {strides = array<i32>} : memref<2x80x128xf32, #tpu.memory_space<vmem>>, vector<16xf32>,
          %mul3A_503 = arith.mulf %get3A_502, %div3A_464 : vector<16xf32>
          %get3A_504 = arith.constant 32 : index
          %get3A_505 = tpu.vector_load %arg28[%get3A_504] {strides = array<i32>} : memref<128xf32, #tpu.memory_space<vmem>>, vector<16xf32>,
          %add3A_506 = arith.addf %mul3A_503, %get3A_505 : vector<16xf32>
          %max3A_507 = arith.constant 0.000000e+00 : f32
          %max3A_508 = vector.broadcast %max3A_507 : f32 to vector<16xf32>
          %max3A_509 = arith.maximumf %add3A_506, %max3A_508 : vector<16xf32>
          %swap3A_510 = arith.constant 0 : i32
          %swap3A_511 = arith.index_cast %swap3A_510 : i32 to index
          %swap3A_512 = arith.index_cast %add3A_458 : i32 to index
          %swap3A_513 = arith.constant 32 : index
          %swap3A_514 = tpu.vector_load %arg23[%swap3A_511, %swap3A_512, %swap3A_513] {strides = array<i32>} : memref<2x80x128xf32, #tpu.memory_space<vmem>>, vector<16xf32>,
          tpu.vector_store %arg23[%swap3A_511, %swap3A_512, %swap3A_513], %max3A_509 {strides = array<i32>} : memref<2x80x128xf32, #tpu.memory_space<vmem>>, vector<16xf32>,
          %get3A_515 = arith.constant 0 : i32
          %get3A_516 = arith.index_cast %get3A_515 : i32 to index
          %get3A_517 = arith.index_cast %add3A_458 : i32 to index
          %get3A_518 = arith.constant 48 : index
          %get3A_519 = tpu.vector_load %arg23[%get3A_516, %get3A_517, %get3A_518] {strides = array<i32>} : memref<2x80x128xf32, #tpu.memory_space<vmem>>, vector<16xf32>,
          %mul3A_520 = arith.mulf %get3A_519, %div3A_464 : vector<16xf32>
          %get3A_521 = arith.constant 48 : index
          %get3A_522 = tpu.vector_load %arg28[%get3A_521] {strides = array<i32>} : memref<128xf32, #tpu.memory_space<vmem>>, vector<16xf32>,
          %add3A_523 = arith.addf %mul3A_520, %get3A_522 : vector<16xf32>
          %max3A_524 = arith.constant 0.000000e+00 : f32
          %max3A_525 = vector.broadcast %max3A_524 : f32 to vector<16xf32>
          %max3A_526 = arith.maximumf %add3A_523, %max3A_525 : vector<16xf32>
          %swap3A_527 = arith.constant 0 : i32
          %swap3A_528 = arith.index_cast %swap3A_527 : i32 to index
          %swap3A_529 = arith.index_cast %add3A_458 : i32 to index
          %swap3A_530 = arith.constant 48 : index
          %swap3A_531 = tpu.vector_load %arg23[%swap3A_528, %swap3A_529, %swap3A_530] {strides = array<i32>} : memref<2x80x128xf32, #tpu.memory_space<vmem>>, vector<16xf32>,
          tpu.vector_store %arg23[%swap3A_528, %swap3A_529, %swap3A_530], %max3A_526 {strides = array<i32>} : memref<2x80x128xf32, #tpu.memory_space<vmem>>, vector<16xf32>,
          %get3A_532 = arith.constant 0 : i32
          %get3A_533 = arith.index_cast %get3A_532 : i32 to index
          %get3A_534 = arith.index_cast %add3A_458 : i32 to index
          %get3A_535 = arith.constant 64 : index
          %get3A_536 = tpu.vector_load %arg23[%get3A_533, %get3A_534, %get3A_535] {strides = array<i32>} : memref<2x80x128xf32, #tpu.memory_space<vmem>>, vector<16xf32>,
          %mul3A_537 = arith.mulf %get3A_536, %div3A_464 : vector<16xf32>
          %get3A_538 = arith.constant 64 : index
          %get3A_539 = tpu.vector_load %arg28[%get3A_538] {strides = array<i32>} : memref<128xf32, #tpu.memory_space<vmem>>, vector<16xf32>,
          %add3A_540 = arith.addf %mul3A_537, %get3A_539 : vector<16xf32>
          %max3A_541 = arith.constant 0.000000e+00 : f32
          %max3A_542 = vector.broadcast %max3A_541 : f32 to vector<16xf32>
          %max3A_543 = arith.maximumf %add3A_540, %max3A_542 : vector<16xf32>
          %swap3A_544 = arith.constant 0 : i32
          %swap3A_545 = arith.index_cast %swap3A_544 : i32 to index
          %swap3A_546 = arith.index_cast %add3A_458 : i32 to index
          %swap3A_547 = arith.constant 64 : index
          %swap3A_548 = tpu.vector_load %arg23[%swap3A_545, %swap3A_546, %swap3A_547] {strides = array<i32>} : memref<2x80x128xf32, #tpu.memory_space<vmem>>, vector<16xf32>,
          tpu.vector_store %arg23[%swap3A_545, %swap3A_546, %swap3A_547], %max3A_543 {strides = array<i32>} : memref<2x80x128xf32, #tpu.memory_space<vmem>>, vector<16xf32>,
          %get3A_549 = arith.constant 0 : i32
          %get3A_550 = arith.index_cast %get3A_549 : i32 to index
          %get3A_551 = arith.index_cast %add3A_458 : i32 to index
          %get3A_552 = arith.constant 80 : index
          %get3A_553 = tpu.vector_load %arg23[%get3A_550, %get3A_551, %get3A_552] {strides = array<i32>} : memref<2x80x128xf32, #tpu.memory_space<vmem>>, vector<16xf32>,
          %mul3A_554 = arith.mulf %get3A_553, %div3A_464 : vector<16xf32>
          %get3A_555 = arith.constant 80 : index
          %get3A_556 = tpu.vector_load %arg28[%get3A_555] {strides = array<i32>} : memref<128xf32, #tpu.memory_space<vmem>>, vector<16xf32>,
          %add3A_557 = arith.addf %mul3A_554, %get3A_556 : vector<16xf32>
          %max3A_558 = arith.constant 0.000000e+00 : f32
          %max3A_559 = vector.broadcast %max3A_558 : f32 to vector<16xf32>
          %max3A_560 = arith.maximumf %add3A_557, %max3A_559 : vector<16xf32>
          %swap3A_561 = arith.constant 0 : i32
          %swap3A_562 = arith.index_cast %swap3A_561 : i32 to index
          %swap3A_563 = arith.index_cast %add3A_458 : i32 to index
          %swap3A_564 = arith.constant 80 : index
          %swap3A_565 = tpu.vector_load %arg23[%swap3A_562, %swap3A_563, %swap3A_564] {strides = array<i32>} : memref<2x80x128xf32, #tpu.memory_space<vmem>>, vector<16xf32>,
          tpu.vector_store %arg23[%swap3A_562, %swap3A_563, %swap3A_564], %max3A_560 {strides = array<i32>} : memref<2x80x128xf32, #tpu.memory_space<vmem>>, vector<16xf32>,
          %get3A_566 = arith.constant 0 : i32
          %get3A_567 = arith.index_cast %get3A_566 : i32 to index
          %get3A_568 = arith.index_cast %add3A_458 : i32 to index
          %get3A_569 = arith.constant 96 : index
          %get3A_570 = tpu.vector_load %arg23[%get3A_567, %get3A_568, %get3A_569] {strides = array<i32>} : memref<2x80x128xf32, #tpu.memory_space<vmem>>, vector<16xf32>,
          %mul3A_571 = arith.mulf %get3A_570, %div3A_464 : vector<16xf32>
          %get3A_572 = arith.constant 96 : index
          %get3A_573 = tpu.vector_load %arg28[%get3A_572] {strides = array<i32>} : memref<128xf32, #tpu.memory_space<vmem>>, vector<16xf32>,
          %add3A_574 = arith.addf %mul3A_571, %get3A_573 : vector<16xf32>
          %max3A_575 = arith.constant 0.000000e+00 : f32
          %max3A_576 = vector.broadcast %max3A_575 : f32 to vector<16xf32>
          %max3A_577 = arith.maximumf %add3A_574, %max3A_576 : vector<16xf32>
          %swap3A_578 = arith.constant 0 : i32
          %swap3A_579 = arith.index_cast %swap3A_578 : i32 to index
          %swap3A_580 = arith.index_cast %add3A_458 : i32 to index
          %swap3A_581 = arith.constant 96 : index
          %swap3A_582 = tpu.vector_load %arg23[%swap3A_579, %swap3A_580, %swap3A_581] {strides = array<i32>} : memref<2x80x128xf32, #tpu.memory_space<vmem>>, vector<16xf32>,
          tpu.vector_store %arg23[%swap3A_579, %swap3A_580, %swap3A_581], %max3A_577 {strides = array<i32>} : memref<2x80x128xf32, #tpu.memory_space<vmem>>, vector<16xf32>,
          %get3A_583 = arith.constant 0 : i32
          %get3A_584 = arith.index_cast %get3A_583 : i32 to index
          %get3A_585 = arith.index_cast %add3A_458 : i32 to index
          %get3A_586 = arith.constant 112 : index
          %get3A_587 = tpu.vector_load %arg23[%get3A_584, %get3A_585, %get3A_586] {strides = array<i32>} : memref<2x80x128xf32, #tpu.memory_space<vmem>>, vector<16xf32>,
          %mul3A_588 = arith.mulf %get3A_587, %div3A_464 : vector<16xf32>
          %get3A_589 = arith.constant 112 : index
          %get3A_590 = tpu.vector_load %arg28[%get3A_589] {strides = array<i32>} : memref<128xf32, #tpu.memory_space<vmem>>, vector<16xf32>,
          %add3A_591 = arith.addf %mul3A_588, %get3A_590 : vector<16xf32>
          %max3A_592 = arith.constant 0.000000e+00 : f32
          %max3A_593 = vector.broadcast %max3A_592 : f32 to vector<16xf32>
          %max3A_594 = arith.maximumf %add3A_591, %max3A_593 : vector<16xf32>
          %swap3A_595 = arith.constant 0 : i32
          %swap3A_596 = arith.index_cast %swap3A_595 : i32 to index
          %swap3A_597 = arith.index_cast %add3A_458 : i32 to index
          %swap3A_598 = arith.constant 112 : index
          %swap3A_599 = tpu.vector_load %arg23[%swap3A_596, %swap3A_597, %swap3A_598] {strides = array<i32>} : memref<2x80x128xf32, #tpu.memory_space<vmem>>, vector<16xf32>,
          tpu.vector_store %arg23[%swap3A_596, %swap3A_597, %swap3A_598], %max3A_594 {strides = array<i32>} : memref<2x80x128xf32, #tpu.memory_space<vmem>>, vector<16xf32>,
          %mul3A_600 = arith.constant 4 : i32
          %mul3A_601 = arith.muli %scan3A_454, %mul3A_600 : i32
          %add3A_602 = arith.constant 1 : i32
          %add3A_603 = arith.addi %mul3A_601, %add3A_602 : i32
          %broadcast_in_dim3A_604 = vector.broadcast %add3A_603 : i32 to vector<16xi32>
          %gather3A_605 = tpu.vector_load_idx %arg24[%broadcast_in_dim3A_604] : memref<160xf32, #tpu.memory_space<vmem>>[vector<16xi32>], vector<16xf32>,
          %add3A_606 = arith.constant 1.000000e-16 : f32
          %add3A_607 = vector.broadcast %add3A_606 : f32 to vector<16xf32>
          %add3A_608 = arith.addf %gather3A_605, %add3A_607 : vector<16xf32>
          %div3A_609 = arith.constant 1.000000e+00 : f32
          %div3A_610 = vector.broadcast %div3A_609 : f32 to vector<16xf32>
          %div3A_611 = arith.divf %div3A_610, %add3A_608 : vector<16xf32>
          %get3A_612 = arith.constant 0 : i32
          %get3A_613 = arith.index_cast %get3A_612 : i32 to index
          %get3A_614 = arith.index_cast %add3A_603 : i32 to index
          %get3A_615 = arith.constant 0 : index
          %get3A_616 = tpu.vector_load %arg23[%get3A_613, %get3A_614, %get3A_615] {strides = array<i32>} : memref<2x80x128xf32, #tpu.memory_space<vmem>>, vector<16xf32>,
          %mul3A_617 = arith.mulf %get3A_616, %div3A_611 : vector<16xf32>
          %get3A_618 = arith.constant 0 : index
          %get3A_619 = tpu.vector_load %arg28[%get3A_618] {strides = array<i32>} : memref<128xf32, #tpu.memory_space<vmem>>, vector<16xf32>,
          %add3A_620 = arith.addf %mul3A_617, %get3A_619 : vector<16xf32>
          %max3A_621 = arith.constant 0.000000e+00 : f32
          %max3A_622 = vector.broadcast %max3A_621 : f32 to vector<16xf32>
          %max3A_623 = arith.maximumf %add3A_620, %max3A_622 : vector<16xf32>
          %swap3A_624 = arith.constant 0 : i32
          %swap3A_625 = arith.index_cast %swap3A_624 : i32 to index
          %swap3A_626 = arith.index_cast %add3A_603 : i32 to index
          %swap3A_627 = arith.constant 0 : index
          %swap3A_628 = tpu.vector_load %arg23[%swap3A_625, %swap3A_626, %swap3A_627] {strides = array<i32>} : memref<2x80x128xf32, #tpu.memory_space<vmem>>, vector<16xf32>,
          tpu.vector_store %arg23[%swap3A_625, %swap3A_626, %swap3A_627], %max3A_623 {strides = array<i32>} : memref<2x80x128xf32, #tpu.memory_space<vmem>>, vector<16xf32>,
          %get3A_629 = arith.constant 0 : i32
          %get3A_630 = arith.index_cast %get3A_629 : i32 to index
          %get3A_631 = arith.index_cast %add3A_603 : i32 to index
          %get3A_632 = arith.constant 16 : index
          %get3A_633 = tpu.vector_load %arg23[%get3A_630, %get3A_631, %get3A_632] {strides = array<i32>} : memref<2x80x128xf32, #tpu.memory_space<vmem>>, vector<16xf32>,
          %mul3A_634 = arith.mulf %get3A_633, %div3A_611 : vector<16xf32>
          %get3A_635 = arith.constant 16 : index
          %get3A_636 = tpu.vector_load %arg28[%get3A_635] {strides = array<i32>} : memref<128xf32, #tpu.memory_space<vmem>>, vector<16xf32>,
          %add3A_637 = arith.addf %mul3A_634, %get3A_636 : vector<16xf32>
          %max3A_638 = arith.constant 0.000000e+00 : f32
          %max3A_639 = vector.broadcast %max3A_638 : f32 to vector<16xf32>
          %max3A_640 = arith.maximumf %add3A_637, %max3A_639 : vector<16xf32>
          %swap3A_641 = arith.constant 0 : i32
          %swap3A_642 = arith.index_cast %swap3A_641 : i32 to index
          %swap3A_643 = arith.index_cast %add3A_603 : i32 to index
          %swap3A_644 = arith.constant 16 : index
          %swap3A_645 = tpu.vector_load %arg23[%swap3A_642, %swap3A_643, %swap3A_644] {strides = array<i32>} : memref<2x80x128xf32, #tpu.memory_space<vmem>>, vector<16xf32>,
          tpu.vector_store %arg23[%swap3A_642, %swap3A_643, %swap3A_644], %max3A_640 {strides = array<i32>} : memref<2x80x128xf32, #tpu.memory_space<vmem>>, vector<16xf32>,
          %get3A_646 = arith.constant 0 : i32
          %get3A_647 = arith.index_cast %get3A_646 : i32 to index
          %get3A_648 = arith.index_cast %add3A_603 : i32 to index
          %get3A_649 = arith.constant 32 : index
          %get3A_650 = tpu.vector_load %arg23[%get3A_647, %get3A_648, %get3A_649] {strides = array<i32>} : memref<2x80x128xf32, #tpu.memory_space<vmem>>, vector<16xf32>,
          %mul3A_651 = arith.mulf %get3A_650, %div3A_611 : vector<16xf32>
          %get3A_652 = arith.constant 32 : index
          %get3A_653 = tpu.vector_load %arg28[%get3A_652] {strides = array<i32>} : memref<128xf32, #tpu.memory_space<vmem>>, vector<16xf32>,
          %add3A_654 = arith.addf %mul3A_651, %get3A_653 : vector<16xf32>
          %max3A_655 = arith.constant 0.000000e+00 : f32
          %max3A_656 = vector.broadcast %max3A_655 : f32 to vector<16xf32>
          %max3A_657 = arith.maximumf %add3A_654, %max3A_656 : vector<16xf32>
          %swap3A_658 = arith.constant 0 : i32
          %swap3A_659 = arith.index_cast %swap3A_658 : i32 to index
          %swap3A_660 = arith.index_cast %add3A_603 : i32 to index
          %swap3A_661 = arith.constant 32 : index
          %swap3A_662 = tpu.vector_load %arg23[%swap3A_659, %swap3A_660, %swap3A_661] {strides = array<i32>} : memref<2x80x128xf32, #tpu.memory_space<vmem>>, vector<16xf32>,
          tpu.vector_store %arg23[%swap3A_659, %swap3A_660, %swap3A_661], %max3A_657 {strides = array<i32>} : memref<2x80x128xf32, #tpu.memory_space<vmem>>, vector<16xf32>,
          %get3A_663 = arith.constant 0 : i32
          %get3A_664 = arith.index_cast %get3A_663 : i32 to index
          %get3A_665 = arith.index_cast %add3A_603 : i32 to index
          %get3A_666 = arith.constant 48 : index
          %get3A_667 = tpu.vector_load %arg23[%get3A_664, %get3A_665, %get3A_666] {strides = array<i32>} : memref<2x80x128xf32, #tpu.memory_space<vmem>>, vector<16xf32>,
          %mul3A_668 = arith.mulf %get3A_667, %div3A_611 : vector<16xf32>
          %get3A_669 = arith.constant 48 : index
          %get3A_670 = tpu.vector_load %arg28[%get3A_669] {strides = array<i32>} : memref<128xf32, #tpu.memory_space<vmem>>, vector<16xf32>,
          %add3A_671 = arith.addf %mul3A_668, %get3A_670 : vector<16xf32>
          %max3A_672 = arith.constant 0.000000e+00 : f32
          %max3A_673 = vector.broadcast %max3A_672 : f32 to vector<16xf32>
          %max3A_674 = arith.maximumf %add3A_671, %max3A_673 : vector<16xf32>
          %swap3A_675 = arith.constant 0 : i32
          %swap3A_676 = arith.index_cast %swap3A_675 : i32 to index
          %swap3A_677 = arith.index_cast %add3A_603 : i32 to index
          %swap3A_678 = arith.constant 48 : index
          %swap3A_679 = tpu.vector_load %arg23[%swap3A_676, %swap3A_677, %swap3A_678] {strides = array<i32>} : memref<2x80x128xf32, #tpu.memory_space<vmem>>, vector<16xf32>,
          tpu.vector_store %arg23[%swap3A_676, %swap3A_677, %swap3A_678], %max3A_674 {strides = array<i32>} : memref<2x80x128xf32, #tpu.memory_space<vmem>>, vector<16xf32>,
          %get3A_680 = arith.constant 0 : i32
          %get3A_681 = arith.index_cast %get3A_680 : i32 to index
          %get3A_682 = arith.index_cast %add3A_603 : i32 to index
          %get3A_683 = arith.constant 64 : index
          %get3A_684 = tpu.vector_load %arg23[%get3A_681, %get3A_682, %get3A_683] {strides = array<i32>} : memref<2x80x128xf32, #tpu.memory_space<vmem>>, vector<16xf32>,
          %mul3A_685 = arith.mulf %get3A_684, %div3A_611 : vector<16xf32>
          %get3A_686 = arith.constant 64 : index
          %get3A_687 = tpu.vector_load %arg28[%get3A_686] {strides = array<i32>} : memref<128xf32, #tpu.memory_space<vmem>>, vector<16xf32>,
          %add3A_688 = arith.addf %mul3A_685, %get3A_687 : vector<16xf32>
          %max3A_689 = arith.constant 0.000000e+00 : f32
          %max3A_690 = vector.broadcast %max3A_689 : f32 to vector<16xf32>
          %max3A_691 = arith.maximumf %add3A_688, %max3A_690 : vector<16xf32>
          %swap3A_692 = arith.constant 0 : i32
          %swap3A_693 = arith.index_cast %swap3A_692 : i32 to index
          %swap3A_694 = arith.index_cast %add3A_603 : i32 to index
          %swap3A_695 = arith.constant 64 : index
          %swap3A_696 = tpu.vector_load %arg23[%swap3A_693, %swap3A_694, %swap3A_695] {strides = array<i32>} : memref<2x80x128xf32, #tpu.memory_space<vmem>>, vector<16xf32>,
          tpu.vector_store %arg23[%swap3A_693, %swap3A_694, %swap3A_695], %max3A_691 {strides = array<i32>} : memref<2x80x128xf32, #tpu.memory_space<vmem>>, vector<16xf32>,
          %get3A_697 = arith.constant 0 : i32
          %get3A_698 = arith.index_cast %get3A_697 : i32 to index
          %get3A_699 = arith.index_cast %add3A_603 : i32 to index
          %get3A_700 = arith.constant 80 : index
          %get3A_701 = tpu.vector_load %arg23[%get3A_698, %get3A_699, %get3A_700] {strides = array<i32>} : memref<2x80x128xf32, #tpu.memory_space<vmem>>, vector<16xf32>,
          %mul3A_702 = arith.mulf %get3A_701, %div3A_611 : vector<16xf32>
          %get3A_703 = arith.constant 80 : index
          %get3A_704 = tpu.vector_load %arg28[%get3A_703] {strides = array<i32>} : memref<128xf32, #tpu.memory_space<vmem>>, vector<16xf32>,
          %add3A_705 = arith.addf %mul3A_702, %get3A_704 : vector<16xf32>
          %max3A_706 = arith.constant 0.000000e+00 : f32
          %max3A_707 = vector.broadcast %max3A_706 : f32 to vector<16xf32>
          %max3A_708 = arith.maximumf %add3A_705, %max3A_707 : vector<16xf32>
          %swap3A_709 = arith.constant 0 : i32
          %swap3A_710 = arith.index_cast %swap3A_709 : i32 to index
          %swap3A_711 = arith.index_cast %add3A_603 : i32 to index
          %swap3A_712 = arith.constant 80 : index
          %swap3A_713 = tpu.vector_load %arg23[%swap3A_710, %swap3A_711, %swap3A_712] {strides = array<i32>} : memref<2x80x128xf32, #tpu.memory_space<vmem>>, vector<16xf32>,
          tpu.vector_store %arg23[%swap3A_710, %swap3A_711, %swap3A_712], %max3A_708 {strides = array<i32>} : memref<2x80x128xf32, #tpu.memory_space<vmem>>, vector<16xf32>,
          %get3A_714 = arith.constant 0 : i32
          %get3A_715 = arith.index_cast %get3A_714 : i32 to index
          %get3A_716 = arith.index_cast %add3A_603 : i32 to index
          %get3A_717 = arith.constant 96 : index
          %get3A_718 = tpu.vector_load %arg23[%get3A_715, %get3A_716, %get3A_717] {strides = array<i32>} : memref<2x80x128xf32, #tpu.memory_space<vmem>>, vector<16xf32>,
          %mul3A_719 = arith.mulf %get3A_718, %div3A_611 : vector<16xf32>
          %get3A_720 = arith.constant 96 : index
          %get3A_721 = tpu.vector_load %arg28[%get3A_720] {strides = array<i32>} : memref<128xf32, #tpu.memory_space<vmem>>, vector<16xf32>,
          %add3A_722 = arith.addf %mul3A_719, %get3A_721 : vector<16xf32>
          %max3A_723 = arith.constant 0.000000e+00 : f32
          %max3A_724 = vector.broadcast %max3A_723 : f32 to vector<16xf32>
          %max3A_725 = arith.maximumf %add3A_722, %max3A_724 : vector<16xf32>
          %swap3A_726 = arith.constant 0 : i32
          %swap3A_727 = arith.index_cast %swap3A_726 : i32 to index
          %swap3A_728 = arith.index_cast %add3A_603 : i32 to index
          %swap3A_729 = arith.constant 96 : index
          %swap3A_730 = tpu.vector_load %arg23[%swap3A_727, %swap3A_728, %swap3A_729] {strides = array<i32>} : memref<2x80x128xf32, #tpu.memory_space<vmem>>, vector<16xf32>,
          tpu.vector_store %arg23[%swap3A_727, %swap3A_728, %swap3A_729], %max3A_725 {strides = array<i32>} : memref<2x80x128xf32, #tpu.memory_space<vmem>>, vector<16xf32>,
          %get3A_731 = arith.constant 0 : i32
          %get3A_732 = arith.index_cast %get3A_731 : i32 to index
          %get3A_733 = arith.index_cast %add3A_603 : i32 to index
          %get3A_734 = arith.constant 112 : index
          %get3A_735 = tpu.vector_load %arg23[%get3A_732, %get3A_733, %get3A_734] {strides = array<i32>} : memref<2x80x128xf32, #tpu.memory_space<vmem>>, vector<16xf32>,
          %mul3A_736 = arith.mulf %get3A_735, %div3A_611 : vector<16xf32>
          %get3A_737 = arith.constant 112 : index
          %get3A_738 = tpu.vector_load %arg28[%get3A_737] {strides = array<i32>} : memref<128xf32, #tpu.memory_space<vmem>>, vector<16xf32>,
          %add3A_739 = arith.addf %mul3A_736, %get3A_738 : vector<16xf32>
          %max3A_740 = arith.constant 0.000000e+00 : f32
          %max3A_741 = vector.broadcast %max3A_740 : f32 to vector<16xf32>
          %max3A_742 = arith.maximumf %add3A_739, %max3A_741 : vector<16xf32>
          %swap3A_743 = arith.constant 0 : i32
          %swap3A_744 = arith.index_cast %swap3A_743 : i32 to index
          %swap3A_745 = arith.index_cast %add3A_603 : i32 to index
          %swap3A_746 = arith.constant 112 : index
          %swap3A_747 = tpu.vector_load %arg23[%swap3A_744, %swap3A_745, %swap3A_746] {strides = array<i32>} : memref<2x80x128xf32, #tpu.memory_space<vmem>>, vector<16xf32>,
          tpu.vector_store %arg23[%swap3A_744, %swap3A_745, %swap3A_746], %max3A_742 {strides = array<i32>} : memref<2x80x128xf32, #tpu.memory_space<vmem>>, vector<16xf32>,
          %mul3A_748 = arith.constant 4 : i32
          %mul3A_749 = arith.muli %scan3A_454, %mul3A_748 : i32
          %add3A_750 = arith.constant 2 : i32
          %add3A_751 = arith.addi %mul3A_749, %add3A_750 : i32
          %broadcast_in_dim3A_752 = vector.broadcast %add3A_751 : i32 to vector<16xi32>
          %gather3A_753 = tpu.vector_load_idx %arg24[%broadcast_in_dim3A_752] : memref<160xf32, #tpu.memory_space<vmem>>[vector<16xi32>], vector<16xf32>,
          %add3A_754 = arith.constant 1.000000e-16 : f32
          %add3A_755 = vector.broadcast %add3A_754 : f32 to vector<16xf32>
          %add3A_756 = arith.addf %gather3A_753, %add3A_755 : vector<16xf32>
          %div3A_757 = arith.constant 1.000000e+00 : f32
          %div3A_758 = vector.broadcast %div3A_757 : f32 to vector<16xf32>
          %div3A_759 = arith.divf %div3A_758, %add3A_756 : vector<16xf32>
          %get3A_760 = arith.constant 0 : i32
          %get3A_761 = arith.index_cast %get3A_760 : i32 to index
          %get3A_762 = arith.index_cast %add3A_751 : i32 to index
          %get3A_763 = arith.constant 0 : index
          %get3A_764 = tpu.vector_load %arg23[%get3A_761, %get3A_762, %get3A_763] {strides = array<i32>} : memref<2x80x128xf32, #tpu.memory_space<vmem>>, vector<16xf32>,
          %mul3A_765 = arith.mulf %get3A_764, %div3A_759 : vector<16xf32>
          %get3A_766 = arith.constant 0 : index
          %get3A_767 = tpu.vector_load %arg28[%get3A_766] {strides = array<i32>} : memref<128xf32, #tpu.memory_space<vmem>>, vector<16xf32>,
          %add3A_768 = arith.addf %mul3A_765, %get3A_767 : vector<16xf32>
          %max3A_769 = arith.constant 0.000000e+00 : f32
          %max3A_770 = vector.broadcast %max3A_769 : f32 to vector<16xf32>
          %max3A_771 = arith.maximumf %add3A_768, %max3A_770 : vector<16xf32>
          %swap3A_772 = arith.constant 0 : i32
          %swap3A_773 = arith.index_cast %swap3A_772 : i32 to index
          %swap3A_774 = arith.index_cast %add3A_751 : i32 to index
          %swap3A_775 = arith.constant 0 : index
          %swap3A_776 = tpu.vector_load %arg23[%swap3A_773, %swap3A_774, %swap3A_775] {strides = array<i32>} : memref<2x80x128xf32, #tpu.memory_space<vmem>>, vector<16xf32>,
          tpu.vector_store %arg23[%swap3A_773, %swap3A_774, %swap3A_775], %max3A_771 {strides = array<i32>} : memref<2x80x128xf32, #tpu.memory_space<vmem>>, vector<16xf32>,
          %get3A_777 = arith.constant 0 : i32
          %get3A_778 = arith.index_cast %get3A_777 : i32 to index
          %get3A_779 = arith.index_cast %add3A_751 : i32 to index
          %get3A_780 = arith.constant 16 : index
          %get3A_781 = tpu.vector_load %arg23[%get3A_778, %get3A_779, %get3A_780] {strides = array<i32>} : memref<2x80x128xf32, #tpu.memory_space<vmem>>, vector<16xf32>,
          %mul3A_782 = arith.mulf %get3A_781, %div3A_759 : vector<16xf32>
          %get3A_783 = arith.constant 16 : index
          %get3A_784 = tpu.vector_load %arg28[%get3A_783] {strides = array<i32>} : memref<128xf32, #tpu.memory_space<vmem>>, vector<16xf32>,
          %add3A_785 = arith.addf %mul3A_782, %get3A_784 : vector<16xf32>
          %max3A_786 = arith.constant 0.000000e+00 : f32
          %max3A_787 = vector.broadcast %max3A_786 : f32 to vector<16xf32>
          %max3A_788 = arith.maximumf %add3A_785, %max3A_787 : vector<16xf32>
          %swap3A_789 = arith.constant 0 : i32
          %swap3A_790 = arith.index_cast %swap3A_789 : i32 to index
          %swap3A_791 = arith.index_cast %add3A_751 : i32 to index
          %swap3A_792 = arith.constant 16 : index
          %swap3A_793 = tpu.vector_load %arg23[%swap3A_790, %swap3A_791, %swap3A_792] {strides = array<i32>} : memref<2x80x128xf32, #tpu.memory_space<vmem>>, vector<16xf32>,
          tpu.vector_store %arg23[%swap3A_790, %swap3A_791, %swap3A_792], %max3A_788 {strides = array<i32>} : memref<2x80x128xf32, #tpu.memory_space<vmem>>, vector<16xf32>,
          %get3A_794 = arith.constant 0 : i32
          %get3A_795 = arith.index_cast %get3A_794 : i32 to index
          %get3A_796 = arith.index_cast %add3A_751 : i32 to index
          %get3A_797 = arith.constant 32 : index
          %get3A_798 = tpu.vector_load %arg23[%get3A_795, %get3A_796, %get3A_797] {strides = array<i32>} : memref<2x80x128xf32, #tpu.memory_space<vmem>>, vector<16xf32>,
          %mul3A_799 = arith.mulf %get3A_798, %div3A_759 : vector<16xf32>
          %get3A_800 = arith.constant 32 : index
          %get3A_801 = tpu.vector_load %arg28[%get3A_800] {strides = array<i32>} : memref<128xf32, #tpu.memory_space<vmem>>, vector<16xf32>,
          %add3A_802 = arith.addf %mul3A_799, %get3A_801 : vector<16xf32>
          %max3A_803 = arith.constant 0.000000e+00 : f32
          %max3A_804 = vector.broadcast %max3A_803 : f32 to vector<16xf32>
          %max3A_805 = arith.maximumf %add3A_802, %max3A_804 : vector<16xf32>
          %swap3A_806 = arith.constant 0 : i32
          %swap3A_807 = arith.index_cast %swap3A_806 : i32 to index
          %swap3A_808 = arith.index_cast %add3A_751 : i32 to index
          %swap3A_809 = arith.constant 32 : index
          %swap3A_810 = tpu.vector_load %arg23[%swap3A_807, %swap3A_808, %swap3A_809] {strides = array<i32>} : memref<2x80x128xf32, #tpu.memory_space<vmem>>, vector<16xf32>,
          tpu.vector_store %arg23[%swap3A_807, %swap3A_808, %swap3A_809], %max3A_805 {strides = array<i32>} : memref<2x80x128xf32, #tpu.memory_space<vmem>>, vector<16xf32>,
          %get3A_811 = arith.constant 0 : i32
          %get3A_812 = arith.index_cast %get3A_811 : i32 to index
          %get3A_813 = arith.index_cast %add3A_751 : i32 to index
          %get3A_814 = arith.constant 48 : index
          %get3A_815 = tpu.vector_load %arg23[%get3A_812, %get3A_813, %get3A_814] {strides = array<i32>} : memref<2x80x128xf32, #tpu.memory_space<vmem>>, vector<16xf32>,
          %mul3A_816 = arith.mulf %get3A_815, %div3A_759 : vector<16xf32>
          %get3A_817 = arith.constant 48 : index
          %get3A_818 = tpu.vector_load %arg28[%get3A_817] {strides = array<i32>} : memref<128xf32, #tpu.memory_space<vmem>>, vector<16xf32>,
          %add3A_819 = arith.addf %mul3A_816, %get3A_818 : vector<16xf32>
          %max3A_820 = arith.constant 0.000000e+00 : f32
          %max3A_821 = vector.broadcast %max3A_820 : f32 to vector<16xf32>
          %max3A_822 = arith.maximumf %add3A_819, %max3A_821 : vector<16xf32>
          %swap3A_823 = arith.constant 0 : i32
          %swap3A_824 = arith.index_cast %swap3A_823 : i32 to index
          %swap3A_825 = arith.index_cast %add3A_751 : i32 to index
          %swap3A_826 = arith.constant 48 : index
          %swap3A_827 = tpu.vector_load %arg23[%swap3A_824, %swap3A_825, %swap3A_826] {strides = array<i32>} : memref<2x80x128xf32, #tpu.memory_space<vmem>>, vector<16xf32>,
          tpu.vector_store %arg23[%swap3A_824, %swap3A_825, %swap3A_826], %max3A_822 {strides = array<i32>} : memref<2x80x128xf32, #tpu.memory_space<vmem>>, vector<16xf32>,
          %get3A_828 = arith.constant 0 : i32
          %get3A_829 = arith.index_cast %get3A_828 : i32 to index
          %get3A_830 = arith.index_cast %add3A_751 : i32 to index
          %get3A_831 = arith.constant 64 : index
          %get3A_832 = tpu.vector_load %arg23[%get3A_829, %get3A_830, %get3A_831] {strides = array<i32>} : memref<2x80x128xf32, #tpu.memory_space<vmem>>, vector<16xf32>,
          %mul3A_833 = arith.mulf %get3A_832, %div3A_759 : vector<16xf32>
          %get3A_834 = arith.constant 64 : index
          %get3A_835 = tpu.vector_load %arg28[%get3A_834] {strides = array<i32>} : memref<128xf32, #tpu.memory_space<vmem>>, vector<16xf32>,
          %add3A_836 = arith.addf %mul3A_833, %get3A_835 : vector<16xf32>
          %max3A_837 = arith.constant 0.000000e+00 : f32
          %max3A_838 = vector.broadcast %max3A_837 : f32 to vector<16xf32>
          %max3A_839 = arith.maximumf %add3A_836, %max3A_838 : vector<16xf32>
          %swap3A_840 = arith.constant 0 : i32
          %swap3A_841 = arith.index_cast %swap3A_840 : i32 to index
          %swap3A_842 = arith.index_cast %add3A_751 : i32 to index
          %swap3A_843 = arith.constant 64 : index
          %swap3A_844 = tpu.vector_load %arg23[%swap3A_841, %swap3A_842, %swap3A_843] {strides = array<i32>} : memref<2x80x128xf32, #tpu.memory_space<vmem>>, vector<16xf32>,
          tpu.vector_store %arg23[%swap3A_841, %swap3A_842, %swap3A_843], %max3A_839 {strides = array<i32>} : memref<2x80x128xf32, #tpu.memory_space<vmem>>, vector<16xf32>,
          %get3A_845 = arith.constant 0 : i32
          %get3A_846 = arith.index_cast %get3A_845 : i32 to index
          %get3A_847 = arith.index_cast %add3A_751 : i32 to index
          %get3A_848 = arith.constant 80 : index
          %get3A_849 = tpu.vector_load %arg23[%get3A_846, %get3A_847, %get3A_848] {strides = array<i32>} : memref<2x80x128xf32, #tpu.memory_space<vmem>>, vector<16xf32>,
          %mul3A_850 = arith.mulf %get3A_849, %div3A_759 : vector<16xf32>
          %get3A_851 = arith.constant 80 : index
          %get3A_852 = tpu.vector_load %arg28[%get3A_851] {strides = array<i32>} : memref<128xf32, #tpu.memory_space<vmem>>, vector<16xf32>,
          %add3A_853 = arith.addf %mul3A_850, %get3A_852 : vector<16xf32>
          %max3A_854 = arith.constant 0.000000e+00 : f32
          %max3A_855 = vector.broadcast %max3A_854 : f32 to vector<16xf32>
          %max3A_856 = arith.maximumf %add3A_853, %max3A_855 : vector<16xf32>
          %swap3A_857 = arith.constant 0 : i32
          %swap3A_858 = arith.index_cast %swap3A_857 : i32 to index
          %swap3A_859 = arith.index_cast %add3A_751 : i32 to index
          %swap3A_860 = arith.constant 80 : index
          %swap3A_861 = tpu.vector_load %arg23[%swap3A_858, %swap3A_859, %swap3A_860] {strides = array<i32>} : memref<2x80x128xf32, #tpu.memory_space<vmem>>, vector<16xf32>,
          tpu.vector_store %arg23[%swap3A_858, %swap3A_859, %swap3A_860], %max3A_856 {strides = array<i32>} : memref<2x80x128xf32, #tpu.memory_space<vmem>>, vector<16xf32>,
          %get3A_862 = arith.constant 0 : i32
          %get3A_863 = arith.index_cast %get3A_862 : i32 to index
          %get3A_864 = arith.index_cast %add3A_751 : i32 to index
          %get3A_865 = arith.constant 96 : index
          %get3A_866 = tpu.vector_load %arg23[%get3A_863, %get3A_864, %get3A_865] {strides = array<i32>} : memref<2x80x128xf32, #tpu.memory_space<vmem>>, vector<16xf32>,
          %mul3A_867 = arith.mulf %get3A_866, %div3A_759 : vector<16xf32>
          %get3A_868 = arith.constant 96 : index
          %get3A_869 = tpu.vector_load %arg28[%get3A_868] {strides = array<i32>} : memref<128xf32, #tpu.memory_space<vmem>>, vector<16xf32>,
          %add3A_870 = arith.addf %mul3A_867, %get3A_869 : vector<16xf32>
          %max3A_871 = arith.constant 0.000000e+00 : f32
          %max3A_872 = vector.broadcast %max3A_871 : f32 to vector<16xf32>
          %max3A_873 = arith.maximumf %add3A_870, %max3A_872 : vector<16xf32>
          %swap3A_874 = arith.constant 0 : i32
          %swap3A_875 = arith.index_cast %swap3A_874 : i32 to index
          %swap3A_876 = arith.index_cast %add3A_751 : i32 to index
          %swap3A_877 = arith.constant 96 : index
          %swap3A_878 = tpu.vector_load %arg23[%swap3A_875, %swap3A_876, %swap3A_877] {strides = array<i32>} : memref<2x80x128xf32, #tpu.memory_space<vmem>>, vector<16xf32>,
          tpu.vector_store %arg23[%swap3A_875, %swap3A_876, %swap3A_877], %max3A_873 {strides = array<i32>} : memref<2x80x128xf32, #tpu.memory_space<vmem>>, vector<16xf32>,
          %get3A_879 = arith.constant 0 : i32
          %get3A_880 = arith.index_cast %get3A_879 : i32 to index
          %get3A_881 = arith.index_cast %add3A_751 : i32 to index
          %get3A_882 = arith.constant 112 : index
          %get3A_883 = tpu.vector_load %arg23[%get3A_880, %get3A_881, %get3A_882] {strides = array<i32>} : memref<2x80x128xf32, #tpu.memory_space<vmem>>, vector<16xf32>,
          %mul3A_884 = arith.mulf %get3A_883, %div3A_759 : vector<16xf32>
          %get3A_885 = arith.constant 112 : index
          %get3A_886 = tpu.vector_load %arg28[%get3A_885] {strides = array<i32>} : memref<128xf32, #tpu.memory_space<vmem>>, vector<16xf32>,
          %add3A_887 = arith.addf %mul3A_884, %get3A_886 : vector<16xf32>
          %max3A_888 = arith.constant 0.000000e+00 : f32
          %max3A_889 = vector.broadcast %max3A_888 : f32 to vector<16xf32>
          %max3A_890 = arith.maximumf %add3A_887, %max3A_889 : vector<16xf32>
          %swap3A_891 = arith.constant 0 : i32
          %swap3A_892 = arith.index_cast %swap3A_891 : i32 to index
          %swap3A_893 = arith.index_cast %add3A_751 : i32 to index
          %swap3A_894 = arith.constant 112 : index
          %swap3A_895 = tpu.vector_load %arg23[%swap3A_892, %swap3A_893, %swap3A_894] {strides = array<i32>} : memref<2x80x128xf32, #tpu.memory_space<vmem>>, vector<16xf32>,
          tpu.vector_store %arg23[%swap3A_892, %swap3A_893, %swap3A_894], %max3A_890 {strides = array<i32>} : memref<2x80x128xf32, #tpu.memory_space<vmem>>, vector<16xf32>,
          %mul3A_896 = arith.constant 4 : i32
          %mul3A_897 = arith.muli %scan3A_454, %mul3A_896 : i32
          %add3A_898 = arith.constant 3 : i32
          %add3A_899 = arith.addi %mul3A_897, %add3A_898 : i32
          %broadcast_in_dim3A_900 = vector.broadcast %add3A_899 : i32 to vector<16xi32>
          %gather3A_901 = tpu.vector_load_idx %arg24[%broadcast_in_dim3A_900] : memref<160xf32, #tpu.memory_space<vmem>>[vector<16xi32>], vector<16xf32>,
          %add3A_902 = arith.constant 1.000000e-16 : f32
          %add3A_903 = vector.broadcast %add3A_902 : f32 to vector<16xf32>
          %add3A_904 = arith.addf %gather3A_901, %add3A_903 : vector<16xf32>
          %div3A_905 = arith.constant 1.000000e+00 : f32
          %div3A_906 = vector.broadcast %div3A_905 : f32 to vector<16xf32>
          %div3A_907 = arith.divf %div3A_906, %add3A_904 : vector<16xf32>
          %get3A_908 = arith.constant 0 : i32
          %get3A_909 = arith.index_cast %get3A_908 : i32 to index
          %get3A_910 = arith.index_cast %add3A_899 : i32 to index
          %get3A_911 = arith.constant 0 : index
          %get3A_912 = tpu.vector_load %arg23[%get3A_909, %get3A_910, %get3A_911] {strides = array<i32>} : memref<2x80x128xf32, #tpu.memory_space<vmem>>, vector<16xf32>,
          %mul3A_913 = arith.mulf %get3A_912, %div3A_907 : vector<16xf32>
          %get3A_914 = arith.constant 0 : index
          %get3A_915 = tpu.vector_load %arg28[%get3A_914] {strides = array<i32>} : memref<128xf32, #tpu.memory_space<vmem>>, vector<16xf32>,
          %add3A_916 = arith.addf %mul3A_913, %get3A_915 : vector<16xf32>
          %max3A_917 = arith.constant 0.000000e+00 : f32
          %max3A_918 = vector.broadcast %max3A_917 : f32 to vector<16xf32>
          %max3A_919 = arith.maximumf %add3A_916, %max3A_918 : vector<16xf32>
          %swap3A_920 = arith.constant 0 : i32
          %swap3A_921 = arith.index_cast %swap3A_920 : i32 to index
          %swap3A_922 = arith.index_cast %add3A_899 : i32 to index
          %swap3A_923 = arith.constant 0 : index
          %swap3A_924 = tpu.vector_load %arg23[%swap3A_921, %swap3A_922, %swap3A_923] {strides = array<i32>} : memref<2x80x128xf32, #tpu.memory_space<vmem>>, vector<16xf32>,
          tpu.vector_store %arg23[%swap3A_921, %swap3A_922, %swap3A_923], %max3A_919 {strides = array<i32>} : memref<2x80x128xf32, #tpu.memory_space<vmem>>, vector<16xf32>,
          %get3A_925 = arith.constant 0 : i32
          %get3A_926 = arith.index_cast %get3A_925 : i32 to index
          %get3A_927 = arith.index_cast %add3A_899 : i32 to index
          %get3A_928 = arith.constant 16 : index
          %get3A_929 = tpu.vector_load %arg23[%get3A_926, %get3A_927, %get3A_928] {strides = array<i32>} : memref<2x80x128xf32, #tpu.memory_space<vmem>>, vector<16xf32>,
          %mul3A_930 = arith.mulf %get3A_929, %div3A_907 : vector<16xf32>
          %get3A_931 = arith.constant 16 : index
          %get3A_932 = tpu.vector_load %arg28[%get3A_931] {strides = array<i32>} : memref<128xf32, #tpu.memory_space<vmem>>, vector<16xf32>,
          %add3A_933 = arith.addf %mul3A_930, %get3A_932 : vector<16xf32>
          %max3A_934 = arith.constant 0.000000e+00 : f32
          %max3A_935 = vector.broadcast %max3A_934 : f32 to vector<16xf32>
          %max3A_936 = arith.maximumf %add3A_933, %max3A_935 : vector<16xf32>
          %swap3A_937 = arith.constant 0 : i32
          %swap3A_938 = arith.index_cast %swap3A_937 : i32 to index
          %swap3A_939 = arith.index_cast %add3A_899 : i32 to index
          %swap3A_940 = arith.constant 16 : index
          %swap3A_941 = tpu.vector_load %arg23[%swap3A_938, %swap3A_939, %swap3A_940] {strides = array<i32>} : memref<2x80x128xf32, #tpu.memory_space<vmem>>, vector<16xf32>,
          tpu.vector_store %arg23[%swap3A_938, %swap3A_939, %swap3A_940], %max3A_936 {strides = array<i32>} : memref<2x80x128xf32, #tpu.memory_space<vmem>>, vector<16xf32>,
          %get3A_942 = arith.constant 0 : i32
          %get3A_943 = arith.index_cast %get3A_942 : i32 to index
          %get3A_944 = arith.index_cast %add3A_899 : i32 to index
          %get3A_945 = arith.constant 32 : index
          %get3A_946 = tpu.vector_load %arg23[%get3A_943, %get3A_944, %get3A_945] {strides = array<i32>} : memref<2x80x128xf32, #tpu.memory_space<vmem>>, vector<16xf32>,
          %mul3A_947 = arith.mulf %get3A_946, %div3A_907 : vector<16xf32>
          %get3A_948 = arith.constant 32 : index
          %get3A_949 = tpu.vector_load %arg28[%get3A_948] {strides = array<i32>} : memref<128xf32, #tpu.memory_space<vmem>>, vector<16xf32>,
          %add3A_950 = arith.addf %mul3A_947, %get3A_949 : vector<16xf32>
          %max3A_951 = arith.constant 0.000000e+00 : f32
          %max3A_952 = vector.broadcast %max3A_951 : f32 to vector<16xf32>
          %max3A_953 = arith.maximumf %add3A_950, %max3A_952 : vector<16xf32>
          %swap3A_954 = arith.constant 0 : i32
          %swap3A_955 = arith.index_cast %swap3A_954 : i32 to index
          %swap3A_956 = arith.index_cast %add3A_899 : i32 to index
          %swap3A_957 = arith.constant 32 : index
          %swap3A_958 = tpu.vector_load %arg23[%swap3A_955, %swap3A_956, %swap3A_957] {strides = array<i32>} : memref<2x80x128xf32, #tpu.memory_space<vmem>>, vector<16xf32>,
          tpu.vector_store %arg23[%swap3A_955, %swap3A_956, %swap3A_957], %max3A_953 {strides = array<i32>} : memref<2x80x128xf32, #tpu.memory_space<vmem>>, vector<16xf32>,
          %get3A_959 = arith.constant 0 : i32
          %get3A_960 = arith.index_cast %get3A_959 : i32 to index
          %get3A_961 = arith.index_cast %add3A_899 : i32 to index
          %get3A_962 = arith.constant 48 : index
          %get3A_963 = tpu.vector_load %arg23[%get3A_960, %get3A_961, %get3A_962] {strides = array<i32>} : memref<2x80x128xf32, #tpu.memory_space<vmem>>, vector<16xf32>,
          %mul3A_964 = arith.mulf %get3A_963, %div3A_907 : vector<16xf32>
          %get3A_965 = arith.constant 48 : index
          %get3A_966 = tpu.vector_load %arg28[%get3A_965] {strides = array<i32>} : memref<128xf32, #tpu.memory_space<vmem>>, vector<16xf32>,
          %add3A_967 = arith.addf %mul3A_964, %get3A_966 : vector<16xf32>
          %max3A_968 = arith.constant 0.000000e+00 : f32
          %max3A_969 = vector.broadcast %max3A_968 : f32 to vector<16xf32>
          %max3A_970 = arith.maximumf %add3A_967, %max3A_969 : vector<16xf32>
          %swap3A_971 = arith.constant 0 : i32
          %swap3A_972 = arith.index_cast %swap3A_971 : i32 to index
          %swap3A_973 = arith.index_cast %add3A_899 : i32 to index
          %swap3A_974 = arith.constant 48 : index
          %swap3A_975 = tpu.vector_load %arg23[%swap3A_972, %swap3A_973, %swap3A_974] {strides = array<i32>} : memref<2x80x128xf32, #tpu.memory_space<vmem>>, vector<16xf32>,
          tpu.vector_store %arg23[%swap3A_972, %swap3A_973, %swap3A_974], %max3A_970 {strides = array<i32>} : memref<2x80x128xf32, #tpu.memory_space<vmem>>, vector<16xf32>,
          %get3A_976 = arith.constant 0 : i32
          %get3A_977 = arith.index_cast %get3A_976 : i32 to index
          %get3A_978 = arith.index_cast %add3A_899 : i32 to index
          %get3A_979 = arith.constant 64 : index
          %get3A_980 = tpu.vector_load %arg23[%get3A_977, %get3A_978, %get3A_979] {strides = array<i32>} : memref<2x80x128xf32, #tpu.memory_space<vmem>>, vector<16xf32>,
          %mul3A_981 = arith.mulf %get3A_980, %div3A_907 : vector<16xf32>
          %get3A_982 = arith.constant 64 : index
          %get3A_983 = tpu.vector_load %arg28[%get3A_982] {strides = array<i32>} : memref<128xf32, #tpu.memory_space<vmem>>, vector<16xf32>,
          %add3A_984 = arith.addf %mul3A_981, %get3A_983 : vector<16xf32>
          %max3A_985 = arith.constant 0.000000e+00 : f32
          %max3A_986 = vector.broadcast %max3A_985 : f32 to vector<16xf32>
          %max3A_987 = arith.maximumf %add3A_984, %max3A_986 : vector<16xf32>
          %swap3A_988 = arith.constant 0 : i32
          %swap3A_989 = arith.index_cast %swap3A_988 : i32 to index
          %swap3A_990 = arith.index_cast %add3A_899 : i32 to index
          %swap3A_991 = arith.constant 64 : index
          %swap3A_992 = tpu.vector_load %arg23[%swap3A_989, %swap3A_990, %swap3A_991] {strides = array<i32>} : memref<2x80x128xf32, #tpu.memory_space<vmem>>, vector<16xf32>,
          tpu.vector_store %arg23[%swap3A_989, %swap3A_990, %swap3A_991], %max3A_987 {strides = array<i32>} : memref<2x80x128xf32, #tpu.memory_space<vmem>>, vector<16xf32>,
          %get3A_993 = arith.constant 0 : i32
          %get3A_994 = arith.index_cast %get3A_993 : i32 to index
          %get3A_995 = arith.index_cast %add3A_899 : i32 to index
          %get3A_996 = arith.constant 80 : index
          %get3A_997 = tpu.vector_load %arg23[%get3A_994, %get3A_995, %get3A_996] {strides = array<i32>} : memref<2x80x128xf32, #tpu.memory_space<vmem>>, vector<16xf32>,
          %mul3A_998 = arith.mulf %get3A_997, %div3A_907 : vector<16xf32>
          %get3A_999 = arith.constant 80 : index
          %get3A_1000 = tpu.vector_load %arg28[%get3A_999] {strides = array<i32>} : memref<128xf32, #tpu.memory_space<vmem>>, vector<16xf32>,
          %add3A_1001 = arith.addf %mul3A_998, %get3A_1000 : vector<16xf32>
          %max3A_1002 = arith.constant 0.000000e+00 : f32
          %max3A_1003 = vector.broadcast %max3A_1002 : f32 to vector<16xf32>
          %max3A_1004 = arith.maximumf %add3A_1001, %max3A_1003 : vector<16xf32>
          %swap3A_1005 = arith.constant 0 : i32
          %swap3A_1006 = arith.index_cast %swap3A_1005 : i32 to index
          %swap3A_1007 = arith.index_cast %add3A_899 : i32 to index
          %swap3A_1008 = arith.constant 80 : index
          %swap3A_1009 = tpu.vector_load %arg23[%swap3A_1006, %swap3A_1007, %swap3A_1008] {strides = array<i32>} : memref<2x80x128xf32, #tpu.memory_space<vmem>>, vector<16xf32>,
          tpu.vector_store %arg23[%swap3A_1006, %swap3A_1007, %swap3A_1008], %max3A_1004 {strides = array<i32>} : memref<2x80x128xf32, #tpu.memory_space<vmem>>, vector<16xf32>,
          %get3A_1010 = arith.constant 0 : i32
          %get3A_1011 = arith.index_cast %get3A_1010 : i32 to index
          %get3A_1012 = arith.index_cast %add3A_899 : i32 to index
          %get3A_1013 = arith.constant 96 : index
          %get3A_1014 = tpu.vector_load %arg23[%get3A_1011, %get3A_1012, %get3A_1013] {strides = array<i32>} : memref<2x80x128xf32, #tpu.memory_space<vmem>>, vector<16xf32>,
          %mul3A_1015 = arith.mulf %get3A_1014, %div3A_907 : vector<16xf32>
          %get3A_1016 = arith.constant 96 : index
          %get3A_1017 = tpu.vector_load %arg28[%get3A_1016] {strides = array<i32>} : memref<128xf32, #tpu.memory_space<vmem>>, vector<16xf32>,
          %add3A_1018 = arith.addf %mul3A_1015, %get3A_1017 : vector<16xf32>
          %max3A_1019 = arith.constant 0.000000e+00 : f32
          %max3A_1020 = vector.broadcast %max3A_1019 : f32 to vector<16xf32>
          %max3A_1021 = arith.maximumf %add3A_1018, %max3A_1020 : vector<16xf32>
          %swap3A_1022 = arith.constant 0 : i32
          %swap3A_1023 = arith.index_cast %swap3A_1022 : i32 to index
          %swap3A_1024 = arith.index_cast %add3A_899 : i32 to index
          %swap3A_1025 = arith.constant 96 : index
          %swap3A_1026 = tpu.vector_load %arg23[%swap3A_1023, %swap3A_1024, %swap3A_1025] {strides = array<i32>} : memref<2x80x128xf32, #tpu.memory_space<vmem>>, vector<16xf32>,
          tpu.vector_store %arg23[%swap3A_1023, %swap3A_1024, %swap3A_1025], %max3A_1021 {strides = array<i32>} : memref<2x80x128xf32, #tpu.memory_space<vmem>>, vector<16xf32>,
          %get3A_1027 = arith.constant 0 : i32
          %get3A_1028 = arith.index_cast %get3A_1027 : i32 to index
          %get3A_1029 = arith.index_cast %add3A_899 : i32 to index
          %get3A_1030 = arith.constant 112 : index
          %get3A_1031 = tpu.vector_load %arg23[%get3A_1028, %get3A_1029, %get3A_1030] {strides = array<i32>} : memref<2x80x128xf32, #tpu.memory_space<vmem>>, vector<16xf32>,
          %mul3A_1032 = arith.mulf %get3A_1031, %div3A_907 : vector<16xf32>
          %get3A_1033 = arith.constant 112 : index
          %get3A_1034 = tpu.vector_load %arg28[%get3A_1033] {strides = array<i32>} : memref<128xf32, #tpu.memory_space<vmem>>, vector<16xf32>,
          %add3A_1035 = arith.addf %mul3A_1032, %get3A_1034 : vector<16xf32>
          %max3A_1036 = arith.constant 0.000000e+00 : f32
          %max3A_1037 = vector.broadcast %max3A_1036 : f32 to vector<16xf32>
          %max3A_1038 = arith.maximumf %add3A_1035, %max3A_1037 : vector<16xf32>
          %swap3A_1039 = arith.constant 0 : i32
          %swap3A_1040 = arith.index_cast %swap3A_1039 : i32 to index
          %swap3A_1041 = arith.index_cast %add3A_899 : i32 to index
          %swap3A_1042 = arith.constant 112 : index
          %swap3A_1043 = tpu.vector_load %arg23[%swap3A_1040, %swap3A_1041, %swap3A_1042] {strides = array<i32>} : memref<2x80x128xf32, #tpu.memory_space<vmem>>, vector<16xf32>,
          tpu.vector_store %arg23[%swap3A_1040, %swap3A_1041, %swap3A_1042], %max3A_1038 {strides = array<i32>} : memref<2x80x128xf32, #tpu.memory_space<vmem>>, vector<16xf32>,
        }
        %scan3A_452 = arith.constant 20 : i32
        %run_scoped3A_453 = arith.constant 0 : i32
        "tpu.region"() ({
          %run_scoped3A_454 = tpu.sem_alloc : memref<!tpu.dma_semaphore, #tpu.memory_space<semaphore_mem>>
          %dma_start3A_455 = arith.constant 0 : i32
          %dma_start3A_456 = arith.constant 0 : i32
          %dma_start3A_457 = tpu.memref_slice %arg23[%run_scoped3A_453, %dma_start3A_455, %dma_start3A_456] : memref<2x80x128xf32, #tpu.memory_space<vmem>> -> memref<1x80x128xf32, #tpu.memory_space<vmem>>
          %dma_start3A_458 = tpu.memref_squeeze %dma_start3A_457 : memref<1x80x128xf32, #tpu.memory_space<vmem>> -> memref<80x128xf32, #tpu.memory_space<vmem>>
          %dma_start3A_459 = arith.constant 0 : i32
          %dma_start3A_460 = tpu.memref_slice %arg8[%arg0, %add3A_444, %dma_start3A_459] : memref<2x10000x128xf32, #tpu.memory_space<hbm>> -> memref<1x80x128xf32, #tpu.memory_space<hbm>>
          %dma_start3A_461 = tpu.memref_squeeze %dma_start3A_460 : memref<1x80x128xf32, #tpu.memory_space<hbm>> -> memref<80x128xf32, #tpu.memory_space<hbm>>
          %dma_start3A_462 = arith.constant 0 : i32
          %dma_start3A_463 = tpu.memref_slice %arg8[%arg0, %add3A_444, %dma_start3A_462] : memref<2x10000x128xf32, #tpu.memory_space<hbm>> -> memref<1x80x128xf32, #tpu.memory_space<hbm>>
          %dma_start3A_464 = tpu.memref_squeeze %dma_start3A_463 : memref<1x80x128xf32, #tpu.memory_space<hbm>> -> memref<80x128xf32, #tpu.memory_space<hbm>>
          %dma_start3A_465 = arith.constant 0 : i32
          %dma_start3A_466 = arith.constant 0 : i32
          %dma_start3A_467 = tpu.memref_slice %arg23[%run_scoped3A_453, %dma_start3A_465, %dma_start3A_466] : memref<2x80x128xf32, #tpu.memory_space<vmem>> -> memref<1x80x128xf32, #tpu.memory_space<vmem>>
          %dma_start3A_468 = tpu.memref_squeeze %dma_start3A_467 : memref<1x80x128xf32, #tpu.memory_space<vmem>> -> memref<80x128xf32, #tpu.memory_space<vmem>>
          tpu.enqueue_dma source(%dma_start3A_468 : memref<80x128xf32, #tpu.memory_space<vmem>>) target(%dma_start3A_464 : memref<80x128xf32, #tpu.memory_space<hbm>>) target_semaphore(%run_scoped3A_454 : memref<!tpu.dma_semaphore, #tpu.memory_space<semaphore_mem>>)
          %dma_wait3A_469 = arith.constant 0 : i32
          %dma_wait3A_470 = arith.constant 0 : i32
          %dma_wait3A_471 = tpu.memref_slice %arg23[%run_scoped3A_453, %dma_wait3A_469, %dma_wait3A_470] : memref<2x80x128xf32, #tpu.memory_space<vmem>> -> memref<1x80x128xf32, #tpu.memory_space<vmem>>
          %dma_wait3A_472 = tpu.memref_squeeze %dma_wait3A_471 : memref<1x80x128xf32, #tpu.memory_space<vmem>> -> memref<80x128xf32, #tpu.memory_space<vmem>>
          %dma_wait3A_473 = arith.constant 0 : i32
          %dma_wait3A_474 = tpu.memref_slice %arg8[%arg0, %add3A_444, %dma_wait3A_473] : memref<2x10000x128xf32, #tpu.memory_space<hbm>> -> memref<1x80x128xf32, #tpu.memory_space<hbm>>
          %dma_wait3A_475 = tpu.memref_squeeze %dma_wait3A_474 : memref<1x80x128xf32, #tpu.memory_space<hbm>> -> memref<80x128xf32, #tpu.memory_space<hbm>>
          %dma_wait3A_476 = arith.constant 0 : i32
          %dma_wait3A_477 = tpu.memref_slice %arg8[%arg0, %add3A_444, %dma_wait3A_476] : memref<2x10000x128xf32, #tpu.memory_space<hbm>> -> memref<1x80x128xf32, #tpu.memory_space<hbm>>
          %dma_wait3A_478 = tpu.memref_squeeze %dma_wait3A_477 : memref<1x80x128xf32, #tpu.memory_space<hbm>> -> memref<80x128xf32, #tpu.memory_space<hbm>>
          %dma_wait3A_479 = arith.constant 0 : i32
          %dma_wait3A_480 = arith.constant 0 : i32
          %dma_wait3A_481 = tpu.memref_slice %arg23[%run_scoped3A_453, %dma_wait3A_479, %dma_wait3A_480] : memref<2x80x128xf32, #tpu.memory_space<vmem>> -> memref<1x80x128xf32, #tpu.memory_space<vmem>>
          %dma_wait3A_482 = tpu.memref_squeeze %dma_wait3A_481 : memref<1x80x128xf32, #tpu.memory_space<vmem>> -> memref<80x128xf32, #tpu.memory_space<vmem>>
          tpu.wait_dma2 semaphore(%run_scoped3A_454 : memref<!tpu.dma_semaphore, #tpu.memory_space<semaphore_mem>>) src(%dma_wait3A_482 : memref<80x128xf32, #tpu.memory_space<vmem>>) dst(%dma_wait3A_478 : memref<80x128xf32, #tpu.memory_space<hbm>>)
          tpu.yield
        }) : () -> ()
      } else {
      }
    }
    %scan3A_438 = arith.constant 8 : i32
    return
  }
}

module attributes {stable_mosaic.version = 14 : i64} {
  func.func @_escore_body(%arg0: i32, %arg1: i32, %arg2: memref<200x1024xf32, #tpu.memory_space<vmem>>, %arg3: memref<200x1024xf32, #tpu.memory_space<vmem>>, %arg4: memref<1x1024x64xf32, #tpu.memory_space<vmem>>, %arg5: memref<1x200x64xf32, #tpu.memory_space<vmem>>) attributes {dimension_semantics = [#tpu.dimension_semantics<arbitrary>, #tpu.dimension_semantics<arbitrary>], iteration_bounds = array<i64: 2, 25>, scalar_prefetch = 0 : i64, scratch_operands = 0 : i64, tpu.core_type = #tpu.core_type<tc>, window_params = [{transform_indices = @transform_0, window_bounds = array<i64: 200, 1024>}, {transform_indices = @transform_1, window_bounds = array<i64: 200, 1024>}, {transform_indices = @transform_2, window_bounds = array<i64: 1, 1024, 64>}, {transform_indices = @transform_3, window_bounds = array<i64: 1, 200, 64>}]} {
    %eq3A = arith.constant 0 : i32
    %eq3A_0 = arith.cmpi eq, %arg0, %eq3A : i32
    %convert_element_type3A = arith.extui %eq3A_0 : i1 to i32
    %cond3A = arith.constant 0 : i32
    %cond3A_1 = arith.cmpi ne, %convert_element_type3A, %cond3A : i32
    scf.if %cond3A_1 {
      %get3A = arith.constant 0 : index
      %get3A_7 = arith.constant 0 : index
      %get3A_8 = vector.load %arg2[%get3A, %get3A_7] : memref<200x1024xf32, #tpu.memory_space<vmem>>, vector<200x1024xf32>
      %get3A_9 = arith.constant 0 : index
      %get3A_10 = arith.constant 0 : index
      %get3A_11 = arith.constant 0 : index
      %get3A_12 = vector.load %arg4[%get3A_9, %get3A_10, %get3A_11] : memref<1x1024x64xf32, #tpu.memory_space<vmem>>, vector<1x1024x64xf32>
      %get3A_13 = vector.shape_cast %get3A_12 : vector<1x1024x64xf32> to vector<1024x64xf32>
      %dot_general3A = arith.constant dense<0.000000e+00> : vector<200x64xf32>
      %dot_general3A_14 = tpu.matmul %get3A_8, %get3A_13, %dot_general3A {dimension_numbers = #tpu.dot_dimension_numbers<[1], [0], [0], [1], [0, 0, 1, 1], [], []>, transpose_lhs_hint = false} : vector<200x1024xf32>, vector<1024x64xf32>, vector<200x64xf32> -> vector<200x64xf32>
      %broadcast_in_dim3A = vector.shape_cast %dot_general3A_14 : vector<200x64xf32> to vector<1x200x64xf32>
      %swap3A = arith.constant 0 : index
      %swap3A_15 = arith.constant 0 : index
      %swap3A_16 = arith.constant 0 : index
      %swap3A_17 = vector.load %arg5[%swap3A, %swap3A_15, %swap3A_16] : memref<1x200x64xf32, #tpu.memory_space<vmem>>, vector<1x200x64xf32>
      tpu.vector_store %arg5[%swap3A, %swap3A_15, %swap3A_16], %broadcast_in_dim3A {strides = array<i32>} : memref<1x200x64xf32, #tpu.memory_space<vmem>>, vector<1x200x64xf32>,
    } else {
    }
    %eq3A_2 = arith.constant 1 : i32
    %eq3A_3 = arith.cmpi eq, %arg0, %eq3A_2 : i32
    %convert_element_type3A_4 = arith.extui %eq3A_3 : i1 to i32
    %cond3A_5 = arith.constant 0 : i32
    %cond3A_6 = arith.cmpi ne, %convert_element_type3A_4, %cond3A_5 : i32
    scf.if %cond3A_6 {
      %get3A = arith.constant 0 : index
      %get3A_7 = arith.constant 0 : index
      %get3A_8 = vector.load %arg3[%get3A, %get3A_7] : memref<200x1024xf32, #tpu.memory_space<vmem>>, vector<200x1024xf32>
      %get3A_9 = arith.constant 0 : index
      %get3A_10 = arith.constant 0 : index
      %get3A_11 = arith.constant 0 : index
      %get3A_12 = vector.load %arg4[%get3A_9, %get3A_10, %get3A_11] : memref<1x1024x64xf32, #tpu.memory_space<vmem>>, vector<1x1024x64xf32>
      %get3A_13 = vector.shape_cast %get3A_12 : vector<1x1024x64xf32> to vector<1024x64xf32>
      %dot_general3A = arith.constant dense<0.000000e+00> : vector<200x64xf32>
      %dot_general3A_14 = tpu.matmul %get3A_8, %get3A_13, %dot_general3A {dimension_numbers = #tpu.dot_dimension_numbers<[1], [0], [0], [1], [0, 0, 1, 1], [], []>, transpose_lhs_hint = false} : vector<200x1024xf32>, vector<1024x64xf32>, vector<200x64xf32> -> vector<200x64xf32>
      %broadcast_in_dim3A = vector.shape_cast %dot_general3A_14 : vector<200x64xf32> to vector<1x200x64xf32>
      %swap3A = arith.constant 0 : index
      %swap3A_15 = arith.constant 0 : index
      %swap3A_16 = arith.constant 0 : index
      %swap3A_17 = vector.load %arg5[%swap3A, %swap3A_15, %swap3A_16] : memref<1x200x64xf32, #tpu.memory_space<vmem>>, vector<1x200x64xf32>
      tpu.vector_store %arg5[%swap3A, %swap3A_15, %swap3A_16], %broadcast_in_dim3A {strides = array<i32>} : memref<1x200x64xf32, #tpu.memory_space<vmem>>, vector<1x200x64xf32>,
    } else {
    }
    return
  }
  func.func @transform_0(%arg0: i32, %arg1: i32) -> (i32, i32) {
    %c0_i32 = arith.constant 0 : i32
    %c0_i32_0 = arith.constant 0 : i32
    return %arg1, %c0_i32 : i32, i32
  }
  func.func @transform_1(%arg0: i32, %arg1: i32) -> (i32, i32) {
    %c0_i32 = arith.constant 0 : i32
    %c0_i32_0 = arith.constant 0 : i32
    return %arg1, %c0_i32 : i32, i32
  }
  func.func @transform_2(%arg0: i32, %arg1: i32) -> (i32, i32, i32) {
    %c0_i32 = arith.constant 0 : i32
    %c0_i32_0 = arith.constant 0 : i32
    %c0_i32_1 = arith.constant 0 : i32
    return %arg0, %c0_i32, %c0_i32_0 : i32, i32, i32
  }
  func.func @transform_3(%arg0: i32, %arg1: i32) -> (i32, i32, i32) {
    %c0_i32 = arith.constant 0 : i32
    %c0_i32_0 = arith.constant 0 : i32
    return %arg0, %arg1, %c0_i32 : i32, i32, i32
  }
}

module attributes {stable_mosaic.version = 14 : i64} {
  func.func @_prep_body(%arg0: i32, %arg1: i32, %arg2: memref<1024x128xf32, #tpu.memory_space<vmem>>, %arg3: memref<1024x128xf32, #tpu.memory_space<vmem>>, %arg4: memref<1x128x256xf32, #tpu.memory_space<vmem>>, %arg5: memref<1024x128xf32, #tpu.memory_space<vmem>>, %arg6: memref<1x1024x2xf32, #tpu.memory_space<vmem>>) attributes {dimension_semantics = [#tpu.dimension_semantics<arbitrary>, #tpu.dimension_semantics<arbitrary>], iteration_bounds = array<i64: 2, 10>, scalar_prefetch = 0 : i64, scratch_operands = 0 : i64, tpu.core_type = #tpu.core_type<tc>, window_params = [{transform_indices = @transform_0, window_bounds = array<i64: 1024, 128>}, {transform_indices = @transform_1, window_bounds = array<i64: 1024, 128>}, {transform_indices = @transform_2, window_bounds = array<i64: 1, 128, 256>}, {transform_indices = @transform_3, window_bounds = array<i64: 1024, 128>}, {transform_indices = @transform_4, window_bounds = array<i64: 1, 1024, 2>}]} {
    %eq3A = arith.constant 0 : i32
    %eq3A_0 = arith.cmpi eq, %arg0, %eq3A : i32
    %convert_element_type3A = arith.extui %eq3A_0 : i1 to i32
    %cond3A = arith.constant 0 : i32
    %cond3A_1 = arith.cmpi ne, %convert_element_type3A, %cond3A : i32
    scf.if %cond3A_1 {
      %get3A = arith.constant 0 : index
      %get3A_7 = arith.constant 0 : index
      %get3A_8 = vector.load %arg2[%get3A, %get3A_7] : memref<1024x128xf32, #tpu.memory_space<vmem>>, vector<1024x128xf32>
      %get3A_9 = arith.constant 0 : index
      %get3A_10 = arith.constant 0 : index
      %get3A_11 = arith.constant 0 : index
      %get3A_12 = vector.load %arg4[%get3A_9, %get3A_10, %get3A_11] : memref<1x128x256xf32, #tpu.memory_space<vmem>>, vector<1x128x256xf32>
      %get3A_13 = vector.shape_cast %get3A_12 : vector<1x128x256xf32> to vector<128x256xf32>
      %dot_general3A = arith.constant dense<0.000000e+00> : vector<1024x256xf32>
      %dot_general3A_14 = tpu.matmul %get3A_8, %get3A_13, %dot_general3A {dimension_numbers = #tpu.dot_dimension_numbers<[1], [0], [0], [1], [0, 0, 1, 1], [], []>, transpose_lhs_hint = false} : vector<1024x128xf32>, vector<128x256xf32>, vector<1024x256xf32> -> vector<1024x256xf32>
      %slice3A = vector.extract_strided_slice %dot_general3A_14 {offsets = [0, 0], sizes = [1024, 128], strides = [1, 1]} : vector<1024x256xf32> to vector<1024x128xf32>
      %swap3A = arith.constant 0 : index
      %swap3A_15 = arith.constant 0 : index
      %swap3A_16 = vector.load %arg5[%swap3A, %swap3A_15] : memref<1024x128xf32, #tpu.memory_space<vmem>>, vector<1024x128xf32>
      tpu.vector_store %arg5[%swap3A, %swap3A_15], %slice3A {strides = array<i32>} : memref<1024x128xf32, #tpu.memory_space<vmem>>, vector<1024x128xf32>,
      %slice3A_17 = vector.extract_strided_slice %dot_general3A_14 {offsets = [0, 128], sizes = [1024, 2], strides = [1, 1]} : vector<1024x256xf32> to vector<1024x2xf32>
      %broadcast_in_dim3A = vector.shape_cast %slice3A_17 : vector<1024x2xf32> to vector<1x1024x2xf32>
      %swap3A_18 = arith.constant 0 : index
      %swap3A_19 = arith.constant 0 : index
      %swap3A_20 = arith.constant 0 : index
      %swap3A_21 = vector.load %arg6[%swap3A_18, %swap3A_19, %swap3A_20] : memref<1x1024x2xf32, #tpu.memory_space<vmem>>, vector<1x1024x2xf32>
      tpu.vector_store %arg6[%swap3A_18, %swap3A_19, %swap3A_20], %broadcast_in_dim3A {strides = array<i32>} : memref<1x1024x2xf32, #tpu.memory_space<vmem>>, vector<1x1024x2xf32>,
    } else {
    }
    %eq3A_2 = arith.constant 1 : i32
    %eq3A_3 = arith.cmpi eq, %arg0, %eq3A_2 : i32
    %convert_element_type3A_4 = arith.extui %eq3A_3 : i1 to i32
    %cond3A_5 = arith.constant 0 : i32
    %cond3A_6 = arith.cmpi ne, %convert_element_type3A_4, %cond3A_5 : i32
    scf.if %cond3A_6 {
      %get3A = arith.constant 0 : index
      %get3A_7 = arith.constant 0 : index
      %get3A_8 = vector.load %arg3[%get3A, %get3A_7] : memref<1024x128xf32, #tpu.memory_space<vmem>>, vector<1024x128xf32>
      %get3A_9 = arith.constant 0 : index
      %get3A_10 = arith.constant 0 : index
      %get3A_11 = arith.constant 0 : index
      %get3A_12 = vector.load %arg4[%get3A_9, %get3A_10, %get3A_11] : memref<1x128x256xf32, #tpu.memory_space<vmem>>, vector<1x128x256xf32>
      %get3A_13 = vector.shape_cast %get3A_12 : vector<1x128x256xf32> to vector<128x256xf32>
      %dot_general3A = arith.constant dense<0.000000e+00> : vector<1024x256xf32>
      %dot_general3A_14 = tpu.matmul %get3A_8, %get3A_13, %dot_general3A {dimension_numbers = #tpu.dot_dimension_numbers<[1], [0], [0], [1], [0, 0, 1, 1], [], []>, transpose_lhs_hint = false} : vector<1024x128xf32>, vector<128x256xf32>, vector<1024x256xf32> -> vector<1024x256xf32>
      %slice3A = vector.extract_strided_slice %dot_general3A_14 {offsets = [0, 0], sizes = [1024, 128], strides = [1, 1]} : vector<1024x256xf32> to vector<1024x128xf32>
      %swap3A = arith.constant 0 : index
      %swap3A_15 = arith.constant 0 : index
      %swap3A_16 = vector.load %arg5[%swap3A, %swap3A_15] : memref<1024x128xf32, #tpu.memory_space<vmem>>, vector<1024x128xf32>
      tpu.vector_store %arg5[%swap3A, %swap3A_15], %slice3A {strides = array<i32>} : memref<1024x128xf32, #tpu.memory_space<vmem>>, vector<1024x128xf32>,
      %slice3A_17 = vector.extract_strided_slice %dot_general3A_14 {offsets = [0, 128], sizes = [1024, 2], strides = [1, 1]} : vector<1024x256xf32> to vector<1024x2xf32>
      %broadcast_in_dim3A = vector.shape_cast %slice3A_17 : vector<1024x2xf32> to vector<1x1024x2xf32>
      %swap3A_18 = arith.constant 0 : index
      %swap3A_19 = arith.constant 0 : index
      %swap3A_20 = arith.constant 0 : index
      %swap3A_21 = vector.load %arg6[%swap3A_18, %swap3A_19, %swap3A_20] : memref<1x1024x2xf32, #tpu.memory_space<vmem>>, vector<1x1024x2xf32>
      tpu.vector_store %arg6[%swap3A_18, %swap3A_19, %swap3A_20], %broadcast_in_dim3A {strides = array<i32>} : memref<1x1024x2xf32, #tpu.memory_space<vmem>>, vector<1x1024x2xf32>,
    } else {
    }
    return
  }
  func.func @transform_0(%arg0: i32, %arg1: i32) -> (i32, i32) {
    %c0_i32 = arith.constant 0 : i32
    %c0_i32_0 = arith.constant 0 : i32
    return %arg1, %c0_i32 : i32, i32
  }
  func.func @transform_1(%arg0: i32, %arg1: i32) -> (i32, i32) {
    %c0_i32 = arith.constant 0 : i32
    %c0_i32_0 = arith.constant 0 : i32
    return %arg1, %c0_i32 : i32, i32
  }
  func.func @transform_2(%arg0: i32, %arg1: i32) -> (i32, i32, i32) {
    %c0_i32 = arith.constant 0 : i32
    %c0_i32_0 = arith.constant 0 : i32
    %c0_i32_1 = arith.constant 0 : i32
    return %arg0, %c0_i32, %c0_i32_0 : i32, i32, i32
  }
  func.func @transform_3(%arg0: i32, %arg1: i32) -> (i32, i32) {
    %mul3A = arith.constant 10 : i32
    %mul3A_0 = arith.muli %arg0, %mul3A : i32
    %add3A = arith.addi %mul3A_0, %arg1 : i32
    %c0_i32 = arith.constant 0 : i32
    %c0_i32_1 = arith.constant 0 : i32
    return %add3A, %c0_i32 : i32, i32
  }
  func.func @transform_4(%arg0: i32, %arg1: i32) -> (i32, i32, i32) {
    %c0_i32 = arith.constant 0 : i32
    %c0_i32_0 = arith.constant 0 : i32
    return %arg0, %arg1, %c0_i32 : i32, i32, i32
  }
}

module attributes {stable_mosaic.version = 14 : i64} {
  func.func @_flat_body(%arg0: memref<2x320000xi32, #tpu.memory_space<vmem>>, %arg1: memref<2x320000xi32, #tpu.memory_space<vmem>>, %arg2: memref<640000xi32, #tpu.memory_space<vmem>>, %arg3: memref<640000xi32, #tpu.memory_space<vmem>>) attributes {dimension_semantics = [], scalar_prefetch = 0 : i64, scratch_operands = 0 : i64, tpu.core_type = #tpu.core_type<tc>} {
    %get3A = arith.constant 0 : index
    %get3A_0 = arith.constant 0 : index
    %get3A_1 = vector.load %arg0[%get3A, %get3A_0] : memref<2x320000xi32, #tpu.memory_space<vmem>>, vector<1x320000xi32>
    %get3A_2 = vector.shape_cast %get3A_1 : vector<1x320000xi32> to vector<320000xi32>
    %swap3A = arith.constant 0 : index
    %swap3A_3 = vector.load %arg2[%swap3A] : memref<640000xi32, #tpu.memory_space<vmem>>, vector<320000xi32>
    tpu.vector_store %arg2[%swap3A], %get3A_2 {strides = array<i32>} : memref<640000xi32, #tpu.memory_space<vmem>>, vector<320000xi32>,
    %get3A_4 = arith.constant 0 : index
    %get3A_5 = arith.constant 0 : index
    %get3A_6 = vector.load %arg1[%get3A_4, %get3A_5] : memref<2x320000xi32, #tpu.memory_space<vmem>>, vector<1x320000xi32>
    %get3A_7 = vector.shape_cast %get3A_6 : vector<1x320000xi32> to vector<320000xi32>
    %swap3A_8 = arith.constant 320000 : index
    %swap3A_9 = vector.load %arg2[%swap3A_8] : memref<640000xi32, #tpu.memory_space<vmem>>, vector<320000xi32>
    tpu.vector_store %arg2[%swap3A_8], %get3A_7 {strides = array<i32>} : memref<640000xi32, #tpu.memory_space<vmem>>, vector<320000xi32>,
    %get3A_10 = arith.constant 1 : index
    %get3A_11 = arith.constant 0 : index
    %get3A_12 = vector.load %arg0[%get3A_10, %get3A_11] : memref<2x320000xi32, #tpu.memory_space<vmem>>, vector<1x320000xi32>
    %get3A_13 = vector.shape_cast %get3A_12 : vector<1x320000xi32> to vector<320000xi32>
    %swap3A_14 = arith.constant 0 : index
    %swap3A_15 = vector.load %arg3[%swap3A_14] : memref<640000xi32, #tpu.memory_space<vmem>>, vector<320000xi32>
    tpu.vector_store %arg3[%swap3A_14], %get3A_13 {strides = array<i32>} : memref<640000xi32, #tpu.memory_space<vmem>>, vector<320000xi32>,
    %get3A_16 = arith.constant 1 : index
    %get3A_17 = arith.constant 0 : index
    %get3A_18 = vector.load %arg1[%get3A_16, %get3A_17] : memref<2x320000xi32, #tpu.memory_space<vmem>>, vector<1x320000xi32>
    %get3A_19 = vector.shape_cast %get3A_18 : vector<1x320000xi32> to vector<320000xi32>
    %swap3A_20 = arith.constant 320000 : index
    %swap3A_21 = vector.load %arg3[%swap3A_20] : memref<640000xi32, #tpu.memory_space<vmem>>, vector<320000xi32>
    tpu.vector_store %arg3[%swap3A_20], %get3A_19 {strides = array<i32>} : memref<640000xi32, #tpu.memory_space<vmem>>, vector<320000xi32>,
    return
  }
}

</mosaic_0001>

<sc_bundles>
// kernel: kernel.6.cloned.1.call-start
scs
__scs_entry_jumppad:
0x0: {  	(pc) =	sbr.rel $0x88, $3  }
0x1: {  	(tag) =	ssettag $0x0;
	lr =	simm.s32 $0x1  }
0x2: {  	[smem:$0x3F8F] =	sst lr;
	_ =	strace $0xD0000000  }
0x3: {  	_ = 	snop  }
0x4: {  	_ = 	snop  }
0x5: {  	_ = 	snop  }
0x6: {  	_ = 	snop  }
0x7: {  	_ = 	snop  }
__scs_overlays_trampoline_lowered:
0x8: {  	[smem:$0x3F9E] =	sst s0  }
0x9: {  	[smem:$0x3F9F] =	sst s1  }
0xa: {  	[smem:$0x3FA0] =	sst s2  }
0xb: {  	[smem:$0x3FA1] =	sst s3  }
0xc: {  	[smem:$0x3FA2] =	sst s4  }
0xd: {  	[smem:$0x3FA3] =	sst s5  }
0xe: {  	[smem:$0x3FA4] =	sst s6  }
0xf: {  	[smem:$0x3FA5] =	sst s7  }
0x10: {  	[smem:$0x3FA6] =	sst s8  }
0x11: {  	[smem:$0x3FA7] =	sst s9;
	s0 =	simm.s32 @!p0 $0x0  }
0x12: {  	s1 =	sld [smem:$0x3F8D];
	s0 =	simm.s32 @p0 $0x1  }
0x13: {  	[smem:$0x3FA8] =	sst s0;
	s0 =	simm.s32 @!p1 $0x0  }
0x14: {  	s2 =	sld [smem:$0x3F8C];
	s0 =	simm.s32 @p1 $0x1  }
0x15: {  	[smem:$0x3FA9] =	sst s0;
	s0 =	simm.s32 @!p2 $0x0  }
0x16: {  	s3 =	sld [smem:$0x3FDB];
	s0 =	simm.s32 @p2 $0x1  }
0x17: {  	s4 =	simm.s32 $0x1BF5;
	[smem:$0x3FAB] =	sst s0  }
0x18: {  	s0 =	sld [smem:$0x3F8E];
	_ =	swait.ge [sflag:s4], $0x0  }
0x19: {  	s7 =	sld [smem:$0x3F8F]  }
0x1a: {  	s8 =	sadd.s32 $0xFFFFE003, lr  }
0x1b: {  	s9 =	sadd.s32 $0xFFFFFEF7, lr;
	s5 =	simm.s32 $0xFFFFFFFF;
	p2 =	slt.u32 s8, $0xFFFFF086  }
0x1c: {  	p1 =	slt.u32 s9, $0xF7A;
	s5 =	simm.s32 @!p2 $0x0  }
0x1d: {  	s5 =	simm.s32 @p1 $0x1;
	p0 =	seq.s32 s7, s2  }
0x1e: {  	s7 =	smul.u32 @!p0 $0xF7A, s2;
	p2 =	seq.s32 @!p0 s5, $0x0  }
0x1f: {  	s9 =	smul.u32 $0xF7A, s1;
	s8 =	simm.s32 @!p0 $0x1BF5;
	p2 =	por !p2, p0  }
0x20: {  	[sflag:s8] =	ssyncset.s32 @!p0 $0xFFFFF086;
	s6 =	sadd.s32 @!p0 s3, s7;
	s7 =	simm.s32 @!p0 $0x108  }
0x21: {  	s3 =	sadd.s32 s3, s9;
	s6 =	sadd.s32 @!p0 $0x88, s6;
	s7 =	simm.s32 @p2 $0x1082  }
0x22: {  	[simem:s7], [sflag:s8] =	dma.local @!p0 [hbm:s6], $0xF7A  }
0x23: {  	s9 =	sor.u32 $0xD0000000, s2;
	s6 =	simm.s32 $0x108;
	_ =	swait.ge @!p0 [sflag:s8], $0x0  }
0x24: {  	s3 =	sadd.s32 $0x88, s3;
	s6 =	simm.s32 @!p1 $0x1082;
	[sflag:s4] =	ssyncset.s32 $0xFFFFF086  }
0x25: {  	[simem:s6], [sflag:s4] =	dma.local [hbm:s3], $0xF7A  }
0x26: {  	[smem:$0x3F8F] =	sst s1;
	(tag) =	ssettag s2;
	_ =	strace s9  }
0x27: {  	s1 =	sld [smem:$0x3F9F]  }
0x28: {  	s2 =	sld [smem:$0x3FA0]  }
0x29: {  	s4 =	sld [smem:$0x3FA2]  }
0x2a: {  	p0 =	seq.s32 s5, $0x0;
	s5 =	sld [smem:$0x3FA3]  }
0x2b: {  	s6 =	sld [smem:$0x3FA4]  }
0x2c: {  	s7 =	sld [smem:$0x3FA5]  }
0x2d: {  	s3 =	simm.s32 $0x108;
	s8 =	sld [smem:$0x3FA6]  }
0x2e: {  	s3 =	simm.s32 @!p0 $0x1082;
	s9 =	sld [smem:$0x3FA7]  }
0x2f: {  	lr =	sadd.s32 s0, s3;
	s0 =	sld [smem:$0x3F9E]  }
0x30: {  	s3 =	sld [smem:$0x3FA1]  }
0x31: {  	[smem:$0x3FAA] =	sst s10  }
0x32: {  	s10 =	sld [smem:$0x3FA8];
	_ =	sdelay $0x3  }
0x33: {  	p0 =	seq.s32 s10, $0x1;
	s10 =	sld [smem:$0x3FAA];
	_ =	sdelay $0x3  }
0x34: {  	[smem:$0x3FAA] =	sst s10  }
0x35: {  	s10 =	sld [smem:$0x3FA9];
	_ =	sdelay $0x3  }
0x36: {  	p1 =	seq.s32 s10, $0x1;
	s10 =	sld [smem:$0x3FAA];
	_ =	sdelay $0x3  }
0x37: {  	[smem:$0x3FAA] =	sst s10  }
0x38: {  	s10 =	sld [smem:$0x3FAB]  }
0x39: {  	_ = 	snop;
	(pc) =	sbr.ind lr, $3  }
0x3a: {  	_ = 	snop  }
0x3b: {  	_ = 	snop  }
0x3c: {  	p2 =	seq.s32 s10, $0x1;
	s10 =	sld [smem:$0x3FAA]  }
0x3d: {  	_ =	shalt  }
0x3e: {  	_ =	shalt  }
0x3f: {  	_ =	shalt  }
0x40: {  	_ =	shalt  }
0x41: {  	_ =	shalt  }
0x42: {  	_ =	shalt  }
0x43: {  	_ =	shalt  }
0x44: {  	_ =	shalt  }
0x45: {  	_ =	shalt  }
0x46: {  	_ =	shalt  }
0x47: {  	_ =	shalt  }
0x48: {  	_ =	shalt  }
0x49: {  	_ =	shalt  }
0x4a: {  	_ =	shalt  }
0x4b: {  	_ =	shalt  }
0x4c: {  	_ =	shalt  }
0x4d: {  	_ =	shalt  }
0x4e: {  	_ =	shalt  }
0x4f: {  	_ =	shalt  }
0x50: {  	_ =	shalt  }
0x51: {  	_ =	shalt  }
0x52: {  	_ =	shalt  }
0x53: {  	_ =	shalt  }
0x54: {  	_ =	shalt  }
0x55: {  	_ =	shalt  }
0x56: {  	_ =	shalt  }
0x57: {  	_ =	shalt  }
0x58: {  	_ =	shalt  }
0x59: {  	_ =	shalt  }
0x5a: {  	_ =	shalt  }
0x5b: {  	_ =	shalt  }
0x5c: {  	_ =	shalt  }
0x5d: {  	_ =	shalt  }
0x5e: {  	_ =	shalt  }
0x5f: {  	_ =	shalt  }
0x60: {  	_ =	shalt  }
0x61: {  	_ =	shalt  }
0x62: {  	_ =	shalt  }
0x63: {  	_ =	shalt  }
0x64: {  	_ =	shalt  }
0x65: {  	_ =	shalt  }
0x66: {  	_ =	shalt  }
0x67: {  	_ =	shalt  }
0x68: {  	_ =	shalt  }
0x69: {  	_ =	shalt  }
0x6a: {  	_ =	shalt  }
0x6b: {  	_ =	shalt  }
0x6c: {  	_ =	shalt  }
0x6d: {  	_ =	shalt  }
0x6e: {  	_ =	shalt  }
0x6f: {  	_ =	shalt  }
0x70: {  	_ =	shalt  }
0x71: {  	_ =	shalt  }
0x72: {  	_ =	shalt  }
0x73: {  	_ =	shalt  }
0x74: {  	_ =	shalt  }
0x75: {  	_ =	shalt  }
0x76: {  	_ =	shalt  }
0x77: {  	_ =	shalt  }
0x78: {  	_ =	shalt  }
0x79: {  	_ =	shalt  }
0x7a: {  	_ =	shalt  }
0x7b: {  	_ =	shalt  }
0x7c: {  	_ =	shalt  }
0x7d: {  	_ =	shalt  }
0x7e: {  	_ =	shalt  }
0x7f: {  	_ =	shalt  }
0x80: {  	_ =	shalt  }
0x81: {  	_ =	shalt  }
0x82: {  	_ =	shalt  }
0x83: {  	_ =	shalt  }
0x84: {  	_ =	shalt  }
0x85: {  	_ =	shalt  }
0x86: {  	_ =	shalt  }
0x87: {  	_ =	shalt  }
.Lfunc_end0:
.L_simem_size_0:
called_computation_lowered:
.L_overlay_start_0:
0x88: {  	s2 =	sld [smem:$0x3FD9]  }
0x89: {  	s3 =	sld [smem:$0x3FFE];
	_ =	sdelay $0x1  }
0x8a: {  	s1 =	srdreg.scid  }
0x8b: {  	s0 =	sand.u32 $0x1, s1  }
0x8c: {  	s14 =	sshll.u32 s0, $0xA;
	s2 =	sadd.s32 s3, s2  }
0x8d: {  	s2 =	sadd.s32 s2, s14  }
0x8e: {  	[smem:$0x3FB6] =	sst s2  }
0x8f: {  	_ = 	snop  }
0x90: {  	s2 =	sld [smem:$0x3FD0];
	_ =	sdelay $0x2  }
0x91: {  	s15 =	simm.s32 $0xA;
	s4 =	simm.s32 $0x10  }
0x92: {  	[smem:s4], [sflag:s15] =	dma.local [hbm:s2], $0x1  }
0x93: {  	_ =	swait.eq [sflag:s15], $0x1  }
0x94: {  	[sflag:s15] =	ssyncset.done $0x0  }
0x95: {  	s16 =	sld [smem:$0x10];
	[sflag:s15] =	ssyncadd.s32 $0xFFFFFFFF  }
0x96: {  	s17 =	sld [smem:$0x11];
	(tm) =	ssettm $0x1  }
0x97: {  	s18 =	sld [smem:$0x3FFB];
	_ =	sdelay $0x3  }
0x98: {  	_ =	strace s18  }
0x99: {  	s4 =	sld [smem:$0x3FFC];
	_ =	sdelay $0x3  }
0x9a: {  	_ =	strace s4  }
0x9b: {  	s4 =	sld [smem:$0x3FFD];
	_ =	sdelay $0x3  }
0x9c: {  	_ =	strace s4  }
0x9d: {  	_ =	strace $0x8FFFFFFF  }
0x9e: {  	s19 =	sld [smem:$0x3FDB];
	_ =	sdelay $0x1  }
0x9f: {  	s5 =	simm.s32 $_scs_section_size  }
0xa0: {  	s6 =	simm.s32 $_size__tile_overlayer_lowered;
	s7 =	simm.s32 $_tile_overlayer_lowered  }
0xa1: {  	s22 =	simm.s32 $0x1BFF;
	s21 =	sshll.u32 s7, $0x1;
	s4 =	sadd.s32 s5, s19  }
0xa2: {  	s8 =	simm.s32 $0x0;
	s20 =	sshll.u32 s6, $0x1;
	s6 =	sadd.s32 s21, s4  }
0xa3: {  	[timem:s8], [sflag:s22] =	dma.local [hbm:s6], s20  }
0xa4: {  	_ =	swait.ge [sflag:s22], s20  }
0xa5: {  	s5 =	ssub.s32 $0x0, s20;
	[sflag:s22] =	ssyncset.done $0x0  }
0xa6: {  	[sflag:s22] =	ssyncadd.s32 s5;
	_ =	sdelay $0x1  }
0xa7: {  	s23 =	simm.s32 $0x1B8B  }
0xa8: {  	_ =	swait.ge [sflag:s23], $0x1  }
0xa9: {  	[sflag:s23] =	ssyncset.done $0x0  }
0xaa: {  	s25 =	simm.s32 $0x1B8E;
	s24 =	sld [smem:$0x3FFE];
	[sflag:s23] =	ssyncadd.s32 $0xFFFFFFFF  }
0xab: {  	s26 =	simm.s32 $execute0_lowered;
	[smem:$0x3FD2] =	sst s25  }
0xac: {  	s6 =	sshll.u32 s26, $0x1;
	_ =	strace $0x80000046;
	[dreg:$0x1] =	wrdreg $0xFFFFFFFF  }
0xad: {  	s28 =	simm.s32 $_size_execute0_lowered;
	s4 =	sadd.s32 s4, s6;
	[dreg:$0x0] =	wrdreg $0x0  }
0xae: {  	s6 =	sshll.u32 s28, $0x1;
	[dreg:$0x2] =	wrdreg s4  }
0xaf: {  	[dreg:$0x3] =	wrdreg s6  }
0xb0: {  	[dreg:$0x4] =	wrdreg $0xC0  }
0xb1: {  	_ =	task [dreg:s8], $0x5FFFF  }
0xb2: {  	[dreg:$0x1] =	wrdreg $0xFFFFFFFF  }
0xb3: {  	[dreg:$0x0] =	wrdreg $0x60  }
0xb4: {  	[dreg:$0x2] =	wrdreg s16  }
0xb5: {  	[dreg:$0x3] =	wrdreg s17  }
0xb6: {  	[dreg:$0x4] =	wrdreg s24  }
0xb7: {  	[dreg:$0x5] =	wrdreg $0xBD000  }
0xb8: {  	[dreg:$0x6] =	wrdreg $0x1F5800  }
0xb9: {  	[dreg:$0x7] =	wrdreg $0x1F7F80  }
0xba: {  	[dreg:$0x8] =	wrdreg $0x1FA700  }
0xbb: {  	[dreg:$0x9] =	wrdreg $0x9  }
0xbc: {  	_ =	task.clear_ibuf [dreg:s8], $0xAFFFF;
	_ =	strace $0x90000046  }
0xbd: {  	s29 =	simm.s32 $0x9;
	_ =	strace $0x80000048  }
0xbe: {  	_ =	swait.ge [sflag:s29], $0x1  }
0xbf: {  	[sflag:s29] =	ssyncadd.s32 $0xFFFFFFFF  }
0xc0: {  	_ =	strace $0x90000048  }
0xc1: {  	_ =	sfence  }
0xc2: {  	s30 =	sld [smem:$0x0];
	_ =	sdelay $0x2  }
0xc3: {  	s31 =	sshll.u32 s1, $0xD;
	s1 =	sshrl.u32 s1, $0x2  }
0xc4: {  	s3 =	sand.u32 $0x4000, s31;
	s1 =	sadd.s32 s1, s30  }
0xc5: {  	s0 =	sor.u32 s3, s0;
	s1 =	sshll.u32 s1, $0x11  }
0xc6: {  	s0 =	sor.u32 s1, s0  }
0xc7: {  	s0 =	sadd.s32 $0x8F2B, s0  }
0xc8: {  	[sflag:s0] =	ssyncadd.remote.s32 $0x1  }
0xc9: {  	_ =	sfence.sel $0xFFFF  }
0xca: {  	[dreg:$0x0] =	wrdreg $0xFFFFFFFF;
	(pc) =	sbr.abs _section_cstart, $3  }
0xcb: {  	[dreg:$0x1] =	wrdreg $0xFFFFFFFF  }
0xcc: {  	_ =	task.clear_ibuf [dreg:s8], $0x2FFFF;
	_ =	strace $0x9FFFFFFF  }
0xcd: {  	(tm) =	ssettm $0x7FFFFFFF  }
tec
execute0_lowered:
.L_overlay_start_1:
0x0: {  	(tag) =	ssettag $0x1  }
0x1: {  	s25 =	rddreg [dreg:$0x0]  }
0x2: {  	s28 =	rddreg [dreg:$0x1]  }
0x3: {  	s0 =	rddreg [dreg:$0x2]  }
0x4: {  	s3 =	rddreg [dreg:$0x3]  }
0x5: {  	s4 =	rddreg [dreg:$0x4]  }
0x6: {  	s5 =	rddreg [dreg:$0x5]  }
0x7: {  	s6 =	rddreg [dreg:$0x6]  }
0x8: {  	s1 =	srdreg.scid;
	s7 =	simm.s32 $0x0;
	s9 =	stileid.u32  }
0x9: {  	s1 =	sand.u32 $0x1, s1;
	[smem:$0x7FF] =	sst s7;
	s13 =	smul.u32 $0x4E20, s9  }
0xa: {  	s31 =	sadd.s32 $0x5600, s0;
	s10 =	sadd.s32 $0x69000, s0;
	s2 =	smul.u32 $0xA00, s1  }
0xb: {  	s17 =	sadd.s32 $0x19200, s0;
	_ =	strace $0x80000047;
	s8 =	smul.u32 $0x4E200, s1  }
0xc: {  	s11 =	sshll.u32 s1, $0x4;
	s18 =	smul.u32 $0x138800, s1;
	[dreg:$0x8] =	wrdreg s31  }
0xd: {  	s12 =	ssub.s32 $0x2, s1;
	[dreg:$0x9] =	wrdreg s17;
	s11 =	sadd.s32 s11, s0  }
0xe: {  	s19 =	sshrl.u32 s12, $0x1;
	s20 =	sadd.s32 $0x19000, s11;
	[dreg:$0x15] =	wrdreg s18  }
0xf: {  	s2 =	sadd.s32 s2, s0;
	s0 =	sadd.s32 s13, s8;
	[dreg:$0xb] =	wrdreg s20  }
0x10: {  	s12 =	ssub.s32 s12, s19;
	s2 =	sadd.s32 $0xB9000, s2;
	[dreg:$0xa] =	wrdreg s0  }
0x11: {  	s11 =	smul.u32 $0x280, s9;
	s15 =	smax.u32 s12, $0x1;
	[dreg:$0xc] =	wrdreg s2  }
0x12: {  	s13 =	smul.u32 $0x2800, s1;
	[dreg:$0x16] =	wrdreg s15  }
0x13: {  	s21 =	sshrl.u32 s0, $0x3;
	[dreg:$0xd] =	wrdreg s11  }
0x14: {  	s22 =	sadd.s32 s25, s21;
	[dreg:$0xe] =	wrdreg s13  }
0x15: {  	s14 =	sadd.s32 s28, s21;
	[dreg:$0xf] =	wrdreg s22  }
0x16: {  	s2 =	sadd.s32 s31, s21;
	[dreg:$0x10] =	wrdreg s14  }
0x17: {  	s23 =	sadd.s32 $0xA, s21;
	s15 =	sadd.s32 $0xF0, s0;
	[dreg:$0x11] =	wrdreg s2  }
0x18: {  	s29 =	simm.s32 $0x1;
	s24 =	sadd.s32 s25, s23;
	[smem:$0x7FD] =	sst s15  }
0x19: {  	s30 =	simm.s32 $0x50;
	s26 =	sadd.s32 s28, s23;
	[dreg:$0x12] =	wrdreg s24  }
0x1a: {  	s21 =	sadd.s32 $0x140, s11;
	s8 =	sadd.s32 s31, s23;
	[dreg:$0x13] =	wrdreg s26  }
0x1b: {  	p0 =	seq.s32 s9, $0xF;
	s22 =	sadd.s32 s21, s4;
	[dreg:$0x14] =	wrdreg s8  }
0x1c: {  	s14 =	sadd.s32 $0xA0, s11;
	s23 =	sadd.s32 s21, s5;
	[dreg:$0x1a] =	wrdreg s22  }
0x1d: {  	s1 =	sadd.s32 s21, s6;
	s21 =	simm.s32 $0x9;
	[dreg:$0x1b] =	wrdreg s23  }
0x1e: {  	s16 =	sadd.s32 s14, s4;
	s19 =	sadd.s32 s14, s5;
	[dreg:$0x1c] =	wrdreg s1  }
0x1f: {  	s20 =	sadd.s32 s14, s6;
	s24 =	sadd.s32 $0x1E0, s11;
	[dreg:$0x17] =	wrdreg s16  }
0x20: {  	s14 =	sadd.s32 $0xA0, s0;
	s23 =	sadd.s32 s11, s4;
	[dreg:$0x18] =	wrdreg s19  }
0x21: {  	s22 =	simm.s32 $0xB880;
	s1 =	simm.s32 $0x0;
	[dreg:$0x19] =	wrdreg s20  }
0x22: {  	s26 =	sadd.s32 s24, s4;
	s8 =	sadd.s32 s24, s5;
	[smem:$0x7F9] =	sst s14  }
0x23: {  	s12 =	sadd.s32 s24, s6;
	[smem:$0x7FA] =	sst s23;
	s24 =	sadd.s32 s11, s5  }
.Ltmp0:
0x24: {  	s20 =	simm.s32 $0x6580;
	[dreg:$0x1d] =	wrdreg s26;
	(pc) =	sbr.rel .LBB2_1-.Ltmp0, $4  }
0x25: {  	s16 =	simm.s32 $0x6880;
	s23 =	simm.s32 $0xBB80;
	[dreg:$0x1e] =	wrdreg s8  }
0x26: {  	s19 =	simm.s32 $0x6780;
	s14 =	simm.s32 $0x6800;
	[dreg:$0x1f] =	wrdreg s12  }
0x27: {  	v1 =	vlaneseq.u32;
	v2 =	vimm.f32 $1.000000000e+00;
	[smem:$0x7FB] =	sst s24;
	s26 =	sadd.s32 s11, s6;
	s24 =	simm.s32 $0xA  }
0x28: {  	v3 =	vimm.f32 $0.0e+00;
	v4 =	vmul.u32 $0x2, v1;
	v0 =	vmov s13;
	s8 =	simm.s32 $0x6200;
	[smem:$0x7FC] =	sst s26;
	s26 =	simm.s32 $0x4  }
.LBB2_30:
0x29: {  	s1 =	sld [smem:$0x7F8];
	_ =	sdelay $0x2  }
0x2a: {  	s0 =	rddreg [dreg:$0x16];
	s1 =	sadd.s32 $0x1, s1  }
0x2b: {  	p1 =	sne.s32 s1, s0  }
.Ltmp1:
0x2c: {  	_ = 	snop;
	(pc) =	sbr.rel @!p1 .LBB2_31-.Ltmp1, $1  }
0x2d: {  	_ =	sdelay $0x3  }
.LBB2_1:
0x2e: {  	[smem:$0x7F8] =	sst s1  }
0x2f: {  	s0 =	rddreg [dreg:$0xb];
	s17 =	simm.s32 $0xBC80  }
0x30: {  	[tilespmem:s17], [sflag:$0x9] =	stream.linear.gather [hbm4b:s0+s7], $0x80, $0x38;
	[tilespmem:$0x1FCE8] =	vst v63  }
0x31: {  	_ =	swait.ge [sflag:s21], $0x80  }
0x32: {  	[sflag:s21] =	ssyncset.done $0x0  }
0x33: {  	s18 =	rddreg [dreg:$0xc];
	[sflag:s21] =	ssyncadd.s32 $0xFFFFFF80  }
0x34: {  	[tilespmem:s7], [sflag:$0x9] =	stream.linear.gather [hbm4b:s18+s7], $0x5000, $0x38;
	[tilespmem:$0x1FCE8] =	vst v63  }
0x35: {  	_ =	swait.ge [sflag:s21], $0x5000  }
0x36: {  	[sflag:s21] =	ssyncset.done $0x0  }
0x37: {  	[sflag:s21] =	ssyncadd.s32 $0xFFFFB000  }
0x38: {  	[tilespmem:$0x6200] =	vst v2  }
0x39: {  	[tilespmem:$0x6210] =	vst v2  }
0x3a: {  	[tilespmem:$0x6220] =	vst v2  }
0x3b: {  	[tilespmem:$0x6230] =	vst v2  }
0x3c: {  	[tilespmem:$0x6240] =	vst v2  }
0x3d: {  	[tilespmem:$0xB880] =	vst v3  }
0x3e: {  	[tilespmem:$0xB890] =	vst v3  }
0x3f: {  	[tilespmem:$0xB8A0] =	vst v3  }
0x40: {  	[tilespmem:$0xB8B0] =	vst v3  }
0x41: {  	[tilespmem:$0xB8C0] =	vst v3  }
0x42: {  	[tilespmem:$0xB8D0] =	vst v3  }
0x43: {  	[tilespmem:$0xB8E0] =	vst v3  }
0x44: {  	s1 =	sld [smem:$0x7FA];
	[tilespmem:$0xB8F0] =	vst v3  }
0x45: {  	[tilespmem:$0xB900] =	vst v3  }
0x46: {  	[tilespmem:$0xB910] =	vst v3  }
0x47: {  	[spmem:s1] =	stream.linear.scatter [tilespmem:s22], [sflag:$0xA], $0xA0, $0x38;
	[tilespmem:$0x1FCE8] =	vst v63  }
0x48: {  	_ =	swait.ge [sflag:s24], $0xA0  }
0x49: {  	s2 =	sld [smem:$0x7FB]  }
0x4a: {  	[sflag:s24] =	ssyncset.done $0x0  }
0x4b: {  	[sflag:s24] =	ssyncadd.s32 $0xFFFFFF60  }
0x4c: {  	[spmem:s2] =	stream.linear.scatter [tilespmem:s22], [sflag:$0xA], $0xA0, $0x38;
	[tilespmem:$0x1FCE8] =	vst v63  }
0x4d: {  	_ =	swait.ge [sflag:s24], $0xA0  }
0x4e: {  	s9 =	sld [smem:$0x7FC]  }
0x4f: {  	[sflag:s24] =	ssyncset.done $0x0  }
0x50: {  	[sflag:s24] =	ssyncadd.s32 $0xFFFFFF60  }
0x51: {  	[spmem:s9] =	stream.linear.scatter [tilespmem:s22], [sflag:$0x9], $0xA0, $0x38;
	[tilespmem:$0x1FCE8] =	vst v63  }
0x52: {  	_ =	swait.ge [sflag:s21], $0xA0  }
0x53: {  	[sflag:s21] =	ssyncset.done $0x0  }
0x54: {  	s11 =	rddreg [dreg:$0x17];
	[sflag:s21] =	ssyncadd.s32 $0xFFFFFF60  }
0x55: {  	[spmem:s11] =	stream.linear.scatter [tilespmem:s22], [sflag:$0xA], $0xA0, $0x38;
	[tilespmem:$0x1FCE8] =	vst v63  }
0x56: {  	_ =	swait.ge [sflag:s24], $0xA0  }
0x57: {  	[sflag:s24] =	ssyncset.done $0x0  }
0x58: {  	s12 =	rddreg [dreg:$0x18];
	[sflag:s24] =	ssyncadd.s32 $0xFFFFFF60  }
0x59: {  	[spmem:s12] =	stream.linear.scatter [tilespmem:s22], [sflag:$0xA], $0xA0, $0x38;
	[tilespmem:$0x1FCE8] =	vst v63  }
0x5a: {  	_ =	swait.ge [sflag:s24], $0xA0  }
0x5b: {  	[sflag:s24] =	ssyncset.done $0x0  }
0x5c: {  	s13 =	rddreg [dreg:$0x19];
	[sflag:s24] =	ssyncadd.s32 $0xFFFFFF60  }
0x5d: {  	[spmem:s13] =	stream.linear.scatter [tilespmem:s22], [sflag:$0x9], $0xA0, $0x38;
	[tilespmem:$0x1FCE8] =	vst v63  }
0x5e: {  	_ =	swait.ge [sflag:s21], $0xA0  }
0x5f: {  	[sflag:s21] =	ssyncset.done $0x0  }
0x60: {  	s15 =	rddreg [dreg:$0x1a];
	[sflag:s21] =	ssyncadd.s32 $0xFFFFFF60  }
0x61: {  	[spmem:s15] =	stream.linear.scatter [tilespmem:s22], [sflag:$0xA], $0xA0, $0x38;
	[tilespmem:$0x1FCE8] =	vst v63  }
0x62: {  	_ =	swait.ge [sflag:s24], $0xA0  }
0x63: {  	[sflag:s24] =	ssyncset.done $0x0  }
0x64: {  	s17 =	rddreg [dreg:$0x1b];
	[sflag:s24] =	ssyncadd.s32 $0xFFFFFF60  }
0x65: {  	[spmem:s17] =	stream.linear.scatter [tilespmem:s22], [sflag:$0xA], $0xA0, $0x38;
	[tilespmem:$0x1FCE8] =	vst v63  }
0x66: {  	_ =	swait.ge [sflag:s24], $0xA0  }
0x67: {  	[sflag:s24] =	ssyncset.done $0x0  }
0x68: {  	s18 =	rddreg [dreg:$0x1c];
	[sflag:s24] =	ssyncadd.s32 $0xFFFFFF60  }
0x69: {  	[spmem:s18] =	stream.linear.scatter [tilespmem:s22], [sflag:$0x9], $0xA0, $0x38;
	[tilespmem:$0x1FCE8] =	vst v63  }
0x6a: {  	_ =	swait.ge [sflag:s21], $0xA0  }
0x6b: {  	s1 =	simm.s32 @!p0 $0xB880;
	[sflag:s21] =	ssyncset.done $0x0  }
0x6c: {  	s2 =	simm.s32 @!p0 $0xA;
	s0 =	rddreg [dreg:$0x1d];
	[sflag:s21] =	ssyncadd.s32 $0xFFFFFF60  }
0x6d: {  	[spmem:s0] =	stream.linear.scatter @!p0 [tilespmem:s1], [sflag:$0xA], $0xA0, $0x38;
	[tilespmem:$0x1FCE8] =	vst v63  }
0x6e: {  	_ =	swait.ge @!p0 [sflag:s2], $0xA0  }
0x6f: {  	[sflag:s2] =	ssyncset.done @!p0 $0x0  }
0x70: {  	s0 =	rddreg [dreg:$0x1e];
	[sflag:s2] =	ssyncadd.s32 @!p0 $0xFFFFFF60  }
0x71: {  	[spmem:s0] =	stream.linear.scatter @!p0 [tilespmem:s1], [sflag:$0xA], $0xA0, $0x38;
	[tilespmem:$0x1FCE8] =	vst v63  }
0x72: {  	_ =	swait.ge @!p0 [sflag:s2], $0xA0  }
0x73: {  	[sflag:s2] =	ssyncset.done @!p0 $0x0  }
0x74: {  	s0 =	rddreg [dreg:$0x1f];
	[sflag:s2] =	ssyncadd.s32 @!p0 $0xFFFFFF60  }
0x75: {  	[spmem:s0] =	stream.linear.scatter @!p0 [tilespmem:s1], [sflag:$0x9], $0xA0, $0x38;
	[tilespmem:$0x1FCE8] =	vst v63  }
0x76: {  	s1 =	simm.s32 @!p0 $0x9  }
0x77: {  	_ =	swait.ge @!p0 [sflag:s1], $0xA0  }
0x78: {  	[sflag:s1] =	ssyncset.done @!p0 $0x0  }
0x79: {  	[sflag:s1] =	ssyncadd.s32 @!p0 $0xFFFFFF60  }
0x7a: {  	s1 =	simm.s32 $0x0;
	[bflag:$0x0] =	sbarrier.arrive $0xFFFF  }
.LBB2_2:
0x7b: {  	s2 =	smul.u32 $0x190, s1  }
0x7c: {  	s0 =	rddreg [dreg:$0xa]  }
0x7d: {  	s2 =	sadd.s32 s0, s2  }
0x7e: {  	s2 =	sshrl.u32 s2, $0x3  }
0x7f: {  	s18 =	simm.s32 $0x5000;
	s11 =	sadd.s32 s25, s2  }
0x80: {  	[tilespmem:s18], [sflag:$0x1] =	stream.linear.gather [hbm4b:s11+s7], $0x190, $0x38;
	[tilespmem:$0x1FCE8] =	vst v63  }
0x81: {  	s12 =	simm.s32 $0x5200;
	s9 =	sadd.s32 s28, s2  }
0x82: {  	[tilespmem:s12], [sflag:$0x1] =	stream.linear.gather [hbm4b:s9+s7], $0x190, $0x38;
	[tilespmem:$0x1FCE8] =	vst v63  }
0x83: {  	s13 =	simm.s32 $0x5400;
	p1 =	seq.s32 s1, $0x0;
	s2 =	sadd.s32 s31, s2  }
0x84: {  	[tilespmem:s13], [sflag:$0x1] =	stream.linear.gather [hbm4b:s2+s7], $0x190, $0x38;
	[tilespmem:$0x1FCE8] =	vst v63  }
0x85: {  	s2 =	simm.s32 @!p1 $0x2  }
0x86: {  	_ =	swait.ge @!p1 [sflag:s2], $0x50  }
0x87: {  	[sflag:s2] =	ssyncset.done @!p1 $0x0  }
0x88: {  	[sflag:s2] =	ssyncadd.s32 @!p1 $0xFFFFFFB0  }
0x89: {  	_ =	swait.ge @!p1 [sflag:s2], $0x50  }
0x8a: {  	[sflag:s2] =	ssyncset.done @!p1 $0x0  }
0x8b: {  	[sflag:s2] =	ssyncadd.s32 @!p1 $0xFFFFFFB0  }
0x8c: {  	_ =	swait.ge @!p1 [sflag:s2], $0x50  }
0x8d: {  	[sflag:s2] =	ssyncset.done @!p1 $0x0  }
0x8e: {  	[sflag:s2] =	ssyncadd.s32 @!p1 $0xFFFFFFB0  }
0x8f: {  	_ =	swait.ge @!p1 [sflag:s2], $0x50  }
0x90: {  	[sflag:s2] =	ssyncset.done @!p1 $0x0  }
0x91: {  	[sflag:s2] =	ssyncadd.s32 @!p1 $0xFFFFFFB0  }
0x92: {  	_ =	swait.ge @!p1 [sflag:s2], $0x50  }
0x93: {  	[sflag:s2] =	ssyncset.done @!p1 $0x0  }
0x94: {  	[sflag:s2] =	ssyncadd.s32 @!p1 $0xFFFFFFB0  }
0x95: {  	_ =	swait.ge @!p1 [sflag:s2], $0x50  }
0x96: {  	[sflag:s2] =	ssyncset.done @!p1 $0x0  }
0x97: {  	[sflag:s2] =	ssyncadd.s32 @!p1 $0xFFFFFFB0  }
0x98: {  	_ =	swait.ge @!p1 [sflag:s2], $0x50  }
0x99: {  	[sflag:s2] =	ssyncset.done @!p1 $0x0  }
0x9a: {  	[sflag:s2] =	ssyncadd.s32 @!p1 $0xFFFFFFB0  }
0x9b: {  	_ =	swait.ge @!p1 [sflag:s2], $0x50  }
0x9c: {  	[sflag:s2] =	ssyncset.done @!p1 $0x0  }
0x9d: {  	[sflag:s2] =	ssyncadd.s32 @!p1 $0xFFFFFFB0  }
0x9e: {  	_ =	swait.ge @!p1 [sflag:s2], $0x50  }
0x9f: {  	[sflag:s2] =	ssyncset.done @!p1 $0x0  }
0xa0: {  	[sflag:s2] =	ssyncadd.s32 @!p1 $0xFFFFFFB0  }
0xa1: {  	_ =	swait.ge @!p1 [sflag:s2], $0x50  }
0xa2: {  	[sflag:s2] =	ssyncset.done @!p1 $0x0  }
0xa3: {  	[sflag:s2] =	ssyncadd.s32 @!p1 $0xFFFFFFB0  }
0xa4: {  	_ =	swait.ge @!p1 [sflag:s2], $0x50  }
0xa5: {  	[sflag:s2] =	ssyncset.done @!p1 $0x0  }
0xa6: {  	[sflag:s2] =	ssyncadd.s32 @!p1 $0xFFFFFFB0  }
0xa7: {  	_ =	swait.ge @!p1 [sflag:s2], $0x50  }
0xa8: {  	[sflag:s2] =	ssyncset.done @!p1 $0x0  }
0xa9: {  	[sflag:s2] =	ssyncadd.s32 @!p1 $0xFFFFFFB0  }
0xaa: {  	_ =	swait.ge @!p1 [sflag:s2], $0x50  }
0xab: {  	[sflag:s2] =	ssyncset.done @!p1 $0x0  }
0xac: {  	[sflag:s2] =	ssyncadd.s32 @!p1 $0xFFFFFFB0  }
0xad: {  	_ =	swait.ge @!p1 [sflag:s2], $0x50  }
0xae: {  	[sflag:s2] =	ssyncset.done @!p1 $0x0  }
0xaf: {  	[sflag:s2] =	ssyncadd.s32 @!p1 $0xFFFFFFB0  }
0xb0: {  	_ =	swait.ge @!p1 [sflag:s2], $0x50  }
0xb1: {  	[sflag:s2] =	ssyncset.done @!p1 $0x0  }
0xb2: {  	[sflag:s2] =	ssyncadd.s32 @!p1 $0xFFFFFFB0  }
0xb3: {  	_ =	swait.ge [sflag:s29], $0x190  }
0xb4: {  	[sflag:s29] =	ssyncset.done $0x0  }
0xb5: {  	[sflag:s29] =	ssyncadd.s32 $0xFFFFFE70  }
0xb6: {  	_ =	swait.ge [sflag:s29], $0x190  }
0xb7: {  	[sflag:s29] =	ssyncset.done $0x0  }
0xb8: {  	[sflag:s29] =	ssyncadd.s32 $0xFFFFFE70  }
0xb9: {  	_ =	swait.ge [sflag:s29], $0x190  }
0xba: {  	[sflag:s29] =	ssyncset.done $0x0  }
0xbb: {  	s15 =	simm.s32 $0x5000;
	[sflag:s29] =	ssyncadd.s32 $0xFFFFFE70  }
0xbc: {  	s17 =	simm.s32 $0x5200;
	v5 =	vld [tilespmem:s15+$0x0]  }
0xbd: {  	v6 =	vld [tilespmem:s17+$0x0];
	_ =	sdelay $0x4  }
0xbe: {  	v5 =	vshll.u32 v5, $0x1;
	v7 =	vshll.u32 v6, $0x1  }
0xbf: {  	v7 =	vor.u32 $0x1, v7;
	_ =	sdelay $0x3  }
0xc0: {  	v5 =	vld.idx.msk [tilespmem:v5+s7+$0x0], $0xffff  }
0xc1: {  	v7 =	vld.idx.msk [tilespmem:v7+s7+$0x0], $0xffff  }
0xc2: {  	s2 =	simm.s32 $0x5400  }
0xc3: {  	v8 =	vld [tilespmem:s2+$0x0];
	_ =	sdelay $0x2  }
0xc4: {  	v5 =	vadd.f32 v7, v5;
	_ =	sdelay $0x1  }
0xc5: {  	v5 =	vadd.f32 v5, v8;
	_ =	sdelay $0x1  }
0xc6: {  	v7 =	vmul.f32 $2.000000030e-01, v5  }
0xc7: {  	vm0 =	vgt.f32 v5, $0.0e+00  }
0xc8: {  	v5 =	vsel vm0, v5, v7  }
0xc9: {  	s18 =	simm.s32 $0x0;
	v5 =	vmul.f32 $1.442695020e+00, v5  }
0xca: {  	s11 =	smul.u32 $0xCD, s18  }
0xcb: {  	(erf) = vpow2.f32 v5  }
0xcc: {  	s12 =	sshrl.u32 s11, $0xA  }
0xcd: {  	s12 =	smul.u32 $0x5, s12;
	_ =	sdelay $0x1  }
0xce: {  	s12 =	ssub.s32 $0x0, s12  }
0xcf: {  	s11 =	sshrl.u32 s11, $0x3;
	s12 =	sshll.u32 s12, $0x4  }
0xd0: {  	s11 =	sand.u32 $0x1F80, s11;
	s12 =	sand.u32 $0xF0, s12  }
0xd1: {  	s11 =	sor.u32 s12, s11  }
0xd2: {  	[tilespmem:s11+$0x5600] =	vst v6  }
0xd3: {  	[tilespmem:s11+$0x5A00] =	vst v8;
	v5 =	vpop (erf)  }
0xd4: {  	s12 =	simm.s32 $0x5010;
	[tilespmem:s11+$0x5E00] =	vst v5  }
0xd5: {  	s13 =	simm.s32 $0x5210;
	v6 =	vld [tilespmem:s12+$0x0]  }
0xd6: {  	s15 =	simm.s32 $0x2;
	s11 =	simm.s32 $0x1;
	v5 =	vld [tilespmem:s13+$0x0]  }
.LBB2_3:
0xd7: {  	p1 =	sne.s32 s15, $0x18;
	_ =	sdelay $0x3  }
0xd8: {  	s17 =	smul.u32 $0xCD, s11;
	v6 =	vshll.u32 v6, $0x1;
	v7 =	vshll.u32 v5, $0x1  }
0xd9: {  	v7 =	vor.u32 $0x1, v7  }
0xda: {  	s18 =	sshrl.u32 s17, $0xA  }
0xdb: {  	s18 =	smul.u32 $0x5, s18;
	_ =	sdelay $0x1  }
0xdc: {  	s18 =	ssub.s32 s11, s18;
	s11 =	smov.u32 s15;
	v6 =	vld.idx.msk [tilespmem:v6+s7+$0x0], $0xffff  }
0xdd: {  	s17 =	sshrl.u32 s17, $0x3;
	s18 =	sshll.u32 s18, $0x4;
	v7 =	vld.idx.msk [tilespmem:v7+s7+$0x0], $0xffff  }
0xde: {  	s17 =	sand.u32 $0x1F80, s17;
	s18 =	sand.u32 $0xF0, s18  }
0xdf: {  	s2 =	sadd.s32 $0x10, s2;
	s17 =	sor.u32 s18, s17  }
0xe0: {  	v8 =	vld [tilespmem:s2+$0x0];
	[tilespmem:s17+$0x5600] =	vst v5;
	_ =	sdelay $0x2  }
0xe1: {  	v5 =	vadd.f32 v7, v6;
	_ =	sdelay $0x1  }
0xe2: {  	v5 =	vadd.f32 v5, v8;
	[tilespmem:s17+$0x5A00] =	vst v8;
	_ =	sdelay $0x1  }
0xe3: {  	v6 =	vmul.f32 $2.000000030e-01, v5  }
0xe4: {  	vm0 =	vgt.f32 v5, $0.0e+00  }
0xe5: {  	v5 =	vsel vm0, v5, v6  }
0xe6: {  	v5 =	vmul.f32 $1.442695020e+00, v5;
	_ =	sdelay $0x1  }
0xe7: {  	(erf) = vpow2.f32 v5;
	_ =	sdelay $0x7  }
.Ltmp2:
0xe8: {  	(pc) =	sbr.rel @p1 .LBB2_3-.Ltmp2, $4  }
0xe9: {  	v5 =	vpop (erf)  }
0xea: {  	s12 =	sadd.s32 $0x10, s12;
	[tilespmem:s17+$0x5E00] =	vst v5  }
0xeb: {  	s13 =	sadd.s32 $0x10, s13;
	v6 =	vld [tilespmem:s12+$0x0]  }
0xec: {  	s15 =	sadd.s32 $0x1, s15;
	v5 =	vld [tilespmem:s13+$0x0]  }
0xed: {  	_ =	sdelay $0x3  }
0xee: {  	v6 =	vshll.u32 v6, $0x1;
	v7 =	vshll.u32 v5, $0x1  }
0xef: {  	v7 =	vor.u32 $0x1, v7;
	_ =	sdelay $0x3  }
0xf0: {  	v6 =	vld.idx.msk [tilespmem:v6+s7+$0x0], $0xffff  }
0xf1: {  	v7 =	vld.idx.msk [tilespmem:v7+s7+$0x0], $0xffff  }
0xf2: {  	s2 =	sadd.s32 $0x10, s2  }
0xf3: {  	v8 =	vld [tilespmem:s2+$0x0];
	_ =	sdelay $0x2  }
0xf4: {  	v6 =	vadd.f32 v7, v6;
	_ =	sdelay $0x1  }
0xf5: {  	v6 =	vadd.f32 v6, v8;
	_ =	sdelay $0x1  }
0xf6: {  	v7 =	vmul.f32 $2.000000030e-01, v6  }
0xf7: {  	vm0 =	vgt.f32 v6, $0.0e+00  }
0xf8: {  	v6 =	vsel vm0, v6, v7  }
0xf9: {  	v6 =	vmul.f32 $1.442695020e+00, v6  }
0xfa: {  	s18 =	smul.u32 $0xCD, s11  }
0xfb: {  	(erf) = vpow2.f32 v6  }
0xfc: {  	s12 =	sshrl.u32 s18, $0xA  }
0xfd: {  	s12 =	smul.u32 $0x5, s12;
	_ =	sdelay $0x1  }
0xfe: {  	s0 =	ssub.s32 s11, s12  }
0xff: {  	s2 =	sshrl.u32 s18, $0x3;
	s11 =	sshll.u32 s0, $0x4  }
0x100: {  	s2 =	sand.u32 $0x1F80, s2;
	s11 =	sand.u32 $0xF0, s11  }
0x101: {  	s2 =	sor.u32 s11, s2  }
0x102: {  	[tilespmem:s2+$0x5600] =	vst v5  }
0x103: {  	[tilespmem:s2+$0x5A00] =	vst v8;
	v5 =	vpop (erf)  }
0x104: {  	s9 =	simm.s32 $0x5E00;
	s0 =	simm.s32 $0x5600;
	[tilespmem:s2+$0x5E00] =	vst v5  }
0x105: {  	[spmem:s4] =	stream.indirect.scatter.add.f32 [tilespmem:s9], [sflag:$0x2], $0x1, s0, s30, $0xb8;
	[tilespmem:$0x1FCE8] =	vst v63  }
0x106: {  	_ = 	snop  }
0x107: {  	[spmem:s5] =	stream.indirect.scatter.add.f32 [tilespmem:s8], [sflag:$0x2], $0x1, s0, s30, $0xb8;
	[tilespmem:$0x1FCE8] =	vst v63  }
0x108: {  	s11 =	simm.s32 $0x5A00  }
0x109: {  	[spmem:s6] =	stream.indirect.scatter.add.f32 [tilespmem:s11], [sflag:$0x2], $0x1, s0, s30, $0xb8;
	[tilespmem:$0x1FCE8] =	vst v63  }
0x10a: {  	s13 =	simm.s32 $0x5E80;
	s12 =	simm.s32 $0x5680  }
0x10b: {  	[spmem:s4] =	stream.indirect.scatter.add.f32 [tilespmem:s13], [sflag:$0x2], $0x1, s12, s30, $0xb8;
	[tilespmem:$0x1FCE8] =	vst v63  }
0x10c: {  	_ = 	snop  }
0x10d: {  	[spmem:s5] =	stream.indirect.scatter.add.f32 [tilespmem:s8], [sflag:$0x2], $0x1, s12, s30, $0xb8;
	[tilespmem:$0x1FCE8] =	vst v63  }
0x10e: {  	s15 =	simm.s32 $0x5A80  }
0x10f: {  	[spmem:s6] =	stream.indirect.scatter.add.f32 [tilespmem:s15], [sflag:$0x2], $0x1, s12, s30, $0xb8;
	[tilespmem:$0x1FCE8] =	vst v63  }
0x110: {  	s17 =	simm.s32 $0x5700;
	s18 =	simm.s32 $0x5F00  }
0x111: {  	[spmem:s4] =	stream.indirect.scatter.add.f32 [tilespmem:s18], [sflag:$0x2], $0x1, s17, s30, $0xb8;
	[tilespmem:$0x1FCE8] =	vst v63  }
0x112: {  	_ = 	snop  }
0x113: {  	[spmem:s5] =	stream.indirect.scatter.add.f32 [tilespmem:s8], [sflag:$0x2], $0x1, s17, s30, $0xb8;
	[tilespmem:$0x1FCE8] =	vst v63  }
0x114: {  	s9 =	simm.s32 $0x5B00  }
0x115: {  	[spmem:s6] =	stream.indirect.scatter.add.f32 [tilespmem:s9], [sflag:$0x2], $0x1, s17, s30, $0xb8;
	[tilespmem:$0x1FCE8] =	vst v63  }
0x116: {  	s11 =	simm.s32 $0x5780;
	s12 =	simm.s32 $0x5F80  }
0x117: {  	[spmem:s4] =	stream.indirect.scatter.add.f32 [tilespmem:s12], [sflag:$0x2], $0x1, s11, s30, $0xb8;
	[tilespmem:$0x1FCE8] =	vst v63  }
0x118: {  	_ = 	snop  }
0x119: {  	[spmem:s5] =	stream.indirect.scatter.add.f32 [tilespmem:s8], [sflag:$0x2], $0x1, s11, s30, $0xb8;
	[tilespmem:$0x1FCE8] =	vst v63  }
0x11a: {  	s1 =	sadd.s32 $0x1, s1;
	s13 =	simm.s32 $0x5B80  }
0x11b: {  	[spmem:s6] =	stream.indirect.scatter.add.f32 [tilespmem:s13], [sflag:$0x2], $0x1, s11, s30, $0xb8;
	[tilespmem:$0x1FCE8] =	vst v63  }
0x11c: {  	p1 =	sne.s32 s1, $0x32;
	s15 =	simm.s32 $0x5800;
	s17 =	simm.s32 $0x6000  }
0x11d: {  	[spmem:s4] =	stream.indirect.scatter.add.f32 [tilespmem:s17], [sflag:$0x2], $0x1, s15, s30, $0xb8;
	[tilespmem:$0x1FCE8] =	vst v63  }
.Ltmp3:
0x11e: {  	_ = 	snop;
	(pc) =	sbr.rel @p1 .LBB2_2-.Ltmp3, $4  }
0x11f: {  	_ = 	snop  }
0x120: {  	[spmem:s5] =	stream.indirect.scatter.add.f32 [tilespmem:s8], [sflag:$0x2], $0x1, s15, s30, $0xb8;
	[tilespmem:$0x1FCE8] =	vst v63  }
0x121: {  	s18 =	simm.s32 $0x5C00  }
0x122: {  	[spmem:s6] =	stream.indirect.scatter.add.f32 [tilespmem:s18], [sflag:$0x2], $0x1, s15, s30, $0xb8;
	[tilespmem:$0x1FCE8] =	vst v63  }
0x123: {  	s0 =	simm.s32 $0x2  }
0x124: {  	_ =	swait.ge [sflag:s0], $0x50  }
0x125: {  	[sflag:s0] =	ssyncset.done $0x0  }
0x126: {  	[sflag:s0] =	ssyncadd.s32 $0xFFFFFFB0  }
0x127: {  	_ =	swait.ge [sflag:s0], $0x50  }
0x128: {  	[sflag:s0] =	ssyncset.done $0x0  }
0x129: {  	[sflag:s0] =	ssyncadd.s32 $0xFFFFFFB0  }
0x12a: {  	_ =	swait.ge [sflag:s0], $0x50  }
0x12b: {  	[sflag:s0] =	ssyncset.done $0x0  }
0x12c: {  	[sflag:s0] =	ssyncadd.s32 $0xFFFFFFB0  }
0x12d: {  	_ =	swait.ge [sflag:s0], $0x50  }
0x12e: {  	[sflag:s0] =	ssyncset.done $0x0  }
0x12f: {  	[sflag:s0] =	ssyncadd.s32 $0xFFFFFFB0  }
0x130: {  	_ =	swait.ge [sflag:s0], $0x50  }
0x131: {  	[sflag:s0] =	ssyncset.done $0x0  }
0x132: {  	[sflag:s0] =	ssyncadd.s32 $0xFFFFFFB0  }
0x133: {  	_ =	swait.ge [sflag:s0], $0x50  }
0x134: {  	[sflag:s0] =	ssyncset.done $0x0  }
0x135: {  	[sflag:s0] =	ssyncadd.s32 $0xFFFFFFB0  }
0x136: {  	_ =	swait.ge [sflag:s0], $0x50  }
0x137: {  	[sflag:s0] =	ssyncset.done $0x0  }
0x138: {  	[sflag:s0] =	ssyncadd.s32 $0xFFFFFFB0  }
0x139: {  	_ =	swait.ge [sflag:s0], $0x50  }
0x13a: {  	[sflag:s0] =	ssyncset.done $0x0  }
0x13b: {  	[sflag:s0] =	ssyncadd.s32 $0xFFFFFFB0  }
0x13c: {  	_ =	swait.ge [sflag:s0], $0x50  }
0x13d: {  	[sflag:s0] =	ssyncset.done $0x0  }
0x13e: {  	[sflag:s0] =	ssyncadd.s32 $0xFFFFFFB0  }
0x13f: {  	_ =	swait.ge [sflag:s0], $0x50  }
0x140: {  	[sflag:s0] =	ssyncset.done $0x0  }
0x141: {  	[sflag:s0] =	ssyncadd.s32 $0xFFFFFFB0  }
0x142: {  	_ =	swait.ge [sflag:s0], $0x50  }
0x143: {  	[sflag:s0] =	ssyncset.done $0x0  }
0x144: {  	[sflag:s0] =	ssyncadd.s32 $0xFFFFFFB0  }
0x145: {  	_ =	swait.ge [sflag:s0], $0x50  }
0x146: {  	[sflag:s0] =	ssyncset.done $0x0  }
0x147: {  	[sflag:s0] =	ssyncadd.s32 $0xFFFFFFB0  }
0x148: {  	_ =	swait.ge [sflag:s0], $0x50  }
0x149: {  	[sflag:s0] =	ssyncset.done $0x0  }
0x14a: {  	[sflag:s0] =	ssyncadd.s32 $0xFFFFFFB0  }
0x14b: {  	_ =	swait.ge [sflag:s0], $0x50  }
0x14c: {  	[sflag:s0] =	ssyncset.done $0x0  }
0x14d: {  	[sflag:s0] =	ssyncadd.s32 $0xFFFFFFB0  }
.Ltmp4:
0x14e: {  	_ =	swait.ge [sflag:s0], $0x50;
	(pc) =	sbr.rel .LBB2_6-.Ltmp4, $4  }
0x14f: {  	[sflag:s0] =	ssyncset.done $0x0  }
0x150: {  	[sflag:s0] =	ssyncadd.s32 $0xFFFFFFB0  }
0x151: {  	[bflag:$0x0] =	sbarrier.arrive $0xFFFF  }
0x152: {  	s13 =	simm.s32 $0x0;
	s15 =	rddreg [dreg:$0xd]  }
.LBB2_15:
0x153: {  	s13 =	sadd.s32 $0x1, s13  }
0x154: {  	p1 =	sne.s32 s13, $0x4  }
.Ltmp5:
0x155: {  	_ = 	snop;
	(pc) =	sbr.rel @!p1 .LBB2_16-.Ltmp5, $2  }
0x156: {  	_ =	sdelay $0x2  }
0x157: {  	s15 =	sadd.s32 $0xA0, s15  }
.LBB2_6:
0x158: {  	s1 =	smul.u32 $0xA0, s13  }
0x159: {  	s0 =	rddreg [dreg:$0xd]  }
0x15a: {  	s1 =	sadd.s32 s0, s1  }
0x15b: {  	p1 =	sgt.u32 s1, $0x275F  }
.Ltmp6:
0x15c: {  	_ = 	snop;
	(pc) =	sbr.rel @p1 .LBB2_15-.Ltmp6, $1  }
0x15d: {  	_ =	sdelay $0x3  }
0x15e: {  	s2 =	sadd.s32 s1, s4  }
0x15f: {  	[tilespmem:s22], [sflag:$0x9] =	stream.linear.gather [spmem:s2], $0xA0, $0x38;
	[tilespmem:$0x1FCE8] =	vst v63  }
0x160: {  	_ =	swait.ge [sflag:s21], $0xA0  }
0x161: {  	[sflag:s21] =	ssyncset.done $0x0  }
0x162: {  	s11 =	sadd.s32 s1, s5;
	s0 =	simm.s32 $0xB980;
	[sflag:s21] =	ssyncadd.s32 $0xFFFFFF60  }
0x163: {  	[tilespmem:s0], [sflag:$0x9] =	stream.linear.gather [spmem:s11], $0xA0, $0x38;
	[tilespmem:$0x1FCE8] =	vst v63  }
0x164: {  	_ =	swait.ge [sflag:s21], $0xA0  }
0x165: {  	[sflag:s21] =	ssyncset.done $0x0  }
0x166: {  	s18 =	sadd.s32 s1, s6;
	s25 =	simm.s32 $0xBA80;
	[sflag:s21] =	ssyncadd.s32 $0xFFFFFF60  }
0x167: {  	[tilespmem:s25], [sflag:$0x9] =	stream.linear.gather [spmem:s18], $0xA0, $0x38;
	[tilespmem:$0x1FCE8] =	vst v63  }
0x168: {  	_ =	swait.ge [sflag:s21], $0xA0  }
0x169: {  	[sflag:s21] =	ssyncset.done $0x0  }
0x16a: {  	s11 =	simm.s32 $0x0;
	[sflag:s21] =	ssyncadd.s32 $0xFFFFFF60  }
0x16b: {  	v5 =	vld [tilespmem:s11+$0xB980];
	_ =	sdelay $0x1  }
0x16c: {  	v6 =	vmov s15  }
0x16d: {  	v6 =	vshll.u32 v6, $0x1  }
0x16e: {  	v6 =	vor.u32 v4, v6  }
0x16f: {  	v7 =	vor.u32 $0x1, v6;
	v5 =	vmax.f32 v5, $1.000000000e+00  }
0x170: {  	(erf) = vrcp.f32 v5;
	_ =	sdelay $0x2  }
0x171: {  	v6 =	vld.idx.msk [tilespmem:v6+s7+$0x0], $0xffff  }
0x172: {  	v5 =	vld.idx.msk [tilespmem:v7+s7+$0x0], $0xffff  }
0x173: {  	v7 =	vld [tilespmem:s11+$0xBA80];
	_ =	sdelay $0x3  }
0x174: {  	v8 =	vpop (erf)  }
0x175: {  	v5 =	vadd.f32 v5, v6;
	v6 =	vmul.f32 v8, v7;
	_ =	sdelay $0x1  }
0x176: {  	v5 =	vadd.f32 v6, v5;
	_ =	sdelay $0x1  }
0x177: {  	v6 =	vmul.f32 $2.000000030e-01, v5  }
0x178: {  	vm0 =	vgt.f32 v5, $0.0e+00  }
0x179: {  	v5 =	vsel vm0, v5, v6  }
0x17a: {  	v5 =	vmul.f32 $1.442695020e+00, v5;
	_ =	sdelay $0x1  }
0x17b: {  	(erf) = vpow2.f32 v5;
	_ =	sdelay $0x1  }
0x17c: {  	s17 =	simm.s32 $0x80;
	s28 =	rddreg [dreg:$0xe]  }
0x17d: {  	s12 =	smov.u32 s15;
	s18 =	simm.s32 $0x10;
	s31 =	sadd.s32 s28, s1  }
.LBB2_8:
0x17e: {  	p1 =	sne.s32 s17, $0x240;
	v5 =	vld [tilespmem:s18+$0xB980];
	s12 =	sadd.s32 $0x10, s12  }
0x17f: {  	v6 =	vmov s12;
	v7 =	vld [tilespmem:s11+$0xB880]  }
0x180: {  	v6 =	vshll.u32 v6, $0x1  }
0x181: {  	v6 =	vor.u32 v4, v6  }
0x182: {  	v8 =	vor.u32 $0x1, v6  }
0x183: {  	v5 =	vmax.f32 v5, $1.000000000e+00;
	v9 =	vpop (erf)  }
0x184: {  	(erf) = vrcp.f32 v5;
	[tilespmem:s11+$0xBB80] =	vst v9;
	v5 =	vadd.f32 v9, v7;
	_ =	sdelay $0x1  }
0x185: {  	[tilespmem:s11+$0xB880] =	vst v5;
	s11 =	smov.u32 s18  }
0x186: {  	v5 =	vld.idx.msk [tilespmem:v8+s7+$0x0], $0xffff  }
0x187: {  	v6 =	vld.idx.msk [tilespmem:v6+s7+$0x0], $0xffff  }
0x188: {  	v7 =	vld [tilespmem:s11+$0xBA80];
	_ =	sdelay $0x3  }
0x189: {  	v8 =	vpop (erf)  }
0x18a: {  	v5 =	vadd.f32 v5, v6;
	v6 =	vmul.f32 v8, v7;
	_ =	sdelay $0x1  }
0x18b: {  	v5 =	vadd.f32 v6, v5;
	_ =	sdelay $0x1  }
0x18c: {  	v6 =	vmul.f32 $2.000000030e-01, v5  }
0x18d: {  	vm0 =	vgt.f32 v5, $0.0e+00  }
0x18e: {  	v5 =	vsel vm0, v5, v6  }
0x18f: {  	v5 =	vmul.f32 $1.442695020e+00, v5  }
.Ltmp7:
0x190: {  	(pc) =	sbr.rel @p1 .LBB2_8-.Ltmp7, $2  }
0x191: {  	(erf) = vpow2.f32 v5;
	_ =	sdelay $0x2  }
0x192: {  	s18 =	sshra.s32 s17, $0x2;
	s17 =	sadd.s32 $0x40, s17  }
0x193: {  	v5 =	vld [tilespmem:s18+$0xB980];
	s12 =	sadd.s32 $0x10, s12  }
0x194: {  	v7 =	vld [tilespmem:s11+$0xB880];
	v6 =	vmov s12  }
0x195: {  	v6 =	vshll.u32 v6, $0x1  }
0x196: {  	v6 =	vor.u32 v4, v6  }
0x197: {  	v8 =	vor.u32 $0x1, v6  }
0x198: {  	v5 =	vmax.f32 v5, $1.000000000e+00;
	v9 =	vpop (erf)  }
0x199: {  	(erf) = vrcp.f32 v5;
	v5 =	vadd.f32 v9, v7  }
0x19a: {  	[tilespmem:s11+$0xBB80] =	vst v9  }
0x19b: {  	[tilespmem:s11+$0xB880] =	vst v5  }
0x19c: {  	v5 =	vld.idx.msk [tilespmem:v8+s7+$0x0], $0xffff  }
0x19d: {  	v6 =	vld.idx.msk [tilespmem:v6+s7+$0x0], $0xffff  }
0x19e: {  	v7 =	vld [tilespmem:s18+$0xBA80];
	_ =	sdelay $0x3  }
0x19f: {  	v63 =	vpop (erf)  }
0x1a0: {  	v5 =	vadd.f32 v5, v6;
	v6 =	vmul.f32 v63, v7;
	_ =	sdelay $0x1  }
0x1a1: {  	v5 =	vadd.f32 v6, v5;
	_ =	sdelay $0x1  }
0x1a2: {  	v6 =	vmul.f32 $2.000000030e-01, v5  }
0x1a3: {  	vm0 =	vgt.f32 v5, $0.0e+00  }
0x1a4: {  	v5 =	vsel vm0, v5, v6  }
0x1a5: {  	v5 =	vmul.f32 $1.442695020e+00, v5;
	_ =	sdelay $0x1  }
0x1a6: {  	(erf) = vpow2.f32 v5;
	_ =	sdelay $0x4  }
0x1a7: {  	v5 =	vld [tilespmem:s18+$0xB880];
	_ =	sdelay $0x3  }
0x1a8: {  	v6 =	vpop (erf)  }
0x1a9: {  	v5 =	vadd.f32 v6, v5  }
0x1aa: {  	[tilespmem:s18+$0xBB80] =	vst v6  }
.Ltmp8:
0x1ab: {  	[tilespmem:s18+$0xB880] =	vst v5;
	(pc) =	sbr.rel .LBB2_10-.Ltmp8, $4  }
0x1ac: {  	[spmem:s2] =	stream.linear.scatter [tilespmem:s22], [sflag:$0x9], $0xA0, $0x38;
	[tilespmem:$0x1FCE8] =	vst v63  }
0x1ad: {  	_ =	swait.ge [sflag:s21], $0xA0  }
0x1ae: {  	[sflag:s21] =	ssyncset.done $0x0  }
0x1af: {  	s17 =	simm.s32 $0x0;
	p2 =	por $0x1, $0x1;
	[sflag:s21] =	ssyncadd.s32 $0xFFFFFF60  }
.LBB2_13:
0x1b0: {  	v10 =	vmul.f32 v10, v7  }
0x1b1: {  	v12 =	vld [tilespmem:s11+$0x50];
	v8 =	vmul.f32 v8, v7  }
0x1b2: {  	v13 =	vld [tilespmem:s11+$0x70];
	v5 =	vmul.f32 v5, v7;
	[tilespmem:s11+$0x60] =	vst v10  }
0x1b3: {  	v54 =	vmul.f32 v11, v7;
	[tilespmem:s11+$0x40] =	vst v8  }
0x1b4: {  	v9 =	vmul.f32 v9, v7;
	[tilespmem:s11+$0x20] =	vst v5  }
0x1b5: {  	v56 =	vmov s12;
	v5 =	vmul.f32 v6, v7;
	[tilespmem:s11+$0x0] =	vst v54  }
0x1b6: {  	[tilespmem:s11+$0x10] =	vst v9;
	v55 =	vmul.f32 v12, v7  }
0x1b7: {  	[tilespmem:s11+$0x30] =	vst v5;
	v7 =	vmul.f32 v13, v7  }
0x1b8: {  	[tilespmem:s11+$0x50] =	vst v55  }
0x1b9: {  	v6 =	vld [tilespmem:s11+$0x80];
	[tilespmem:s11+$0x70] =	vst v7  }
0x1ba: {  	v5 =	vld.idx.msk [tilespmem:v56+s23+$0x0], $0xffff  }
0x1bb: {  	v7 =	vld [tilespmem:s11+$0xA0]  }
0x1bc: {  	v59 =	vld [tilespmem:s11+$0xE0]  }
0x1bd: {  	v57 =	vld [tilespmem:s11+$0xC0]  }
0x1be: {  	v58 =	vld [tilespmem:s11+$0xF0]  }
0x1bf: {  	v60 =	vld [tilespmem:s11+$0x90];
	v6 =	vmul.f32 v6, v5  }
0x1c0: {  	v61 =	vld [tilespmem:s11+$0xB0];
	v7 =	vmul.f32 v7, v5  }
0x1c1: {  	v62 =	vld [tilespmem:s11+$0xD0];
	v63 =	vmul.f32 v59, v5;
	[tilespmem:s11+$0x80] =	vst v6  }
0x1c2: {  	v6 =	vmul.f32 v57, v5;
	[tilespmem:s11+$0xA0] =	vst v7  }
0x1c3: {  	v7 =	vmul.f32 v58, v5;
	[tilespmem:s11+$0xE0] =	vst v63  }
0x1c4: {  	[tilespmem:s11+$0xC0] =	vst v6;
	v6 =	vmul.f32 v60, v5  }
0x1c5: {  	[tilespmem:s11+$0xF0] =	vst v7;
	v7 =	vmul.f32 v61, v5  }
0x1c6: {  	s0 =	sshll.u32 s18, $0x7;
	v5 =	vmul.f32 v62, v5;
	[tilespmem:s11+$0x90] =	vst v6  }
0x1c7: {  	s0 =	sand.u32 $0x3FFFFF80, s0;
	[tilespmem:s11+$0xB0] =	vst v7  }
0x1c8: {  	s0 =	sadd.s32 s0, s3;
	[tilespmem:s11+$0xD0] =	vst v5  }
0x1c9: {  	[spmem:s0] =	stream.linear.scatter [tilespmem:s16], [sflag:$0x9], $0x2800, $0x38;
	[tilespmem:$0x1FCE8] =	vst v63  }
0x1ca: {  	_ =	swait.ge [sflag:s21], $0x2800  }
0x1cb: {  	[sflag:s21] =	ssyncset.done $0x0  }
0x1cc: {  	[sflag:s21] =	ssyncadd.s32 $0xFFFFD800  }
.LBB2_14:
.Ltmp9:
0x1cd: {  	(pc) =	sbr.rel @!p1 .LBB2_15-.Ltmp9, $2  }
0x1ce: {  	_ =	sdelay $0x2  }
0x1cf: {  	s17 =	simm.s32 $0x50;
	p2 =	por $0x0, $0x0  }
.LBB2_10:
0x1d0: {  	s18 =	sadd.s32 s1, s17  }
0x1d1: {  	p3 =	sgt.u32 s18, $0x270F  }
.Ltmp10:
0x1d2: {  	_ = 	snop;
	(pc) =	sbr.rel @p3 .LBB2_14-.Ltmp10, $2  }
0x1d3: {  	_ =	sdelay $0x2  }
0x1d4: {  	p1 =	por p2, p2  }
0x1d5: {  	s11 =	sadd.s32 s17, s31  }
0x1d6: {  	v5 =	vor.u32 s11, v1;
	s2 =	sadd.s32 $0x10, s11  }
0x1d7: {  	s25 =	sadd.s32 $0x20, s11;
	[tilespmem:$0x6580] =	vst v5;
	v5 =	vor.u32 s2, v1  }
0x1d8: {  	s0 =	sadd.s32 $0x0, s17;
	s12 =	sadd.s32 $0x30, s11;
	[tilespmem:$0x6590] =	vst v5;
	v5 =	vor.u32 s25, v1  }
0x1d9: {  	s11 =	sadd.s32 $0x40, s11;
	v6 =	vmov s0;
	[tilespmem:$0x65A0] =	vst v5;
	v5 =	vor.u32 s12, v1  }
0x1da: {  	v6 =	vand.u32 $0xFFFFFFFC, v6;
	[tilespmem:$0x65B0] =	vst v5;
	v5 =	vor.u32 s11, v1  }
0x1db: {  	[tilespmem:$0x65C0] =	vst v5;
	v5 =	vbroadcast v6, $0x0  }
0x1dc: {  	[tilespmem:s16], [sflag:$0xA] =	stream.indirect.gather [hbm4b:s10+s30], $0x80, s20, s30, $0xb8;
	[tilespmem:$0x1FCE8] =	vst v63  }
0x1dd: {  	_ =	swait.ge [sflag:s24], $0x2800  }
0x1de: {  	[sflag:s24] =	ssyncset.done $0x0  }
0x1df: {  	s11 =	simm.s32 $0x6980;
	[sflag:s24] =	ssyncadd.s32 $0xFFFFD800  }
0x1e0: {  	v6 =	vld [tilespmem:s11+$0xFFFFFF70]  }
0x1e1: {  	v5 =	vld.idx.msk [tilespmem:v5+s23+$0x0], $0xffff  }
0x1e2: {  	v7 =	vld [tilespmem:s11+$0xFFFFFF00]  }
0x1e3: {  	v8 =	vld [tilespmem:s11+$0xFFFFFF20]  }
0x1e4: {  	v9 =	vld [tilespmem:s11+$0xFFFFFF50]  }
0x1e5: {  	v10 =	vld [tilespmem:s11+$0xFFFFFF40]  }
0x1e6: {  	v11 =	vld [tilespmem:s11+$0xFFFFFF60];
	v6 =	vmul.f32 v6, v5  }
0x1e7: {  	s9 =	sadd.s32 $0x1, s0;
	v12 =	vld [tilespmem:s11+$0xFFFFFF30];
	v7 =	vmul.f32 v7, v5  }
0x1e8: {  	v13 =	vmov s9;
	v14 =	vld [tilespmem:s11+$0xFFFFFF10];
	v8 =	vmul.f32 v8, v5;
	[tilespmem:s11+$0xFFFFFF70] =	vst v6  }
0x1e9: {  	v9 =	vmul.f32 v9, v5;
	v6 =	vand.u32 $0xFFFFFFFD, v13;
	[tilespmem:s11+$0xFFFFFF00] =	vst v7  }
0x1ea: {  	v7 =	vmul.f32 v10, v5;
	[tilespmem:s11+$0xFFFFFF20] =	vst v8;
	v6 =	vbroadcast v6, $0x0  }
0x1eb: {  	v8 =	vmul.f32 v11, v5;
	[tilespmem:s11+$0xFFFFFF50] =	vst v9  }
0x1ec: {  	v9 =	vmul.f32 v12, v5;
	[tilespmem:s11+$0xFFFFFF40] =	vst v7  }
0x1ed: {  	v5 =	vmul.f32 v14, v5;
	[tilespmem:s11+$0xFFFFFF60] =	vst v8  }
0x1ee: {  	[tilespmem:s11+$0xFFFFFF30] =	vst v9  }
0x1ef: {  	[tilespmem:s11+$0xFFFFFF10] =	vst v5;
	v5 =	vld [tilespmem:s11+$0xFFFFFF90]  }
0x1f0: {  	v7 =	vld.idx.msk [tilespmem:v6+s23+$0x0], $0xffff  }
0x1f1: {  	v6 =	vld [tilespmem:s11+$0xFFFFFFA0]  }
0x1f2: {  	v8 =	vld [tilespmem:s11+$0xFFFFFF80]  }
0x1f3: {  	v9 =	vld [tilespmem:s11+$0xFFFFFFB0]  }
0x1f4: {  	v10 =	vld [tilespmem:s11+$0xFFFFFFC0]  }
0x1f5: {  	v11 =	vld [tilespmem:s11+$0xFFFFFFD0];
	v5 =	vmul.f32 v5, v7  }
0x1f6: {  	s25 =	sadd.s32 $0x2, s0;
	v61 =	vld [tilespmem:s11+$0xFFFFFFF0];
	v6 =	vmul.f32 v6, v7  }
0x1f7: {  	v62 =	vmov s25;
	v63 =	vld [tilespmem:s11+$0xFFFFFFE0];
	v8 =	vmul.f32 v8, v7;
	[tilespmem:s11+$0xFFFFFF90] =	vst v5  }
0x1f8: {  	v9 =	vmul.f32 v9, v7;
	v5 =	vand.u32 $0xFFFFFFFE, v62;
	[tilespmem:s11+$0xFFFFFFA0] =	vst v6  }
0x1f9: {  	v6 =	vmul.f32 v10, v7;
	[tilespmem:s11+$0xFFFFFF80] =	vst v8;
	v10 =	vld [tilespmem:s11+$0x60];
	v13 =	vbroadcast v5, $0x0  }
0x1fa: {  	v8 =	vmul.f32 v11, v7;
	[tilespmem:s11+$0xFFFFFFB0] =	vst v9;
	v11 =	vld [tilespmem:s11+$0x0]  }
0x1fb: {  	v9 =	vmul.f32 v61, v7;
	v5 =	vld [tilespmem:s11+$0x20];
	[tilespmem:s11+$0xFFFFFFC0] =	vst v6  }
0x1fc: {  	v7 =	vmul.f32 v63, v7;
	v6 =	vld [tilespmem:s11+$0x30];
	[tilespmem:s11+$0xFFFFFFD0] =	vst v8  }
0x1fd: {  	[tilespmem:s11+$0xFFFFFFF0] =	vst v9;
	v8 =	vld [tilespmem:s11+$0x40]  }
0x1fe: {  	[tilespmem:s11+$0xFFFFFFE0] =	vst v7;
	v9 =	vld [tilespmem:s11+$0x10]  }
0x1ff: {  	s28 =	simm.s32 $0x4;
	s2 =	simm.s32 $0x6980;
	s12 =	sadd.s32 $0x3, s0;
	v7 =	vld.idx.msk [tilespmem:v13+s23+$0x0], $0xffff  }
.LBB2_12:
0x200: {  	p2 =	sne.s32 s28, $0x4C  }
0x201: {  	v12 =	vld [tilespmem:s11+$0x50];
	s2 =	sadd.s32 $0x200, s2;
	s0 =	smov.u32 s28;
	s28 =	sadd.s32 $0x4, s28  }
0x202: {  	v13 =	vld [tilespmem:s11+$0x70];
	_ =	sdelay $0x1  }
0x203: {  	v11 =	vmul.f32 v11, v7;
	v10 =	vmul.f32 v10, v7  }
0x204: {  	v9 =	vmul.f32 v9, v7;
	v8 =	vmul.f32 v8, v7  }
0x205: {  	v5 =	vmul.f32 v5, v7;
	v6 =	vmul.f32 v6, v7;
	[tilespmem:s11+$0x60] =	vst v10  }
0x206: {  	[tilespmem:s11+$0x40] =	vst v8;
	v8 =	vmul.f32 v12, v7;
	v7 =	vmul.f32 v13, v7  }
0x207: {  	[tilespmem:s11+$0x20] =	vst v5;
	v10 =	vld [tilespmem:s11+$0x80]  }
0x208: {  	v5 =	vld [tilespmem:s2+$0x20];
	[tilespmem:s11+$0x0] =	vst v11;
	v11 =	vmov s12  }
0x209: {  	[tilespmem:s11+$0x50] =	vst v8;
	v8 =	vld [tilespmem:s11+$0xE0]  }
0x20a: {  	[tilespmem:s11+$0x30] =	vst v6;
	v12 =	vld [tilespmem:s11+$0xC0]  }
0x20b: {  	v6 =	vld [tilespmem:s2+$0x30];
	[tilespmem:s11+$0x10] =	vst v9  }
0x20c: {  	[tilespmem:s11+$0x70] =	vst v7;
	v7 =	vld [tilespmem:s11+$0xA0]  }
0x20d: {  	v9 =	vld.idx.msk [tilespmem:v11+s23+$0x0], $0xffff  }
0x20e: {  	v11 =	vld [tilespmem:s11+$0x90]  }
0x20f: {  	v13 =	vld [tilespmem:s11+$0xB0]  }
0x210: {  	v14 =	vld [tilespmem:s11+$0xD0]  }
0x211: {  	v15 =	vld [tilespmem:s11+$0xF0];
	_ =	sdelay $0x1  }
0x212: {  	v10 =	vmul.f32 v10, v9;
	v11 =	vmul.f32 v11, v9  }
0x213: {  	s0 =	sadd.s32 s0, s17;
	v7 =	vmul.f32 v7, v9;
	v13 =	vmul.f32 v13, v9  }
0x214: {  	v16 =	vmov s0;
	s25 =	sadd.s32 $0x1, s0;
	s9 =	sadd.s32 $0x2, s0;
	s12 =	sadd.s32 $0x3, s0;
	[tilespmem:s11+$0x80] =	vst v10;
	v10 =	vmul.f32 v12, v9;
	v12 =	vmul.f32 v14, v9  }
0x215: {  	v14 =	vand.u32 $0xFFFFFFFC, v16;
	[tilespmem:s11+$0xA0] =	vst v7;
	v7 =	vmul.f32 v8, v9;
	v8 =	vmul.f32 v15, v9  }
0x216: {  	v9 =	vbroadcast v14, $0x0;
	v14 =	vmov s25;
	v15 =	vmov s9;
	[tilespmem:s11+$0xC0] =	vst v10  }
0x217: {  	v10 =	vand.u32 $0xFFFFFFFD, v14;
	v14 =	vand.u32 $0xFFFFFFFE, v15;
	[tilespmem:s11+$0xF0] =	vst v8  }
0x218: {  	v8 =	vld [tilespmem:s2+$0xFFFFFF40];
	[tilespmem:s11+$0xE0] =	vst v7  }
0x219: {  	v7 =	vld [tilespmem:s2+$0xFFFFFF50];
	[tilespmem:s11+$0x90] =	vst v11  }
0x21a: {  	v11 =	vld [tilespmem:s2+$0xFFFFFF60];
	[tilespmem:s11+$0xB0] =	vst v13  }
0x21b: {  	v13 =	vld [tilespmem:s2+$0xFFFFFF70];
	[tilespmem:s11+$0xD0] =	vst v12;
	s11 =	smov.u32 s2  }
0x21c: {  	v9 =	vld.idx.msk [tilespmem:v9+s23+$0x0], $0xffff  }
0x21d: {  	v12 =	vld [tilespmem:s2+$0xFFFFFF00]  }
0x21e: {  	v15 =	vld [tilespmem:s2+$0xFFFFFF20]  }
0x21f: {  	v16 =	vld [tilespmem:s2+$0xFFFFFF10]  }
0x220: {  	v17 =	vld [tilespmem:s2+$0xFFFFFF30];
	_ =	sdelay $0x1  }
0x221: {  	v13 =	vmul.f32 v13, v9;
	v12 =	vmul.f32 v12, v9  }
0x222: {  	v11 =	vmul.f32 v11, v9;
	v15 =	vmul.f32 v15, v9  }
0x223: {  	v7 =	vmul.f32 v7, v9;
	v16 =	vmul.f32 v16, v9;
	[tilespmem:s2+$0xFFFFFF70] =	vst v13  }
0x224: {  	v8 =	vmul.f32 v8, v9;
	[tilespmem:s2+$0xFFFFFF00] =	vst v12;
	v12 =	vmul.f32 v17, v9  }
0x225: {  	v9 =	vbroadcast v10, $0x0;
	[tilespmem:s2+$0xFFFFFF20] =	vst v15  }
0x226: {  	[tilespmem:s2+$0xFFFFFF50] =	vst v7  }
0x227: {  	[tilespmem:s2+$0xFFFFFF40] =	vst v8;
	v7 =	vld [tilespmem:s2+$0xFFFFFFF0]  }
0x228: {  	[tilespmem:s2+$0xFFFFFF60] =	vst v11;
	v8 =	vld [tilespmem:s2+$0xFFFFFFC0]  }
0x229: {  	[tilespmem:s2+$0xFFFFFF30] =	vst v12;
	v10 =	vld [tilespmem:s2+$0xFFFFFFD0]  }
0x22a: {  	[tilespmem:s2+$0xFFFFFF10] =	vst v16;
	v11 =	vld [tilespmem:s2+$0xFFFFFF90]  }
0x22b: {  	v9 =	vld.idx.msk [tilespmem:v9+s23+$0x0], $0xffff  }
0x22c: {  	v12 =	vld [tilespmem:s2+$0xFFFFFF80]  }
0x22d: {  	v13 =	vld [tilespmem:s2+$0xFFFFFFA0]  }
0x22e: {  	v15 =	vld [tilespmem:s2+$0xFFFFFFB0]  }
0x22f: {  	v16 =	vld [tilespmem:s2+$0xFFFFFFE0];
	_ =	sdelay $0x1  }
0x230: {  	v11 =	vmul.f32 v11, v9;
	v12 =	vmul.f32 v12, v9  }
0x231: {  	v10 =	vmul.f32 v10, v9;
	v13 =	vmul.f32 v13, v9  }
0x232: {  	v8 =	vmul.f32 v8, v9;
	[tilespmem:s2+$0xFFFFFF90] =	vst v11;
	v11 =	vmul.f32 v15, v9  }
0x233: {  	v7 =	vmul.f32 v7, v9;
	[tilespmem:s2+$0xFFFFFFA0] =	vst v13;
	v13 =	vmul.f32 v16, v9  }
0x234: {  	v9 =	vbroadcast v14, $0x0;
	[tilespmem:s2+$0xFFFFFF80] =	vst v12  }
0x235: {  	[tilespmem:s2+$0xFFFFFFB0] =	vst v11  }
0x236: {  	[tilespmem:s2+$0xFFFFFFC0] =	vst v8  }
0x237: {  	[tilespmem:s2+$0xFFFFFFD0] =	vst v10  }
.Ltmp11:
0x238: {  	[tilespmem:s2+$0xFFFFFFF0] =	vst v7;
	v8 =	vld [tilespmem:s2+$0x40];
	(pc) =	sbr.rel @p2 .LBB2_12-.Ltmp11, $4  }
0x239: {  	[tilespmem:s2+$0xFFFFFFE0] =	vst v13;
	v10 =	vld [tilespmem:s2+$0x60]  }
0x23a: {  	v7 =	vld.idx.msk [tilespmem:v9+s23+$0x0], $0xffff  }
0x23b: {  	v11 =	vld [tilespmem:s2+$0x0]  }
0x23c: {  	v9 =	vld [tilespmem:s2+$0x10]  }
.Ltmp12:
0x23d: {  	_ = 	snop;
	(pc) =	sbr.rel .LBB2_13-.Ltmp12, $1  }
0x23e: {  	_ =	sdelay $0x3  }
.LBB2_16:
0x23f: {  	[bflag:$0x0] =	sbarrier.arrive $0xFFFF  }
0x240: {  	s13 =	simm.s32 $0x0;
	s1 =	simm.s32 $0x6280;
	s0 =	rddreg [dreg:$0xf]  }
0x241: {  	[tilespmem:s1], [sflag:$0x3] =	stream.linear.gather [hbm4b:s0+s13], $0x50, $0x38;
	[tilespmem:$0x1FCE8] =	vst v63  }
0x242: {  	s25 =	simm.s32 $0x6380;
	s18 =	rddreg [dreg:$0x10]  }
0x243: {  	[tilespmem:s25], [sflag:$0x3] =	stream.linear.gather [hbm4b:s18+s13], $0x50, $0x38;
	[tilespmem:$0x1FCE8] =	vst v63  }
0x244: {  	s2 =	simm.s32 $0x6480;
	s9 =	simm.s32 $0x3;
	s1 =	rddreg [dreg:$0x11]  }
0x245: {  	[tilespmem:s2], [sflag:$0x3] =	stream.linear.gather [hbm4b:s1+s13], $0x50, $0x38;
	[tilespmem:$0x1FCE8] =	vst v63  }
0x246: {  	_ =	swait.ge [sflag:s9], $0x50  }
0x247: {  	[sflag:s9] =	ssyncset.done $0x0  }
0x248: {  	[sflag:s9] =	ssyncadd.s32 $0xFFFFFFB0  }
0x249: {  	_ =	swait.ge [sflag:s9], $0x50  }
0x24a: {  	[sflag:s9] =	ssyncset.done $0x0  }
0x24b: {  	[sflag:s9] =	ssyncadd.s32 $0xFFFFFFB0  }
0x24c: {  	_ =	swait.ge [sflag:s9], $0x50  }
0x24d: {  	[sflag:s9] =	ssyncset.done $0x0  }
0x24e: {  	[sflag:s9] =	ssyncadd.s32 $0xFFFFFFB0  }
0x24f: {  	v5 =	vld [tilespmem:$0x6280]  }
0x250: {  	v6 =	vld [tilespmem:$0x6380];
	_ =	sdelay $0x4  }
0x251: {  	v7 =	vshll.u32 v5, $0x1;
	v6 =	vshll.u32 v6, $0x1  }
0x252: {  	v6 =	vor.u32 $0x1, v6;
	_ =	sdelay $0x3  }
0x253: {  	v7 =	vld.idx.msk [tilespmem:v7+s13+$0x0], $0xffff  }
0x254: {  	v6 =	vld.idx.msk [tilespmem:v6+s13+$0x0], $0xffff;
	_ =	sdelay $0x1  }
0x255: {  	v8 =	vld [tilespmem:$0x6480];
	_ =	sdelay $0x2  }
0x256: {  	v6 =	vadd.f32 v6, v7;
	_ =	sdelay $0x1  }
0x257: {  	v6 =	vadd.f32 v6, v8;
	_ =	sdelay $0x1  }
0x258: {  	v7 =	vmul.f32 $2.000000030e-01, v6  }
0x259: {  	vm0 =	vgt.f32 v6, $0.0e+00  }
0x25a: {  	v6 =	vsel vm0, v6, v7  }
0x25b: {  	v6 =	vmul.f32 $1.442695020e+00, v6;
	_ =	sdelay $0x1  }
0x25c: {  	v7 =	vld [tilespmem:$0x6390];
	(erf) = vpow2.f32 v6  }
0x25d: {  	v6 =	vld [tilespmem:$0x6290];
	_ =	sdelay $0x4  }
0x25e: {  	v7 =	vshll.u32 v7, $0x1;
	v50 =	vshll.u32 v6, $0x1  }
0x25f: {  	v7 =	vor.u32 $0x1, v7  }
0x260: {  	v5 =	vadd.s32 v0, v5  }
0x261: {  	[tilespmem:$0x6580] =	vst v5;
	v9 =	vpop (erf)  }
0x262: {  	[tilespmem:$0x6780] =	vst v9  }
0x263: {  	v5 =	vld.idx.msk [tilespmem:v50+s13+$0x0], $0xffff  }
0x264: {  	v7 =	vld.idx.msk [tilespmem:v7+s13+$0x0], $0xffff;
	_ =	sdelay $0x1  }
0x265: {  	v51 =	vld [tilespmem:$0x6490];
	_ =	sdelay $0x2  }
0x266: {  	v5 =	vadd.f32 v7, v5;
	_ =	sdelay $0x1  }
0x267: {  	v5 =	vadd.f32 v5, v51;
	_ =	sdelay $0x1  }
0x268: {  	v7 =	vmul.f32 $2.000000030e-01, v5  }
0x269: {  	vm12 =	vgt.f32 v5, $0.0e+00  }
0x26a: {  	v5 =	vsel vm12, v5, v7  }
0x26b: {  	v5 =	vmul.f32 $1.442695020e+00, v5;
	_ =	sdelay $0x1  }
0x26c: {  	v7 =	vld [tilespmem:$0x63A0];
	(erf) = vpow2.f32 v5  }
0x26d: {  	v5 =	vld [tilespmem:$0x62A0];
	_ =	sdelay $0x4  }
0x26e: {  	v7 =	vshll.u32 v7, $0x1;
	v52 =	vshll.u32 v5, $0x1  }
0x26f: {  	v7 =	vor.u32 $0x1, v7  }
0x270: {  	v6 =	vadd.s32 v0, v6  }
0x271: {  	[tilespmem:$0x6590] =	vst v6;
	v53 =	vpop (erf)  }
0x272: {  	[tilespmem:$0x6790] =	vst v53  }
0x273: {  	v6 =	vld.idx.msk [tilespmem:v52+s13+$0x0], $0xffff  }
0x274: {  	v7 =	vld.idx.msk [tilespmem:v7+s13+$0x0], $0xffff;
	_ =	sdelay $0x1  }
0x275: {  	v54 =	vld [tilespmem:$0x64A0];
	_ =	sdelay $0x2  }
0x276: {  	v6 =	vadd.f32 v7, v6;
	_ =	sdelay $0x1  }
0x277: {  	v6 =	vadd.f32 v6, v54;
	_ =	sdelay $0x1  }
0x278: {  	v7 =	vmul.f32 $2.000000030e-01, v6  }
0x279: {  	vm13 =	vgt.f32 v6, $0.0e+00  }
0x27a: {  	v6 =	vsel vm13, v6, v7  }
0x27b: {  	v6 =	vmul.f32 $1.442695020e+00, v6;
	_ =	sdelay $0x1  }
0x27c: {  	v7 =	vld [tilespmem:$0x63B0];
	(erf) = vpow2.f32 v6  }
0x27d: {  	v6 =	vld [tilespmem:$0x62B0];
	_ =	sdelay $0x4  }
0x27e: {  	v7 =	vshll.u32 v7, $0x1;
	v55 =	vshll.u32 v6, $0x1  }
0x27f: {  	v7 =	vor.u32 $0x1, v7  }
0x280: {  	v5 =	vadd.s32 v0, v5  }
0x281: {  	[tilespmem:$0x65A0] =	vst v5;
	v56 =	vpop (erf)  }
0x282: {  	[tilespmem:$0x67A0] =	vst v56  }
0x283: {  	v5 =	vld.idx.msk [tilespmem:v55+s13+$0x0], $0xffff  }
0x284: {  	v7 =	vld.idx.msk [tilespmem:v7+s13+$0x0], $0xffff;
	_ =	sdelay $0x1  }
0x285: {  	v57 =	vld [tilespmem:$0x64B0];
	_ =	sdelay $0x2  }
0x286: {  	v5 =	vadd.f32 v7, v5;
	_ =	sdelay $0x1  }
0x287: {  	v5 =	vadd.f32 v5, v57;
	_ =	sdelay $0x1  }
0x288: {  	v7 =	vmul.f32 $2.000000030e-01, v5  }
0x289: {  	vm14 =	vgt.f32 v5, $0.0e+00  }
0x28a: {  	v5 =	vsel vm14, v5, v7  }
0x28b: {  	v5 =	vmul.f32 $1.442695020e+00, v5;
	_ =	sdelay $0x1  }
0x28c: {  	v7 =	vld [tilespmem:$0x63C0];
	(erf) = vpow2.f32 v5  }
0x28d: {  	v5 =	vld [tilespmem:$0x62C0];
	_ =	sdelay $0x4  }
0x28e: {  	v7 =	vshll.u32 v7, $0x1;
	v58 =	vshll.u32 v5, $0x1  }
0x28f: {  	v7 =	vor.u32 $0x1, v7  }
0x290: {  	v6 =	vadd.s32 v0, v6  }
0x291: {  	[tilespmem:$0x65B0] =	vst v6;
	v59 =	vpop (erf)  }
0x292: {  	[tilespmem:$0x67B0] =	vst v59  }
0x293: {  	v6 =	vld.idx.msk [tilespmem:v58+s13+$0x0], $0xffff  }
0x294: {  	v7 =	vld.idx.msk [tilespmem:v7+s13+$0x0], $0xffff;
	_ =	sdelay $0x1  }
0x295: {  	v60 =	vld [tilespmem:$0x64C0];
	_ =	sdelay $0x2  }
0x296: {  	v6 =	vadd.f32 v7, v6;
	_ =	sdelay $0x1  }
0x297: {  	v6 =	vadd.f32 v6, v60;
	_ =	sdelay $0x1  }
0x298: {  	v7 =	vmul.f32 $2.000000030e-01, v6  }
0x299: {  	vm15 =	vgt.f32 v6, $0.0e+00  }
0x29a: {  	v6 =	vsel vm15, v6, v7  }
0x29b: {  	v6 =	vmul.f32 $1.442695020e+00, v6;
	_ =	sdelay $0x1  }
0x29c: {  	v62 =	vld [tilespmem:$0x63A0];
	(erf) = vpow2.f32 v6  }
0x29d: {  	v63 =	vld [tilespmem:$0x63B0];
	v5 =	vadd.s32 v0, v5  }
0x29e: {  	[tilespmem:$0x65C0] =	vst v5;
	v5 =	vld [tilespmem:$0x63C0]  }
0x29f: {  	v7 =	vld [tilespmem:$0x6390]  }
0x2a0: {  	v6 =	vld [tilespmem:$0x6380]  }
0x2a1: {  	[tilespmem:$0x66A0] =	vst v62  }
0x2a2: {  	[tilespmem:$0x66B0] =	vst v63  }
0x2a3: {  	s11 =	rddreg [dreg:$0x12];
	[tilespmem:$0x66C0] =	vst v5  }
0x2a4: {  	s15 =	rddreg [dreg:$0x13];
	[tilespmem:$0x6690] =	vst v7  }
0x2a5: {  	s18 =	rddreg [dreg:$0x14];
	[tilespmem:$0x6680] =	vst v6;
	v61 =	vpop (erf)  }
0x2a6: {  	s31 =	rddreg [dreg:$0x8];
	[tilespmem:$0x67C0] =	vst v61  }
0x2a7: {  	[tilespmem:s16], [sflag:$0x5] =	stream.indirect.gather [hbm4b:s10+s30], $0x80, s20, s30, $0xb8;
	[tilespmem:$0x1FCE8] =	vst v63  }
0x2a8: {  	s12 =	simm.s32 $0x6300;
	s28 =	rddreg [dreg:$0x1]  }
0x2a9: {  	[tilespmem:s12], [sflag:$0x4] =	stream.linear.gather [hbm4b:s11+s13], $0x50, $0x38;
	[tilespmem:$0x1FCE8] =	vst v63  }
0x2aa: {  	s17 =	simm.s32 $0x6400;
	s12 =	sld [smem:$0x7FD]  }
0x2ab: {  	[tilespmem:s17], [sflag:$0x4] =	stream.linear.gather [hbm4b:s15+s13], $0x50, $0x38;
	[tilespmem:$0x1FCE8] =	vst v63  }
0x2ac: {  	s25 =	simm.s32 $0x6500;
	s17 =	rddreg [dreg:$0x9]  }
0x2ad: {  	[tilespmem:s25], [sflag:$0x4] =	stream.linear.gather [hbm4b:s18+s13], $0x50, $0x38;
	[tilespmem:$0x1FCE8] =	vst v63  }
0x2ae: {  	s25 =	rddreg [dreg:$0x0]  }
0x2af: {  	s1 =	simm.s32 $0x9080;
	s18 =	rddreg [dreg:$0x15]  }
.LBB2_17:
0x2b0: {  	_ =	swait.ge [sflag:s26], $0x50  }
0x2b1: {  	[sflag:s26] =	ssyncset.done $0x0  }
0x2b2: {  	[sflag:s26] =	ssyncadd.s32 $0xFFFFFFB0  }
0x2b3: {  	_ =	swait.ge [sflag:s26], $0x50  }
0x2b4: {  	[sflag:s26] =	ssyncset.done $0x0  }
0x2b5: {  	[sflag:s26] =	ssyncadd.s32 $0xFFFFFFB0  }
0x2b6: {  	_ =	swait.ge [sflag:s26], $0x50  }
0x2b7: {  	[sflag:s26] =	ssyncset.done $0x0  }
0x2b8: {  	[sflag:s26] =	ssyncadd.s32 $0xFFFFFFB0  }
0x2b9: {  	v5 =	vld [tilespmem:$0x6300]  }
0x2ba: {  	v6 =	vld [tilespmem:$0x6400];
	_ =	sdelay $0x4  }
0x2bb: {  	v7 =	vshll.u32 v5, $0x1;
	v6 =	vshll.u32 v6, $0x1  }
0x2bc: {  	v6 =	vor.u32 $0x1, v6;
	_ =	sdelay $0x3  }
0x2bd: {  	v7 =	vld.idx.msk [tilespmem:v7+s7+$0x0], $0xffff  }
0x2be: {  	v6 =	vld.idx.msk [tilespmem:v6+s7+$0x0], $0xffff;
	_ =	sdelay $0x1  }
0x2bf: {  	v8 =	vld [tilespmem:$0x6500];
	_ =	sdelay $0x2  }
0x2c0: {  	v6 =	vadd.f32 v6, v7;
	_ =	sdelay $0x1  }
0x2c1: {  	v6 =	vadd.f32 v6, v8;
	_ =	sdelay $0x1  }
0x2c2: {  	v7 =	vmul.f32 $2.000000030e-01, v6  }
0x2c3: {  	vm0 =	vgt.f32 v6, $0.0e+00  }
0x2c4: {  	v6 =	vsel vm0, v6, v7  }
0x2c5: {  	v6 =	vmul.f32 $1.442695020e+00, v6;
	_ =	sdelay $0x1  }
0x2c6: {  	v7 =	vld [tilespmem:$0x6410];
	(erf) = vpow2.f32 v6  }
0x2c7: {  	v6 =	vld [tilespmem:$0x6310];
	_ =	sdelay $0x4  }
0x2c8: {  	v7 =	vshll.u32 v7, $0x1;
	v8 =	vshll.u32 v6, $0x1  }
0x2c9: {  	v7 =	vor.u32 $0x1, v7  }
0x2ca: {  	v5 =	vadd.s32 v0, v5  }
0x2cb: {  	[tilespmem:$0x6600] =	vst v5;
	v9 =	vpop (erf)  }
0x2cc: {  	[tilespmem:$0x6800] =	vst v9  }
0x2cd: {  	v5 =	vld.idx.msk [tilespmem:v8+s7+$0x0], $0xffff  }
0x2ce: {  	v7 =	vld.idx.msk [tilespmem:v7+s7+$0x0], $0xffff;
	_ =	sdelay $0x1  }
0x2cf: {  	v8 =	vld [tilespmem:$0x6510];
	_ =	sdelay $0x2  }
0x2d0: {  	v5 =	vadd.f32 v7, v5;
	_ =	sdelay $0x1  }
0x2d1: {  	v5 =	vadd.f32 v5, v8;
	_ =	sdelay $0x1  }
0x2d2: {  	v7 =	vmul.f32 $2.000000030e-01, v5  }
0x2d3: {  	vm12 =	vgt.f32 v5, $0.0e+00  }
0x2d4: {  	v5 =	vsel vm12, v5, v7  }
0x2d5: {  	v5 =	vmul.f32 $1.442695020e+00, v5;
	_ =	sdelay $0x1  }
0x2d6: {  	v7 =	vld [tilespmem:$0x6420];
	(erf) = vpow2.f32 v5  }
0x2d7: {  	v5 =	vld [tilespmem:$0x6320];
	_ =	sdelay $0x4  }
0x2d8: {  	v7 =	vshll.u32 v7, $0x1;
	v8 =	vshll.u32 v5, $0x1  }
0x2d9: {  	v7 =	vor.u32 $0x1, v7  }
0x2da: {  	v6 =	vadd.s32 v0, v6  }
0x2db: {  	[tilespmem:$0x6610] =	vst v6;
	v9 =	vpop (erf)  }
0x2dc: {  	[tilespmem:$0x6810] =	vst v9  }
0x2dd: {  	v6 =	vld.idx.msk [tilespmem:v8+s7+$0x0], $0xffff  }
0x2de: {  	v7 =	vld.idx.msk [tilespmem:v7+s7+$0x0], $0xffff;
	_ =	sdelay $0x1  }
0x2df: {  	v8 =	vld [tilespmem:$0x6520];
	_ =	sdelay $0x2  }
0x2e0: {  	v6 =	vadd.f32 v7, v6;
	_ =	sdelay $0x1  }
0x2e1: {  	v6 =	vadd.f32 v6, v8;
	_ =	sdelay $0x1  }
0x2e2: {  	v7 =	vmul.f32 $2.000000030e-01, v6  }
0x2e3: {  	vm13 =	vgt.f32 v6, $0.0e+00  }
0x2e4: {  	v6 =	vsel vm13, v6, v7  }
0x2e5: {  	v6 =	vmul.f32 $1.442695020e+00, v6;
	_ =	sdelay $0x1  }
0x2e6: {  	v7 =	vld [tilespmem:$0x6430];
	(erf) = vpow2.f32 v6  }
0x2e7: {  	v6 =	vld [tilespmem:$0x6330];
	_ =	sdelay $0x4  }
0x2e8: {  	v7 =	vshll.u32 v7, $0x1;
	v8 =	vshll.u32 v6, $0x1  }
0x2e9: {  	v7 =	vor.u32 $0x1, v7  }
0x2ea: {  	v5 =	vadd.s32 v0, v5  }
0x2eb: {  	[tilespmem:$0x6620] =	vst v5;
	v9 =	vpop (erf)  }
0x2ec: {  	[tilespmem:$0x6820] =	vst v9  }
0x2ed: {  	v5 =	vld.idx.msk [tilespmem:v8+s7+$0x0], $0xffff  }
0x2ee: {  	v7 =	vld.idx.msk [tilespmem:v7+s7+$0x0], $0xffff;
	_ =	sdelay $0x1  }
0x2ef: {  	v8 =	vld [tilespmem:$0x6530];
	_ =	sdelay $0x2  }
0x2f0: {  	v5 =	vadd.f32 v7, v5;
	_ =	sdelay $0x1  }
0x2f1: {  	v5 =	vadd.f32 v5, v8;
	_ =	sdelay $0x1  }
0x2f2: {  	v7 =	vmul.f32 $2.000000030e-01, v5  }
0x2f3: {  	vm14 =	vgt.f32 v5, $0.0e+00  }
0x2f4: {  	v5 =	vsel vm14, v5, v7  }
0x2f5: {  	v5 =	vmul.f32 $1.442695020e+00, v5;
	_ =	sdelay $0x1  }
0x2f6: {  	v7 =	vld [tilespmem:$0x6440];
	(erf) = vpow2.f32 v5  }
0x2f7: {  	v5 =	vld [tilespmem:$0x6340];
	_ =	sdelay $0x4  }
0x2f8: {  	v7 =	vshll.u32 v7, $0x1;
	v8 =	vshll.u32 v5, $0x1  }
0x2f9: {  	v7 =	vor.u32 $0x1, v7  }
0x2fa: {  	v6 =	vadd.s32 v0, v6  }
0x2fb: {  	[tilespmem:$0x6630] =	vst v6;
	v9 =	vpop (erf)  }
0x2fc: {  	[tilespmem:$0x6830] =	vst v9  }
0x2fd: {  	v6 =	vld.idx.msk [tilespmem:v8+s7+$0x0], $0xffff  }
0x2fe: {  	v7 =	vld.idx.msk [tilespmem:v7+s7+$0x0], $0xffff;
	_ =	sdelay $0x1  }
0x2ff: {  	v8 =	vld [tilespmem:$0x6540];
	_ =	sdelay $0x2  }
0x300: {  	v6 =	vadd.f32 v7, v6;
	_ =	sdelay $0x1  }
0x301: {  	v6 =	vadd.f32 v6, v8;
	_ =	sdelay $0x1  }
0x302: {  	v7 =	vmul.f32 $2.000000030e-01, v6  }
0x303: {  	vm15 =	vgt.f32 v6, $0.0e+00  }
0x304: {  	v6 =	vsel vm15, v6, v7  }
0x305: {  	v6 =	vmul.f32 $1.442695020e+00, v6;
	_ =	sdelay $0x1  }
0x306: {  	(erf) = vpow2.f32 v6;
	_ =	sdelay $0x7  }
0x307: {  	v5 =	vadd.s32 v0, v5  }
0x308: {  	p1 =	seq.s32 s13, $0x0;
	[tilespmem:$0x6640] =	vst v5;
	v6 =	vpop (erf)  }
0x309: {  	s0 =	simm.s32 @!p1 $0x8;
	[tilespmem:$0x6840] =	vst v6  }
0x30a: {  	_ =	swait.ge @!p1 [sflag:s0], $0x2800  }
0x30b: {  	[sflag:s0] =	ssyncset.done @!p1 $0x0  }
0x30c: {  	s2 =	simm.s32 $0x6600;
	[sflag:s0] =	ssyncadd.s32 @!p1 $0xFFFFD800  }
0x30d: {  	[tilespmem:s1], [sflag:$0x6] =	stream.indirect.gather [hbm4b:s10+s30], $0x80, s2, s30, $0xb8;
	[tilespmem:$0x1FCE8] =	vst v63  }
0x30e: {  	v5 =	vld [tilespmem:$0x6400]  }
0x30f: {  	v6 =	vld [tilespmem:$0x6410]  }
0x310: {  	v7 =	vld [tilespmem:$0x6420]  }
0x311: {  	v8 =	vld [tilespmem:$0x6430]  }
0x312: {  	p1 =	seq.s32 s13, $0x7C;
	s1 =	sld [smem:$0x7F9];
	v9 =	vld [tilespmem:$0x6440]  }
0x313: {  	s0 =	smul.u32 @!p1 $0xA0, s13;
	[tilespmem:$0x6700] =	vst v5  }
0x314: {  	[tilespmem:$0x6710] =	vst v6  }
0x315: {  	s0 =	sadd.s32 @!p1 s0, s1;
	[tilespmem:$0x6720] =	vst v7  }
0x316: {  	s11 =	simm.s32 $0x0;
	s0 =	sshrl.u32 @!p1 s0, $0x3;
	[tilespmem:$0x6730] =	vst v8  }
0x317: {  	s2 =	simm.s32 @!p1 $0x0;
	s9 =	simm.s32 @!p1 $0x6280;
	s1 =	sadd.s32 @!p1 s25, s0;
	[tilespmem:$0x6740] =	vst v9  }
0x318: {  	[tilespmem:s9], [sflag:$0x3] =	stream.linear.gather @!p1 [hbm4b:s1+s2], $0x50, $0x38;
	[tilespmem:$0x1FCE8] =	vst v63  }
0x319: {  	v5 =	vmov s11;
	s1 =	sadd.s32 @!p1 s28, s0;
	s9 =	simm.s32 @!p1 $0x6380  }
0x31a: {  	v5 =	vand.u32 $0xFFFFFFFC, v5;
	[tilespmem:s9], [sflag:$0x3] =	stream.linear.gather @!p1 [hbm4b:s1+s2], $0x50, $0x38;
	[tilespmem:$0x1FCE8] =	vst v63  }
0x31b: {  	s0 =	sadd.s32 @!p1 s31, s0;
	v5 =	vbroadcast v5, $0x0;
	s1 =	simm.s32 @!p1 $0x6480;
	s9 =	simm.s32 $0x5  }
0x31c: {  	[tilespmem:s1], [sflag:$0x3] =	stream.linear.gather @!p1 [hbm4b:s0+s2], $0x50, $0x38;
	[tilespmem:$0x1FCE8] =	vst v63  }
0x31d: {  	_ =	swait.ge [sflag:s9], $0x2800  }
0x31e: {  	[sflag:s9] =	ssyncset.done $0x0  }
0x31f: {  	s1 =	simm.s32 $0x6980;
	[sflag:s9] =	ssyncadd.s32 $0xFFFFD800  }
0x320: {  	v7 =	vld [tilespmem:s1+$0xFFFFFF70]  }
0x321: {  	v5 =	vld.idx.msk [tilespmem:v5+s19+$0x0], $0xffff  }
0x322: {  	v8 =	vld [tilespmem:s1+$0xFFFFFF00]  }
0x323: {  	v9 =	vld [tilespmem:s1+$0xFFFFFF20]  }
0x324: {  	v10 =	vld [tilespmem:s1+$0xFFFFFF30]  }
0x325: {  	v6 =	vld [tilespmem:s1+$0xFFFFFF50]  }
0x326: {  	v12 =	vld [tilespmem:s1+$0xFFFFFF10];
	v7 =	vmul.f32 v7, v5  }
0x327: {  	s11 =	simm.s32 $0x1;
	v11 =	vld [tilespmem:s1+$0xFFFFFF60];
	v8 =	vmul.f32 v8, v5  }
0x328: {  	v13 =	vld [tilespmem:s1+$0xFFFFFF40];
	v9 =	vmul.f32 v9, v5;
	[tilespmem:s1+$0xFFFFFF70] =	vst v7;
	v7 =	vmov s11  }
0x329: {  	v10 =	vmul.f32 v10, v5;
	[tilespmem:s1+$0xFFFFFF00] =	vst v8;
	v7 =	vand.u32 $0xFFFFFFFD, v7  }
0x32a: {  	v6 =	vmul.f32 v6, v5;
	[tilespmem:s1+$0xFFFFFF20] =	vst v9;
	v7 =	vbroadcast v7, $0x0  }
0x32b: {  	v8 =	vmul.f32 v12, v5;
	[tilespmem:s1+$0xFFFFFF30] =	vst v10  }
0x32c: {  	v9 =	vmul.f32 v11, v5;
	[tilespmem:s1+$0xFFFFFF50] =	vst v6  }
0x32d: {  	v5 =	vmul.f32 v13, v5;
	[tilespmem:s1+$0xFFFFFF10] =	vst v8  }
0x32e: {  	[tilespmem:s1+$0xFFFFFF60] =	vst v9  }
0x32f: {  	[tilespmem:s1+$0xFFFFFF40] =	vst v5;
	v5 =	vld [tilespmem:s1+$0xFFFFFF80]  }
0x330: {  	v7 =	vld.idx.msk [tilespmem:v7+s19+$0x0], $0xffff  }
0x331: {  	v6 =	vld [tilespmem:s1+$0xFFFFFFA0]  }
0x332: {  	v8 =	vld [tilespmem:s1+$0xFFFFFF90]  }
0x333: {  	v9 =	vld [tilespmem:s1+$0xFFFFFFD0]  }
0x334: {  	v10 =	vld [tilespmem:s1+$0xFFFFFFE0]  }
0x335: {  	v11 =	vld [tilespmem:s1+$0xFFFFFFF0];
	v5 =	vmul.f32 v5, v7  }
0x336: {  	s15 =	simm.s32 $0x2;
	v62 =	vld [tilespmem:s1+$0xFFFFFFB0];
	v6 =	vmul.f32 v6, v7  }
0x337: {  	v63 =	vld [tilespmem:s1+$0xFFFFFFC0];
	v8 =	vmul.f32 v8, v7;
	[tilespmem:s1+$0xFFFFFF80] =	vst v5;
	v5 =	vmov s15  }
0x338: {  	v9 =	vmul.f32 v9, v7;
	[tilespmem:s1+$0xFFFFFFA0] =	vst v6;
	v5 =	vand.u32 $0xFFFFFFFE, v5  }
0x339: {  	v6 =	vmul.f32 v10, v7;
	[tilespmem:s1+$0xFFFFFF90] =	vst v8;
	v8 =	vbroadcast v5, $0x0  }
0x33a: {  	v10 =	vmul.f32 v11, v7;
	[tilespmem:s1+$0xFFFFFFD0] =	vst v9;
	v11 =	vld [tilespmem:s1+$0x30]  }
0x33b: {  	v9 =	vmul.f32 v62, v7;
	v5 =	vld [tilespmem:s1+$0x40];
	[tilespmem:s1+$0xFFFFFFE0] =	vst v6  }
0x33c: {  	v7 =	vmul.f32 v63, v7;
	v6 =	vld [tilespmem:s1+$0x70];
	[tilespmem:s1+$0xFFFFFFF0] =	vst v10  }
0x33d: {  	[tilespmem:s1+$0xFFFFFFB0] =	vst v9;
	v9 =	vld [tilespmem:s1+$0x20]  }
0x33e: {  	[tilespmem:s1+$0xFFFFFFC0] =	vst v7;
	v10 =	vld [tilespmem:s1+$0x0]  }
0x33f: {  	v7 =	vld.idx.msk [tilespmem:v8+s19+$0x0], $0xffff  }
0x340: {  	s2 =	simm.s32 $0x6980;
	s11 =	simm.s32 $0x3;
	s15 =	simm.s32 $0x7;
	v8 =	vld [tilespmem:s1+$0x10]  }
.LBB2_18:
0x341: {  	p2 =	sne.s32 s15, $0x4F  }
0x342: {  	v12 =	vld [tilespmem:s1+$0x50];
	s2 =	sadd.s32 $0x200, s2;
	s0 =	smov.u32 s15;
	s15 =	sadd.s32 $0x4, s15  }
0x343: {  	v13 =	vld [tilespmem:s1+$0x60];
	_ =	sdelay $0x1  }
0x344: {  	v10 =	vmul.f32 v10, v7;
	v8 =	vmul.f32 v8, v7  }
0x345: {  	v9 =	vmul.f32 v9, v7;
	v11 =	vmul.f32 v11, v7  }
0x346: {  	v5 =	vmul.f32 v5, v7;
	v6 =	vmul.f32 v6, v7;
	[tilespmem:s1+$0x0] =	vst v10  }
0x347: {  	[tilespmem:s1+$0x20] =	vst v9;
	v9 =	vmul.f32 v12, v7;
	v7 =	vmul.f32 v13, v7  }
0x348: {  	[tilespmem:s1+$0x30] =	vst v11;
	v10 =	vld [tilespmem:s1+$0x80]  }
0x349: {  	[tilespmem:s1+$0x60] =	vst v7;
	v7 =	vmov s11;
	v11 =	vld [tilespmem:s1+$0xD0];
	s11 =	smov.u32 s0  }
0x34a: {  	[tilespmem:s1+$0x50] =	vst v9;
	v9 =	vld [tilespmem:s1+$0xE0]  }
0x34b: {  	[tilespmem:s1+$0x40] =	vst v5;
	v12 =	vld [tilespmem:s1+$0xB0]  }
0x34c: {  	v5 =	vld [tilespmem:s2+$0x40];
	[tilespmem:s1+$0x70] =	vst v6  }
0x34d: {  	v6 =	vld [tilespmem:s2+$0x70];
	[tilespmem:s1+$0x10] =	vst v8  }
0x34e: {  	v7 =	vld.idx.msk [tilespmem:v7+s19+$0x0], $0xffff  }
0x34f: {  	v8 =	vld [tilespmem:s1+$0x90]  }
0x350: {  	v13 =	vld [tilespmem:s1+$0xA0]  }
0x351: {  	v14 =	vld [tilespmem:s1+$0xC0]  }
0x352: {  	v15 =	vld [tilespmem:s1+$0xF0];
	_ =	sdelay $0x1  }
0x353: {  	v10 =	vmul.f32 v10, v7;
	v8 =	vmul.f32 v8, v7  }
0x354: {  	s0 =	sadd.s32 $0xFFFFFFFD, s11;
	v12 =	vmul.f32 v12, v7;
	v13 =	vmul.f32 v13, v7  }
0x355: {  	v16 =	vmov s0;
	v11 =	vmul.f32 v11, v7;
	[tilespmem:s1+$0x80] =	vst v10;
	v10 =	vmul.f32 v14, v7  }
0x356: {  	v14 =	vand.u32 $0xFFFFFFFC, v16;
	[tilespmem:s1+$0x90] =	vst v8;
	v8 =	vmul.f32 v9, v7;
	v7 =	vmul.f32 v15, v7  }
0x357: {  	v9 =	vbroadcast v14, $0x0;
	[tilespmem:s1+$0xA0] =	vst v13  }
0x358: {  	[tilespmem:s1+$0xD0] =	vst v11  }
0x359: {  	v11 =	vld [tilespmem:s2+$0xFFFFFF50];
	[tilespmem:s1+$0xB0] =	vst v12  }
0x35a: {  	v12 =	vld [tilespmem:s2+$0xFFFFFF30];
	[tilespmem:s1+$0xC0] =	vst v10  }
0x35b: {  	v10 =	vld [tilespmem:s2+$0xFFFFFF60];
	[tilespmem:s1+$0xE0] =	vst v8  }
0x35c: {  	v8 =	vld [tilespmem:s2+$0xFFFFFF70];
	[tilespmem:s1+$0xF0] =	vst v7;
	s1 =	smov.u32 s2  }
0x35d: {  	v7 =	vld.idx.msk [tilespmem:v9+s19+$0x0], $0xffff  }
0x35e: {  	v9 =	vld [tilespmem:s2+$0xFFFFFF00]  }
0x35f: {  	v13 =	vld [tilespmem:s2+$0xFFFFFF20]  }
0x360: {  	v14 =	vld [tilespmem:s2+$0xFFFFFF10]  }
0x361: {  	v15 =	vld [tilespmem:s2+$0xFFFFFF40];
	_ =	sdelay $0x1  }
0x362: {  	v8 =	vmul.f32 v8, v7;
	v9 =	vmul.f32 v9, v7  }
0x363: {  	s0 =	sadd.s32 $0xFFFFFFFE, s11;
	v10 =	vmul.f32 v10, v7;
	v13 =	vmul.f32 v13, v7  }
0x364: {  	v12 =	vmul.f32 v12, v7;
	v14 =	vmul.f32 v14, v7;
	[tilespmem:s2+$0xFFFFFF70] =	vst v8;
	v8 =	vmov s0  }
0x365: {  	[tilespmem:s2+$0xFFFFFF00] =	vst v9;
	v9 =	vmul.f32 v15, v7;
	v7 =	vmul.f32 v11, v7;
	v8 =	vand.u32 $0xFFFFFFFD, v8  }
0x366: {  	[tilespmem:s2+$0xFFFFFF20] =	vst v13;
	v8 =	vbroadcast v8, $0x0  }
0x367: {  	[tilespmem:s2+$0xFFFFFF30] =	vst v12  }
0x368: {  	[tilespmem:s2+$0xFFFFFF50] =	vst v7;
	v7 =	vld [tilespmem:s2+$0xFFFFFFF0]  }
0x369: {  	[tilespmem:s2+$0xFFFFFF10] =	vst v14;
	v11 =	vld [tilespmem:s2+$0xFFFFFFD0]  }
0x36a: {  	[tilespmem:s2+$0xFFFFFF60] =	vst v10;
	v10 =	vld [tilespmem:s2+$0xFFFFFFB0]  }
0x36b: {  	[tilespmem:s2+$0xFFFFFF40] =	vst v9;
	v9 =	vld [tilespmem:s2+$0xFFFFFF90]  }
0x36c: {  	v8 =	vld.idx.msk [tilespmem:v8+s19+$0x0], $0xffff  }
0x36d: {  	v12 =	vld [tilespmem:s2+$0xFFFFFF80]  }
0x36e: {  	v13 =	vld [tilespmem:s2+$0xFFFFFFA0]  }
0x36f: {  	v14 =	vld [tilespmem:s2+$0xFFFFFFC0]  }
0x370: {  	v15 =	vld [tilespmem:s2+$0xFFFFFFE0];
	_ =	sdelay $0x1  }
0x371: {  	v9 =	vmul.f32 v9, v8;
	v12 =	vmul.f32 v12, v8  }
0x372: {  	s0 =	sadd.s32 $0xFFFFFFFF, s11;
	v10 =	vmul.f32 v10, v8;
	v13 =	vmul.f32 v13, v8  }
0x373: {  	v11 =	vmul.f32 v11, v8;
	[tilespmem:s2+$0xFFFFFF80] =	vst v12;
	v12 =	vmul.f32 v14, v8;
	v14 =	vmov s0  }
0x374: {  	v7 =	vmul.f32 v7, v8;
	[tilespmem:s2+$0xFFFFFFA0] =	vst v13;
	v13 =	vmul.f32 v15, v8;
	v8 =	vand.u32 $0xFFFFFFFE, v14  }
0x375: {  	[tilespmem:s2+$0xFFFFFF90] =	vst v9;
	v8 =	vbroadcast v8, $0x0  }
0x376: {  	[tilespmem:s2+$0xFFFFFFD0] =	vst v11  }
0x377: {  	[tilespmem:s2+$0xFFFFFFE0] =	vst v13  }
0x378: {  	[tilespmem:s2+$0xFFFFFFB0] =	vst v10  }
.Ltmp13:
0x379: {  	[tilespmem:s2+$0xFFFFFFF0] =	vst v7;
	v9 =	vld [tilespmem:s2+$0x20];
	(pc) =	sbr.rel @p2 .LBB2_18-.Ltmp13, $4  }
0x37a: {  	[tilespmem:s2+$0xFFFFFFC0] =	vst v12;
	v10 =	vld [tilespmem:s2+$0x0]  }
0x37b: {  	v7 =	vld.idx.msk [tilespmem:v8+s19+$0x0], $0xffff  }
0x37c: {  	v8 =	vld [tilespmem:s2+$0x10]  }
0x37d: {  	v11 =	vld [tilespmem:s2+$0x30]  }
0x37e: {  	_ =	sdelay $0x1  }
0x37f: {  	v12 =	vld [tilespmem:s1+$0x60];
	v10 =	vmul.f32 v10, v7  }
0x380: {  	v13 =	vld [tilespmem:s1+$0x50];
	v9 =	vmul.f32 v9, v7  }
0x381: {  	v5 =	vmul.f32 v5, v7;
	[tilespmem:s1+$0x0] =	vst v10  }
0x382: {  	v6 =	vmul.f32 v6, v7;
	[tilespmem:s1+$0x20] =	vst v9  }
0x383: {  	v11 =	vmul.f32 v11, v7;
	[tilespmem:s1+$0x40] =	vst v5  }
0x384: {  	v57 =	vmov s11;
	[tilespmem:s1+$0x70] =	vst v6;
	v54 =	vmul.f32 v12, v7  }
0x385: {  	v55 =	vmul.f32 v13, v7;
	[tilespmem:s1+$0x30] =	vst v11  }
0x386: {  	v7 =	vmul.f32 v8, v7;
	[tilespmem:s1+$0x60] =	vst v54  }
0x387: {  	[tilespmem:s1+$0x50] =	vst v55  }
0x388: {  	v56 =	vld [tilespmem:s1+$0x80];
	[tilespmem:s1+$0x10] =	vst v7  }
0x389: {  	v5 =	vld.idx.msk [tilespmem:v57+s19+$0x0], $0xffff  }
0x38a: {  	v6 =	vld [tilespmem:s1+$0x90]  }
0x38b: {  	v7 =	vld [tilespmem:s1+$0xA0]  }
0x38c: {  	v58 =	vld [tilespmem:s1+$0xD0]  }
0x38d: {  	v61 =	vld [tilespmem:s1+$0xE0]  }
0x38e: {  	v59 =	vld [tilespmem:s1+$0xB0];
	v11 =	vmul.f32 v56, v5  }
0x38f: {  	v60 =	vld [tilespmem:s1+$0xC0];
	v6 =	vmul.f32 v6, v5  }
0x390: {  	v62 =	vld [tilespmem:s1+$0xF0];
	v7 =	vmul.f32 v7, v5;
	[tilespmem:s1+$0x80] =	vst v11  }
0x391: {  	v8 =	vmul.f32 v58, v5;
	[tilespmem:s1+$0x90] =	vst v6  }
0x392: {  	v63 =	vmul.f32 v61, v5;
	[tilespmem:s1+$0xA0] =	vst v7  }
0x393: {  	v6 =	vmul.f32 v59, v5;
	[tilespmem:s1+$0xD0] =	vst v8  }
.Ltmp14:
0x394: {  	v7 =	vmul.f32 v60, v5;
	[tilespmem:s1+$0xE0] =	vst v63;
	(pc) =	sbr.rel @p1 .LBB2_21-.Ltmp14, $4  }
0x395: {  	v5 =	vmul.f32 v62, v5;
	[tilespmem:s1+$0xB0] =	vst v6  }
0x396: {  	[tilespmem:s1+$0xC0] =	vst v7  }
0x397: {  	s0 =	simm.s32 $0x6680;
	[tilespmem:s1+$0xF0] =	vst v5  }
0x398: {  	[spmem:s3] =	stream.indirect.scatter.add.f32 [tilespmem:s16], [sflag:$0x7], $0x80, s0, s30, $0xb8;
	[tilespmem:$0x1FCE8] =	vst v63  }
0x399: {  	s0 =	simm.s32 $0x3  }
0x39a: {  	_ =	swait.ge [sflag:s0], $0x50  }
0x39b: {  	[sflag:s0] =	ssyncset.done $0x0  }
0x39c: {  	[sflag:s0] =	ssyncadd.s32 $0xFFFFFFB0  }
0x39d: {  	_ =	swait.ge [sflag:s0], $0x50  }
0x39e: {  	[sflag:s0] =	ssyncset.done $0x0  }
0x39f: {  	[sflag:s0] =	ssyncadd.s32 $0xFFFFFFB0  }
0x3a0: {  	_ =	swait.ge [sflag:s0], $0x50  }
0x3a1: {  	[sflag:s0] =	ssyncset.done $0x0  }
0x3a2: {  	[sflag:s0] =	ssyncadd.s32 $0xFFFFFFB0  }
0x3a3: {  	v5 =	vld [tilespmem:$0x6280]  }
0x3a4: {  	v6 =	vld [tilespmem:$0x6380];
	_ =	sdelay $0x4  }
0x3a5: {  	v7 =	vshll.u32 v5, $0x1;
	v6 =	vshll.u32 v6, $0x1  }
0x3a6: {  	v6 =	vor.u32 $0x1, v6;
	_ =	sdelay $0x3  }
0x3a7: {  	v7 =	vld.idx.msk [tilespmem:v7+s7+$0x0], $0xffff  }
0x3a8: {  	v6 =	vld.idx.msk [tilespmem:v6+s7+$0x0], $0xffff;
	_ =	sdelay $0x1  }
0x3a9: {  	v8 =	vld [tilespmem:$0x6480];
	_ =	sdelay $0x2  }
0x3aa: {  	v6 =	vadd.f32 v6, v7;
	_ =	sdelay $0x1  }
0x3ab: {  	v6 =	vadd.f32 v6, v8;
	_ =	sdelay $0x1  }
0x3ac: {  	v7 =	vmul.f32 $2.000000030e-01, v6  }
0x3ad: {  	vm0 =	vgt.f32 v6, $0.0e+00  }
0x3ae: {  	v6 =	vsel vm0, v6, v7  }
0x3af: {  	v6 =	vmul.f32 $1.442695020e+00, v6;
	_ =	sdelay $0x1  }
0x3b0: {  	v7 =	vld [tilespmem:$0x6390];
	(erf) = vpow2.f32 v6  }
0x3b1: {  	v6 =	vld [tilespmem:$0x6290];
	_ =	sdelay $0x4  }
0x3b2: {  	v7 =	vshll.u32 v7, $0x1;
	v51 =	vshll.u32 v6, $0x1  }
0x3b3: {  	v7 =	vor.u32 $0x1, v7  }
0x3b4: {  	v5 =	vadd.s32 v0, v5  }
0x3b5: {  	[tilespmem:$0x6580] =	vst v5;
	v9 =	vpop (erf)  }
0x3b6: {  	[tilespmem:$0x6780] =	vst v9  }
0x3b7: {  	v5 =	vld.idx.msk [tilespmem:v51+s7+$0x0], $0xffff  }
0x3b8: {  	v7 =	vld.idx.msk [tilespmem:v7+s7+$0x0], $0xffff;
	_ =	sdelay $0x1  }
0x3b9: {  	v52 =	vld [tilespmem:$0x6490];
	_ =	sdelay $0x2  }
0x3ba: {  	v5 =	vadd.f32 v7, v5;
	_ =	sdelay $0x1  }
0x3bb: {  	v5 =	vadd.f32 v5, v52;
	_ =	sdelay $0x1  }
0x3bc: {  	v7 =	vmul.f32 $2.000000030e-01, v5  }
0x3bd: {  	vm12 =	vgt.f32 v5, $0.0e+00  }
0x3be: {  	v5 =	vsel vm12, v5, v7  }
0x3bf: {  	v5 =	vmul.f32 $1.442695020e+00, v5;
	_ =	sdelay $0x1  }
0x3c0: {  	v7 =	vld [tilespmem:$0x63A0];
	(erf) = vpow2.f32 v5  }
0x3c1: {  	v5 =	vld [tilespmem:$0x62A0];
	_ =	sdelay $0x4  }
0x3c2: {  	v7 =	vshll.u32 v7, $0x1;
	v53 =	vshll.u32 v5, $0x1  }
0x3c3: {  	v7 =	vor.u32 $0x1, v7  }
0x3c4: {  	v6 =	vadd.s32 v0, v6  }
0x3c5: {  	[tilespmem:$0x6590] =	vst v6;
	v54 =	vpop (erf)  }
0x3c6: {  	[tilespmem:$0x6790] =	vst v54  }
0x3c7: {  	v6 =	vld.idx.msk [tilespmem:v53+s7+$0x0], $0xffff  }
0x3c8: {  	v7 =	vld.idx.msk [tilespmem:v7+s7+$0x0], $0xffff;
	_ =	sdelay $0x1  }
0x3c9: {  	v55 =	vld [tilespmem:$0x64A0];
	_ =	sdelay $0x2  }
0x3ca: {  	v6 =	vadd.f32 v7, v6;
	_ =	sdelay $0x1  }
0x3cb: {  	v6 =	vadd.f32 v6, v55;
	_ =	sdelay $0x1  }
0x3cc: {  	v7 =	vmul.f32 $2.000000030e-01, v6  }
0x3cd: {  	vm13 =	vgt.f32 v6, $0.0e+00  }
0x3ce: {  	v6 =	vsel vm13, v6, v7  }
0x3cf: {  	v6 =	vmul.f32 $1.442695020e+00, v6;
	_ =	sdelay $0x1  }
0x3d0: {  	v7 =	vld [tilespmem:$0x63B0];
	(erf) = vpow2.f32 v6  }
0x3d1: {  	v6 =	vld [tilespmem:$0x62B0];
	_ =	sdelay $0x4  }
0x3d2: {  	v7 =	vshll.u32 v7, $0x1;
	v56 =	vshll.u32 v6, $0x1  }
0x3d3: {  	v7 =	vor.u32 $0x1, v7  }
0x3d4: {  	v5 =	vadd.s32 v0, v5  }
0x3d5: {  	[tilespmem:$0x65A0] =	vst v5;
	v57 =	vpop (erf)  }
0x3d6: {  	[tilespmem:$0x67A0] =	vst v57  }
0x3d7: {  	v5 =	vld.idx.msk [tilespmem:v56+s7+$0x0], $0xffff  }
0x3d8: {  	v7 =	vld.idx.msk [tilespmem:v7+s7+$0x0], $0xffff;
	_ =	sdelay $0x1  }
0x3d9: {  	v58 =	vld [tilespmem:$0x64B0];
	_ =	sdelay $0x2  }
0x3da: {  	v5 =	vadd.f32 v7, v5;
	_ =	sdelay $0x1  }
0x3db: {  	v5 =	vadd.f32 v5, v58;
	_ =	sdelay $0x1  }
0x3dc: {  	v7 =	vmul.f32 $2.000000030e-01, v5  }
0x3dd: {  	vm14 =	vgt.f32 v5, $0.0e+00  }
0x3de: {  	v5 =	vsel vm14, v5, v7  }
0x3df: {  	v5 =	vmul.f32 $1.442695020e+00, v5;
	_ =	sdelay $0x1  }
0x3e0: {  	v7 =	vld [tilespmem:$0x63C0];
	(erf) = vpow2.f32 v5  }
0x3e1: {  	v5 =	vld [tilespmem:$0x62C0];
	_ =	sdelay $0x4  }
0x3e2: {  	v7 =	vshll.u32 v7, $0x1;
	v59 =	vshll.u32 v5, $0x1  }
0x3e3: {  	v7 =	vor.u32 $0x1, v7  }
0x3e4: {  	v6 =	vadd.s32 v0, v6  }
0x3e5: {  	[tilespmem:$0x65B0] =	vst v6;
	v60 =	vpop (erf)  }
0x3e6: {  	[tilespmem:$0x67B0] =	vst v60  }
0x3e7: {  	v6 =	vld.idx.msk [tilespmem:v59+s7+$0x0], $0xffff  }
0x3e8: {  	v7 =	vld.idx.msk [tilespmem:v7+s7+$0x0], $0xffff;
	_ =	sdelay $0x1  }
0x3e9: {  	v61 =	vld [tilespmem:$0x64C0];
	_ =	sdelay $0x2  }
0x3ea: {  	v6 =	vadd.f32 v7, v6;
	_ =	sdelay $0x1  }
0x3eb: {  	v6 =	vadd.f32 v6, v61;
	_ =	sdelay $0x1  }
0x3ec: {  	v7 =	vmul.f32 $2.000000030e-01, v6  }
0x3ed: {  	vm15 =	vgt.f32 v6, $0.0e+00  }
0x3ee: {  	v6 =	vsel vm15, v6, v7  }
0x3ef: {  	v6 =	vmul.f32 $1.442695020e+00, v6;
	_ =	sdelay $0x1  }
0x3f0: {  	(erf) = vpow2.f32 v6;
	_ =	sdelay $0x7  }
0x3f1: {  	v5 =	vadd.s32 v0, v5  }
0x3f2: {  	[tilespmem:$0x65C0] =	vst v5;
	v6 =	vpop (erf)  }
0x3f3: {  	s1 =	simm.s32 $0x7;
	[tilespmem:$0x67C0] =	vst v6  }
0x3f4: {  	_ =	swait.ge [sflag:s1], $0x2800  }
0x3f5: {  	[sflag:s1] =	ssyncset.done $0x0  }
0x3f6: {  	[sflag:s1] =	ssyncadd.s32 $0xFFFFD800  }
0x3f7: {  	[tilespmem:s16], [sflag:$0x5] =	stream.indirect.gather [hbm4b:s10+s30], $0x80, s20, s30, $0xb8;
	[tilespmem:$0x1FCE8] =	vst v63  }
0x3f8: {  	v5 =	vld [tilespmem:$0x6380]  }
0x3f9: {  	v6 =	vld [tilespmem:$0x6390]  }
0x3fa: {  	v7 =	vld [tilespmem:$0x63A0]  }
0x3fb: {  	v62 =	vld [tilespmem:$0x63B0]  }
0x3fc: {  	v63 =	vld [tilespmem:$0x63C0]  }
0x3fd: {  	s2 =	smul.u32 $0xA0, s13;
	[tilespmem:$0x6680] =	vst v5  }
0x3fe: {  	[tilespmem:$0x6690] =	vst v6  }
0x3ff: {  	s0 =	sadd.s32 s2, s12;
	[tilespmem:$0x66A0] =	vst v7  }
0x400: {  	s0 =	sshrl.u32 s0, $0x3;
	[tilespmem:$0x66B0] =	vst v62  }
0x401: {  	s2 =	simm.s32 $0x6300;
	s1 =	sadd.s32 s25, s0;
	[tilespmem:$0x66C0] =	vst v63  }
0x402: {  	[tilespmem:s2], [sflag:$0x4] =	stream.linear.gather [hbm4b:s1+s7], $0x50, $0x38;
	[tilespmem:$0x1FCE8] =	vst v63  }
0x403: {  	s11 =	simm.s32 $0x6400;
	s9 =	sadd.s32 s28, s0  }
0x404: {  	[tilespmem:s11], [sflag:$0x4] =	stream.linear.gather [hbm4b:s9+s7], $0x50, $0x38;
	[tilespmem:$0x1FCE8] =	vst v63  }
0x405: {  	s15 =	simm.s32 $0x6500;
	s0 =	sadd.s32 s31, s0  }
0x406: {  	[tilespmem:s15], [sflag:$0x4] =	stream.linear.gather [hbm4b:s0+s7], $0x50, $0x38;
	[tilespmem:$0x1FCE8] =	vst v63  }
.LBB2_21:
0x407: {  	s0 =	simm.s32 $0x0  }
0x408: {  	v5 =	vmov s0  }
0x409: {  	v5 =	vand.u32 $0xFFFFFFFC, v5  }
0x40a: {  	v5 =	vbroadcast v5, $0x0  }
0x40b: {  	s9 =	simm.s32 $0x6  }
0x40c: {  	_ =	swait.ge [sflag:s9], $0x2800  }
0x40d: {  	[sflag:s9] =	ssyncset.done $0x0  }
0x40e: {  	s1 =	simm.s32 $0x9270;
	[sflag:s9] =	ssyncadd.s32 $0xFFFFD800  }
0x40f: {  	v7 =	vld [tilespmem:s1+$0xFFFFFE80]  }
0x410: {  	v5 =	vld.idx.msk [tilespmem:v5+s14+$0x0], $0xffff  }
0x411: {  	v8 =	vld [tilespmem:s1+$0xFFFFFE10]  }
0x412: {  	v9 =	vld [tilespmem:s1+$0xFFFFFE30]  }
0x413: {  	v10 =	vld [tilespmem:s1+$0xFFFFFE40]  }
0x414: {  	v6 =	vld [tilespmem:s1+$0xFFFFFE60]  }
0x415: {  	v12 =	vld [tilespmem:s1+$0xFFFFFE20];
	v7 =	vmul.f32 v7, v5  }
0x416: {  	s11 =	simm.s32 $0x1;
	v11 =	vld [tilespmem:s1+$0xFFFFFE70];
	v8 =	vmul.f32 v8, v5  }
0x417: {  	v13 =	vld [tilespmem:s1+$0xFFFFFE50];
	v9 =	vmul.f32 v9, v5;
	[tilespmem:s1+$0xFFFFFE80] =	vst v7;
	v7 =	vmov s11  }
0x418: {  	v10 =	vmul.f32 v10, v5;
	[tilespmem:s1+$0xFFFFFE10] =	vst v8;
	v7 =	vand.u32 $0xFFFFFFFD, v7  }
0x419: {  	v6 =	vmul.f32 v6, v5;
	[tilespmem:s1+$0xFFFFFE30] =	vst v9;
	v7 =	vbroadcast v7, $0x0  }
0x41a: {  	v8 =	vmul.f32 v12, v5;
	[tilespmem:s1+$0xFFFFFE40] =	vst v10  }
0x41b: {  	v9 =	vmul.f32 v11, v5;
	[tilespmem:s1+$0xFFFFFE60] =	vst v6  }
0x41c: {  	v5 =	vmul.f32 v13, v5;
	[tilespmem:s1+$0xFFFFFE20] =	vst v8  }
0x41d: {  	[tilespmem:s1+$0xFFFFFE70] =	vst v9  }
0x41e: {  	[tilespmem:s1+$0xFFFFFE50] =	vst v5;
	v5 =	vld [tilespmem:s1+$0xFFFFFE90]  }
0x41f: {  	v7 =	vld.idx.msk [tilespmem:v7+s14+$0x0], $0xffff  }
0x420: {  	v6 =	vld [tilespmem:s1+$0xFFFFFEB0]  }
0x421: {  	v8 =	vld [tilespmem:s1+$0xFFFFFEA0]  }
0x422: {  	v9 =	vld [tilespmem:s1+$0xFFFFFEE0]  }
0x423: {  	v10 =	vld [tilespmem:s1+$0xFFFFFEF0]  }
0x424: {  	v11 =	vld [tilespmem:s1+$0xFFFFFF00];
	v5 =	vmul.f32 v5, v7  }
0x425: {  	s15 =	simm.s32 $0x2;
	v62 =	vld [tilespmem:s1+$0xFFFFFEC0];
	v6 =	vmul.f32 v6, v7  }
0x426: {  	v63 =	vld [tilespmem:s1+$0xFFFFFED0];
	v8 =	vmul.f32 v8, v7;
	[tilespmem:s1+$0xFFFFFE90] =	vst v5;
	v5 =	vmov s15  }
0x427: {  	v9 =	vmul.f32 v9, v7;
	[tilespmem:s1+$0xFFFFFEB0] =	vst v6;
	v5 =	vand.u32 $0xFFFFFFFE, v5  }
0x428: {  	v6 =	vmul.f32 v10, v7;
	[tilespmem:s1+$0xFFFFFEA0] =	vst v8;
	v8 =	vbroadcast v5, $0x0  }
0x429: {  	v10 =	vmul.f32 v11, v7;
	[tilespmem:s1+$0xFFFFFEE0] =	vst v9;
	v11 =	vld [tilespmem:s1+$0xFFFFFF40]  }
0x42a: {  	v9 =	vmul.f32 v62, v7;
	v5 =	vld [tilespmem:s1+$0xFFFFFF50];
	[tilespmem:s1+$0xFFFFFEF0] =	vst v6  }
0x42b: {  	v7 =	vmul.f32 v63, v7;
	v6 =	vld [tilespmem:s1+$0xFFFFFF80];
	[tilespmem:s1+$0xFFFFFF00] =	vst v10  }
0x42c: {  	[tilespmem:s1+$0xFFFFFEC0] =	vst v9;
	v9 =	vld [tilespmem:s1+$0xFFFFFF30]  }
0x42d: {  	[tilespmem:s1+$0xFFFFFED0] =	vst v7;
	v10 =	vld [tilespmem:s1+$0xFFFFFF10]  }
0x42e: {  	v7 =	vld.idx.msk [tilespmem:v8+s14+$0x0], $0xffff  }
0x42f: {  	s2 =	simm.s32 $0x9270;
	s11 =	simm.s32 $0x3;
	s15 =	simm.s32 $0x7;
	v8 =	vld [tilespmem:s1+$0xFFFFFF20]  }
.LBB2_22:
0x430: {  	p1 =	sne.s32 s15, $0x4F  }
0x431: {  	v12 =	vld [tilespmem:s1+$0xFFFFFF60];
	s2 =	sadd.s32 $0x200, s2;
	s0 =	smov.u32 s15;
	s15 =	sadd.s32 $0x4, s15  }
0x432: {  	v13 =	vld [tilespmem:s1+$0xFFFFFF70];
	_ =	sdelay $0x1  }
0x433: {  	v10 =	vmul.f32 v10, v7;
	v8 =	vmul.f32 v8, v7  }
0x434: {  	v9 =	vmul.f32 v9, v7;
	v11 =	vmul.f32 v11, v7  }
0x435: {  	v5 =	vmul.f32 v5, v7;
	v6 =	vmul.f32 v6, v7;
	[tilespmem:s1+$0xFFFFFF10] =	vst v10  }
0x436: {  	[tilespmem:s1+$0xFFFFFF30] =	vst v9;
	v9 =	vmul.f32 v12, v7;
	v7 =	vmul.f32 v13, v7  }
0x437: {  	[tilespmem:s1+$0xFFFFFF40] =	vst v11;
	v10 =	vld [tilespmem:s1+$0xFFFFFFF0]  }
0x438: {  	[tilespmem:s1+$0xFFFFFF70] =	vst v7;
	v7 =	vmov s11;
	v11 =	vld [tilespmem:s1+$0xFFFFFF90];
	s11 =	smov.u32 s0  }
0x439: {  	[tilespmem:s1+$0xFFFFFF60] =	vst v9;
	v9 =	vld [tilespmem:s1+$0xFFFFFFE0]  }
0x43a: {  	[tilespmem:s1+$0xFFFFFF50] =	vst v5;
	v12 =	vld [tilespmem:s1+$0xFFFFFFC0]  }
0x43b: {  	v5 =	vld [tilespmem:s2+$0xFFFFFF50];
	[tilespmem:s1+$0xFFFFFF80] =	vst v6  }
0x43c: {  	v6 =	vld [tilespmem:s2+$0xFFFFFF80];
	[tilespmem:s1+$0xFFFFFF20] =	vst v8  }
0x43d: {  	v7 =	vld.idx.msk [tilespmem:v7+s14+$0x0], $0xffff  }
0x43e: {  	v8 =	vld [tilespmem:s1+$0xFFFFFFA0]  }
0x43f: {  	v13 =	vld [tilespmem:s1+$0xFFFFFFB0]  }
0x440: {  	v14 =	vld [tilespmem:s1+$0xFFFFFFD0]  }
0x441: {  	v15 =	vld [tilespmem:s1+$0x0];
	_ =	sdelay $0x1  }
0x442: {  	v11 =	vmul.f32 v11, v7;
	v8 =	vmul.f32 v8, v7  }
0x443: {  	s0 =	sadd.s32 $0xFFFFFFFD, s11;
	v12 =	vmul.f32 v12, v7;
	v13 =	vmul.f32 v13, v7  }
0x444: {  	v16 =	vmov s0;
	v9 =	vmul.f32 v9, v7;
	[tilespmem:s1+$0xFFFFFF90] =	vst v11;
	v11 =	vmul.f32 v14, v7  }
0x445: {  	v14 =	vand.u32 $0xFFFFFFFC, v16;
	[tilespmem:s1+$0xFFFFFFA0] =	vst v8;
	v8 =	vmul.f32 v10, v7;
	v7 =	vmul.f32 v15, v7  }
0x446: {  	v10 =	vbroadcast v14, $0x0;
	[tilespmem:s1+$0xFFFFFFB0] =	vst v13  }
0x447: {  	[tilespmem:s1+$0xFFFFFFE0] =	vst v9  }
0x448: {  	v9 =	vld [tilespmem:s2+$0xFFFFFE60];
	[tilespmem:s1+$0xFFFFFFC0] =	vst v12  }
0x449: {  	v12 =	vld [tilespmem:s2+$0xFFFFFE40];
	[tilespmem:s1+$0xFFFFFFD0] =	vst v11  }
0x44a: {  	v11 =	vld [tilespmem:s2+$0xFFFFFE70];
	[tilespmem:s1+$0xFFFFFFF0] =	vst v8  }
0x44b: {  	v8 =	vld [tilespmem:s2+$0xFFFFFE80];
	[tilespmem:s1+$0x0] =	vst v7;
	s1 =	smov.u32 s2  }
0x44c: {  	v7 =	vld.idx.msk [tilespmem:v10+s14+$0x0], $0xffff  }
0x44d: {  	v10 =	vld [tilespmem:s2+$0xFFFFFE10]  }
0x44e: {  	v13 =	vld [tilespmem:s2+$0xFFFFFE30]  }
0x44f: {  	v14 =	vld [tilespmem:s2+$0xFFFFFE20]  }
0x450: {  	v15 =	vld [tilespmem:s2+$0xFFFFFE50];
	_ =	sdelay $0x1  }
0x451: {  	v8 =	vmul.f32 v8, v7;
	v10 =	vmul.f32 v10, v7  }
0x452: {  	s0 =	sadd.s32 $0xFFFFFFFE, s11;
	v11 =	vmul.f32 v11, v7;
	v13 =	vmul.f32 v13, v7  }
0x453: {  	v12 =	vmul.f32 v12, v7;
	v14 =	vmul.f32 v14, v7;
	[tilespmem:s2+$0xFFFFFE80] =	vst v8;
	v8 =	vmov s0  }
0x454: {  	[tilespmem:s2+$0xFFFFFE10] =	vst v10;
	v10 =	vmul.f32 v15, v7;
	v7 =	vmul.f32 v9, v7;
	v8 =	vand.u32 $0xFFFFFFFD, v8  }
0x455: {  	[tilespmem:s2+$0xFFFFFE30] =	vst v13;
	v8 =	vbroadcast v8, $0x0  }
0x456: {  	[tilespmem:s2+$0xFFFFFE40] =	vst v12  }
0x457: {  	[tilespmem:s2+$0xFFFFFE60] =	vst v7;
	v7 =	vld [tilespmem:s2+$0xFFFFFF00]  }
0x458: {  	[tilespmem:s2+$0xFFFFFE20] =	vst v14;
	v9 =	vld [tilespmem:s2+$0xFFFFFEE0]  }
0x459: {  	[tilespmem:s2+$0xFFFFFE70] =	vst v11;
	v11 =	vld [tilespmem:s2+$0xFFFFFEC0]  }
0x45a: {  	[tilespmem:s2+$0xFFFFFE50] =	vst v10;
	v10 =	vld [tilespmem:s2+$0xFFFFFEA0]  }
0x45b: {  	v8 =	vld.idx.msk [tilespmem:v8+s14+$0x0], $0xffff  }
0x45c: {  	v12 =	vld [tilespmem:s2+$0xFFFFFE90]  }
0x45d: {  	v13 =	vld [tilespmem:s2+$0xFFFFFEB0]  }
0x45e: {  	v14 =	vld [tilespmem:s2+$0xFFFFFED0]  }
0x45f: {  	v15 =	vld [tilespmem:s2+$0xFFFFFEF0];
	_ =	sdelay $0x1  }
0x460: {  	v10 =	vmul.f32 v10, v8;
	v12 =	vmul.f32 v12, v8  }
0x461: {  	s0 =	sadd.s32 $0xFFFFFFFF, s11;
	v11 =	vmul.f32 v11, v8;
	v13 =	vmul.f32 v13, v8  }
0x462: {  	v9 =	vmul.f32 v9, v8;
	[tilespmem:s2+$0xFFFFFE90] =	vst v12;
	v12 =	vmul.f32 v14, v8;
	v14 =	vmov s0  }
0x463: {  	v7 =	vmul.f32 v7, v8;
	[tilespmem:s2+$0xFFFFFEB0] =	vst v13;
	v13 =	vmul.f32 v15, v8;
	v8 =	vand.u32 $0xFFFFFFFE, v14  }
0x464: {  	[tilespmem:s2+$0xFFFFFEA0] =	vst v10;
	v8 =	vbroadcast v8, $0x0  }
0x465: {  	[tilespmem:s2+$0xFFFFFEE0] =	vst v9  }
0x466: {  	[tilespmem:s2+$0xFFFFFEF0] =	vst v13  }
0x467: {  	[tilespmem:s2+$0xFFFFFEC0] =	vst v11  }
.Ltmp15:
0x468: {  	[tilespmem:s2+$0xFFFFFF00] =	vst v7;
	v9 =	vld [tilespmem:s2+$0xFFFFFF30];
	(pc) =	sbr.rel @p1 .LBB2_22-.Ltmp15, $4  }
0x469: {  	[tilespmem:s2+$0xFFFFFED0] =	vst v12;
	v10 =	vld [tilespmem:s2+$0xFFFFFF10]  }
0x46a: {  	v7 =	vld.idx.msk [tilespmem:v8+s14+$0x0], $0xffff  }
0x46b: {  	v8 =	vld [tilespmem:s2+$0xFFFFFF20]  }
0x46c: {  	v11 =	vld [tilespmem:s2+$0xFFFFFF40]  }
0x46d: {  	_ =	sdelay $0x1  }
0x46e: {  	v12 =	vld [tilespmem:s1+$0xFFFFFF70];
	v10 =	vmul.f32 v10, v7  }
0x46f: {  	v13 =	vld [tilespmem:s1+$0xFFFFFF60];
	v9 =	vmul.f32 v9, v7  }
0x470: {  	v5 =	vmul.f32 v5, v7;
	[tilespmem:s1+$0xFFFFFF10] =	vst v10  }
0x471: {  	v6 =	vmul.f32 v6, v7;
	[tilespmem:s1+$0xFFFFFF30] =	vst v9  }
0x472: {  	v11 =	vmul.f32 v11, v7;
	[tilespmem:s1+$0xFFFFFF50] =	vst v5  }
0x473: {  	v56 =	vmov s11;
	[tilespmem:s1+$0xFFFFFF80] =	vst v6;
	v54 =	vmul.f32 v12, v7  }
0x474: {  	v55 =	vmul.f32 v13, v7;
	[tilespmem:s1+$0xFFFFFF40] =	vst v11  }
0x475: {  	v7 =	vmul.f32 v8, v7;
	[tilespmem:s1+$0xFFFFFF70] =	vst v54  }
0x476: {  	[tilespmem:s1+$0xFFFFFF60] =	vst v55  }
0x477: {  	v57 =	vld [tilespmem:s1+$0xFFFFFF90];
	[tilespmem:s1+$0xFFFFFF20] =	vst v7  }
0x478: {  	v5 =	vld.idx.msk [tilespmem:v56+s14+$0x0], $0xffff  }
0x479: {  	v6 =	vld [tilespmem:s1+$0xFFFFFFA0]  }
0x47a: {  	v7 =	vld [tilespmem:s1+$0xFFFFFFB0]  }
0x47b: {  	v58 =	vld [tilespmem:s1+$0xFFFFFFE0]  }
0x47c: {  	v61 =	vld [tilespmem:s1+$0xFFFFFFF0]  }
0x47d: {  	v59 =	vld [tilespmem:s1+$0xFFFFFFC0];
	v11 =	vmul.f32 v57, v5  }
0x47e: {  	v60 =	vld [tilespmem:s1+$0xFFFFFFD0];
	v6 =	vmul.f32 v6, v5  }
0x47f: {  	v62 =	vld [tilespmem:s1+$0x0];
	v7 =	vmul.f32 v7, v5;
	[tilespmem:s1+$0xFFFFFF90] =	vst v11  }
0x480: {  	v8 =	vmul.f32 v58, v5;
	[tilespmem:s1+$0xFFFFFFA0] =	vst v6  }
0x481: {  	s13 =	sadd.s32 $0x1, s13;
	v63 =	vmul.f32 v61, v5;
	[tilespmem:s1+$0xFFFFFFB0] =	vst v7  }
0x482: {  	p1 =	sne.s32 s13, $0x7D;
	v6 =	vmul.f32 v59, v5;
	[tilespmem:s1+$0xFFFFFFE0] =	vst v8  }
.Ltmp16:
0x483: {  	v7 =	vmul.f32 v60, v5;
	[tilespmem:s1+$0xFFFFFFF0] =	vst v63;
	(pc) =	sbr.rel @p1 .LBB2_17-.Ltmp16, $4  }
0x484: {  	v5 =	vmul.f32 v62, v5;
	[tilespmem:s1+$0xFFFFFFC0] =	vst v6  }
0x485: {  	[tilespmem:s1+$0xFFFFFFD0] =	vst v7  }
0x486: {  	s0 =	simm.s32 $0x6700;
	[tilespmem:s1+$0x0] =	vst v5;
	s1 =	simm.s32 $0x9080  }
0x487: {  	[spmem:s3] =	stream.indirect.scatter.add.f32 [tilespmem:s1], [sflag:$0x8], $0x80, s0, s30, $0xb8;
	[tilespmem:$0x1FCE8] =	vst v63  }
0x488: {  	s0 =	simm.s32 $0x7  }
0x489: {  	_ =	swait.ge [sflag:s0], $0x2800  }
0x48a: {  	[sflag:s0] =	ssyncset.done $0x0  }
0x48b: {  	s15 =	simm.s32 $0x8;
	[sflag:s0] =	ssyncadd.s32 $0xFFFFD800  }
.Ltmp17:
0x48c: {  	_ =	swait.ge [sflag:s15], $0x2800;
	(pc) =	sbr.rel .LBB2_25-.Ltmp17, $4  }
0x48d: {  	[sflag:s15] =	ssyncset.done $0x0  }
0x48e: {  	[sflag:s15] =	ssyncadd.s32 $0xFFFFD800  }
0x48f: {  	[bflag:$0x0] =	sbarrier.arrive $0xFFFF  }
0x490: {  	s1 =	simm.s32 $0x0  }
.LBB2_29:
0x491: {  	s1 =	sadd.s32 $0x1, s1  }
0x492: {  	p1 =	sne.s32 s1, $0x8  }
.Ltmp18:
0x493: {  	_ = 	snop;
	(pc) =	sbr.rel @!p1 .LBB2_30-.Ltmp18, $1  }
0x494: {  	_ =	sdelay $0x3  }
.LBB2_25:
0x495: {  	s0 =	smul.u32 $0x50, s1  }
0x496: {  	s2 =	rddreg [dreg:$0xd]  }
0x497: {  	s2 =	sadd.s32 s2, s0  }
0x498: {  	p1 =	sgt.u32 s2, $0x270F  }
.Ltmp19:
0x499: {  	_ = 	snop;
	(pc) =	sbr.rel @p1 .LBB2_29-.Ltmp19, $1  }
0x49a: {  	_ =	sdelay $0x3  }
0x49b: {  	s11 =	sshll.u32 s2, $0x7  }
0x49c: {  	s0 =	sand.u32 $0x3FFFFF80, s11  }
0x49d: {  	s0 =	sadd.s32 s0, s3  }
0x49e: {  	[tilespmem:s16], [sflag:$0xA] =	stream.linear.gather [spmem:s0], $0x2800, $0x38;
	[tilespmem:$0x1FCE8] =	vst v63  }
0x49f: {  	_ =	swait.ge [sflag:s24], $0x2800  }
0x4a0: {  	[sflag:s24] =	ssyncset.done $0x0  }
0x4a1: {  	s15 =	sadd.s32 s2, s4;
	[sflag:s24] =	ssyncadd.s32 $0xFFFFD800  }
0x4a2: {  	[tilespmem:s22], [sflag:$0xA] =	stream.linear.gather [spmem:s15], $0x50, $0x38;
	[tilespmem:$0x1FCE8] =	vst v63  }
0x4a3: {  	_ =	swait.ge [sflag:s24], $0x50  }
0x4a4: {  	[sflag:s24] =	ssyncset.done $0x0  }
0x4a5: {  	s13 =	simm.s32 $0x3;
	s15 =	simm.s32 $0x6980;
	[sflag:s24] =	ssyncadd.s32 $0xFFFFFFB0  }
.LBB2_27:
0x4a6: {  	s0 =	sadd.s32 $0xFFFFFFFD, s13  }
0x4a7: {  	v5 =	vmov s0  }
0x4a8: {  	v5 =	vand.u32 $0xFFFFFFFC, v5  }
0x4a9: {  	v5 =	vbroadcast v5, $0x0;
	_ =	sdelay $0x5  }
0x4aa: {  	v5 =	vld.idx.msk [tilespmem:v5+s22+$0x0], $0xffff;
	_ =	sdelay $0x4  }
0x4ab: {  	v5 =	vadd.f32 $1.000000020e-16, v5;
	_ =	sdelay $0x1  }
0x4ac: {  	(erf) = vrcp.f32 v5;
	_ =	sdelay $0x4  }
0x4ad: {  	v5 =	vld [tilespmem:s15+$0xFFFFFF00];
	_ =	sdelay $0x1  }
0x4ae: {  	v6 =	vld [tilespmem:$0xBC80];
	_ =	sdelay $0x1  }
0x4af: {  	v7 =	vpop (erf)  }
0x4b0: {  	v5 =	vmul.f32 v7, v5;
	_ =	sdelay $0x1  }
0x4b1: {  	v5 =	vadd.f32 v5, v6;
	_ =	sdelay $0x1  }
0x4b2: {  	v5 =	vmax.f32 v5, $0.0e+00  }
0x4b3: {  	[tilespmem:s15+$0xFFFFFF00] =	vst v5;
	v5 =	vld [tilespmem:s15+$0xFFFFFF10];
	_ =	sdelay $0x1  }
0x4b4: {  	v6 =	vld [tilespmem:$0xBC90];
	_ =	sdelay $0x2  }
0x4b5: {  	v5 =	vmul.f32 v5, v7;
	_ =	sdelay $0x1  }
0x4b6: {  	v5 =	vadd.f32 v6, v5;
	_ =	sdelay $0x1  }
0x4b7: {  	v5 =	vmax.f32 v5, $0.0e+00  }
0x4b8: {  	[tilespmem:s15+$0xFFFFFF10] =	vst v5;
	v5 =	vld [tilespmem:s15+$0xFFFFFF20];
	_ =	sdelay $0x1  }
0x4b9: {  	v6 =	vld [tilespmem:$0xBCA0];
	_ =	sdelay $0x2  }
0x4ba: {  	v5 =	vmul.f32 v5, v7;
	_ =	sdelay $0x1  }
0x4bb: {  	v5 =	vadd.f32 v6, v5;
	_ =	sdelay $0x1  }
0x4bc: {  	v5 =	vmax.f32 v5, $0.0e+00  }
0x4bd: {  	[tilespmem:s15+$0xFFFFFF20] =	vst v5;
	v5 =	vld [tilespmem:s15+$0xFFFFFF30];
	_ =	sdelay $0x1  }
0x4be: {  	v6 =	vld [tilespmem:$0xBCB0];
	_ =	sdelay $0x2  }
0x4bf: {  	v5 =	vmul.f32 v5, v7;
	_ =	sdelay $0x1  }
0x4c0: {  	v5 =	vadd.f32 v6, v5;
	_ =	sdelay $0x1  }
0x4c1: {  	v5 =	vmax.f32 v5, $0.0e+00  }
0x4c2: {  	[tilespmem:s15+$0xFFFFFF30] =	vst v5;
	v5 =	vld [tilespmem:s15+$0xFFFFFF40];
	_ =	sdelay $0x1  }
0x4c3: {  	v6 =	vld [tilespmem:$0xBCC0];
	_ =	sdelay $0x2  }
0x4c4: {  	v5 =	vmul.f32 v5, v7;
	_ =	sdelay $0x1  }
0x4c5: {  	v5 =	vadd.f32 v6, v5;
	_ =	sdelay $0x1  }
0x4c6: {  	v5 =	vmax.f32 v5, $0.0e+00  }
0x4c7: {  	[tilespmem:s15+$0xFFFFFF40] =	vst v5;
	v5 =	vld [tilespmem:s15+$0xFFFFFF50];
	_ =	sdelay $0x1  }
0x4c8: {  	v6 =	vld [tilespmem:$0xBCD0];
	_ =	sdelay $0x2  }
0x4c9: {  	v5 =	vmul.f32 v5, v7;
	_ =	sdelay $0x1  }
0x4ca: {  	v5 =	vadd.f32 v6, v5;
	_ =	sdelay $0x1  }
0x4cb: {  	v5 =	vmax.f32 v5, $0.0e+00  }
0x4cc: {  	[tilespmem:s15+$0xFFFFFF50] =	vst v5;
	v5 =	vld [tilespmem:s15+$0xFFFFFF60];
	_ =	sdelay $0x1  }
0x4cd: {  	v6 =	vld [tilespmem:$0xBCE0];
	_ =	sdelay $0x2  }
0x4ce: {  	v5 =	vmul.f32 v5, v7;
	_ =	sdelay $0x1  }
0x4cf: {  	v5 =	vadd.f32 v6, v5;
	_ =	sdelay $0x1  }
0x4d0: {  	v5 =	vmax.f32 v5, $0.0e+00  }
0x4d1: {  	[tilespmem:s15+$0xFFFFFF60] =	vst v5;
	v5 =	vld [tilespmem:s15+$0xFFFFFF70];
	_ =	sdelay $0x1  }
0x4d2: {  	s9 =	sadd.s32 $0xFFFFFFFE, s13;
	v6 =	vld [tilespmem:$0xBCF0]  }
0x4d3: {  	v8 =	vmov s9  }
0x4d4: {  	v8 =	vand.u32 $0xFFFFFFFD, v8  }
0x4d5: {  	v5 =	vmul.f32 v5, v7;
	v7 =	vbroadcast v8, $0x0;
	_ =	sdelay $0x1  }
0x4d6: {  	v5 =	vadd.f32 v6, v5;
	_ =	sdelay $0x1  }
0x4d7: {  	v5 =	vmax.f32 v5, $0.0e+00  }
0x4d8: {  	[tilespmem:s15+$0xFFFFFF70] =	vst v5  }
0x4d9: {  	v5 =	vld.idx.msk [tilespmem:v7+s22+$0x0], $0xffff;
	_ =	sdelay $0x4  }
0x4da: {  	v5 =	vadd.f32 $1.000000020e-16, v5;
	_ =	sdelay $0x1  }
0x4db: {  	(erf) = vrcp.f32 v5;
	_ =	sdelay $0x4  }
0x4dc: {  	v5 =	vld [tilespmem:s15+$0xFFFFFF80];
	_ =	sdelay $0x1  }
0x4dd: {  	v6 =	vld [tilespmem:$0xBC80];
	_ =	sdelay $0x1  }
0x4de: {  	v7 =	vpop (erf)  }
0x4df: {  	v5 =	vmul.f32 v7, v5;
	_ =	sdelay $0x1  }
0x4e0: {  	v5 =	vadd.f32 v5, v6;
	_ =	sdelay $0x1  }
0x4e1: {  	v5 =	vmax.f32 v5, $0.0e+00  }
0x4e2: {  	[tilespmem:s15+$0xFFFFFF80] =	vst v5;
	v5 =	vld [tilespmem:s15+$0xFFFFFF90];
	_ =	sdelay $0x1  }
0x4e3: {  	v6 =	vld [tilespmem:$0xBC90];
	_ =	sdelay $0x2  }
0x4e4: {  	v5 =	vmul.f32 v5, v7;
	_ =	sdelay $0x1  }
0x4e5: {  	v5 =	vadd.f32 v6, v5;
	_ =	sdelay $0x1  }
0x4e6: {  	v5 =	vmax.f32 v5, $0.0e+00  }
0x4e7: {  	[tilespmem:s15+$0xFFFFFF90] =	vst v5;
	v5 =	vld [tilespmem:s15+$0xFFFFFFA0];
	_ =	sdelay $0x1  }
0x4e8: {  	v6 =	vld [tilespmem:$0xBCA0];
	_ =	sdelay $0x2  }
0x4e9: {  	v5 =	vmul.f32 v5, v7;
	_ =	sdelay $0x1  }
0x4ea: {  	v5 =	vadd.f32 v6, v5;
	_ =	sdelay $0x1  }
0x4eb: {  	v5 =	vmax.f32 v5, $0.0e+00  }
0x4ec: {  	[tilespmem:s15+$0xFFFFFFA0] =	vst v5;
	v5 =	vld [tilespmem:s15+$0xFFFFFFB0];
	_ =	sdelay $0x1  }
0x4ed: {  	v6 =	vld [tilespmem:$0xBCB0];
	_ =	sdelay $0x2  }
0x4ee: {  	v5 =	vmul.f32 v5, v7;
	_ =	sdelay $0x1  }
0x4ef: {  	v5 =	vadd.f32 v6, v5;
	_ =	sdelay $0x1  }
0x4f0: {  	v5 =	vmax.f32 v5, $0.0e+00  }
0x4f1: {  	[tilespmem:s15+$0xFFFFFFB0] =	vst v5;
	v5 =	vld [tilespmem:s15+$0xFFFFFFC0];
	_ =	sdelay $0x1  }
0x4f2: {  	v6 =	vld [tilespmem:$0xBCC0];
	_ =	sdelay $0x2  }
0x4f3: {  	v5 =	vmul.f32 v5, v7;
	_ =	sdelay $0x1  }
0x4f4: {  	v5 =	vadd.f32 v6, v5;
	_ =	sdelay $0x1  }
0x4f5: {  	v5 =	vmax.f32 v5, $0.0e+00  }
0x4f6: {  	[tilespmem:s15+$0xFFFFFFC0] =	vst v5;
	v5 =	vld [tilespmem:s15+$0xFFFFFFD0];
	_ =	sdelay $0x1  }
0x4f7: {  	v6 =	vld [tilespmem:$0xBCD0];
	_ =	sdelay $0x2  }
0x4f8: {  	v5 =	vmul.f32 v5, v7;
	_ =	sdelay $0x1  }
0x4f9: {  	v5 =	vadd.f32 v6, v5;
	_ =	sdelay $0x1  }
0x4fa: {  	v5 =	vmax.f32 v5, $0.0e+00  }
0x4fb: {  	[tilespmem:s15+$0xFFFFFFD0] =	vst v5;
	v5 =	vld [tilespmem:s15+$0xFFFFFFE0];
	_ =	sdelay $0x1  }
0x4fc: {  	v6 =	vld [tilespmem:$0xBCE0];
	_ =	sdelay $0x2  }
0x4fd: {  	v5 =	vmul.f32 v5, v7;
	_ =	sdelay $0x1  }
0x4fe: {  	v5 =	vadd.f32 v6, v5;
	_ =	sdelay $0x1  }
0x4ff: {  	v5 =	vmax.f32 v5, $0.0e+00  }
0x500: {  	[tilespmem:s15+$0xFFFFFFE0] =	vst v5;
	v5 =	vld [tilespmem:s15+$0xFFFFFFF0];
	_ =	sdelay $0x1  }
0x501: {  	s12 =	sadd.s32 $0xFFFFFFFF, s13;
	v6 =	vld [tilespmem:$0xBCF0]  }
0x502: {  	v63 =	vmov s12  }
0x503: {  	v8 =	vand.u32 $0xFFFFFFFE, v63  }
0x504: {  	v5 =	vmul.f32 v5, v7;
	v7 =	vbroadcast v8, $0x0;
	_ =	sdelay $0x1  }
0x505: {  	v5 =	vadd.f32 v6, v5;
	_ =	sdelay $0x1  }
0x506: {  	v5 =	vmax.f32 v5, $0.0e+00  }
0x507: {  	[tilespmem:s15+$0xFFFFFFF0] =	vst v5  }
0x508: {  	v5 =	vld.idx.msk [tilespmem:v7+s22+$0x0], $0xffff;
	_ =	sdelay $0x4  }
0x509: {  	v5 =	vadd.f32 $1.000000020e-16, v5;
	_ =	sdelay $0x1  }
0x50a: {  	(erf) = vrcp.f32 v5;
	_ =	sdelay $0x4  }
0x50b: {  	v5 =	vld [tilespmem:s15+$0x0];
	_ =	sdelay $0x1  }
0x50c: {  	v6 =	vld [tilespmem:$0xBC80];
	_ =	sdelay $0x1  }
0x50d: {  	v7 =	vpop (erf)  }
0x50e: {  	v5 =	vmul.f32 v7, v5;
	_ =	sdelay $0x1  }
0x50f: {  	v5 =	vadd.f32 v5, v6;
	_ =	sdelay $0x1  }
0x510: {  	v5 =	vmax.f32 v5, $0.0e+00  }
0x511: {  	[tilespmem:s15+$0x0] =	vst v5;
	v5 =	vld [tilespmem:s15+$0x10];
	_ =	sdelay $0x1  }
0x512: {  	v6 =	vld [tilespmem:$0xBC90];
	_ =	sdelay $0x2  }
0x513: {  	v5 =	vmul.f32 v5, v7;
	_ =	sdelay $0x1  }
0x514: {  	v5 =	vadd.f32 v6, v5;
	_ =	sdelay $0x1  }
0x515: {  	v5 =	vmax.f32 v5, $0.0e+00  }
0x516: {  	[tilespmem:s15+$0x10] =	vst v5;
	v5 =	vld [tilespmem:s15+$0x20];
	_ =	sdelay $0x1  }
0x517: {  	v6 =	vld [tilespmem:$0xBCA0];
	_ =	sdelay $0x2  }
0x518: {  	v5 =	vmul.f32 v5, v7;
	_ =	sdelay $0x1  }
0x519: {  	v5 =	vadd.f32 v6, v5;
	_ =	sdelay $0x1  }
0x51a: {  	v5 =	vmax.f32 v5, $0.0e+00  }
0x51b: {  	[tilespmem:s15+$0x20] =	vst v5;
	v5 =	vld [tilespmem:s15+$0x30];
	_ =	sdelay $0x1  }
0x51c: {  	v6 =	vld [tilespmem:$0xBCB0];
	_ =	sdelay $0x2  }
0x51d: {  	v5 =	vmul.f32 v5, v7;
	_ =	sdelay $0x1  }
0x51e: {  	v5 =	vadd.f32 v6, v5;
	_ =	sdelay $0x1  }
0x51f: {  	v5 =	vmax.f32 v5, $0.0e+00  }
0x520: {  	[tilespmem:s15+$0x30] =	vst v5;
	v5 =	vld [tilespmem:s15+$0x40];
	_ =	sdelay $0x1  }
0x521: {  	v6 =	vld [tilespmem:$0xBCC0];
	_ =	sdelay $0x2  }
0x522: {  	v5 =	vmul.f32 v5, v7;
	_ =	sdelay $0x1  }
0x523: {  	v5 =	vadd.f32 v6, v5;
	_ =	sdelay $0x1  }
0x524: {  	v5 =	vmax.f32 v5, $0.0e+00  }
0x525: {  	[tilespmem:s15+$0x40] =	vst v5;
	v5 =	vld [tilespmem:s15+$0x50];
	_ =	sdelay $0x1  }
0x526: {  	v6 =	vld [tilespmem:$0xBCD0];
	_ =	sdelay $0x2  }
0x527: {  	v5 =	vmul.f32 v5, v7;
	_ =	sdelay $0x1  }
0x528: {  	v5 =	vadd.f32 v6, v5;
	_ =	sdelay $0x1  }
0x529: {  	v5 =	vmax.f32 v5, $0.0e+00  }
0x52a: {  	[tilespmem:s15+$0x50] =	vst v5;
	v5 =	vld [tilespmem:s15+$0x60];
	_ =	sdelay $0x1  }
0x52b: {  	v6 =	vld [tilespmem:$0xBCE0];
	_ =	sdelay $0x2  }
0x52c: {  	v5 =	vmul.f32 v5, v7;
	_ =	sdelay $0x1  }
0x52d: {  	v5 =	vadd.f32 v6, v5;
	_ =	sdelay $0x1  }
0x52e: {  	v5 =	vmax.f32 v5, $0.0e+00  }
0x52f: {  	[tilespmem:s15+$0x60] =	vst v5;
	v5 =	vld [tilespmem:s15+$0x70];
	_ =	sdelay $0x1  }
0x530: {  	v6 =	vld [tilespmem:$0xBCF0];
	_ =	sdelay $0x2  }
0x531: {  	v5 =	vmul.f32 v5, v7  }
0x532: {  	v7 =	vmov s13  }
0x533: {  	v5 =	vadd.f32 v6, v5;
	_ =	sdelay $0x1  }
0x534: {  	v5 =	vmax.f32 v5, $0.0e+00  }
0x535: {  	[tilespmem:s15+$0x70] =	vst v5  }
0x536: {  	v5 =	vld.idx.msk [tilespmem:v7+s22+$0x0], $0xffff;
	_ =	sdelay $0x4  }
0x537: {  	v5 =	vadd.f32 $1.000000020e-16, v5;
	_ =	sdelay $0x1  }
0x538: {  	(erf) = vrcp.f32 v5;
	_ =	sdelay $0x4  }
0x539: {  	v5 =	vld [tilespmem:s15+$0x80];
	_ =	sdelay $0x1  }
0x53a: {  	v6 =	vld [tilespmem:$0xBC80];
	_ =	sdelay $0x1  }
0x53b: {  	v7 =	vpop (erf)  }
0x53c: {  	v5 =	vmul.f32 v7, v5;
	_ =	sdelay $0x1  }
0x53d: {  	v5 =	vadd.f32 v5, v6;
	_ =	sdelay $0x1  }
0x53e: {  	v5 =	vmax.f32 v5, $0.0e+00  }
0x53f: {  	[tilespmem:s15+$0x80] =	vst v5;
	v5 =	vld [tilespmem:s15+$0x90];
	_ =	sdelay $0x1  }
0x540: {  	v6 =	vld [tilespmem:$0xBC90];
	_ =	sdelay $0x2  }
0x541: {  	v5 =	vmul.f32 v5, v7;
	_ =	sdelay $0x1  }
0x542: {  	v5 =	vadd.f32 v6, v5;
	_ =	sdelay $0x1  }
0x543: {  	v5 =	vmax.f32 v5, $0.0e+00  }
0x544: {  	[tilespmem:s15+$0x90] =	vst v5;
	v5 =	vld [tilespmem:s15+$0xA0];
	_ =	sdelay $0x1  }
0x545: {  	v6 =	vld [tilespmem:$0xBCA0];
	_ =	sdelay $0x2  }
0x546: {  	v5 =	vmul.f32 v5, v7;
	_ =	sdelay $0x1  }
0x547: {  	v5 =	vadd.f32 v6, v5;
	_ =	sdelay $0x1  }
0x548: {  	v5 =	vmax.f32 v5, $0.0e+00  }
0x549: {  	[tilespmem:s15+$0xA0] =	vst v5;
	v5 =	vld [tilespmem:s15+$0xB0];
	_ =	sdelay $0x1  }
0x54a: {  	v6 =	vld [tilespmem:$0xBCB0];
	_ =	sdelay $0x2  }
0x54b: {  	v5 =	vmul.f32 v5, v7;
	_ =	sdelay $0x1  }
0x54c: {  	v5 =	vadd.f32 v6, v5;
	_ =	sdelay $0x1  }
0x54d: {  	v5 =	vmax.f32 v5, $0.0e+00  }
0x54e: {  	[tilespmem:s15+$0xB0] =	vst v5;
	v5 =	vld [tilespmem:s15+$0xC0];
	_ =	sdelay $0x1  }
0x54f: {  	v6 =	vld [tilespmem:$0xBCC0];
	_ =	sdelay $0x2  }
0x550: {  	v5 =	vmul.f32 v5, v7;
	_ =	sdelay $0x1  }
0x551: {  	v5 =	vadd.f32 v6, v5;
	_ =	sdelay $0x1  }
0x552: {  	v5 =	vmax.f32 v5, $0.0e+00  }
0x553: {  	[tilespmem:s15+$0xC0] =	vst v5;
	v5 =	vld [tilespmem:s15+$0xD0];
	_ =	sdelay $0x1  }
0x554: {  	v6 =	vld [tilespmem:$0xBCD0];
	_ =	sdelay $0x2  }
0x555: {  	v5 =	vmul.f32 v5, v7;
	_ =	sdelay $0x1  }
0x556: {  	v5 =	vadd.f32 v6, v5;
	_ =	sdelay $0x1  }
0x557: {  	v5 =	vmax.f32 v5, $0.0e+00  }
0x558: {  	[tilespmem:s15+$0xD0] =	vst v5;
	v5 =	vld [tilespmem:s15+$0xE0];
	_ =	sdelay $0x1  }
0x559: {  	v6 =	vld [tilespmem:$0xBCE0];
	_ =	sdelay $0x2  }
0x55a: {  	v5 =	vmul.f32 v5, v7;
	_ =	sdelay $0x1  }
0x55b: {  	v5 =	vadd.f32 v6, v5;
	_ =	sdelay $0x1  }
0x55c: {  	v5 =	vmax.f32 v5, $0.0e+00  }
0x55d: {  	[tilespmem:s15+$0xE0] =	vst v5;
	v5 =	vld [tilespmem:s15+$0xF0];
	_ =	sdelay $0x1  }
0x55e: {  	v6 =	vld [tilespmem:$0xBCF0];
	_ =	sdelay $0x2  }
0x55f: {  	p1 =	sne.s32 s13, $0x4F;
	v5 =	vmul.f32 v5, v7  }
.Ltmp20:
0x560: {  	_ = 	snop;
	(pc) =	sbr.rel @p1 .LBB2_27-.Ltmp20, $3  }
0x561: {  	v5 =	vadd.f32 v6, v5;
	_ =	sdelay $0x1  }
0x562: {  	v5 =	vmax.f32 v5, $0.0e+00  }
0x563: {  	s13 =	sadd.s32 $0x4, s13;
	[tilespmem:s15+$0xF0] =	vst v5;
	s15 =	sadd.s32 $0x200, s15  }
0x564: {  	s0 =	sadd.s32 s18, s11  }
0x565: {  	s0 =	sshrl.u32 s0, $0x3  }
.Ltmp21:
0x566: {  	s0 =	sadd.s32 s17, s0;
	(pc) =	sbr.rel .LBB2_29-.Ltmp21, $4  }
0x567: {  	[hbm4b:s0+s7] =	stream.linear.scatter [tilespmem:s16], [sflag:$0x9], $0x2800, $0x38;
	[tilespmem:$0x1FCE8] =	vst v63  }
0x568: {  	_ =	swait.ge [sflag:s21], $0x2800  }
0x569: {  	[sflag:s21] =	ssyncset.done $0x0  }
0x56a: {  	[sflag:s21] =	ssyncadd.s32 $0xFFFFD800  }
.LBB2_31:
0x56b: {  	_ =	sfence.sel $0x180000  }
0x56c: {  	[bflag:$0x0] =	sbarrier.arrive $0xFFFF  }
0x56d: {  	_ =	strace $0x90000047  }
0x56e: {  	s0 =	stileid.u32;
	[bflag:$0x2] =	sbarrier.arrive $0xFFFF  }
0x56f: {  	p0 =	sne.s32 s0, $0x0;
	s0 =	rddreg [dreg:$0x7]  }
0x570: {  	s0 =	sadd.s32 @!p0 $0x100000, s0  }
0x571: {  	[sflag:s0] =	ssyncadd.tile.s32 @!p0 $0x1;
	_ =	shalt  }
.Lfunc_end2:
_tile_overlayer_lowered:
.L_overlay_start_2:
0x572: {  	(tag) =	ssettag $0x2  }
0x573: {  	s0 =	rddreg [dreg:$0x0];
	s2 =	stileid.u32  }
0x574: {  	s1 =	rddreg [dreg:$0x1];
	p0 =	sne.s32 s2, $0x0  }
0x575: {  	s3 =	rddreg [dreg:$0x2];
	[bflag:$0x3] =	sbarrier.arrive $0xFFFF;
	s2 =	simm.s32 @!p0 $0x1C09  }
0x576: {  	[timem:s3], [sflag:s2] =	dma.local @!p0 [hbm:s0], s1  }
0x577: {  	s0 =	simm.s32 @!p0 $0x9  }
0x578: {  	_ =	swait.ge @!p0 [sflag:s0], s1  }
0x579: {  	s1 =	ssub.s32 @!p0 $0x0, s1;
	[sflag:s0] =	ssyncset.done @!p0 $0x0  }
0x57a: {  	[sflag:s0] =	ssyncadd.s32 @!p0 s1  }
0x57b: {  	[bflag:$0x3] =	sbarrier.arrive $0xFFFF  }
0x57c: {  	_ =	shalt  }

</sc_bundles>
